<compile_context>
chip_gen: v7x
topology: tpu7x:2x2x1
jax: 0.10.2.dev20260603
libtpu: 0.0.44.dev20260713+nightly
codegen_flags: <defaults>
</compile_context>

<pallas_src>
import jax
import jax.numpy as jnp
from jax import lax
from jax.experimental import pallas as pl
from jax.experimental.pallas import tpu as pltpu, tpu_sc as plsc

N = 10000
E = 320000
DN = 128
H2 = 128

NC, NS = 2, 16
NW = NC * NS
C1 = 80
C3 = 200
NP = 10240
RPT = NP // NS

EA = 192000
EB = E - EA

_mesh = plsc.VectorSubcoreMesh(core_axis_name="c", subcore_axis_name="s")
F32 = jnp.float32


def _dot(a, b):
    return jnp.dot(a, b, preferred_element_type=F32)


def _k_tables(x_ref, wr_ref, ws_ref, tr_ref, ts_ref):
    xb = x_ref[...]
    tr_ref[...] = _dot(xb, wr_ref[...])
    ts_ref[...] = _dot(xb, ws_ref[...])


def _k_q(eat_ref, we_ref, u_ref, wu_ref, b_ref, q_ref):
    qm = lax.dot_general(eat_ref[...], we_ref[...], (((0,), (0,)), ((), ())),
                         preferred_element_type=F32)
    q_ref[...] = qm + _dot(u_ref[...], wu_ref[...]) + b_ref[...]


def _make_sc1(eoff, epw, g1):
    def body(tr_hbm, ts_hbm, q_hbm, r_hbm, s_hbm, x2_hbm,
             e1_hbm, xr2_hbm, xs2_hbm, agg_hbm,
             ir_v, is_v, tr_v, ts_v, q_v, e1_v, xr2_v, xs2_v, agg_sh,
             sem_r, sem_s, sem_q, sem_x1, sem_x2, sem_st):
        cid = lax.axis_index("c")
        sid = lax.axis_index("s")
        wid = sid * NC + cid

        zvec = jnp.zeros((16,), F32)

        def zfill(t, carry):
            e1_v[t // 8, pl.ds((t % 8) * 16, 16)] = zvec
            return carry
        lax.fori_loop(0, C1 * 8, zfill, None)

        def zcopy(k, carry):
            off = pl.multiple_of(sid * RPT + k * C1, C1)
            pltpu.sync_copy(e1_v, agg_sh.at[pl.ds(off, C1)])
            return carry
        lax.fori_loop(0, RPT // C1, zcopy, None)
        plsc.subcore_barrier()

        b0g = pl.multiple_of(eoff + wid * epw, C1)
        b0l = pl.multiple_of(wid * epw, C1)
        pltpu.sync_copy(r_hbm.at[pl.ds(b0g, C1)], ir_v.at[0])
        pltpu.sync_copy(s_hbm.at[pl.ds(b0g, C1)], is_v.at[0])
        pltpu.async_copy(tr_hbm.at[ir_v.at[0]], tr_v, sem_r)
        pltpu.async_copy(ts_hbm.at[is_v.at[0]], ts_v, sem_s)
        pltpu.async_copy(q_hbm.at[pl.ds(b0l, C1)], q_v, sem_q)

        def chunk(g, carry):
            p = lax.rem(g, 2)
            pn = 1 - p
            lbase = pl.multiple_of(wid * epw + g * C1, C1)
            pltpu.make_async_copy(tr_hbm.at[ir_v.at[p]], tr_v, sem_r).wait()
            pltpu.make_async_copy(ts_hbm.at[is_v.at[p]], ts_v, sem_s).wait()
            pltpu.make_async_copy(q_hbm.at[pl.ds(lbase, C1)], q_v, sem_q).wait()

            @pl.when(g < g1 - 1)
            def _():
                nbg = pl.multiple_of(eoff + wid * epw + (g + 1) * C1, C1)
                pltpu.sync_copy(r_hbm.at[pl.ds(nbg, C1)], ir_v.at[pn])
                pltpu.sync_copy(s_hbm.at[pl.ds(nbg, C1)], is_v.at[pn])

            cp_x1 = pltpu.async_copy(x2_hbm.at[ir_v.at[p]], xr2_v, sem_x1)
            cp_x2 = pltpu.async_copy(x2_hbm.at[is_v.at[p]], xs2_v, sem_x2)

            @plsc.parallel_loop(0, C1, 1, unroll=4)
            def row(i):
                for j in range(H2 // 16):
                    sl = pl.ds(j * 16, 16)
                    v = q_v[i, sl] + tr_v[i, sl] + ts_v[i, sl]
                    e1_v[i, sl] = jnp.maximum(v, 0.0)

            @pl.when(g < g1 - 1)
            def _():
                nbl = pl.multiple_of(wid * epw + (g + 1) * C1, C1)
                pltpu.async_copy(tr_hbm.at[ir_v.at[pn]], tr_v, sem_r)
                pltpu.async_copy(ts_hbm.at[is_v.at[pn]], ts_v, sem_s)
                pltpu.async_copy(q_hbm.at[pl.ds(nbl, C1)], q_v, sem_q)

            cp_st = pltpu.async_copy(e1_v, e1_hbm.at[pl.ds(lbase, C1)], sem_st)
            pltpu.sync_copy(e1_v, agg_sh.at[ir_v.at[p]], add=True)
            cp_x1.wait()
            cp_x2.wait()
            pltpu.sync_copy(xr2_v, xr2_hbm.at[pl.ds(lbase, C1)])
            pltpu.sync_copy(xs2_v, xs2_hbm.at[pl.ds(lbase, C1)])
            cp_st.wait()
            return carry
        lax.fori_loop(0, g1, chunk, None)

        plsc.subcore_barrier()
        doff = pl.multiple_of(sid * RPT, RPT)
        pltpu.sync_copy(agg_sh.at[pl.ds(doff, RPT)],
                        agg_hbm.at[cid, pl.ds(doff, RPT)])
    return body


def _k_node(a0_ref, a1_ref, a2_ref, a3_ref, x_ref, u_ref,
            wna_ref, wnx_ref, wnu_ref, nb_ref, wdr_ref, wds_ref,
            tbr_ref, tbs_ref, csa_ref, csn_ref):
    i = pl.program_id(0)
    agg = (a0_ref[...] + a1_ref[...]) + (a2_ref[...] + a3_ref[...])
    n1 = jnp.maximum(_dot(agg, wna_ref[...]) + _dot(x_ref[...], wnx_ref[...])
                     + _dot(u_ref[...], wnu_ref[...]) + nb_ref[...], 0.0)
    tbr_ref[...] = _dot(n1, wdr_ref[...])
    tbs_ref[...] = _dot(n1, wds_ref[...])

    @pl.when(i == 0)
    def _():
        csa_ref[...] = jnp.zeros_like(csa_ref)
        csn_ref[...] = jnp.zeros_like(csn_ref)
    csa_ref[...] += jnp.sum(agg, axis=0, keepdims=True)
    csn_ref[...] += jnp.sum(n1, axis=0, keepdims=True)


def _k_c2(csa_ref, csn_ref, u_ref, gbw_ref, gbb_ref, wdu_ref, db1_ref, c2_ref):
    u = u_ref[...]
    for t in range(2):
        sl = slice(t * 64, (t + 1) * 64)
        me1 = csa_ref[:, sl] * (1.0 / E)
        mn1 = csn_ref[:, sl] * (1.0 / N)
        g = jnp.concatenate([me1, mn1, u], axis=1)
        u1 = jnp.maximum(_dot(g, gbw_ref[t]) + gbb_ref[t], 0.0)
        c2_ref[:, sl] = db1_ref[t] + _dot(u1, wdu_ref[t])


def _make_sc3(eoff, epw, g3):
    def body(tbr_hbm, tbs_hbm, r_hbm, s_hbm, gsum_hbm,
             ir_v, is_v, tbr_v, tbs_v, sem_r, sem_s, sem_st):
        cid = lax.axis_index("c")
        sid = lax.axis_index("s")
        wid = sid * NC + cid

        def chunk(g, carry):
            lbase = pl.multiple_of(wid * epw + g * C3, C3)
            gbase = pl.multiple_of(eoff + wid * epw + g * C3, C3)
            pltpu.sync_copy(r_hbm.at[pl.ds(gbase, C3)], ir_v)
            pltpu.sync_copy(s_hbm.at[pl.ds(gbase, C3)], is_v)
            cp_r = pltpu.async_copy(tbr_hbm.at[ir_v], tbr_v, sem_r)
            cp_s = pltpu.async_copy(tbs_hbm.at[is_v], tbs_v, sem_s)
            cp_r.wait()
            cp_s.wait()

            @plsc.parallel_loop(0, C3, 1, unroll=4)
            def row(i):
                for j in range(H2 // 16):
                    sl = pl.ds(j * 16, 16)
                    tbr_v[i, sl] = tbr_v[i, sl] + tbs_v[i, sl]

            pltpu.sync_copy(tbr_v, gsum_hbm.at[pl.ds(lbase, C3)])
            return carry
        lax.fori_loop(0, g3, chunk, None)
    return body


def _k_final(e1_ref, gs_ref, xr2_ref, xs2_ref, c2_ref, wde_ref, w2_ref, b2_ref,
             out_ref):
    h = jnp.maximum(_dot(e1_ref[...], wde_ref[...]) + gs_ref[...] + c2_ref[...], 0.0)
    o = _dot(h, w2_ref[...]) + b2_ref[...]
    rows = out_ref.shape[1]
    o1 = o[:, 0:1].reshape(1, rows, 128)
    o2 = o[:, 1:2].reshape(1, rows, 128)
    out_ref[...] = o1 * (xr2_ref[...] - o2 * xs2_ref[...])


def _cat(a, b):
    return jnp.concatenate([a, b], axis=1)


def _bd(a, b):
    z = jnp.zeros_like(a)
    return jnp.concatenate([jnp.concatenate([a, z], 1), jnp.concatenate([z, b], 1)], 0)


def _sc1_call(eoff, esz):
    epw = esz // NW
    return pl.kernel(
        _make_sc1(eoff, epw, epw // C1),
        out_type=(jax.ShapeDtypeStruct((esz, H2), F32),
                  jax.ShapeDtypeStruct((esz,), F32),
                  jax.ShapeDtypeStruct((esz,), F32),
                  jax.ShapeDtypeStruct((NC, NP, H2), F32)),
        mesh=_mesh,
        scratch_types=(
            pltpu.VMEM((2, C1), jnp.int32),
            pltpu.VMEM((2, C1), jnp.int32),
            pltpu.VMEM((C1, H2), F32),
            pltpu.VMEM((C1, H2), F32),
            pltpu.VMEM((C1, H2), F32),
            pltpu.VMEM((C1, H2), F32),
            pltpu.VMEM((C1,), F32),
            pltpu.VMEM((C1,), F32),
            pltpu.VMEM_SHARED((NP, H2), F32),
            pltpu.SemaphoreType.DMA,
            pltpu.SemaphoreType.DMA,
            pltpu.SemaphoreType.DMA,
            pltpu.SemaphoreType.DMA,
            pltpu.SemaphoreType.DMA,
            pltpu.SemaphoreType.DMA,
        ),
    )


def _sc3_call(eoff, esz):
    epw = esz // NW
    return pl.kernel(
        _make_sc3(eoff, epw, epw // C3),
        out_type=jax.ShapeDtypeStruct((esz, H2), F32),
        mesh=_mesh,
        scratch_types=(
            pltpu.VMEM((C3,), jnp.int32),
            pltpu.VMEM((C3,), jnp.int32),
            pltpu.VMEM((C3, H2), F32),
            pltpu.VMEM((C3, H2), F32),
            pltpu.SemaphoreType.DMA,
            pltpu.SemaphoreType.DMA,
            pltpu.SemaphoreType.DMA,
        ),
    )


@jax.jit
def kernel(x, edge_attr, global_attr, params, edge_index):
    p1, p2 = params["w1"], params["w2"]
    u = global_attr

    We = _cat(p1["eb_W"][0:16], p2["eb_W"][0:16])
    Wr = _cat(p1["eb_W"][16:144], p2["eb_W"][16:144])
    Ws = _cat(p1["eb_W"][144:272], p2["eb_W"][144:272])
    Wu = _cat(p1["eb_W"][272:336], p2["eb_W"][272:336])
    eb_b = _cat(p1["eb_b"][None], p2["eb_b"][None])
    Wna = _bd(p1["nb_W"][0:64], p2["nb_W"][0:64])
    Wnx = _cat(p1["nb_W"][64:192], p2["nb_W"][64:192])
    Wnu = _cat(p1["nb_W"][192:256], p2["nb_W"][192:256])
    nb_b = _cat(p1["nb_b"][None], p2["nb_b"][None])
    gbW = jnp.stack([p1["gb_W"], p2["gb_W"]])
    gbb = jnp.stack([p1["gb_b"][None], p2["gb_b"][None]])
    Wde = _bd(p1["dec_W1"][0:64], p2["dec_W1"][0:64])
    Wdr = _bd(p1["dec_W1"][64:128], p2["dec_W1"][64:128])
    Wds = _bd(p1["dec_W1"][128:192], p2["dec_W1"][128:192])
    Wdu = jnp.stack([p1["dec_W1"][192:256], p2["dec_W1"][192:256]])
    db1 = jnp.stack([p1["dec_b1"][None], p2["dec_b1"][None]])
    z64 = jnp.zeros((64, 1), F32)
    W2 = jnp.concatenate([jnp.concatenate([p1["dec_W2"], z64], 0),
                          jnp.concatenate([z64, p2["dec_W2"]], 0),
                          jnp.zeros((128, 6), F32)], axis=1)
    b2 = jnp.concatenate([p1["dec_b2"], p2["dec_b2"], jnp.zeros((6,), F32)])[None]

    s_idx = edge_index[0]
    r_idx = edge_index[1]
    x2col = x[:, 2]

    BN = 1000
    BE = 2560

    def full(shp):
        return pl.BlockSpec(shp, lambda *a: tuple(0 for _ in shp))

    tr_tab, ts_tab = pl.pallas_call(
        _k_tables,
        grid=(N // BN,),
        in_specs=[pl.BlockSpec((BN, DN), lambda i: (i, 0)), full((DN, H2)), full((DN, H2))],
        out_specs=[pl.BlockSpec((BN, H2), lambda i: (i, 0))] * 2,
        out_shape=[jax.ShapeDtypeStruct((N, H2), F32)] * 2,
    )(x, Wr, Ws)

    ea_t = edge_attr.T

    def q_half(eoff, esz):
        ob = eoff // BE
        return pl.pallas_call(
            _k_q,
            grid=(esz // BE,),
            in_specs=[pl.BlockSpec((16, BE), lambda i: (0, i + ob)), full((16, H2)),
                      full((1, 64)), full((64, H2)), full((1, H2))],
            out_specs=pl.BlockSpec((BE, H2), lambda i: (i, 0)),
            out_shape=jax.ShapeDtypeStruct((esz, H2), F32),
        )(ea_t, We, u, Wu, eb_b)

    qA = q_half(0, EA)
    qB = q_half(EA, EB)

    e1A, xr2A, xs2A, aggA = _sc1_call(0, EA)(tr_tab, ts_tab, qA, r_idx, s_idx, x2col)
    e1B, xr2B, xs2B, aggB = _sc1_call(EA, EB)(tr_tab, ts_tab, qB, r_idx, s_idx, x2col)

    tbr, tbs, csa, csn = pl.pallas_call(
        _k_node,
        grid=(N // BN,),
        in_specs=[pl.BlockSpec((BN, H2), lambda i: (i, 0)),
                  pl.BlockSpec((BN, H2), lambda i: (i, 0)),
                  pl.BlockSpec((BN, H2), lambda i: (i, 0)),
                  pl.BlockSpec((BN, H2), lambda i: (i, 0)),
                  pl.BlockSpec((BN, DN), lambda i: (i, 0)),
                  full((1, 64)), full((DN, H2)), full((DN, H2)), full((64, H2)),
                  full((1, H2)), full((DN, H2)), full((DN, H2))],
        out_specs=[pl.BlockSpec((BN, H2), lambda i: (i, 0)),
                   pl.BlockSpec((BN, H2), lambda i: (i, 0)),
                   full((1, H2)), full((1, H2))],
        out_shape=[jax.ShapeDtypeStruct((N, H2), F32),
                   jax.ShapeDtypeStruct((N, H2), F32),
                   jax.ShapeDtypeStruct((1, H2), F32),
                   jax.ShapeDtypeStruct((1, H2), F32)],
    )(aggA[0, :N], aggA[1, :N], aggB[0, :N], aggB[1, :N], x, u,
      Wna, Wnx, Wnu, nb_b, Wdr, Wds)

    c2 = pl.pallas_call(
        _k_c2,
        in_specs=[full((1, H2)), full((1, H2)), full((1, 64)),
                  full((2, 192, 64)), full((2, 1, 64)), full((2, 64, 64)),
                  full((2, 1, 64))],
        out_specs=full((1, H2)),
        out_shape=jax.ShapeDtypeStruct((1, H2), F32),
    )(csa, csn, u, gbW, gbb, Wdu, db1)

    gsumA = _sc3_call(0, EA)(tbr, tbs, r_idx, s_idx)
    gsumB = _sc3_call(EA, EB)(tbr, tbs, r_idx, s_idx)

    BR = BE // 128

    def final_half(e1, gsum, xr2, xs2, esz):
        gf = esz // BE
        return pl.pallas_call(
            _k_final,
            grid=(gf,),
            in_specs=[pl.BlockSpec((BE, H2), lambda i: (i, 0)),
                      pl.BlockSpec((BE, H2), lambda i: (i, 0)),
                      pl.BlockSpec((1, BR, 128), lambda i: (i, 0, 0)),
                      pl.BlockSpec((1, BR, 128), lambda i: (i, 0, 0)),
                      full((1, H2)), full((DN, H2)), full((DN, 8)), full((1, 8))],
            out_specs=pl.BlockSpec((1, BR, 128), lambda i: (i, 0, 0)),
            out_shape=jax.ShapeDtypeStruct((gf, BR, 128), F32),
        )(e1, gsum, xr2.reshape(gf, BR, 128), xs2.reshape(gf, BR, 128),
          c2, Wde, W2, b2)

    outA = final_half(e1A, gsumA, xr2A, xs2A, EA)
    outB = final_half(e1B, gsumB, xr2B, xs2B, EB)

    return jnp.concatenate([outA.reshape(EA, 1), outB.reshape(EB, 1)], axis=0)

# --- scband reference (transcript-rebuilt; emitter-appended) ---
"""Pipeline reference for scband-net4-17729624998198 (READ-ONLY COPY).

The authoritative reference and input builder live on the scoring server;
editing this copy changes nothing except your own understanding.
"""

import jax, jax.numpy as jnp
import numpy as np

N = 10000
E = 320000
D_NODE = 128
D_EDGE = 16
H = 64
OUT = 1


def _lin(k, din, dout):
    W = (jax.random.normal(k, (din, dout)) * (1.0 / np.sqrt(din))).astype(jnp.float32)
    b = jnp.zeros((dout,), dtype=jnp.float32)
    return W, b


def _tower_params(key):
    ks = jax.random.split(key, 5)
    eb_W, eb_b = _lin(ks[0], D_EDGE + 2 * D_NODE + H, H)
    nb_W, nb_b = _lin(ks[1], D_NODE + H + H, H)
    gb_W, gb_b = _lin(ks[2], H + H + H, H)
    dec_W1, dec_b1 = _lin(ks[3], H + 2 * H + H, H)
    dec_W2, dec_b2 = _lin(ks[4], H, OUT)
    return {"eb_W": eb_W, "eb_b": eb_b, "nb_W": nb_W, "nb_b": nb_b,
            "gb_W": gb_W, "gb_b": gb_b, "dec_W1": dec_W1, "dec_b1": dec_b1,
            "dec_W2": dec_W2, "dec_b2": dec_b2}


def setup_inputs(seed: int = 0) -> dict:
    key = jax.random.key(seed)
    ks = jax.random.split(key, 6)
    x = jax.random.normal(ks[0], (N, D_NODE), dtype=jnp.float32)
    edge_index = jax.random.randint(ks[1], (2, E), 0, N, dtype=jnp.int32)
    edge_attr = jax.random.normal(ks[2], (E, D_EDGE), dtype=jnp.float32)
    global_attr = jax.random.normal(ks[3], (1, H), dtype=jnp.float32)
    params = {"w1": _tower_params(ks[4]), "w2": _tower_params(ks[5])}
    return {"x": x, "edge_attr": edge_attr, "global_attr": global_attr,
            "params": params, "edge_index": edge_index}


def _gn_tower(x, edge_attr, u, s, r, p):
    n_edges = s.shape[0]
    n_nodes = x.shape[0]
    # EdgeBlock 1: concat([edges, receiver_nodes, sender_nodes, globals]) -> Linear -> ReLU
    u_e = jnp.broadcast_to(u, (n_edges, u.shape[1]))
    e_in = jnp.concatenate([edge_attr, x[r], x[s], u_e], axis=1)
    e1 = jax.nn.relu(e_in @ p["eb_W"] + p["eb_b"])
    # NodeBlock: scatter_add received edges, concat([recv_agg, nodes, globals])
    agg = jax.ops.segment_sum(e1, r, num_segments=n_nodes)
    u_n = jnp.broadcast_to(u, (n_nodes, u.shape[1]))
    n_in = jnp.concatenate([agg, x, u_n], axis=1)
    n1 = jax.nn.relu(n_in @ p["nb_W"] + p["nb_b"])
    # GlobalBlock: scatter_mean edges, scatter_mean nodes (single graph -> mean)
    g_in = jnp.concatenate([jnp.mean(e1, axis=0, keepdims=True),
                            jnp.mean(n1, axis=0, keepdims=True), u], axis=1)
    u1 = jax.nn.relu(g_in @ p["gb_W"] + p["gb_b"])
    # Edge decoder block on updated graph
    u1_e = jnp.broadcast_to(u1, (n_edges, u1.shape[1]))
    d_in = jnp.concatenate([e1, n1[r], n1[s], u1_e], axis=1)
    h = jax.nn.relu(d_in @ p["dec_W1"] + p["dec_b1"])
    e_out = h @ p["dec_W2"] + p["dec_b2"]
    return e_out


def reference(x, edge_attr, global_attr, params, edge_index):
    s = edge_index[0]
    r = edge_index[1]
    o1 = _gn_tower(x, edge_attr, global_attr, s, r, params["w1"])
    o2 = _gn_tower(x, edge_attr, global_attr, s, r, params["w2"])
    ret = o1 * (x[r, 2:3] - o2 * x[s, 2:3])
    return ret

if __name__ == "__main__":
    import jax
    _d = setup_inputs()
    print(jax.jit(kernel)(*tuple(_d.values())))

</pallas_src>

<mosaic_0001>
#map = affine_map<(d0, d1) -> (0, 0)>
#map1 = affine_map<(d0, d1) -> (0)>
module attributes {stable_mosaic.version = 14 : i64} {
  func.func @body(%arg0: i32, %arg1: i32, %arg2: memref<10000x128xf32, #tpu.memory_space<hbm>>, %arg3: memref<10000x128xf32, #tpu.memory_space<hbm>>, %arg4: memref<320000xi32, #tpu.memory_space<hbm>>, %arg5: memref<320000xi32, #tpu.memory_space<hbm>>, %arg6: memref<192000x128xf32, #tpu.memory_space<hbm>>, %arg7: memref<200xi32, #tpu.memory_space<vmem>>, %arg8: memref<200xi32, #tpu.memory_space<vmem>>, %arg9: memref<200x128xf32, #tpu.memory_space<vmem>>, %arg10: memref<200x128xf32, #tpu.memory_space<vmem>>, %arg11: memref<!tpu.dma_semaphore, #tpu.memory_space<semaphore_mem>>, %arg12: memref<!tpu.dma_semaphore, #tpu.memory_space<semaphore_mem>>, %arg13: memref<!tpu.dma_semaphore, #tpu.memory_space<semaphore_mem>>) attributes {dimension_semantics = [#tpu.dimension_semantics<core_parallel>, #tpu.dimension_semantics<subcore_parallel>], iteration_bounds = array<i64: 2, 16>, scalar_prefetch = 0 : i64, scratch_operands = 7 : i64, tpu.core_type = #tpu.core_type<sc_vector_subcore>, window_params = [{transform_indices = #map}, {transform_indices = #map}, {transform_indices = #map1}, {transform_indices = #map1}, {transform_indices = #map}]} {
    %mul3A = arith.constant 2 : i32
    %mul3A_0 = arith.muli %arg1, %mul3A : i32
    %add3A = arith.addi %mul3A_0, %arg0 : i32
    %scan3A = arith.constant 0 : i32
    %scan3A_1 = arith.constant 30 : i32
    %scan3A_2 = arith.addi %scan3A, %scan3A_1 : i32
    %scan3A_3 = arith.constant 1 : i32
    scf.for %scan3A_5 = %scan3A to %scan3A_2 step %scan3A_3  : i32 {
      %mul3A_6 = arith.constant 6000 : i32
      %mul3A_7 = arith.muli %add3A, %mul3A_6 : i32
      %mul3A_8 = arith.constant 200 : i32
      %mul3A_9 = arith.muli %scan3A_5, %mul3A_8 : i32
      %add3A_10 = arith.addi %mul3A_7, %mul3A_9 : i32
      %multiple_of3A = tpu.assume_multiple %add3A_10, 200 : i32
      %mul3A_11 = arith.constant 6000 : i32
      %mul3A_12 = arith.muli %add3A, %mul3A_11 : i32
      %add3A_13 = arith.constant 0 : i32
      %add3A_14 = arith.addi %add3A_13, %mul3A_12 : i32
      %mul3A_15 = arith.constant 200 : i32
      %mul3A_16 = arith.muli %scan3A_5, %mul3A_15 : i32
      %add3A_17 = arith.addi %add3A_14, %mul3A_16 : i32
      %multiple_of3A_18 = tpu.assume_multiple %add3A_17, 200 : i32
      "tpu.region"() ({
        %run_scoped3A = tpu.sem_alloc : memref<!tpu.dma_semaphore, #tpu.memory_space<semaphore_mem>>
        %dma_start3A_31 = tpu.memref_slice %arg4[%multiple_of3A_18] : memref<320000xi32, #tpu.memory_space<hbm>> -> memref<200xi32, #tpu.memory_space<hbm>>
        %dma_start3A_32 = tpu.memref_slice %arg4[%multiple_of3A_18] : memref<320000xi32, #tpu.memory_space<hbm>> -> memref<200xi32, #tpu.memory_space<hbm>>
        tpu.enqueue_dma source(%dma_start3A_32 : memref<200xi32, #tpu.memory_space<hbm>>) target(%arg7 : memref<200xi32, #tpu.memory_space<vmem>>) target_semaphore(%run_scoped3A : memref<!tpu.dma_semaphore, #tpu.memory_space<semaphore_mem>>)
        %dma_wait3A_33 = tpu.memref_slice %arg4[%multiple_of3A_18] : memref<320000xi32, #tpu.memory_space<hbm>> -> memref<200xi32, #tpu.memory_space<hbm>>
        %dma_wait3A_34 = tpu.memref_slice %arg4[%multiple_of3A_18] : memref<320000xi32, #tpu.memory_space<hbm>> -> memref<200xi32, #tpu.memory_space<hbm>>
        tpu.wait_dma2 semaphore(%run_scoped3A : memref<!tpu.dma_semaphore, #tpu.memory_space<semaphore_mem>>) src(%dma_wait3A_34 : memref<200xi32, #tpu.memory_space<hbm>>) dst(%arg7 : memref<200xi32, #tpu.memory_space<vmem>>)
        tpu.yield
      }) : () -> ()
      "tpu.region"() ({
        %run_scoped3A = tpu.sem_alloc : memref<!tpu.dma_semaphore, #tpu.memory_space<semaphore_mem>>
        %dma_start3A_31 = tpu.memref_slice %arg5[%multiple_of3A_18] : memref<320000xi32, #tpu.memory_space<hbm>> -> memref<200xi32, #tpu.memory_space<hbm>>
        %dma_start3A_32 = tpu.memref_slice %arg5[%multiple_of3A_18] : memref<320000xi32, #tpu.memory_space<hbm>> -> memref<200xi32, #tpu.memory_space<hbm>>
        tpu.enqueue_dma source(%dma_start3A_32 : memref<200xi32, #tpu.memory_space<hbm>>) target(%arg8 : memref<200xi32, #tpu.memory_space<vmem>>) target_semaphore(%run_scoped3A : memref<!tpu.dma_semaphore, #tpu.memory_space<semaphore_mem>>)
        %dma_wait3A_33 = tpu.memref_slice %arg5[%multiple_of3A_18] : memref<320000xi32, #tpu.memory_space<hbm>> -> memref<200xi32, #tpu.memory_space<hbm>>
        %dma_wait3A_34 = tpu.memref_slice %arg5[%multiple_of3A_18] : memref<320000xi32, #tpu.memory_space<hbm>> -> memref<200xi32, #tpu.memory_space<hbm>>
        tpu.wait_dma2 semaphore(%run_scoped3A : memref<!tpu.dma_semaphore, #tpu.memory_space<semaphore_mem>>) src(%dma_wait3A_34 : memref<200xi32, #tpu.memory_space<hbm>>) dst(%arg8 : memref<200xi32, #tpu.memory_space<vmem>>)
        tpu.yield
      }) : () -> ()
      %dma_start3A = arith.constant 0 : i32
      %dma_start3A_19 = arith.constant 0 : i32
      %dma_start3A_20 = tpu.memref_slice %arg2[%dma_start3A, %dma_start3A_19] : memref<10000x128xf32, #tpu.memory_space<hbm>> -> memref<10000x128xf32, #tpu.memory_space<hbm>>
      tpu.enqueue_indirect_dma source(%dma_start3A_20 : memref<10000x128xf32, #tpu.memory_space<hbm>>) target(%arg9 : memref<200x128xf32, #tpu.memory_space<vmem>>) offsets(%arg7 : memref<200xi32, #tpu.memory_space<vmem>>) semaphore(%arg11 : memref<!tpu.dma_semaphore, #tpu.memory_space<semaphore_mem>>)
      %dma_start3A_21 = arith.constant 0 : i32
      %dma_start3A_22 = arith.constant 0 : i32
      %dma_start3A_23 = tpu.memref_slice %arg3[%dma_start3A_21, %dma_start3A_22] : memref<10000x128xf32, #tpu.memory_space<hbm>> -> memref<10000x128xf32, #tpu.memory_space<hbm>>
      tpu.enqueue_indirect_dma source(%dma_start3A_23 : memref<10000x128xf32, #tpu.memory_space<hbm>>) target(%arg10 : memref<200x128xf32, #tpu.memory_space<vmem>>) offsets(%arg8 : memref<200xi32, #tpu.memory_space<vmem>>) semaphore(%arg12 : memref<!tpu.dma_semaphore, #tpu.memory_space<semaphore_mem>>)
      %dma_wait3A = arith.constant 0 : i32
      %dma_wait3A_24 = arith.constant 0 : i32
      %dma_wait3A_25 = tpu.memref_slice %arg2[%dma_wait3A, %dma_wait3A_24] : memref<10000x128xf32, #tpu.memory_space<hbm>> -> memref<10000x128xf32, #tpu.memory_space<hbm>>
      tpu.wait_indirect_dma semaphore(%arg11 : memref<!tpu.dma_semaphore, #tpu.memory_space<semaphore_mem>>) src(%dma_wait3A_25 : memref<10000x128xf32, #tpu.memory_space<hbm>>) dst(%arg9 : memref<200x128xf32, #tpu.memory_space<vmem>>)
      %dma_wait3A_26 = arith.constant 0 : i32
      %dma_wait3A_27 = arith.constant 0 : i32
      %dma_wait3A_28 = tpu.memref_slice %arg3[%dma_wait3A_26, %dma_wait3A_27] : memref<10000x128xf32, #tpu.memory_space<hbm>> -> memref<10000x128xf32, #tpu.memory_space<hbm>>
      tpu.wait_indirect_dma semaphore(%arg12 : memref<!tpu.dma_semaphore, #tpu.memory_space<semaphore_mem>>) src(%dma_wait3A_28 : memref<10000x128xf32, #tpu.memory_space<hbm>>) dst(%arg10 : memref<200x128xf32, #tpu.memory_space<vmem>>)
      %parallel_loop3A = arith.constant 0 : i32
      %parallel_loop3A_29 = arith.constant 200 : i32
      %parallel_loop3A_30 = arith.constant 1 : i32
      scf.for %parallel_loop3A_31 = %parallel_loop3A to %parallel_loop3A_29 step %parallel_loop3A_30  : i32 {
        %parallel_loop3A_32 = arith.index_cast %parallel_loop3A_31 : i32 to index
        %parallel_loop3A_33 = arith.constant 0 : index
        %parallel_loop3A_34 = tpu.vector_load %arg9[%parallel_loop3A_32, %parallel_loop3A_33] {strides = array<i32>} : memref<200x128xf32, #tpu.memory_space<vmem>>, vector<1x16xf32>,
        %parallel_loop3A_35 = vector.shape_cast %parallel_loop3A_34 : vector<1x16xf32> to vector<16xf32>
        %parallel_loop3A_36 = arith.index_cast %parallel_loop3A_31 : i32 to index
        %parallel_loop3A_37 = arith.constant 0 : index
        %parallel_loop3A_38 = tpu.vector_load %arg10[%parallel_loop3A_36, %parallel_loop3A_37] {strides = array<i32>} : memref<200x128xf32, #tpu.memory_space<vmem>>, vector<1x16xf32>,
        %parallel_loop3A_39 = vector.shape_cast %parallel_loop3A_38 : vector<1x16xf32> to vector<16xf32>
        %parallel_loop3A_40 = arith.addf %parallel_loop3A_35, %parallel_loop3A_39 : vector<16xf32>
        %parallel_loop3A_41 = arith.index_cast %parallel_loop3A_31 : i32 to index
        %parallel_loop3A_42 = arith.constant 0 : index
        %parallel_loop3A_43 = tpu.vector_load %arg9[%parallel_loop3A_41, %parallel_loop3A_42] {strides = array<i32>} : memref<200x128xf32, #tpu.memory_space<vmem>>, vector<1x16xf32>,
        %parallel_loop3A_44 = vector.shape_cast %parallel_loop3A_43 : vector<1x16xf32> to vector<16xf32>
        %parallel_loop3A_45 = vector.shape_cast %parallel_loop3A_40 : vector<16xf32> to vector<1x16xf32>
        tpu.vector_store %arg9[%parallel_loop3A_41, %parallel_loop3A_42], %parallel_loop3A_45 {strides = array<i32>} : memref<200x128xf32, #tpu.memory_space<vmem>>, vector<1x16xf32>,
        %parallel_loop3A_46 = arith.index_cast %parallel_loop3A_31 : i32 to index
        %parallel_loop3A_47 = arith.constant 16 : index
        %parallel_loop3A_48 = tpu.vector_load %arg9[%parallel_loop3A_46, %parallel_loop3A_47] {strides = array<i32>} : memref<200x128xf32, #tpu.memory_space<vmem>>, vector<1x16xf32>,
        %parallel_loop3A_49 = vector.shape_cast %parallel_loop3A_48 : vector<1x16xf32> to vector<16xf32>
        %parallel_loop3A_50 = arith.index_cast %parallel_loop3A_31 : i32 to index
        %parallel_loop3A_51 = arith.constant 16 : index
        %parallel_loop3A_52 = tpu.vector_load %arg10[%parallel_loop3A_50, %parallel_loop3A_51] {strides = array<i32>} : memref<200x128xf32, #tpu.memory_space<vmem>>, vector<1x16xf32>,
        %parallel_loop3A_53 = vector.shape_cast %parallel_loop3A_52 : vector<1x16xf32> to vector<16xf32>
        %parallel_loop3A_54 = arith.addf %parallel_loop3A_49, %parallel_loop3A_53 : vector<16xf32>
        %parallel_loop3A_55 = arith.index_cast %parallel_loop3A_31 : i32 to index
        %parallel_loop3A_56 = arith.constant 16 : index
        %parallel_loop3A_57 = tpu.vector_load %arg9[%parallel_loop3A_55, %parallel_loop3A_56] {strides = array<i32>} : memref<200x128xf32, #tpu.memory_space<vmem>>, vector<1x16xf32>,
        %parallel_loop3A_58 = vector.shape_cast %parallel_loop3A_57 : vector<1x16xf32> to vector<16xf32>
        %parallel_loop3A_59 = vector.shape_cast %parallel_loop3A_54 : vector<16xf32> to vector<1x16xf32>
        tpu.vector_store %arg9[%parallel_loop3A_55, %parallel_loop3A_56], %parallel_loop3A_59 {strides = array<i32>} : memref<200x128xf32, #tpu.memory_space<vmem>>, vector<1x16xf32>,
        %parallel_loop3A_60 = arith.index_cast %parallel_loop3A_31 : i32 to index
        %parallel_loop3A_61 = arith.constant 32 : index
        %parallel_loop3A_62 = tpu.vector_load %arg9[%parallel_loop3A_60, %parallel_loop3A_61] {strides = array<i32>} : memref<200x128xf32, #tpu.memory_space<vmem>>, vector<1x16xf32>,
        %parallel_loop3A_63 = vector.shape_cast %parallel_loop3A_62 : vector<1x16xf32> to vector<16xf32>
        %parallel_loop3A_64 = arith.index_cast %parallel_loop3A_31 : i32 to index
        %parallel_loop3A_65 = arith.constant 32 : index
        %parallel_loop3A_66 = tpu.vector_load %arg10[%parallel_loop3A_64, %parallel_loop3A_65] {strides = array<i32>} : memref<200x128xf32, #tpu.memory_space<vmem>>, vector<1x16xf32>,
        %parallel_loop3A_67 = vector.shape_cast %parallel_loop3A_66 : vector<1x16xf32> to vector<16xf32>
        %parallel_loop3A_68 = arith.addf %parallel_loop3A_63, %parallel_loop3A_67 : vector<16xf32>
        %parallel_loop3A_69 = arith.index_cast %parallel_loop3A_31 : i32 to index
        %parallel_loop3A_70 = arith.constant 32 : index
        %parallel_loop3A_71 = tpu.vector_load %arg9[%parallel_loop3A_69, %parallel_loop3A_70] {strides = array<i32>} : memref<200x128xf32, #tpu.memory_space<vmem>>, vector<1x16xf32>,
        %parallel_loop3A_72 = vector.shape_cast %parallel_loop3A_71 : vector<1x16xf32> to vector<16xf32>
        %parallel_loop3A_73 = vector.shape_cast %parallel_loop3A_68 : vector<16xf32> to vector<1x16xf32>
        tpu.vector_store %arg9[%parallel_loop3A_69, %parallel_loop3A_70], %parallel_loop3A_73 {strides = array<i32>} : memref<200x128xf32, #tpu.memory_space<vmem>>, vector<1x16xf32>,
        %parallel_loop3A_74 = arith.index_cast %parallel_loop3A_31 : i32 to index
        %parallel_loop3A_75 = arith.constant 48 : index
        %parallel_loop3A_76 = tpu.vector_load %arg9[%parallel_loop3A_74, %parallel_loop3A_75] {strides = array<i32>} : memref<200x128xf32, #tpu.memory_space<vmem>>, vector<1x16xf32>,
        %parallel_loop3A_77 = vector.shape_cast %parallel_loop3A_76 : vector<1x16xf32> to vector<16xf32>
        %parallel_loop3A_78 = arith.index_cast %parallel_loop3A_31 : i32 to index
        %parallel_loop3A_79 = arith.constant 48 : index
        %parallel_loop3A_80 = tpu.vector_load %arg10[%parallel_loop3A_78, %parallel_loop3A_79] {strides = array<i32>} : memref<200x128xf32, #tpu.memory_space<vmem>>, vector<1x16xf32>,
        %parallel_loop3A_81 = vector.shape_cast %parallel_loop3A_80 : vector<1x16xf32> to vector<16xf32>
        %parallel_loop3A_82 = arith.addf %parallel_loop3A_77, %parallel_loop3A_81 : vector<16xf32>
        %parallel_loop3A_83 = arith.index_cast %parallel_loop3A_31 : i32 to index
        %parallel_loop3A_84 = arith.constant 48 : index
        %parallel_loop3A_85 = tpu.vector_load %arg9[%parallel_loop3A_83, %parallel_loop3A_84] {strides = array<i32>} : memref<200x128xf32, #tpu.memory_space<vmem>>, vector<1x16xf32>,
        %parallel_loop3A_86 = vector.shape_cast %parallel_loop3A_85 : vector<1x16xf32> to vector<16xf32>
        %parallel_loop3A_87 = vector.shape_cast %parallel_loop3A_82 : vector<16xf32> to vector<1x16xf32>
        tpu.vector_store %arg9[%parallel_loop3A_83, %parallel_loop3A_84], %parallel_loop3A_87 {strides = array<i32>} : memref<200x128xf32, #tpu.memory_space<vmem>>, vector<1x16xf32>,
        %parallel_loop3A_88 = arith.index_cast %parallel_loop3A_31 : i32 to index
        %parallel_loop3A_89 = arith.constant 64 : index
        %parallel_loop3A_90 = tpu.vector_load %arg9[%parallel_loop3A_88, %parallel_loop3A_89] {strides = array<i32>} : memref<200x128xf32, #tpu.memory_space<vmem>>, vector<1x16xf32>,
        %parallel_loop3A_91 = vector.shape_cast %parallel_loop3A_90 : vector<1x16xf32> to vector<16xf32>
        %parallel_loop3A_92 = arith.index_cast %parallel_loop3A_31 : i32 to index
        %parallel_loop3A_93 = arith.constant 64 : index
        %parallel_loop3A_94 = tpu.vector_load %arg10[%parallel_loop3A_92, %parallel_loop3A_93] {strides = array<i32>} : memref<200x128xf32, #tpu.memory_space<vmem>>, vector<1x16xf32>,
        %parallel_loop3A_95 = vector.shape_cast %parallel_loop3A_94 : vector<1x16xf32> to vector<16xf32>
        %parallel_loop3A_96 = arith.addf %parallel_loop3A_91, %parallel_loop3A_95 : vector<16xf32>
        %parallel_loop3A_97 = arith.index_cast %parallel_loop3A_31 : i32 to index
        %parallel_loop3A_98 = arith.constant 64 : index
        %parallel_loop3A_99 = tpu.vector_load %arg9[%parallel_loop3A_97, %parallel_loop3A_98] {strides = array<i32>} : memref<200x128xf32, #tpu.memory_space<vmem>>, vector<1x16xf32>,
        %parallel_loop3A_100 = vector.shape_cast %parallel_loop3A_99 : vector<1x16xf32> to vector<16xf32>
        %parallel_loop3A_101 = vector.shape_cast %parallel_loop3A_96 : vector<16xf32> to vector<1x16xf32>
        tpu.vector_store %arg9[%parallel_loop3A_97, %parallel_loop3A_98], %parallel_loop3A_101 {strides = array<i32>} : memref<200x128xf32, #tpu.memory_space<vmem>>, vector<1x16xf32>,
        %parallel_loop3A_102 = arith.index_cast %parallel_loop3A_31 : i32 to index
        %parallel_loop3A_103 = arith.constant 80 : index
        %parallel_loop3A_104 = tpu.vector_load %arg9[%parallel_loop3A_102, %parallel_loop3A_103] {strides = array<i32>} : memref<200x128xf32, #tpu.memory_space<vmem>>, vector<1x16xf32>,
        %parallel_loop3A_105 = vector.shape_cast %parallel_loop3A_104 : vector<1x16xf32> to vector<16xf32>
        %parallel_loop3A_106 = arith.index_cast %parallel_loop3A_31 : i32 to index
        %parallel_loop3A_107 = arith.constant 80 : index
        %parallel_loop3A_108 = tpu.vector_load %arg10[%parallel_loop3A_106, %parallel_loop3A_107] {strides = array<i32>} : memref<200x128xf32, #tpu.memory_space<vmem>>, vector<1x16xf32>,
        %parallel_loop3A_109 = vector.shape_cast %parallel_loop3A_108 : vector<1x16xf32> to vector<16xf32>
        %parallel_loop3A_110 = arith.addf %parallel_loop3A_105, %parallel_loop3A_109 : vector<16xf32>
        %parallel_loop3A_111 = arith.index_cast %parallel_loop3A_31 : i32 to index
        %parallel_loop3A_112 = arith.constant 80 : index
        %parallel_loop3A_113 = tpu.vector_load %arg9[%parallel_loop3A_111, %parallel_loop3A_112] {strides = array<i32>} : memref<200x128xf32, #tpu.memory_space<vmem>>, vector<1x16xf32>,
        %parallel_loop3A_114 = vector.shape_cast %parallel_loop3A_113 : vector<1x16xf32> to vector<16xf32>
        %parallel_loop3A_115 = vector.shape_cast %parallel_loop3A_110 : vector<16xf32> to vector<1x16xf32>
        tpu.vector_store %arg9[%parallel_loop3A_111, %parallel_loop3A_112], %parallel_loop3A_115 {strides = array<i32>} : memref<200x128xf32, #tpu.memory_space<vmem>>, vector<1x16xf32>,
        %parallel_loop3A_116 = arith.index_cast %parallel_loop3A_31 : i32 to index
        %parallel_loop3A_117 = arith.constant 96 : index
        %parallel_loop3A_118 = tpu.vector_load %arg9[%parallel_loop3A_116, %parallel_loop3A_117] {strides = array<i32>} : memref<200x128xf32, #tpu.memory_space<vmem>>, vector<1x16xf32>,
        %parallel_loop3A_119 = vector.shape_cast %parallel_loop3A_118 : vector<1x16xf32> to vector<16xf32>
        %parallel_loop3A_120 = arith.index_cast %parallel_loop3A_31 : i32 to index
        %parallel_loop3A_121 = arith.constant 96 : index
        %parallel_loop3A_122 = tpu.vector_load %arg10[%parallel_loop3A_120, %parallel_loop3A_121] {strides = array<i32>} : memref<200x128xf32, #tpu.memory_space<vmem>>, vector<1x16xf32>,
        %parallel_loop3A_123 = vector.shape_cast %parallel_loop3A_122 : vector<1x16xf32> to vector<16xf32>
        %parallel_loop3A_124 = arith.addf %parallel_loop3A_119, %parallel_loop3A_123 : vector<16xf32>
        %parallel_loop3A_125 = arith.index_cast %parallel_loop3A_31 : i32 to index
        %parallel_loop3A_126 = arith.constant 96 : index
        %parallel_loop3A_127 = tpu.vector_load %arg9[%parallel_loop3A_125, %parallel_loop3A_126] {strides = array<i32>} : memref<200x128xf32, #tpu.memory_space<vmem>>, vector<1x16xf32>,
        %parallel_loop3A_128 = vector.shape_cast %parallel_loop3A_127 : vector<1x16xf32> to vector<16xf32>
        %parallel_loop3A_129 = vector.shape_cast %parallel_loop3A_124 : vector<16xf32> to vector<1x16xf32>
        tpu.vector_store %arg9[%parallel_loop3A_125, %parallel_loop3A_126], %parallel_loop3A_129 {strides = array<i32>} : memref<200x128xf32, #tpu.memory_space<vmem>>, vector<1x16xf32>,
        %parallel_loop3A_130 = arith.index_cast %parallel_loop3A_31 : i32 to index
        %parallel_loop3A_131 = arith.constant 112 : index
        %parallel_loop3A_132 = tpu.vector_load %arg9[%parallel_loop3A_130, %parallel_loop3A_131] {strides = array<i32>} : memref<200x128xf32, #tpu.memory_space<vmem>>, vector<1x16xf32>,
        %parallel_loop3A_133 = vector.shape_cast %parallel_loop3A_132 : vector<1x16xf32> to vector<16xf32>
        %parallel_loop3A_134 = arith.index_cast %parallel_loop3A_31 : i32 to index
        %parallel_loop3A_135 = arith.constant 112 : index
        %parallel_loop3A_136 = tpu.vector_load %arg10[%parallel_loop3A_134, %parallel_loop3A_135] {strides = array<i32>} : memref<200x128xf32, #tpu.memory_space<vmem>>, vector<1x16xf32>,
        %parallel_loop3A_137 = vector.shape_cast %parallel_loop3A_136 : vector<1x16xf32> to vector<16xf32>
        %parallel_loop3A_138 = arith.addf %parallel_loop3A_133, %parallel_loop3A_137 : vector<16xf32>
        %parallel_loop3A_139 = arith.index_cast %parallel_loop3A_31 : i32 to index
        %parallel_loop3A_140 = arith.constant 112 : index
        %parallel_loop3A_141 = tpu.vector_load %arg9[%parallel_loop3A_139, %parallel_loop3A_140] {strides = array<i32>} : memref<200x128xf32, #tpu.memory_space<vmem>>, vector<1x16xf32>,
        %parallel_loop3A_142 = vector.shape_cast %parallel_loop3A_141 : vector<1x16xf32> to vector<16xf32>
        %parallel_loop3A_143 = vector.shape_cast %parallel_loop3A_138 : vector<16xf32> to vector<1x16xf32>
        tpu.vector_store %arg9[%parallel_loop3A_139, %parallel_loop3A_140], %parallel_loop3A_143 {strides = array<i32>} : memref<200x128xf32, #tpu.memory_space<vmem>>, vector<1x16xf32>,
      } {sc.loop_unroll_factor = 4 : i64, sc.parallel_access}
      "tpu.region"() ({
        %run_scoped3A = tpu.sem_alloc : memref<!tpu.dma_semaphore, #tpu.memory_space<semaphore_mem>>
        %dma_start3A_31 = arith.constant 0 : i32
        %dma_start3A_32 = tpu.memref_slice %arg6[%multiple_of3A, %dma_start3A_31] : memref<192000x128xf32, #tpu.memory_space<hbm>> -> memref<200x128xf32, #tpu.memory_space<hbm>>
        %dma_start3A_33 = arith.constant 0 : i32
        %dma_start3A_34 = tpu.memref_slice %arg6[%multiple_of3A, %dma_start3A_33] : memref<192000x128xf32, #tpu.memory_space<hbm>> -> memref<200x128xf32, #tpu.memory_space<hbm>>
        tpu.enqueue_dma source(%arg9 : memref<200x128xf32, #tpu.memory_space<vmem>>) target(%dma_start3A_34 : memref<200x128xf32, #tpu.memory_space<hbm>>) target_semaphore(%run_scoped3A : memref<!tpu.dma_semaphore, #tpu.memory_space<semaphore_mem>>)
        %dma_wait3A_35 = arith.constant 0 : i32
        %dma_wait3A_36 = tpu.memref_slice %arg6[%multiple_of3A, %dma_wait3A_35] : memref<192000x128xf32, #tpu.memory_space<hbm>> -> memref<200x128xf32, #tpu.memory_space<hbm>>
        %dma_wait3A_37 = arith.constant 0 : i32
        %dma_wait3A_38 = tpu.memref_slice %arg6[%multiple_of3A, %dma_wait3A_37] : memref<192000x128xf32, #tpu.memory_space<hbm>> -> memref<200x128xf32, #tpu.memory_space<hbm>>
        tpu.wait_dma2 semaphore(%run_scoped3A : memref<!tpu.dma_semaphore, #tpu.memory_space<semaphore_mem>>) src(%arg9 : memref<200x128xf32, #tpu.memory_space<vmem>>) dst(%dma_wait3A_38 : memref<200x128xf32, #tpu.memory_space<hbm>>)
        tpu.yield
      }) : () -> ()
    }
    %scan3A_4 = arith.constant 30 : i32
    return
  }
}

#map = affine_map<(d0, d1) -> (0, 0)>
#map1 = affine_map<(d0, d1) -> (0)>
#map2 = affine_map<(d0, d1) -> (0, 0, 0)>
module attributes {stable_mosaic.version = 14 : i64} {
  func.func @body(%arg0: i32, %arg1: i32, %arg2: memref<10000x128xf32, #tpu.memory_space<hbm>>, %arg3: memref<10000x128xf32, #tpu.memory_space<hbm>>, %arg4: memref<128000x128xf32, #tpu.memory_space<hbm>>, %arg5: memref<320000xi32, #tpu.memory_space<hbm>>, %arg6: memref<320000xi32, #tpu.memory_space<hbm>>, %arg7: memref<10000xf32, #tpu.memory_space<hbm>>, %arg8: memref<128000x128xf32, #tpu.memory_space<hbm>>, %arg9: memref<128000xf32, #tpu.memory_space<hbm>>, %arg10: memref<128000xf32, #tpu.memory_space<hbm>>, %arg11: memref<2x10240x128xf32, #tpu.memory_space<hbm>>, %arg12: memref<2x80xi32, #tpu.memory_space<vmem>>, %arg13: memref<2x80xi32, #tpu.memory_space<vmem>>, %arg14: memref<80x128xf32, #tpu.memory_space<vmem>>, %arg15: memref<80x128xf32, #tpu.memory_space<vmem>>, %arg16: memref<80x128xf32, #tpu.memory_space<vmem>>, %arg17: memref<80x128xf32, #tpu.memory_space<vmem>>, %arg18: memref<80xf32, #tpu.memory_space<vmem>>, %arg19: memref<80xf32, #tpu.memory_space<vmem>>, %arg20: memref<10240x128xf32, #tpu.memory_space<vmem_shared>>, %arg21: memref<!tpu.dma_semaphore, #tpu.memory_space<semaphore_mem>>, %arg22: memref<!tpu.dma_semaphore, #tpu.memory_space<semaphore_mem>>, %arg23: memref<!tpu.dma_semaphore, #tpu.memory_space<semaphore_mem>>, %arg24: memref<!tpu.dma_semaphore, #tpu.memory_space<semaphore_mem>>, %arg25: memref<!tpu.dma_semaphore, #tpu.memory_space<semaphore_mem>>, %arg26: memref<!tpu.dma_semaphore, #tpu.memory_space<semaphore_mem>>) attributes {dimension_semantics = [#tpu.dimension_semantics<core_parallel>, #tpu.dimension_semantics<subcore_parallel>], iteration_bounds = array<i64: 2, 16>, scalar_prefetch = 0 : i64, scratch_operands = 15 : i64, tpu.core_type = #tpu.core_type<sc_vector_subcore>, window_params = [{transform_indices = #map}, {transform_indices = #map}, {transform_indices = #map}, {transform_indices = #map1}, {transform_indices = #map1}, {transform_indices = #map1}, {transform_indices = #map}, {transform_indices = #map1}, {transform_indices = #map1}, {transform_indices = #map2}]} {
    %mul3A = arith.constant 2 : i32
    %mul3A_0 = arith.muli %arg1, %mul3A : i32
    %add3A = arith.addi %mul3A_0, %arg0 : i32
    %broadcast_in_dim3A = arith.constant 0.000000e+00 : f32
    %broadcast_in_dim3A_1 = vector.broadcast %broadcast_in_dim3A : f32 to vector<16xf32>
    %scan3A = arith.constant 0 : i32
    %scan3A_2 = arith.constant 640 : i32
    %scan3A_3 = arith.addi %scan3A, %scan3A_2 : i32
    %scan3A_4 = arith.constant 1 : i32
    scf.for %scan3A_45 = %scan3A to %scan3A_3 step %scan3A_4  : i32 {
      %jit3A = arith.constant 8 : i32
      %div3A = arith.divsi %scan3A_45, %jit3A : i32
      %sign3A = arith.constant 0 : i32
      %sign3A_46 = arith.cmpi sgt, %scan3A_45, %sign3A : i32
      %sign3A_47 = arith.extui %sign3A_46 : i1 to i32
      %sign3A_48 = arith.constant 0 : i32
      %sign3A_49 = arith.cmpi slt, %scan3A_45, %sign3A_48 : i32
      %sign3A_50 = arith.extui %sign3A_49 : i1 to i32
      %sign3A_51 = arith.subi %sign3A_47, %sign3A_50 : i32
      %sign3A_52 = arith.constant 0 : i32
      %sign3A_53 = arith.cmpi sgt, %jit3A, %sign3A_52 : i32
      %sign3A_54 = arith.extui %sign3A_53 : i1 to i32
      %sign3A_55 = arith.constant 0 : i32
      %sign3A_56 = arith.cmpi slt, %jit3A, %sign3A_55 : i32
      %sign3A_57 = arith.extui %sign3A_56 : i1 to i32
      %sign3A_58 = arith.subi %sign3A_54, %sign3A_57 : i32
      %ne3A = arith.cmpi ne, %sign3A_51, %sign3A_58 : i32
      %rem3A = arith.remsi %scan3A_45, %jit3A : i32
      %ne3A_59 = arith.constant 0 : i32
      %ne3A_60 = arith.cmpi ne, %rem3A, %ne3A_59 : i32
      %and3A = arith.andi %ne3A, %ne3A_60 : i1
      %sub3A = arith.constant 1 : i32
      %sub3A_61 = arith.subi %div3A, %sub3A : i32
      %select_n3A = arith.select %and3A, %sub3A_61, %div3A : i32
      %jit3A_62 = arith.constant 8 : i32
      %eq3A = arith.constant 0 : i32
      %eq3A_63 = arith.cmpi eq, %jit3A_62, %eq3A : i32
      %jit3A_64 = arith.constant 1 : i32
      %select_n3A_65 = arith.select %eq3A_63, %jit3A_64, %jit3A_62 : i32
      %rem3A_66 = arith.remsi %scan3A_45, %select_n3A_65 : i32
      %ne3A_67 = arith.constant 0 : i32
      %ne3A_68 = arith.cmpi ne, %rem3A_66, %ne3A_67 : i32
      %lt3A = arith.constant 0 : i32
      %lt3A_69 = arith.cmpi slt, %rem3A_66, %lt3A : i32
      %lt3A_70 = arith.constant 0 : i32
      %lt3A_71 = arith.cmpi slt, %select_n3A_65, %lt3A_70 : i32
      %ne3A_72 = arith.xori %lt3A_69, %lt3A_71 : i1
      %and3A_73 = arith.andi %ne3A_72, %ne3A_68 : i1
      %add3A_74 = arith.addi %rem3A_66, %select_n3A_65 : i32
      %select_n3A_75 = arith.select %and3A_73, %add3A_74, %rem3A_66 : i32
      %mul3A_76 = arith.constant 16 : i32
      %mul3A_77 = arith.muli %select_n3A_75, %mul3A_76 : i32
      %swap3A = arith.index_cast %select_n3A : i32 to index
      %swap3A_78 = arith.index_cast %mul3A_77 : i32 to index
      %swap3A_79 = tpu.vector_load %arg17[%swap3A, %swap3A_78] {strides = array<i32>} : memref<80x128xf32, #tpu.memory_space<vmem>>, vector<1x16xf32>,
      %swap3A_80 = vector.shape_cast %swap3A_79 : vector<1x16xf32> to vector<16xf32>
      %swap3A_81 = vector.shape_cast %broadcast_in_dim3A_1 : vector<16xf32> to vector<1x16xf32>
      tpu.vector_store %arg17[%swap3A, %swap3A_78], %swap3A_81 {strides = array<i32>} : memref<80x128xf32, #tpu.memory_space<vmem>>, vector<1x16xf32>,
    }
    %scan3A_5 = arith.constant 640 : i32
    %scan3A_6 = arith.constant 0 : i32
    %scan3A_7 = arith.constant 8 : i32
    %scan3A_8 = arith.addi %scan3A_6, %scan3A_7 : i32
    %scan3A_9 = arith.constant 1 : i32
    scf.for %scan3A_45 = %scan3A_6 to %scan3A_8 step %scan3A_9  : i32 {
      %mul3A_46 = arith.constant 640 : i32
      %mul3A_47 = arith.muli %arg1, %mul3A_46 : i32
      %mul3A_48 = arith.constant 80 : i32
      %mul3A_49 = arith.muli %scan3A_45, %mul3A_48 : i32
      %add3A_50 = arith.addi %mul3A_47, %mul3A_49 : i32
      %multiple_of3A_51 = tpu.assume_multiple %add3A_50, 80 : i32
      "tpu.region"() ({
        %run_scoped3A_52 = tpu.sem_alloc : memref<!tpu.dma_semaphore, #tpu.memory_space<semaphore_mem>>
        %dma_start3A_53 = arith.constant 0 : i32
        %dma_start3A_54 = tpu.memref_slice %arg20[%multiple_of3A_51, %dma_start3A_53] : memref<10240x128xf32, #tpu.memory_space<vmem_shared>> -> memref<80x128xf32, #tpu.memory_space<vmem_shared>>
        %dma_start3A_55 = arith.constant 0 : i32
        %dma_start3A_56 = tpu.memref_slice %arg20[%multiple_of3A_51, %dma_start3A_55] : memref<10240x128xf32, #tpu.memory_space<vmem_shared>> -> memref<80x128xf32, #tpu.memory_space<vmem_shared>>
        tpu.enqueue_dma source(%arg17 : memref<80x128xf32, #tpu.memory_space<vmem>>) target(%dma_start3A_56 : memref<80x128xf32, #tpu.memory_space<vmem_shared>>) target_semaphore(%run_scoped3A_52 : memref<!tpu.dma_semaphore, #tpu.memory_space<semaphore_mem>>)
        %dma_wait3A = arith.constant 0 : i32
        %dma_wait3A_57 = tpu.memref_slice %arg20[%multiple_of3A_51, %dma_wait3A] : memref<10240x128xf32, #tpu.memory_space<vmem_shared>> -> memref<80x128xf32, #tpu.memory_space<vmem_shared>>
        %dma_wait3A_58 = arith.constant 0 : i32
        %dma_wait3A_59 = tpu.memref_slice %arg20[%multiple_of3A_51, %dma_wait3A_58] : memref<10240x128xf32, #tpu.memory_space<vmem_shared>> -> memref<80x128xf32, #tpu.memory_space<vmem_shared>>
        tpu.wait_dma2 semaphore(%run_scoped3A_52 : memref<!tpu.dma_semaphore, #tpu.memory_space<semaphore_mem>>) src(%arg17 : memref<80x128xf32, #tpu.memory_space<vmem>>) dst(%dma_wait3A_59 : memref<80x128xf32, #tpu.memory_space<vmem_shared>>)
        tpu.yield
      }) : () -> ()
    }
    %scan3A_10 = arith.constant 8 : i32
    %barrier3A = arith.constant 0 : index
    tpu.barrier barrier_id(%barrier3A)
    %mul3A_11 = arith.constant 4000 : i32
    %mul3A_12 = arith.muli %add3A, %mul3A_11 : i32
    %add3A_13 = arith.constant 192000 : i32
    %add3A_14 = arith.addi %add3A_13, %mul3A_12 : i32
    %multiple_of3A = tpu.assume_multiple %add3A_14, 80 : i32
    %mul3A_15 = arith.constant 4000 : i32
    %mul3A_16 = arith.muli %add3A, %mul3A_15 : i32
    %multiple_of3A_17 = tpu.assume_multiple %mul3A_16, 80 : i32
    %run_scoped3A = arith.constant 0 : i32
    "tpu.region"() ({
      %run_scoped3A_45 = tpu.sem_alloc : memref<!tpu.dma_semaphore, #tpu.memory_space<semaphore_mem>>
      %dma_start3A_46 = arith.constant 0 : i32
      %dma_start3A_47 = tpu.memref_slice %arg12[%run_scoped3A, %dma_start3A_46] : memref<2x80xi32, #tpu.memory_space<vmem>> -> memref<1x80xi32, #tpu.memory_space<vmem>>
      %dma_start3A_48 = tpu.memref_squeeze %dma_start3A_47 : memref<1x80xi32, #tpu.memory_space<vmem>> -> memref<80xi32, #tpu.memory_space<vmem>>
      %dma_start3A_49 = tpu.memref_slice %arg5[%multiple_of3A] : memref<320000xi32, #tpu.memory_space<hbm>> -> memref<80xi32, #tpu.memory_space<hbm>>
      %dma_start3A_50 = arith.constant 0 : i32
      %dma_start3A_51 = tpu.memref_slice %arg12[%run_scoped3A, %dma_start3A_50] : memref<2x80xi32, #tpu.memory_space<vmem>> -> memref<1x80xi32, #tpu.memory_space<vmem>>
      %dma_start3A_52 = tpu.memref_squeeze %dma_start3A_51 : memref<1x80xi32, #tpu.memory_space<vmem>> -> memref<80xi32, #tpu.memory_space<vmem>>
      %dma_start3A_53 = tpu.memref_slice %arg5[%multiple_of3A] : memref<320000xi32, #tpu.memory_space<hbm>> -> memref<80xi32, #tpu.memory_space<hbm>>
      tpu.enqueue_dma source(%dma_start3A_53 : memref<80xi32, #tpu.memory_space<hbm>>) target(%dma_start3A_52 : memref<80xi32, #tpu.memory_space<vmem>>) target_semaphore(%run_scoped3A_45 : memref<!tpu.dma_semaphore, #tpu.memory_space<semaphore_mem>>)
      %dma_wait3A = arith.constant 0 : i32
      %dma_wait3A_54 = tpu.memref_slice %arg12[%run_scoped3A, %dma_wait3A] : memref<2x80xi32, #tpu.memory_space<vmem>> -> memref<1x80xi32, #tpu.memory_space<vmem>>
      %dma_wait3A_55 = tpu.memref_squeeze %dma_wait3A_54 : memref<1x80xi32, #tpu.memory_space<vmem>> -> memref<80xi32, #tpu.memory_space<vmem>>
      %dma_wait3A_56 = tpu.memref_slice %arg5[%multiple_of3A] : memref<320000xi32, #tpu.memory_space<hbm>> -> memref<80xi32, #tpu.memory_space<hbm>>
      %dma_wait3A_57 = arith.constant 0 : i32
      %dma_wait3A_58 = tpu.memref_slice %arg12[%run_scoped3A, %dma_wait3A_57] : memref<2x80xi32, #tpu.memory_space<vmem>> -> memref<1x80xi32, #tpu.memory_space<vmem>>
      %dma_wait3A_59 = tpu.memref_squeeze %dma_wait3A_58 : memref<1x80xi32, #tpu.memory_space<vmem>> -> memref<80xi32, #tpu.memory_space<vmem>>
      %dma_wait3A_60 = tpu.memref_slice %arg5[%multiple_of3A] : memref<320000xi32, #tpu.memory_space<hbm>> -> memref<80xi32, #tpu.memory_space<hbm>>
      tpu.wait_dma2 semaphore(%run_scoped3A_45 : memref<!tpu.dma_semaphore, #tpu.memory_space<semaphore_mem>>) src(%dma_wait3A_60 : memref<80xi32, #tpu.memory_space<hbm>>) dst(%dma_wait3A_59 : memref<80xi32, #tpu.memory_space<vmem>>)
      tpu.yield
    }) : () -> ()
    %run_scoped3A_18 = arith.constant 0 : i32
    "tpu.region"() ({
      %run_scoped3A_45 = tpu.sem_alloc : memref<!tpu.dma_semaphore, #tpu.memory_space<semaphore_mem>>
      %dma_start3A_46 = arith.constant 0 : i32
      %dma_start3A_47 = tpu.memref_slice %arg13[%run_scoped3A_18, %dma_start3A_46] : memref<2x80xi32, #tpu.memory_space<vmem>> -> memref<1x80xi32, #tpu.memory_space<vmem>>
      %dma_start3A_48 = tpu.memref_squeeze %dma_start3A_47 : memref<1x80xi32, #tpu.memory_space<vmem>> -> memref<80xi32, #tpu.memory_space<vmem>>
      %dma_start3A_49 = tpu.memref_slice %arg6[%multiple_of3A] : memref<320000xi32, #tpu.memory_space<hbm>> -> memref<80xi32, #tpu.memory_space<hbm>>
      %dma_start3A_50 = arith.constant 0 : i32
      %dma_start3A_51 = tpu.memref_slice %arg13[%run_scoped3A_18, %dma_start3A_50] : memref<2x80xi32, #tpu.memory_space<vmem>> -> memref<1x80xi32, #tpu.memory_space<vmem>>
      %dma_start3A_52 = tpu.memref_squeeze %dma_start3A_51 : memref<1x80xi32, #tpu.memory_space<vmem>> -> memref<80xi32, #tpu.memory_space<vmem>>
      %dma_start3A_53 = tpu.memref_slice %arg6[%multiple_of3A] : memref<320000xi32, #tpu.memory_space<hbm>> -> memref<80xi32, #tpu.memory_space<hbm>>
      tpu.enqueue_dma source(%dma_start3A_53 : memref<80xi32, #tpu.memory_space<hbm>>) target(%dma_start3A_52 : memref<80xi32, #tpu.memory_space<vmem>>) target_semaphore(%run_scoped3A_45 : memref<!tpu.dma_semaphore, #tpu.memory_space<semaphore_mem>>)
      %dma_wait3A = arith.constant 0 : i32
      %dma_wait3A_54 = tpu.memref_slice %arg13[%run_scoped3A_18, %dma_wait3A] : memref<2x80xi32, #tpu.memory_space<vmem>> -> memref<1x80xi32, #tpu.memory_space<vmem>>
      %dma_wait3A_55 = tpu.memref_squeeze %dma_wait3A_54 : memref<1x80xi32, #tpu.memory_space<vmem>> -> memref<80xi32, #tpu.memory_space<vmem>>
      %dma_wait3A_56 = tpu.memref_slice %arg6[%multiple_of3A] : memref<320000xi32, #tpu.memory_space<hbm>> -> memref<80xi32, #tpu.memory_space<hbm>>
      %dma_wait3A_57 = arith.constant 0 : i32
      %dma_wait3A_58 = tpu.memref_slice %arg13[%run_scoped3A_18, %dma_wait3A_57] : memref<2x80xi32, #tpu.memory_space<vmem>> -> memref<1x80xi32, #tpu.memory_space<vmem>>
      %dma_wait3A_59 = tpu.memref_squeeze %dma_wait3A_58 : memref<1x80xi32, #tpu.memory_space<vmem>> -> memref<80xi32, #tpu.memory_space<vmem>>
      %dma_wait3A_60 = tpu.memref_slice %arg6[%multiple_of3A] : memref<320000xi32, #tpu.memory_space<hbm>> -> memref<80xi32, #tpu.memory_space<hbm>>
      tpu.wait_dma2 semaphore(%run_scoped3A_45 : memref<!tpu.dma_semaphore, #tpu.memory_space<semaphore_mem>>) src(%dma_wait3A_60 : memref<80xi32, #tpu.memory_space<hbm>>) dst(%dma_wait3A_59 : memref<80xi32, #tpu.memory_space<vmem>>)
      tpu.yield
    }) : () -> ()
    %dma_start3A = arith.constant 0 : i32
    %dma_start3A_19 = arith.constant 0 : i32
    %dma_start3A_20 = tpu.memref_slice %arg12[%dma_start3A, %dma_start3A_19] : memref<2x80xi32, #tpu.memory_space<vmem>> -> memref<1x80xi32, #tpu.memory_space<vmem>>
    %dma_start3A_21 = tpu.memref_squeeze %dma_start3A_20 : memref<1x80xi32, #tpu.memory_space<vmem>> -> memref<80xi32, #tpu.memory_space<vmem>>
    %dma_start3A_22 = arith.constant 0 : i32
    %dma_start3A_23 = arith.constant 0 : i32
    %dma_start3A_24 = tpu.memref_slice %arg2[%dma_start3A_22, %dma_start3A_23] : memref<10000x128xf32, #tpu.memory_space<hbm>> -> memref<10000x128xf32, #tpu.memory_space<hbm>>
    tpu.enqueue_indirect_dma source(%dma_start3A_24 : memref<10000x128xf32, #tpu.memory_space<hbm>>) target(%arg14 : memref<80x128xf32, #tpu.memory_space<vmem>>) offsets(%dma_start3A_21 : memref<80xi32, #tpu.memory_space<vmem>>) semaphore(%arg21 : memref<!tpu.dma_semaphore, #tpu.memory_space<semaphore_mem>>)
    %dma_start3A_25 = arith.constant 0 : i32
    %dma_start3A_26 = arith.constant 0 : i32
    %dma_start3A_27 = tpu.memref_slice %arg13[%dma_start3A_25, %dma_start3A_26] : memref<2x80xi32, #tpu.memory_space<vmem>> -> memref<1x80xi32, #tpu.memory_space<vmem>>
    %dma_start3A_28 = tpu.memref_squeeze %dma_start3A_27 : memref<1x80xi32, #tpu.memory_space<vmem>> -> memref<80xi32, #tpu.memory_space<vmem>>
    %dma_start3A_29 = arith.constant 0 : i32
    %dma_start3A_30 = arith.constant 0 : i32
    %dma_start3A_31 = tpu.memref_slice %arg3[%dma_start3A_29, %dma_start3A_30] : memref<10000x128xf32, #tpu.memory_space<hbm>> -> memref<10000x128xf32, #tpu.memory_space<hbm>>
    tpu.enqueue_indirect_dma source(%dma_start3A_31 : memref<10000x128xf32, #tpu.memory_space<hbm>>) target(%arg15 : memref<80x128xf32, #tpu.memory_space<vmem>>) offsets(%dma_start3A_28 : memref<80xi32, #tpu.memory_space<vmem>>) semaphore(%arg22 : memref<!tpu.dma_semaphore, #tpu.memory_space<semaphore_mem>>)
    %dma_start3A_32 = arith.constant 0 : i32
    %dma_start3A_33 = tpu.memref_slice %arg4[%multiple_of3A_17, %dma_start3A_32] : memref<128000x128xf32, #tpu.memory_space<hbm>> -> memref<80x128xf32, #tpu.memory_space<hbm>>
    %dma_start3A_34 = arith.constant 0 : i32
    %dma_start3A_35 = tpu.memref_slice %arg4[%multiple_of3A_17, %dma_start3A_34] : memref<128000x128xf32, #tpu.memory_space<hbm>> -> memref<80x128xf32, #tpu.memory_space<hbm>>
    tpu.enqueue_dma source(%dma_start3A_35 : memref<80x128xf32, #tpu.memory_space<hbm>>) target(%arg16 : memref<80x128xf32, #tpu.memory_space<vmem>>) target_semaphore(%arg23 : memref<!tpu.dma_semaphore, #tpu.memory_space<semaphore_mem>>)
    %scan3A_36 = arith.constant 0 : i32
    %scan3A_37 = arith.constant 50 : i32
    %scan3A_38 = arith.addi %scan3A_36, %scan3A_37 : i32
    %scan3A_39 = arith.constant 1 : i32
    scf.for %scan3A_45 = %scan3A_36 to %scan3A_38 step %scan3A_39  : i32 {
      %rem3A = arith.constant 2 : i32
      %rem3A_46 = arith.remsi %scan3A_45, %rem3A : i32
      %sub3A = arith.constant 1 : i32
      %sub3A_47 = arith.subi %sub3A, %rem3A_46 : i32
      %mul3A_48 = arith.constant 4000 : i32
      %mul3A_49 = arith.muli %add3A, %mul3A_48 : i32
      %mul3A_50 = arith.constant 80 : i32
      %mul3A_51 = arith.muli %scan3A_45, %mul3A_50 : i32
      %add3A_52 = arith.addi %mul3A_49, %mul3A_51 : i32
      %multiple_of3A_53 = tpu.assume_multiple %add3A_52, 80 : i32
      %dma_wait3A = arith.constant 0 : i32
      %dma_wait3A_54 = tpu.memref_slice %arg12[%rem3A_46, %dma_wait3A] : memref<2x80xi32, #tpu.memory_space<vmem>> -> memref<1x80xi32, #tpu.memory_space<vmem>>
      %dma_wait3A_55 = tpu.memref_squeeze %dma_wait3A_54 : memref<1x80xi32, #tpu.memory_space<vmem>> -> memref<80xi32, #tpu.memory_space<vmem>>
      %dma_wait3A_56 = arith.constant 0 : i32
      %dma_wait3A_57 = arith.constant 0 : i32
      %dma_wait3A_58 = tpu.memref_slice %arg2[%dma_wait3A_56, %dma_wait3A_57] : memref<10000x128xf32, #tpu.memory_space<hbm>> -> memref<10000x128xf32, #tpu.memory_space<hbm>>
      tpu.wait_indirect_dma semaphore(%arg21 : memref<!tpu.dma_semaphore, #tpu.memory_space<semaphore_mem>>) src(%dma_wait3A_58 : memref<10000x128xf32, #tpu.memory_space<hbm>>) dst(%arg14 : memref<80x128xf32, #tpu.memory_space<vmem>>)
      %dma_wait3A_59 = arith.constant 0 : i32
      %dma_wait3A_60 = tpu.memref_slice %arg13[%rem3A_46, %dma_wait3A_59] : memref<2x80xi32, #tpu.memory_space<vmem>> -> memref<1x80xi32, #tpu.memory_space<vmem>>
      %dma_wait3A_61 = tpu.memref_squeeze %dma_wait3A_60 : memref<1x80xi32, #tpu.memory_space<vmem>> -> memref<80xi32, #tpu.memory_space<vmem>>
      %dma_wait3A_62 = arith.constant 0 : i32
      %dma_wait3A_63 = arith.constant 0 : i32
      %dma_wait3A_64 = tpu.memref_slice %arg3[%dma_wait3A_62, %dma_wait3A_63] : memref<10000x128xf32, #tpu.memory_space<hbm>> -> memref<10000x128xf32, #tpu.memory_space<hbm>>
      tpu.wait_indirect_dma semaphore(%arg22 : memref<!tpu.dma_semaphore, #tpu.memory_space<semaphore_mem>>) src(%dma_wait3A_64 : memref<10000x128xf32, #tpu.memory_space<hbm>>) dst(%arg15 : memref<80x128xf32, #tpu.memory_space<vmem>>)
      %dma_wait3A_65 = arith.constant 0 : i32
      %dma_wait3A_66 = tpu.memref_slice %arg4[%multiple_of3A_53, %dma_wait3A_65] : memref<128000x128xf32, #tpu.memory_space<hbm>> -> memref<80x128xf32, #tpu.memory_space<hbm>>
      %dma_wait3A_67 = arith.constant 0 : i32
      %dma_wait3A_68 = tpu.memref_slice %arg4[%multiple_of3A_53, %dma_wait3A_67] : memref<128000x128xf32, #tpu.memory_space<hbm>> -> memref<80x128xf32, #tpu.memory_space<hbm>>
      tpu.wait_dma2 semaphore(%arg23 : memref<!tpu.dma_semaphore, #tpu.memory_space<semaphore_mem>>) src(%dma_wait3A_68 : memref<80x128xf32, #tpu.memory_space<hbm>>) dst(%arg16 : memref<80x128xf32, #tpu.memory_space<vmem>>)
      %lt3A = arith.constant 49 : i32
      %lt3A_69 = arith.cmpi slt, %scan3A_45, %lt3A : i32
      %convert_element_type3A = arith.extui %lt3A_69 : i1 to i32
      %cond3A = arith.constant 0 : i32
      %cond3A_70 = arith.cmpi ne, %convert_element_type3A, %cond3A : i32
      scf.if %cond3A_70 {
        %mul3A_106 = arith.constant 4000 : i32
        %mul3A_107 = arith.muli %add3A, %mul3A_106 : i32
        %add3A_108 = arith.constant 192000 : i32
        %add3A_109 = arith.addi %add3A_108, %mul3A_107 : i32
        %add3A_110 = arith.constant 1 : i32
        %add3A_111 = arith.addi %scan3A_45, %add3A_110 : i32
        %mul3A_112 = arith.constant 80 : i32
        %mul3A_113 = arith.muli %add3A_111, %mul3A_112 : i32
        %add3A_114 = arith.addi %add3A_109, %mul3A_113 : i32
        %multiple_of3A_115 = tpu.assume_multiple %add3A_114, 80 : i32
        "tpu.region"() ({
          %run_scoped3A_116 = tpu.sem_alloc : memref<!tpu.dma_semaphore, #tpu.memory_space<semaphore_mem>>
          %dma_start3A_117 = arith.constant 0 : i32
          %dma_start3A_118 = tpu.memref_slice %arg12[%sub3A_47, %dma_start3A_117] : memref<2x80xi32, #tpu.memory_space<vmem>> -> memref<1x80xi32, #tpu.memory_space<vmem>>
          %dma_start3A_119 = tpu.memref_squeeze %dma_start3A_118 : memref<1x80xi32, #tpu.memory_space<vmem>> -> memref<80xi32, #tpu.memory_space<vmem>>
          %dma_start3A_120 = tpu.memref_slice %arg5[%multiple_of3A_115] : memref<320000xi32, #tpu.memory_space<hbm>> -> memref<80xi32, #tpu.memory_space<hbm>>
          %dma_start3A_121 = arith.constant 0 : i32
          %dma_start3A_122 = tpu.memref_slice %arg12[%sub3A_47, %dma_start3A_121] : memref<2x80xi32, #tpu.memory_space<vmem>> -> memref<1x80xi32, #tpu.memory_space<vmem>>
          %dma_start3A_123 = tpu.memref_squeeze %dma_start3A_122 : memref<1x80xi32, #tpu.memory_space<vmem>> -> memref<80xi32, #tpu.memory_space<vmem>>
          %dma_start3A_124 = tpu.memref_slice %arg5[%multiple_of3A_115] : memref<320000xi32, #tpu.memory_space<hbm>> -> memref<80xi32, #tpu.memory_space<hbm>>
          tpu.enqueue_dma source(%dma_start3A_124 : memref<80xi32, #tpu.memory_space<hbm>>) target(%dma_start3A_123 : memref<80xi32, #tpu.memory_space<vmem>>) target_semaphore(%run_scoped3A_116 : memref<!tpu.dma_semaphore, #tpu.memory_space<semaphore_mem>>)
          %dma_wait3A_125 = arith.constant 0 : i32
          %dma_wait3A_126 = tpu.memref_slice %arg12[%sub3A_47, %dma_wait3A_125] : memref<2x80xi32, #tpu.memory_space<vmem>> -> memref<1x80xi32, #tpu.memory_space<vmem>>
          %dma_wait3A_127 = tpu.memref_squeeze %dma_wait3A_126 : memref<1x80xi32, #tpu.memory_space<vmem>> -> memref<80xi32, #tpu.memory_space<vmem>>
          %dma_wait3A_128 = tpu.memref_slice %arg5[%multiple_of3A_115] : memref<320000xi32, #tpu.memory_space<hbm>> -> memref<80xi32, #tpu.memory_space<hbm>>
          %dma_wait3A_129 = arith.constant 0 : i32
          %dma_wait3A_130 = tpu.memref_slice %arg12[%sub3A_47, %dma_wait3A_129] : memref<2x80xi32, #tpu.memory_space<vmem>> -> memref<1x80xi32, #tpu.memory_space<vmem>>
          %dma_wait3A_131 = tpu.memref_squeeze %dma_wait3A_130 : memref<1x80xi32, #tpu.memory_space<vmem>> -> memref<80xi32, #tpu.memory_space<vmem>>
          %dma_wait3A_132 = tpu.memref_slice %arg5[%multiple_of3A_115] : memref<320000xi32, #tpu.memory_space<hbm>> -> memref<80xi32, #tpu.memory_space<hbm>>
          tpu.wait_dma2 semaphore(%run_scoped3A_116 : memref<!tpu.dma_semaphore, #tpu.memory_space<semaphore_mem>>) src(%dma_wait3A_132 : memref<80xi32, #tpu.memory_space<hbm>>) dst(%dma_wait3A_131 : memref<80xi32, #tpu.memory_space<vmem>>)
          tpu.yield
        }) : () -> ()
        "tpu.region"() ({
          %run_scoped3A_116 = tpu.sem_alloc : memref<!tpu.dma_semaphore, #tpu.memory_space<semaphore_mem>>
          %dma_start3A_117 = arith.constant 0 : i32
          %dma_start3A_118 = tpu.memref_slice %arg13[%sub3A_47, %dma_start3A_117] : memref<2x80xi32, #tpu.memory_space<vmem>> -> memref<1x80xi32, #tpu.memory_space<vmem>>
          %dma_start3A_119 = tpu.memref_squeeze %dma_start3A_118 : memref<1x80xi32, #tpu.memory_space<vmem>> -> memref<80xi32, #tpu.memory_space<vmem>>
          %dma_start3A_120 = tpu.memref_slice %arg6[%multiple_of3A_115] : memref<320000xi32, #tpu.memory_space<hbm>> -> memref<80xi32, #tpu.memory_space<hbm>>
          %dma_start3A_121 = arith.constant 0 : i32
          %dma_start3A_122 = tpu.memref_slice %arg13[%sub3A_47, %dma_start3A_121] : memref<2x80xi32, #tpu.memory_space<vmem>> -> memref<1x80xi32, #tpu.memory_space<vmem>>
          %dma_start3A_123 = tpu.memref_squeeze %dma_start3A_122 : memref<1x80xi32, #tpu.memory_space<vmem>> -> memref<80xi32, #tpu.memory_space<vmem>>
          %dma_start3A_124 = tpu.memref_slice %arg6[%multiple_of3A_115] : memref<320000xi32, #tpu.memory_space<hbm>> -> memref<80xi32, #tpu.memory_space<hbm>>
          tpu.enqueue_dma source(%dma_start3A_124 : memref<80xi32, #tpu.memory_space<hbm>>) target(%dma_start3A_123 : memref<80xi32, #tpu.memory_space<vmem>>) target_semaphore(%run_scoped3A_116 : memref<!tpu.dma_semaphore, #tpu.memory_space<semaphore_mem>>)
          %dma_wait3A_125 = arith.constant 0 : i32
          %dma_wait3A_126 = tpu.memref_slice %arg13[%sub3A_47, %dma_wait3A_125] : memref<2x80xi32, #tpu.memory_space<vmem>> -> memref<1x80xi32, #tpu.memory_space<vmem>>
          %dma_wait3A_127 = tpu.memref_squeeze %dma_wait3A_126 : memref<1x80xi32, #tpu.memory_space<vmem>> -> memref<80xi32, #tpu.memory_space<vmem>>
          %dma_wait3A_128 = tpu.memref_slice %arg6[%multiple_of3A_115] : memref<320000xi32, #tpu.memory_space<hbm>> -> memref<80xi32, #tpu.memory_space<hbm>>
          %dma_wait3A_129 = arith.constant 0 : i32
          %dma_wait3A_130 = tpu.memref_slice %arg13[%sub3A_47, %dma_wait3A_129] : memref<2x80xi32, #tpu.memory_space<vmem>> -> memref<1x80xi32, #tpu.memory_space<vmem>>
          %dma_wait3A_131 = tpu.memref_squeeze %dma_wait3A_130 : memref<1x80xi32, #tpu.memory_space<vmem>> -> memref<80xi32, #tpu.memory_space<vmem>>
          %dma_wait3A_132 = tpu.memref_slice %arg6[%multiple_of3A_115] : memref<320000xi32, #tpu.memory_space<hbm>> -> memref<80xi32, #tpu.memory_space<hbm>>
          tpu.wait_dma2 semaphore(%run_scoped3A_116 : memref<!tpu.dma_semaphore, #tpu.memory_space<semaphore_mem>>) src(%dma_wait3A_132 : memref<80xi32, #tpu.memory_space<hbm>>) dst(%dma_wait3A_131 : memref<80xi32, #tpu.memory_space<vmem>>)
          tpu.yield
        }) : () -> ()
      } else {
      }
      %dma_start3A_71 = arith.constant 0 : i32
      %dma_start3A_72 = tpu.memref_slice %arg12[%rem3A_46, %dma_start3A_71] : memref<2x80xi32, #tpu.memory_space<vmem>> -> memref<1x80xi32, #tpu.memory_space<vmem>>
      %dma_start3A_73 = tpu.memref_squeeze %dma_start3A_72 : memref<1x80xi32, #tpu.memory_space<vmem>> -> memref<80xi32, #tpu.memory_space<vmem>>
      %dma_start3A_74 = arith.constant 0 : i32
      %dma_start3A_75 = tpu.memref_slice %arg7[%dma_start3A_74] : memref<10000xf32, #tpu.memory_space<hbm>> -> memref<10000xf32, #tpu.memory_space<hbm>>
      tpu.enqueue_indirect_dma source(%dma_start3A_75 : memref<10000xf32, #tpu.memory_space<hbm>>) target(%arg18 : memref<80xf32, #tpu.memory_space<vmem>>) offsets(%dma_start3A_73 : memref<80xi32, #tpu.memory_space<vmem>>) semaphore(%arg24 : memref<!tpu.dma_semaphore, #tpu.memory_space<semaphore_mem>>)
      %dma_start3A_76 = arith.constant 0 : i32
      %dma_start3A_77 = tpu.memref_slice %arg13[%rem3A_46, %dma_start3A_76] : memref<2x80xi32, #tpu.memory_space<vmem>> -> memref<1x80xi32, #tpu.memory_space<vmem>>
      %dma_start3A_78 = tpu.memref_squeeze %dma_start3A_77 : memref<1x80xi32, #tpu.memory_space<vmem>> -> memref<80xi32, #tpu.memory_space<vmem>>
      %dma_start3A_79 = arith.constant 0 : i32
      %dma_start3A_80 = tpu.memref_slice %arg7[%dma_start3A_79] : memref<10000xf32, #tpu.memory_space<hbm>> -> memref<10000xf32, #tpu.memory_space<hbm>>
      tpu.enqueue_indirect_dma source(%dma_start3A_80 : memref<10000xf32, #tpu.memory_space<hbm>>) target(%arg19 : memref<80xf32, #tpu.memory_space<vmem>>) offsets(%dma_start3A_78 : memref<80xi32, #tpu.memory_space<vmem>>) semaphore(%arg25 : memref<!tpu.dma_semaphore, #tpu.memory_space<semaphore_mem>>)
      %parallel_loop3A = arith.constant 0 : i32
      %parallel_loop3A_81 = arith.constant 80 : i32
      %parallel_loop3A_82 = arith.constant 1 : i32
      scf.for %parallel_loop3A_106 = %parallel_loop3A to %parallel_loop3A_81 step %parallel_loop3A_82  : i32 {
        %parallel_loop3A_107 = arith.index_cast %parallel_loop3A_106 : i32 to index
        %parallel_loop3A_108 = arith.constant 0 : index
        %parallel_loop3A_109 = tpu.vector_load %arg16[%parallel_loop3A_107, %parallel_loop3A_108] {strides = array<i32>} : memref<80x128xf32, #tpu.memory_space<vmem>>, vector<1x16xf32>,
        %parallel_loop3A_110 = vector.shape_cast %parallel_loop3A_109 : vector<1x16xf32> to vector<16xf32>
        %parallel_loop3A_111 = arith.index_cast %parallel_loop3A_106 : i32 to index
        %parallel_loop3A_112 = arith.constant 0 : index
        %parallel_loop3A_113 = tpu.vector_load %arg14[%parallel_loop3A_111, %parallel_loop3A_112] {strides = array<i32>} : memref<80x128xf32, #tpu.memory_space<vmem>>, vector<1x16xf32>,
        %parallel_loop3A_114 = vector.shape_cast %parallel_loop3A_113 : vector<1x16xf32> to vector<16xf32>
        %parallel_loop3A_115 = arith.addf %parallel_loop3A_110, %parallel_loop3A_114 : vector<16xf32>
        %parallel_loop3A_116 = arith.index_cast %parallel_loop3A_106 : i32 to index
        %parallel_loop3A_117 = arith.constant 0 : index
        %parallel_loop3A_118 = tpu.vector_load %arg15[%parallel_loop3A_116, %parallel_loop3A_117] {strides = array<i32>} : memref<80x128xf32, #tpu.memory_space<vmem>>, vector<1x16xf32>,
        %parallel_loop3A_119 = vector.shape_cast %parallel_loop3A_118 : vector<1x16xf32> to vector<16xf32>
        %parallel_loop3A_120 = arith.addf %parallel_loop3A_115, %parallel_loop3A_119 : vector<16xf32>
        %parallel_loop3A_121 = arith.constant 0.000000e+00 : f32
        %parallel_loop3A_122 = vector.broadcast %parallel_loop3A_121 : f32 to vector<16xf32>
        %parallel_loop3A_123 = arith.maximumf %parallel_loop3A_120, %parallel_loop3A_122 : vector<16xf32>
        %parallel_loop3A_124 = arith.index_cast %parallel_loop3A_106 : i32 to index
        %parallel_loop3A_125 = arith.constant 0 : index
        %parallel_loop3A_126 = tpu.vector_load %arg17[%parallel_loop3A_124, %parallel_loop3A_125] {strides = array<i32>} : memref<80x128xf32, #tpu.memory_space<vmem>>, vector<1x16xf32>,
        %parallel_loop3A_127 = vector.shape_cast %parallel_loop3A_126 : vector<1x16xf32> to vector<16xf32>
        %parallel_loop3A_128 = vector.shape_cast %parallel_loop3A_123 : vector<16xf32> to vector<1x16xf32>
        tpu.vector_store %arg17[%parallel_loop3A_124, %parallel_loop3A_125], %parallel_loop3A_128 {strides = array<i32>} : memref<80x128xf32, #tpu.memory_space<vmem>>, vector<1x16xf32>,
        %parallel_loop3A_129 = arith.index_cast %parallel_loop3A_106 : i32 to index
        %parallel_loop3A_130 = arith.constant 16 : index
        %parallel_loop3A_131 = tpu.vector_load %arg16[%parallel_loop3A_129, %parallel_loop3A_130] {strides = array<i32>} : memref<80x128xf32, #tpu.memory_space<vmem>>, vector<1x16xf32>,
        %parallel_loop3A_132 = vector.shape_cast %parallel_loop3A_131 : vector<1x16xf32> to vector<16xf32>
        %parallel_loop3A_133 = arith.index_cast %parallel_loop3A_106 : i32 to index
        %parallel_loop3A_134 = arith.constant 16 : index
        %parallel_loop3A_135 = tpu.vector_load %arg14[%parallel_loop3A_133, %parallel_loop3A_134] {strides = array<i32>} : memref<80x128xf32, #tpu.memory_space<vmem>>, vector<1x16xf32>,
        %parallel_loop3A_136 = vector.shape_cast %parallel_loop3A_135 : vector<1x16xf32> to vector<16xf32>
        %parallel_loop3A_137 = arith.addf %parallel_loop3A_132, %parallel_loop3A_136 : vector<16xf32>
        %parallel_loop3A_138 = arith.index_cast %parallel_loop3A_106 : i32 to index
        %parallel_loop3A_139 = arith.constant 16 : index
        %parallel_loop3A_140 = tpu.vector_load %arg15[%parallel_loop3A_138, %parallel_loop3A_139] {strides = array<i32>} : memref<80x128xf32, #tpu.memory_space<vmem>>, vector<1x16xf32>,
        %parallel_loop3A_141 = vector.shape_cast %parallel_loop3A_140 : vector<1x16xf32> to vector<16xf32>
        %parallel_loop3A_142 = arith.addf %parallel_loop3A_137, %parallel_loop3A_141 : vector<16xf32>
        %parallel_loop3A_143 = arith.constant 0.000000e+00 : f32
        %parallel_loop3A_144 = vector.broadcast %parallel_loop3A_143 : f32 to vector<16xf32>
        %parallel_loop3A_145 = arith.maximumf %parallel_loop3A_142, %parallel_loop3A_144 : vector<16xf32>
        %parallel_loop3A_146 = arith.index_cast %parallel_loop3A_106 : i32 to index
        %parallel_loop3A_147 = arith.constant 16 : index
        %parallel_loop3A_148 = tpu.vector_load %arg17[%parallel_loop3A_146, %parallel_loop3A_147] {strides = array<i32>} : memref<80x128xf32, #tpu.memory_space<vmem>>, vector<1x16xf32>,
        %parallel_loop3A_149 = vector.shape_cast %parallel_loop3A_148 : vector<1x16xf32> to vector<16xf32>
        %parallel_loop3A_150 = vector.shape_cast %parallel_loop3A_145 : vector<16xf32> to vector<1x16xf32>
        tpu.vector_store %arg17[%parallel_loop3A_146, %parallel_loop3A_147], %parallel_loop3A_150 {strides = array<i32>} : memref<80x128xf32, #tpu.memory_space<vmem>>, vector<1x16xf32>,
        %parallel_loop3A_151 = arith.index_cast %parallel_loop3A_106 : i32 to index
        %parallel_loop3A_152 = arith.constant 32 : index
        %parallel_loop3A_153 = tpu.vector_load %arg16[%parallel_loop3A_151, %parallel_loop3A_152] {strides = array<i32>} : memref<80x128xf32, #tpu.memory_space<vmem>>, vector<1x16xf32>,
        %parallel_loop3A_154 = vector.shape_cast %parallel_loop3A_153 : vector<1x16xf32> to vector<16xf32>
        %parallel_loop3A_155 = arith.index_cast %parallel_loop3A_106 : i32 to index
        %parallel_loop3A_156 = arith.constant 32 : index
        %parallel_loop3A_157 = tpu.vector_load %arg14[%parallel_loop3A_155, %parallel_loop3A_156] {strides = array<i32>} : memref<80x128xf32, #tpu.memory_space<vmem>>, vector<1x16xf32>,
        %parallel_loop3A_158 = vector.shape_cast %parallel_loop3A_157 : vector<1x16xf32> to vector<16xf32>
        %parallel_loop3A_159 = arith.addf %parallel_loop3A_154, %parallel_loop3A_158 : vector<16xf32>
        %parallel_loop3A_160 = arith.index_cast %parallel_loop3A_106 : i32 to index
        %parallel_loop3A_161 = arith.constant 32 : index
        %parallel_loop3A_162 = tpu.vector_load %arg15[%parallel_loop3A_160, %parallel_loop3A_161] {strides = array<i32>} : memref<80x128xf32, #tpu.memory_space<vmem>>, vector<1x16xf32>,
        %parallel_loop3A_163 = vector.shape_cast %parallel_loop3A_162 : vector<1x16xf32> to vector<16xf32>
        %parallel_loop3A_164 = arith.addf %parallel_loop3A_159, %parallel_loop3A_163 : vector<16xf32>
        %parallel_loop3A_165 = arith.constant 0.000000e+00 : f32
        %parallel_loop3A_166 = vector.broadcast %parallel_loop3A_165 : f32 to vector<16xf32>
        %parallel_loop3A_167 = arith.maximumf %parallel_loop3A_164, %parallel_loop3A_166 : vector<16xf32>
        %parallel_loop3A_168 = arith.index_cast %parallel_loop3A_106 : i32 to index
        %parallel_loop3A_169 = arith.constant 32 : index
        %parallel_loop3A_170 = tpu.vector_load %arg17[%parallel_loop3A_168, %parallel_loop3A_169] {strides = array<i32>} : memref<80x128xf32, #tpu.memory_space<vmem>>, vector<1x16xf32>,
        %parallel_loop3A_171 = vector.shape_cast %parallel_loop3A_170 : vector<1x16xf32> to vector<16xf32>
        %parallel_loop3A_172 = vector.shape_cast %parallel_loop3A_167 : vector<16xf32> to vector<1x16xf32>
        tpu.vector_store %arg17[%parallel_loop3A_168, %parallel_loop3A_169], %parallel_loop3A_172 {strides = array<i32>} : memref<80x128xf32, #tpu.memory_space<vmem>>, vector<1x16xf32>,
        %parallel_loop3A_173 = arith.index_cast %parallel_loop3A_106 : i32 to index
        %parallel_loop3A_174 = arith.constant 48 : index
        %parallel_loop3A_175 = tpu.vector_load %arg16[%parallel_loop3A_173, %parallel_loop3A_174] {strides = array<i32>} : memref<80x128xf32, #tpu.memory_space<vmem>>, vector<1x16xf32>,
        %parallel_loop3A_176 = vector.shape_cast %parallel_loop3A_175 : vector<1x16xf32> to vector<16xf32>
        %parallel_loop3A_177 = arith.index_cast %parallel_loop3A_106 : i32 to index
        %parallel_loop3A_178 = arith.constant 48 : index
        %parallel_loop3A_179 = tpu.vector_load %arg14[%parallel_loop3A_177, %parallel_loop3A_178] {strides = array<i32>} : memref<80x128xf32, #tpu.memory_space<vmem>>, vector<1x16xf32>,
        %parallel_loop3A_180 = vector.shape_cast %parallel_loop3A_179 : vector<1x16xf32> to vector<16xf32>
        %parallel_loop3A_181 = arith.addf %parallel_loop3A_176, %parallel_loop3A_180 : vector<16xf32>
        %parallel_loop3A_182 = arith.index_cast %parallel_loop3A_106 : i32 to index
        %parallel_loop3A_183 = arith.constant 48 : index
        %parallel_loop3A_184 = tpu.vector_load %arg15[%parallel_loop3A_182, %parallel_loop3A_183] {strides = array<i32>} : memref<80x128xf32, #tpu.memory_space<vmem>>, vector<1x16xf32>,
        %parallel_loop3A_185 = vector.shape_cast %parallel_loop3A_184 : vector<1x16xf32> to vector<16xf32>
        %parallel_loop3A_186 = arith.addf %parallel_loop3A_181, %parallel_loop3A_185 : vector<16xf32>
        %parallel_loop3A_187 = arith.constant 0.000000e+00 : f32
        %parallel_loop3A_188 = vector.broadcast %parallel_loop3A_187 : f32 to vector<16xf32>
        %parallel_loop3A_189 = arith.maximumf %parallel_loop3A_186, %parallel_loop3A_188 : vector<16xf32>
        %parallel_loop3A_190 = arith.index_cast %parallel_loop3A_106 : i32 to index
        %parallel_loop3A_191 = arith.constant 48 : index
        %parallel_loop3A_192 = tpu.vector_load %arg17[%parallel_loop3A_190, %parallel_loop3A_191] {strides = array<i32>} : memref<80x128xf32, #tpu.memory_space<vmem>>, vector<1x16xf32>,
        %parallel_loop3A_193 = vector.shape_cast %parallel_loop3A_192 : vector<1x16xf32> to vector<16xf32>
        %parallel_loop3A_194 = vector.shape_cast %parallel_loop3A_189 : vector<16xf32> to vector<1x16xf32>
        tpu.vector_store %arg17[%parallel_loop3A_190, %parallel_loop3A_191], %parallel_loop3A_194 {strides = array<i32>} : memref<80x128xf32, #tpu.memory_space<vmem>>, vector<1x16xf32>,
        %parallel_loop3A_195 = arith.index_cast %parallel_loop3A_106 : i32 to index
        %parallel_loop3A_196 = arith.constant 64 : index
        %parallel_loop3A_197 = tpu.vector_load %arg16[%parallel_loop3A_195, %parallel_loop3A_196] {strides = array<i32>} : memref<80x128xf32, #tpu.memory_space<vmem>>, vector<1x16xf32>,
        %parallel_loop3A_198 = vector.shape_cast %parallel_loop3A_197 : vector<1x16xf32> to vector<16xf32>
        %parallel_loop3A_199 = arith.index_cast %parallel_loop3A_106 : i32 to index
        %parallel_loop3A_200 = arith.constant 64 : index
        %parallel_loop3A_201 = tpu.vector_load %arg14[%parallel_loop3A_199, %parallel_loop3A_200] {strides = array<i32>} : memref<80x128xf32, #tpu.memory_space<vmem>>, vector<1x16xf32>,
        %parallel_loop3A_202 = vector.shape_cast %parallel_loop3A_201 : vector<1x16xf32> to vector<16xf32>
        %parallel_loop3A_203 = arith.addf %parallel_loop3A_198, %parallel_loop3A_202 : vector<16xf32>
        %parallel_loop3A_204 = arith.index_cast %parallel_loop3A_106 : i32 to index
        %parallel_loop3A_205 = arith.constant 64 : index
        %parallel_loop3A_206 = tpu.vector_load %arg15[%parallel_loop3A_204, %parallel_loop3A_205] {strides = array<i32>} : memref<80x128xf32, #tpu.memory_space<vmem>>, vector<1x16xf32>,
        %parallel_loop3A_207 = vector.shape_cast %parallel_loop3A_206 : vector<1x16xf32> to vector<16xf32>
        %parallel_loop3A_208 = arith.addf %parallel_loop3A_203, %parallel_loop3A_207 : vector<16xf32>
        %parallel_loop3A_209 = arith.constant 0.000000e+00 : f32
        %parallel_loop3A_210 = vector.broadcast %parallel_loop3A_209 : f32 to vector<16xf32>
        %parallel_loop3A_211 = arith.maximumf %parallel_loop3A_208, %parallel_loop3A_210 : vector<16xf32>
        %parallel_loop3A_212 = arith.index_cast %parallel_loop3A_106 : i32 to index
        %parallel_loop3A_213 = arith.constant 64 : index
        %parallel_loop3A_214 = tpu.vector_load %arg17[%parallel_loop3A_212, %parallel_loop3A_213] {strides = array<i32>} : memref<80x128xf32, #tpu.memory_space<vmem>>, vector<1x16xf32>,
        %parallel_loop3A_215 = vector.shape_cast %parallel_loop3A_214 : vector<1x16xf32> to vector<16xf32>
        %parallel_loop3A_216 = vector.shape_cast %parallel_loop3A_211 : vector<16xf32> to vector<1x16xf32>
        tpu.vector_store %arg17[%parallel_loop3A_212, %parallel_loop3A_213], %parallel_loop3A_216 {strides = array<i32>} : memref<80x128xf32, #tpu.memory_space<vmem>>, vector<1x16xf32>,
        %parallel_loop3A_217 = arith.index_cast %parallel_loop3A_106 : i32 to index
        %parallel_loop3A_218 = arith.constant 80 : index
        %parallel_loop3A_219 = tpu.vector_load %arg16[%parallel_loop3A_217, %parallel_loop3A_218] {strides = array<i32>} : memref<80x128xf32, #tpu.memory_space<vmem>>, vector<1x16xf32>,
        %parallel_loop3A_220 = vector.shape_cast %parallel_loop3A_219 : vector<1x16xf32> to vector<16xf32>
        %parallel_loop3A_221 = arith.index_cast %parallel_loop3A_106 : i32 to index
        %parallel_loop3A_222 = arith.constant 80 : index
        %parallel_loop3A_223 = tpu.vector_load %arg14[%parallel_loop3A_221, %parallel_loop3A_222] {strides = array<i32>} : memref<80x128xf32, #tpu.memory_space<vmem>>, vector<1x16xf32>,
        %parallel_loop3A_224 = vector.shape_cast %parallel_loop3A_223 : vector<1x16xf32> to vector<16xf32>
        %parallel_loop3A_225 = arith.addf %parallel_loop3A_220, %parallel_loop3A_224 : vector<16xf32>
        %parallel_loop3A_226 = arith.index_cast %parallel_loop3A_106 : i32 to index
        %parallel_loop3A_227 = arith.constant 80 : index
        %parallel_loop3A_228 = tpu.vector_load %arg15[%parallel_loop3A_226, %parallel_loop3A_227] {strides = array<i32>} : memref<80x128xf32, #tpu.memory_space<vmem>>, vector<1x16xf32>,
        %parallel_loop3A_229 = vector.shape_cast %parallel_loop3A_228 : vector<1x16xf32> to vector<16xf32>
        %parallel_loop3A_230 = arith.addf %parallel_loop3A_225, %parallel_loop3A_229 : vector<16xf32>
        %parallel_loop3A_231 = arith.constant 0.000000e+00 : f32
        %parallel_loop3A_232 = vector.broadcast %parallel_loop3A_231 : f32 to vector<16xf32>
        %parallel_loop3A_233 = arith.maximumf %parallel_loop3A_230, %parallel_loop3A_232 : vector<16xf32>
        %parallel_loop3A_234 = arith.index_cast %parallel_loop3A_106 : i32 to index
        %parallel_loop3A_235 = arith.constant 80 : index
        %parallel_loop3A_236 = tpu.vector_load %arg17[%parallel_loop3A_234, %parallel_loop3A_235] {strides = array<i32>} : memref<80x128xf32, #tpu.memory_space<vmem>>, vector<1x16xf32>,
        %parallel_loop3A_237 = vector.shape_cast %parallel_loop3A_236 : vector<1x16xf32> to vector<16xf32>
        %parallel_loop3A_238 = vector.shape_cast %parallel_loop3A_233 : vector<16xf32> to vector<1x16xf32>
        tpu.vector_store %arg17[%parallel_loop3A_234, %parallel_loop3A_235], %parallel_loop3A_238 {strides = array<i32>} : memref<80x128xf32, #tpu.memory_space<vmem>>, vector<1x16xf32>,
        %parallel_loop3A_239 = arith.index_cast %parallel_loop3A_106 : i32 to index
        %parallel_loop3A_240 = arith.constant 96 : index
        %parallel_loop3A_241 = tpu.vector_load %arg16[%parallel_loop3A_239, %parallel_loop3A_240] {strides = array<i32>} : memref<80x128xf32, #tpu.memory_space<vmem>>, vector<1x16xf32>,
        %parallel_loop3A_242 = vector.shape_cast %parallel_loop3A_241 : vector<1x16xf32> to vector<16xf32>
        %parallel_loop3A_243 = arith.index_cast %parallel_loop3A_106 : i32 to index
        %parallel_loop3A_244 = arith.constant 96 : index
        %parallel_loop3A_245 = tpu.vector_load %arg14[%parallel_loop3A_243, %parallel_loop3A_244] {strides = array<i32>} : memref<80x128xf32, #tpu.memory_space<vmem>>, vector<1x16xf32>,
        %parallel_loop3A_246 = vector.shape_cast %parallel_loop3A_245 : vector<1x16xf32> to vector<16xf32>
        %parallel_loop3A_247 = arith.addf %parallel_loop3A_242, %parallel_loop3A_246 : vector<16xf32>
        %parallel_loop3A_248 = arith.index_cast %parallel_loop3A_106 : i32 to index
        %parallel_loop3A_249 = arith.constant 96 : index
        %parallel_loop3A_250 = tpu.vector_load %arg15[%parallel_loop3A_248, %parallel_loop3A_249] {strides = array<i32>} : memref<80x128xf32, #tpu.memory_space<vmem>>, vector<1x16xf32>,
        %parallel_loop3A_251 = vector.shape_cast %parallel_loop3A_250 : vector<1x16xf32> to vector<16xf32>
        %parallel_loop3A_252 = arith.addf %parallel_loop3A_247, %parallel_loop3A_251 : vector<16xf32>
        %parallel_loop3A_253 = arith.constant 0.000000e+00 : f32
        %parallel_loop3A_254 = vector.broadcast %parallel_loop3A_253 : f32 to vector<16xf32>
        %parallel_loop3A_255 = arith.maximumf %parallel_loop3A_252, %parallel_loop3A_254 : vector<16xf32>
        %parallel_loop3A_256 = arith.index_cast %parallel_loop3A_106 : i32 to index
        %parallel_loop3A_257 = arith.constant 96 : index
        %parallel_loop3A_258 = tpu.vector_load %arg17[%parallel_loop3A_256, %parallel_loop3A_257] {strides = array<i32>} : memref<80x128xf32, #tpu.memory_space<vmem>>, vector<1x16xf32>,
        %parallel_loop3A_259 = vector.shape_cast %parallel_loop3A_258 : vector<1x16xf32> to vector<16xf32>
        %parallel_loop3A_260 = vector.shape_cast %parallel_loop3A_255 : vector<16xf32> to vector<1x16xf32>
        tpu.vector_store %arg17[%parallel_loop3A_256, %parallel_loop3A_257], %parallel_loop3A_260 {strides = array<i32>} : memref<80x128xf32, #tpu.memory_space<vmem>>, vector<1x16xf32>,
        %parallel_loop3A_261 = arith.index_cast %parallel_loop3A_106 : i32 to index
        %parallel_loop3A_262 = arith.constant 112 : index
        %parallel_loop3A_263 = tpu.vector_load %arg16[%parallel_loop3A_261, %parallel_loop3A_262] {strides = array<i32>} : memref<80x128xf32, #tpu.memory_space<vmem>>, vector<1x16xf32>,
        %parallel_loop3A_264 = vector.shape_cast %parallel_loop3A_263 : vector<1x16xf32> to vector<16xf32>
        %parallel_loop3A_265 = arith.index_cast %parallel_loop3A_106 : i32 to index
        %parallel_loop3A_266 = arith.constant 112 : index
        %parallel_loop3A_267 = tpu.vector_load %arg14[%parallel_loop3A_265, %parallel_loop3A_266] {strides = array<i32>} : memref<80x128xf32, #tpu.memory_space<vmem>>, vector<1x16xf32>,
        %parallel_loop3A_268 = vector.shape_cast %parallel_loop3A_267 : vector<1x16xf32> to vector<16xf32>
        %parallel_loop3A_269 = arith.addf %parallel_loop3A_264, %parallel_loop3A_268 : vector<16xf32>
        %parallel_loop3A_270 = arith.index_cast %parallel_loop3A_106 : i32 to index
        %parallel_loop3A_271 = arith.constant 112 : index
        %parallel_loop3A_272 = tpu.vector_load %arg15[%parallel_loop3A_270, %parallel_loop3A_271] {strides = array<i32>} : memref<80x128xf32, #tpu.memory_space<vmem>>, vector<1x16xf32>,
        %parallel_loop3A_273 = vector.shape_cast %parallel_loop3A_272 : vector<1x16xf32> to vector<16xf32>
        %parallel_loop3A_274 = arith.addf %parallel_loop3A_269, %parallel_loop3A_273 : vector<16xf32>
        %parallel_loop3A_275 = arith.constant 0.000000e+00 : f32
        %parallel_loop3A_276 = vector.broadcast %parallel_loop3A_275 : f32 to vector<16xf32>
        %parallel_loop3A_277 = arith.maximumf %parallel_loop3A_274, %parallel_loop3A_276 : vector<16xf32>
        %parallel_loop3A_278 = arith.index_cast %parallel_loop3A_106 : i32 to index
        %parallel_loop3A_279 = arith.constant 112 : index
        %parallel_loop3A_280 = tpu.vector_load %arg17[%parallel_loop3A_278, %parallel_loop3A_279] {strides = array<i32>} : memref<80x128xf32, #tpu.memory_space<vmem>>, vector<1x16xf32>,
        %parallel_loop3A_281 = vector.shape_cast %parallel_loop3A_280 : vector<1x16xf32> to vector<16xf32>
        %parallel_loop3A_282 = vector.shape_cast %parallel_loop3A_277 : vector<16xf32> to vector<1x16xf32>
        tpu.vector_store %arg17[%parallel_loop3A_278, %parallel_loop3A_279], %parallel_loop3A_282 {strides = array<i32>} : memref<80x128xf32, #tpu.memory_space<vmem>>, vector<1x16xf32>,
      } {sc.loop_unroll_factor = 4 : i64, sc.parallel_access}
      %lt3A_83 = arith.constant 49 : i32
      %lt3A_84 = arith.cmpi slt, %scan3A_45, %lt3A_83 : i32
      %convert_element_type3A_85 = arith.extui %lt3A_84 : i1 to i32
      %cond3A_86 = arith.constant 0 : i32
      %cond3A_87 = arith.cmpi ne, %convert_element_type3A_85, %cond3A_86 : i32
      scf.if %cond3A_87 {
        %mul3A_106 = arith.constant 4000 : i32
        %mul3A_107 = arith.muli %add3A, %mul3A_106 : i32
        %add3A_108 = arith.constant 1 : i32
        %add3A_109 = arith.addi %scan3A_45, %add3A_108 : i32
        %mul3A_110 = arith.constant 80 : i32
        %mul3A_111 = arith.muli %add3A_109, %mul3A_110 : i32
        %add3A_112 = arith.addi %mul3A_107, %mul3A_111 : i32
        %multiple_of3A_113 = tpu.assume_multiple %add3A_112, 80 : i32
        %dma_start3A_114 = arith.constant 0 : i32
        %dma_start3A_115 = tpu.memref_slice %arg12[%sub3A_47, %dma_start3A_114] : memref<2x80xi32, #tpu.memory_space<vmem>> -> memref<1x80xi32, #tpu.memory_space<vmem>>
        %dma_start3A_116 = tpu.memref_squeeze %dma_start3A_115 : memref<1x80xi32, #tpu.memory_space<vmem>> -> memref<80xi32, #tpu.memory_space<vmem>>
        %dma_start3A_117 = arith.constant 0 : i32
        %dma_start3A_118 = arith.constant 0 : i32
        %dma_start3A_119 = tpu.memref_slice %arg2[%dma_start3A_117, %dma_start3A_118] : memref<10000x128xf32, #tpu.memory_space<hbm>> -> memref<10000x128xf32, #tpu.memory_space<hbm>>
        tpu.enqueue_indirect_dma source(%dma_start3A_119 : memref<10000x128xf32, #tpu.memory_space<hbm>>) target(%arg14 : memref<80x128xf32, #tpu.memory_space<vmem>>) offsets(%dma_start3A_116 : memref<80xi32, #tpu.memory_space<vmem>>) semaphore(%arg21 : memref<!tpu.dma_semaphore, #tpu.memory_space<semaphore_mem>>)
        %dma_start3A_120 = arith.constant 0 : i32
        %dma_start3A_121 = tpu.memref_slice %arg13[%sub3A_47, %dma_start3A_120] : memref<2x80xi32, #tpu.memory_space<vmem>> -> memref<1x80xi32, #tpu.memory_space<vmem>>
        %dma_start3A_122 = tpu.memref_squeeze %dma_start3A_121 : memref<1x80xi32, #tpu.memory_space<vmem>> -> memref<80xi32, #tpu.memory_space<vmem>>
        %dma_start3A_123 = arith.constant 0 : i32
        %dma_start3A_124 = arith.constant 0 : i32
        %dma_start3A_125 = tpu.memref_slice %arg3[%dma_start3A_123, %dma_start3A_124] : memref<10000x128xf32, #tpu.memory_space<hbm>> -> memref<10000x128xf32, #tpu.memory_space<hbm>>
        tpu.enqueue_indirect_dma source(%dma_start3A_125 : memref<10000x128xf32, #tpu.memory_space<hbm>>) target(%arg15 : memref<80x128xf32, #tpu.memory_space<vmem>>) offsets(%dma_start3A_122 : memref<80xi32, #tpu.memory_space<vmem>>) semaphore(%arg22 : memref<!tpu.dma_semaphore, #tpu.memory_space<semaphore_mem>>)
        %dma_start3A_126 = arith.constant 0 : i32
        %dma_start3A_127 = tpu.memref_slice %arg4[%multiple_of3A_113, %dma_start3A_126] : memref<128000x128xf32, #tpu.memory_space<hbm>> -> memref<80x128xf32, #tpu.memory_space<hbm>>
        %dma_start3A_128 = arith.constant 0 : i32
        %dma_start3A_129 = tpu.memref_slice %arg4[%multiple_of3A_113, %dma_start3A_128] : memref<128000x128xf32, #tpu.memory_space<hbm>> -> memref<80x128xf32, #tpu.memory_space<hbm>>
        tpu.enqueue_dma source(%dma_start3A_129 : memref<80x128xf32, #tpu.memory_space<hbm>>) target(%arg16 : memref<80x128xf32, #tpu.memory_space<vmem>>) target_semaphore(%arg23 : memref<!tpu.dma_semaphore, #tpu.memory_space<semaphore_mem>>)
      } else {
      }
      %dma_start3A_88 = arith.constant 0 : i32
      %dma_start3A_89 = tpu.memref_slice %arg8[%multiple_of3A_53, %dma_start3A_88] : memref<128000x128xf32, #tpu.memory_space<hbm>> -> memref<80x128xf32, #tpu.memory_space<hbm>>
      %dma_start3A_90 = arith.constant 0 : i32
      %dma_start3A_91 = tpu.memref_slice %arg8[%multiple_of3A_53, %dma_start3A_90] : memref<128000x128xf32, #tpu.memory_space<hbm>> -> memref<80x128xf32, #tpu.memory_space<hbm>>
      tpu.enqueue_dma source(%arg17 : memref<80x128xf32, #tpu.memory_space<vmem>>) target(%dma_start3A_91 : memref<80x128xf32, #tpu.memory_space<hbm>>) target_semaphore(%arg26 : memref<!tpu.dma_semaphore, #tpu.memory_space<semaphore_mem>>)
      "tpu.region"() ({
        %run_scoped3A_106 = tpu.sem_alloc : memref<!tpu.dma_semaphore, #tpu.memory_space<semaphore_mem>>
        %dma_start3A_107 = arith.constant 0 : i32
        %dma_start3A_108 = tpu.memref_slice %arg12[%rem3A_46, %dma_start3A_107] : memref<2x80xi32, #tpu.memory_space<vmem>> -> memref<1x80xi32, #tpu.memory_space<vmem>>
        %dma_start3A_109 = tpu.memref_squeeze %dma_start3A_108 : memref<1x80xi32, #tpu.memory_space<vmem>> -> memref<80xi32, #tpu.memory_space<vmem>>
        %dma_start3A_110 = arith.constant 0 : i32
        %dma_start3A_111 = arith.constant 0 : i32
        %dma_start3A_112 = tpu.memref_slice %arg20[%dma_start3A_110, %dma_start3A_111] : memref<10240x128xf32, #tpu.memory_space<vmem_shared>> -> memref<10240x128xf32, #tpu.memory_space<vmem_shared>>
        tpu.enqueue_indirect_dma source(%arg17 : memref<80x128xf32, #tpu.memory_space<vmem>>) target(%dma_start3A_112 : memref<10240x128xf32, #tpu.memory_space<vmem_shared>>) offsets(%dma_start3A_109 : memref<80xi32, #tpu.memory_space<vmem>>) semaphore(%run_scoped3A_106 : memref<!tpu.dma_semaphore, #tpu.memory_space<semaphore_mem>>) {add = true}
        %dma_wait3A_113 = arith.constant 0 : i32
        %dma_wait3A_114 = tpu.memref_slice %arg12[%rem3A_46, %dma_wait3A_113] : memref<2x80xi32, #tpu.memory_space<vmem>> -> memref<1x80xi32, #tpu.memory_space<vmem>>
        %dma_wait3A_115 = tpu.memref_squeeze %dma_wait3A_114 : memref<1x80xi32, #tpu.memory_space<vmem>> -> memref<80xi32, #tpu.memory_space<vmem>>
        %dma_wait3A_116 = arith.constant 0 : i32
        %dma_wait3A_117 = arith.constant 0 : i32
        %dma_wait3A_118 = tpu.memref_slice %arg20[%dma_wait3A_116, %dma_wait3A_117] : memref<10240x128xf32, #tpu.memory_space<vmem_shared>> -> memref<10240x128xf32, #tpu.memory_space<vmem_shared>>
        tpu.wait_indirect_dma semaphore(%run_scoped3A_106 : memref<!tpu.dma_semaphore, #tpu.memory_space<semaphore_mem>>) src(%arg17 : memref<80x128xf32, #tpu.memory_space<vmem>>) dst(%dma_wait3A_118 : memref<10240x128xf32, #tpu.memory_space<vmem_shared>>)
        tpu.yield
      }) : () -> ()
      %dma_wait3A_92 = arith.constant 0 : i32
      %dma_wait3A_93 = tpu.memref_slice %arg12[%rem3A_46, %dma_wait3A_92] : memref<2x80xi32, #tpu.memory_space<vmem>> -> memref<1x80xi32, #tpu.memory_space<vmem>>
      %dma_wait3A_94 = tpu.memref_squeeze %dma_wait3A_93 : memref<1x80xi32, #tpu.memory_space<vmem>> -> memref<80xi32, #tpu.memory_space<vmem>>
      %dma_wait3A_95 = arith.constant 0 : i32
      %dma_wait3A_96 = tpu.memref_slice %arg7[%dma_wait3A_95] : memref<10000xf32, #tpu.memory_space<hbm>> -> memref<10000xf32, #tpu.memory_space<hbm>>
      tpu.wait_indirect_dma semaphore(%arg24 : memref<!tpu.dma_semaphore, #tpu.memory_space<semaphore_mem>>) src(%dma_wait3A_96 : memref<10000xf32, #tpu.memory_space<hbm>>) dst(%arg18 : memref<80xf32, #tpu.memory_space<vmem>>)
      %dma_wait3A_97 = arith.constant 0 : i32
      %dma_wait3A_98 = tpu.memref_slice %arg13[%rem3A_46, %dma_wait3A_97] : memref<2x80xi32, #tpu.memory_space<vmem>> -> memref<1x80xi32, #tpu.memory_space<vmem>>
      %dma_wait3A_99 = tpu.memref_squeeze %dma_wait3A_98 : memref<1x80xi32, #tpu.memory_space<vmem>> -> memref<80xi32, #tpu.memory_space<vmem>>
      %dma_wait3A_100 = arith.constant 0 : i32
      %dma_wait3A_101 = tpu.memref_slice %arg7[%dma_wait3A_100] : memref<10000xf32, #tpu.memory_space<hbm>> -> memref<10000xf32, #tpu.memory_space<hbm>>
      tpu.wait_indirect_dma semaphore(%arg25 : memref<!tpu.dma_semaphore, #tpu.memory_space<semaphore_mem>>) src(%dma_wait3A_101 : memref<10000xf32, #tpu.memory_space<hbm>>) dst(%arg19 : memref<80xf32, #tpu.memory_space<vmem>>)
      "tpu.region"() ({
        %run_scoped3A_106 = tpu.sem_alloc : memref<!tpu.dma_semaphore, #tpu.memory_space<semaphore_mem>>
        %dma_start3A_107 = tpu.memref_slice %arg9[%multiple_of3A_53] : memref<128000xf32, #tpu.memory_space<hbm>> -> memref<80xf32, #tpu.memory_space<hbm>>
        %dma_start3A_108 = tpu.memref_slice %arg9[%multiple_of3A_53] : memref<128000xf32, #tpu.memory_space<hbm>> -> memref<80xf32, #tpu.memory_space<hbm>>
        tpu.enqueue_dma source(%arg18 : memref<80xf32, #tpu.memory_space<vmem>>) target(%dma_start3A_108 : memref<80xf32, #tpu.memory_space<hbm>>) target_semaphore(%run_scoped3A_106 : memref<!tpu.dma_semaphore, #tpu.memory_space<semaphore_mem>>)
        %dma_wait3A_109 = tpu.memref_slice %arg9[%multiple_of3A_53] : memref<128000xf32, #tpu.memory_space<hbm>> -> memref<80xf32, #tpu.memory_space<hbm>>
        %dma_wait3A_110 = tpu.memref_slice %arg9[%multiple_of3A_53] : memref<128000xf32, #tpu.memory_space<hbm>> -> memref<80xf32, #tpu.memory_space<hbm>>
        tpu.wait_dma2 semaphore(%run_scoped3A_106 : memref<!tpu.dma_semaphore, #tpu.memory_space<semaphore_mem>>) src(%arg18 : memref<80xf32, #tpu.memory_space<vmem>>) dst(%dma_wait3A_110 : memref<80xf32, #tpu.memory_space<hbm>>)
        tpu.yield
      }) : () -> ()
      "tpu.region"() ({
        %run_scoped3A_106 = tpu.sem_alloc : memref<!tpu.dma_semaphore, #tpu.memory_space<semaphore_mem>>
        %dma_start3A_107 = tpu.memref_slice %arg10[%multiple_of3A_53] : memref<128000xf32, #tpu.memory_space<hbm>> -> memref<80xf32, #tpu.memory_space<hbm>>
        %dma_start3A_108 = tpu.memref_slice %arg10[%multiple_of3A_53] : memref<128000xf32, #tpu.memory_space<hbm>> -> memref<80xf32, #tpu.memory_space<hbm>>
        tpu.enqueue_dma source(%arg19 : memref<80xf32, #tpu.memory_space<vmem>>) target(%dma_start3A_108 : memref<80xf32, #tpu.memory_space<hbm>>) target_semaphore(%run_scoped3A_106 : memref<!tpu.dma_semaphore, #tpu.memory_space<semaphore_mem>>)
        %dma_wait3A_109 = tpu.memref_slice %arg10[%multiple_of3A_53] : memref<128000xf32, #tpu.memory_space<hbm>> -> memref<80xf32, #tpu.memory_space<hbm>>
        %dma_wait3A_110 = tpu.memref_slice %arg10[%multiple_of3A_53] : memref<128000xf32, #tpu.memory_space<hbm>> -> memref<80xf32, #tpu.memory_space<hbm>>
        tpu.wait_dma2 semaphore(%run_scoped3A_106 : memref<!tpu.dma_semaphore, #tpu.memory_space<semaphore_mem>>) src(%arg19 : memref<80xf32, #tpu.memory_space<vmem>>) dst(%dma_wait3A_110 : memref<80xf32, #tpu.memory_space<hbm>>)
        tpu.yield
      }) : () -> ()
      %dma_wait3A_102 = arith.constant 0 : i32
      %dma_wait3A_103 = tpu.memref_slice %arg8[%multiple_of3A_53, %dma_wait3A_102] : memref<128000x128xf32, #tpu.memory_space<hbm>> -> memref<80x128xf32, #tpu.memory_space<hbm>>
      %dma_wait3A_104 = arith.constant 0 : i32
      %dma_wait3A_105 = tpu.memref_slice %arg8[%multiple_of3A_53, %dma_wait3A_104] : memref<128000x128xf32, #tpu.memory_space<hbm>> -> memref<80x128xf32, #tpu.memory_space<hbm>>
      tpu.wait_dma2 semaphore(%arg26 : memref<!tpu.dma_semaphore, #tpu.memory_space<semaphore_mem>>) src(%arg17 : memref<80x128xf32, #tpu.memory_space<vmem>>) dst(%dma_wait3A_105 : memref<80x128xf32, #tpu.memory_space<hbm>>)
    }
    %scan3A_40 = arith.constant 50 : i32
    %barrier3A_41 = arith.constant 0 : index
    tpu.barrier barrier_id(%barrier3A_41)
    %mul3A_42 = arith.constant 640 : i32
    %mul3A_43 = arith.muli %arg1, %mul3A_42 : i32
    %multiple_of3A_44 = tpu.assume_multiple %mul3A_43, 640 : i32
    "tpu.region"() ({
      %run_scoped3A_45 = tpu.sem_alloc : memref<!tpu.dma_semaphore, #tpu.memory_space<semaphore_mem>>
      %dma_start3A_46 = arith.constant 0 : i32
      %dma_start3A_47 = tpu.memref_slice %arg11[%arg0, %multiple_of3A_44, %dma_start3A_46] : memref<2x10240x128xf32, #tpu.memory_space<hbm>> -> memref<1x640x128xf32, #tpu.memory_space<hbm>>
      %dma_start3A_48 = tpu.memref_squeeze %dma_start3A_47 : memref<1x640x128xf32, #tpu.memory_space<hbm>> -> memref<640x128xf32, #tpu.memory_space<hbm>>
      %dma_start3A_49 = arith.constant 0 : i32
      %dma_start3A_50 = tpu.memref_slice %arg20[%multiple_of3A_44, %dma_start3A_49] : memref<10240x128xf32, #tpu.memory_space<vmem_shared>> -> memref<640x128xf32, #tpu.memory_space<vmem_shared>>
      tpu.enqueue_dma source(%dma_start3A_50 : memref<640x128xf32, #tpu.memory_space<vmem_shared>>) target(%dma_start3A_48 : memref<640x128xf32, #tpu.memory_space<hbm>>) target_semaphore(%run_scoped3A_45 : memref<!tpu.dma_semaphore, #tpu.memory_space<semaphore_mem>>)
      %dma_wait3A = arith.constant 0 : i32
      %dma_wait3A_51 = tpu.memref_slice %arg11[%arg0, %multiple_of3A_44, %dma_wait3A] : memref<2x10240x128xf32, #tpu.memory_space<hbm>> -> memref<1x640x128xf32, #tpu.memory_space<hbm>>
      %dma_wait3A_52 = tpu.memref_squeeze %dma_wait3A_51 : memref<1x640x128xf32, #tpu.memory_space<hbm>> -> memref<640x128xf32, #tpu.memory_space<hbm>>
      %dma_wait3A_53 = arith.constant 0 : i32
      %dma_wait3A_54 = tpu.memref_slice %arg20[%multiple_of3A_44, %dma_wait3A_53] : memref<10240x128xf32, #tpu.memory_space<vmem_shared>> -> memref<640x128xf32, #tpu.memory_space<vmem_shared>>
      tpu.wait_dma2 semaphore(%run_scoped3A_45 : memref<!tpu.dma_semaphore, #tpu.memory_space<semaphore_mem>>) src(%dma_wait3A_54 : memref<640x128xf32, #tpu.memory_space<vmem_shared>>) dst(%dma_wait3A_52 : memref<640x128xf32, #tpu.memory_space<hbm>>)
      tpu.yield
    }) : () -> ()
    return
  }
}

#map = affine_map<(d0, d1) -> (0, 0)>
#map1 = affine_map<(d0, d1) -> (0)>
module attributes {stable_mosaic.version = 14 : i64} {
  func.func @body(%arg0: i32, %arg1: i32, %arg2: memref<10000x128xf32, #tpu.memory_space<hbm>>, %arg3: memref<10000x128xf32, #tpu.memory_space<hbm>>, %arg4: memref<320000xi32, #tpu.memory_space<hbm>>, %arg5: memref<320000xi32, #tpu.memory_space<hbm>>, %arg6: memref<128000x128xf32, #tpu.memory_space<hbm>>, %arg7: memref<200xi32, #tpu.memory_space<vmem>>, %arg8: memref<200xi32, #tpu.memory_space<vmem>>, %arg9: memref<200x128xf32, #tpu.memory_space<vmem>>, %arg10: memref<200x128xf32, #tpu.memory_space<vmem>>, %arg11: memref<!tpu.dma_semaphore, #tpu.memory_space<semaphore_mem>>, %arg12: memref<!tpu.dma_semaphore, #tpu.memory_space<semaphore_mem>>, %arg13: memref<!tpu.dma_semaphore, #tpu.memory_space<semaphore_mem>>) attributes {dimension_semantics = [#tpu.dimension_semantics<core_parallel>, #tpu.dimension_semantics<subcore_parallel>], iteration_bounds = array<i64: 2, 16>, scalar_prefetch = 0 : i64, scratch_operands = 7 : i64, tpu.core_type = #tpu.core_type<sc_vector_subcore>, window_params = [{transform_indices = #map}, {transform_indices = #map}, {transform_indices = #map1}, {transform_indices = #map1}, {transform_indices = #map}]} {
    %mul3A = arith.constant 2 : i32
    %mul3A_0 = arith.muli %arg1, %mul3A : i32
    %add3A = arith.addi %mul3A_0, %arg0 : i32
    %scan3A = arith.constant 0 : i32
    %scan3A_1 = arith.constant 20 : i32
    %scan3A_2 = arith.addi %scan3A, %scan3A_1 : i32
    %scan3A_3 = arith.constant 1 : i32
    scf.for %scan3A_5 = %scan3A to %scan3A_2 step %scan3A_3  : i32 {
      %mul3A_6 = arith.constant 4000 : i32
      %mul3A_7 = arith.muli %add3A, %mul3A_6 : i32
      %mul3A_8 = arith.constant 200 : i32
      %mul3A_9 = arith.muli %scan3A_5, %mul3A_8 : i32
      %add3A_10 = arith.addi %mul3A_7, %mul3A_9 : i32
      %multiple_of3A = tpu.assume_multiple %add3A_10, 200 : i32
      %mul3A_11 = arith.constant 4000 : i32
      %mul3A_12 = arith.muli %add3A, %mul3A_11 : i32
      %add3A_13 = arith.constant 192000 : i32
      %add3A_14 = arith.addi %add3A_13, %mul3A_12 : i32
      %mul3A_15 = arith.constant 200 : i32
      %mul3A_16 = arith.muli %scan3A_5, %mul3A_15 : i32
      %add3A_17 = arith.addi %add3A_14, %mul3A_16 : i32
      %multiple_of3A_18 = tpu.assume_multiple %add3A_17, 200 : i32
      "tpu.region"() ({
        %run_scoped3A = tpu.sem_alloc : memref<!tpu.dma_semaphore, #tpu.memory_space<semaphore_mem>>
        %dma_start3A_31 = tpu.memref_slice %arg4[%multiple_of3A_18] : memref<320000xi32, #tpu.memory_space<hbm>> -> memref<200xi32, #tpu.memory_space<hbm>>
        %dma_start3A_32 = tpu.memref_slice %arg4[%multiple_of3A_18] : memref<320000xi32, #tpu.memory_space<hbm>> -> memref<200xi32, #tpu.memory_space<hbm>>
        tpu.enqueue_dma source(%dma_start3A_32 : memref<200xi32, #tpu.memory_space<hbm>>) target(%arg7 : memref<200xi32, #tpu.memory_space<vmem>>) target_semaphore(%run_scoped3A : memref<!tpu.dma_semaphore, #tpu.memory_space<semaphore_mem>>)
        %dma_wait3A_33 = tpu.memref_slice %arg4[%multiple_of3A_18] : memref<320000xi32, #tpu.memory_space<hbm>> -> memref<200xi32, #tpu.memory_space<hbm>>
        %dma_wait3A_34 = tpu.memref_slice %arg4[%multiple_of3A_18] : memref<320000xi32, #tpu.memory_space<hbm>> -> memref<200xi32, #tpu.memory_space<hbm>>
        tpu.wait_dma2 semaphore(%run_scoped3A : memref<!tpu.dma_semaphore, #tpu.memory_space<semaphore_mem>>) src(%dma_wait3A_34 : memref<200xi32, #tpu.memory_space<hbm>>) dst(%arg7 : memref<200xi32, #tpu.memory_space<vmem>>)
        tpu.yield
      }) : () -> ()
      "tpu.region"() ({
        %run_scoped3A = tpu.sem_alloc : memref<!tpu.dma_semaphore, #tpu.memory_space<semaphore_mem>>
        %dma_start3A_31 = tpu.memref_slice %arg5[%multiple_of3A_18] : memref<320000xi32, #tpu.memory_space<hbm>> -> memref<200xi32, #tpu.memory_space<hbm>>
        %dma_start3A_32 = tpu.memref_slice %arg5[%multiple_of3A_18] : memref<320000xi32, #tpu.memory_space<hbm>> -> memref<200xi32, #tpu.memory_space<hbm>>
        tpu.enqueue_dma source(%dma_start3A_32 : memref<200xi32, #tpu.memory_space<hbm>>) target(%arg8 : memref<200xi32, #tpu.memory_space<vmem>>) target_semaphore(%run_scoped3A : memref<!tpu.dma_semaphore, #tpu.memory_space<semaphore_mem>>)
        %dma_wait3A_33 = tpu.memref_slice %arg5[%multiple_of3A_18] : memref<320000xi32, #tpu.memory_space<hbm>> -> memref<200xi32, #tpu.memory_space<hbm>>
        %dma_wait3A_34 = tpu.memref_slice %arg5[%multiple_of3A_18] : memref<320000xi32, #tpu.memory_space<hbm>> -> memref<200xi32, #tpu.memory_space<hbm>>
        tpu.wait_dma2 semaphore(%run_scoped3A : memref<!tpu.dma_semaphore, #tpu.memory_space<semaphore_mem>>) src(%dma_wait3A_34 : memref<200xi32, #tpu.memory_space<hbm>>) dst(%arg8 : memref<200xi32, #tpu.memory_space<vmem>>)
        tpu.yield
      }) : () -> ()
      %dma_start3A = arith.constant 0 : i32
      %dma_start3A_19 = arith.constant 0 : i32
      %dma_start3A_20 = tpu.memref_slice %arg2[%dma_start3A, %dma_start3A_19] : memref<10000x128xf32, #tpu.memory_space<hbm>> -> memref<10000x128xf32, #tpu.memory_space<hbm>>
      tpu.enqueue_indirect_dma source(%dma_start3A_20 : memref<10000x128xf32, #tpu.memory_space<hbm>>) target(%arg9 : memref<200x128xf32, #tpu.memory_space<vmem>>) offsets(%arg7 : memref<200xi32, #tpu.memory_space<vmem>>) semaphore(%arg11 : memref<!tpu.dma_semaphore, #tpu.memory_space<semaphore_mem>>)
      %dma_start3A_21 = arith.constant 0 : i32
      %dma_start3A_22 = arith.constant 0 : i32
      %dma_start3A_23 = tpu.memref_slice %arg3[%dma_start3A_21, %dma_start3A_22] : memref<10000x128xf32, #tpu.memory_space<hbm>> -> memref<10000x128xf32, #tpu.memory_space<hbm>>
      tpu.enqueue_indirect_dma source(%dma_start3A_23 : memref<10000x128xf32, #tpu.memory_space<hbm>>) target(%arg10 : memref<200x128xf32, #tpu.memory_space<vmem>>) offsets(%arg8 : memref<200xi32, #tpu.memory_space<vmem>>) semaphore(%arg12 : memref<!tpu.dma_semaphore, #tpu.memory_space<semaphore_mem>>)
      %dma_wait3A = arith.constant 0 : i32
      %dma_wait3A_24 = arith.constant 0 : i32
      %dma_wait3A_25 = tpu.memref_slice %arg2[%dma_wait3A, %dma_wait3A_24] : memref<10000x128xf32, #tpu.memory_space<hbm>> -> memref<10000x128xf32, #tpu.memory_space<hbm>>
      tpu.wait_indirect_dma semaphore(%arg11 : memref<!tpu.dma_semaphore, #tpu.memory_space<semaphore_mem>>) src(%dma_wait3A_25 : memref<10000x128xf32, #tpu.memory_space<hbm>>) dst(%arg9 : memref<200x128xf32, #tpu.memory_space<vmem>>)
      %dma_wait3A_26 = arith.constant 0 : i32
      %dma_wait3A_27 = arith.constant 0 : i32
      %dma_wait3A_28 = tpu.memref_slice %arg3[%dma_wait3A_26, %dma_wait3A_27] : memref<10000x128xf32, #tpu.memory_space<hbm>> -> memref<10000x128xf32, #tpu.memory_space<hbm>>
      tpu.wait_indirect_dma semaphore(%arg12 : memref<!tpu.dma_semaphore, #tpu.memory_space<semaphore_mem>>) src(%dma_wait3A_28 : memref<10000x128xf32, #tpu.memory_space<hbm>>) dst(%arg10 : memref<200x128xf32, #tpu.memory_space<vmem>>)
      %parallel_loop3A = arith.constant 0 : i32
      %parallel_loop3A_29 = arith.constant 200 : i32
      %parallel_loop3A_30 = arith.constant 1 : i32
      scf.for %parallel_loop3A_31 = %parallel_loop3A to %parallel_loop3A_29 step %parallel_loop3A_30  : i32 {
        %parallel_loop3A_32 = arith.index_cast %parallel_loop3A_31 : i32 to index
        %parallel_loop3A_33 = arith.constant 0 : index
        %parallel_loop3A_34 = tpu.vector_load %arg9[%parallel_loop3A_32, %parallel_loop3A_33] {strides = array<i32>} : memref<200x128xf32, #tpu.memory_space<vmem>>, vector<1x16xf32>,
        %parallel_loop3A_35 = vector.shape_cast %parallel_loop3A_34 : vector<1x16xf32> to vector<16xf32>
        %parallel_loop3A_36 = arith.index_cast %parallel_loop3A_31 : i32 to index
        %parallel_loop3A_37 = arith.constant 0 : index
        %parallel_loop3A_38 = tpu.vector_load %arg10[%parallel_loop3A_36, %parallel_loop3A_37] {strides = array<i32>} : memref<200x128xf32, #tpu.memory_space<vmem>>, vector<1x16xf32>,
        %parallel_loop3A_39 = vector.shape_cast %parallel_loop3A_38 : vector<1x16xf32> to vector<16xf32>
        %parallel_loop3A_40 = arith.addf %parallel_loop3A_35, %parallel_loop3A_39 : vector<16xf32>
        %parallel_loop3A_41 = arith.index_cast %parallel_loop3A_31 : i32 to index
        %parallel_loop3A_42 = arith.constant 0 : index
        %parallel_loop3A_43 = tpu.vector_load %arg9[%parallel_loop3A_41, %parallel_loop3A_42] {strides = array<i32>} : memref<200x128xf32, #tpu.memory_space<vmem>>, vector<1x16xf32>,
        %parallel_loop3A_44 = vector.shape_cast %parallel_loop3A_43 : vector<1x16xf32> to vector<16xf32>
        %parallel_loop3A_45 = vector.shape_cast %parallel_loop3A_40 : vector<16xf32> to vector<1x16xf32>
        tpu.vector_store %arg9[%parallel_loop3A_41, %parallel_loop3A_42], %parallel_loop3A_45 {strides = array<i32>} : memref<200x128xf32, #tpu.memory_space<vmem>>, vector<1x16xf32>,
        %parallel_loop3A_46 = arith.index_cast %parallel_loop3A_31 : i32 to index
        %parallel_loop3A_47 = arith.constant 16 : index
        %parallel_loop3A_48 = tpu.vector_load %arg9[%parallel_loop3A_46, %parallel_loop3A_47] {strides = array<i32>} : memref<200x128xf32, #tpu.memory_space<vmem>>, vector<1x16xf32>,
        %parallel_loop3A_49 = vector.shape_cast %parallel_loop3A_48 : vector<1x16xf32> to vector<16xf32>
        %parallel_loop3A_50 = arith.index_cast %parallel_loop3A_31 : i32 to index
        %parallel_loop3A_51 = arith.constant 16 : index
        %parallel_loop3A_52 = tpu.vector_load %arg10[%parallel_loop3A_50, %parallel_loop3A_51] {strides = array<i32>} : memref<200x128xf32, #tpu.memory_space<vmem>>, vector<1x16xf32>,
        %parallel_loop3A_53 = vector.shape_cast %parallel_loop3A_52 : vector<1x16xf32> to vector<16xf32>
        %parallel_loop3A_54 = arith.addf %parallel_loop3A_49, %parallel_loop3A_53 : vector<16xf32>
        %parallel_loop3A_55 = arith.index_cast %parallel_loop3A_31 : i32 to index
        %parallel_loop3A_56 = arith.constant 16 : index
        %parallel_loop3A_57 = tpu.vector_load %arg9[%parallel_loop3A_55, %parallel_loop3A_56] {strides = array<i32>} : memref<200x128xf32, #tpu.memory_space<vmem>>, vector<1x16xf32>,
        %parallel_loop3A_58 = vector.shape_cast %parallel_loop3A_57 : vector<1x16xf32> to vector<16xf32>
        %parallel_loop3A_59 = vector.shape_cast %parallel_loop3A_54 : vector<16xf32> to vector<1x16xf32>
        tpu.vector_store %arg9[%parallel_loop3A_55, %parallel_loop3A_56], %parallel_loop3A_59 {strides = array<i32>} : memref<200x128xf32, #tpu.memory_space<vmem>>, vector<1x16xf32>,
        %parallel_loop3A_60 = arith.index_cast %parallel_loop3A_31 : i32 to index
        %parallel_loop3A_61 = arith.constant 32 : index
        %parallel_loop3A_62 = tpu.vector_load %arg9[%parallel_loop3A_60, %parallel_loop3A_61] {strides = array<i32>} : memref<200x128xf32, #tpu.memory_space<vmem>>, vector<1x16xf32>,
        %parallel_loop3A_63 = vector.shape_cast %parallel_loop3A_62 : vector<1x16xf32> to vector<16xf32>
        %parallel_loop3A_64 = arith.index_cast %parallel_loop3A_31 : i32 to index
        %parallel_loop3A_65 = arith.constant 32 : index
        %parallel_loop3A_66 = tpu.vector_load %arg10[%parallel_loop3A_64, %parallel_loop3A_65] {strides = array<i32>} : memref<200x128xf32, #tpu.memory_space<vmem>>, vector<1x16xf32>,
        %parallel_loop3A_67 = vector.shape_cast %parallel_loop3A_66 : vector<1x16xf32> to vector<16xf32>
        %parallel_loop3A_68 = arith.addf %parallel_loop3A_63, %parallel_loop3A_67 : vector<16xf32>
        %parallel_loop3A_69 = arith.index_cast %parallel_loop3A_31 : i32 to index
        %parallel_loop3A_70 = arith.constant 32 : index
        %parallel_loop3A_71 = tpu.vector_load %arg9[%parallel_loop3A_69, %parallel_loop3A_70] {strides = array<i32>} : memref<200x128xf32, #tpu.memory_space<vmem>>, vector<1x16xf32>,
        %parallel_loop3A_72 = vector.shape_cast %parallel_loop3A_71 : vector<1x16xf32> to vector<16xf32>
        %parallel_loop3A_73 = vector.shape_cast %parallel_loop3A_68 : vector<16xf32> to vector<1x16xf32>
        tpu.vector_store %arg9[%parallel_loop3A_69, %parallel_loop3A_70], %parallel_loop3A_73 {strides = array<i32>} : memref<200x128xf32, #tpu.memory_space<vmem>>, vector<1x16xf32>,
        %parallel_loop3A_74 = arith.index_cast %parallel_loop3A_31 : i32 to index
        %parallel_loop3A_75 = arith.constant 48 : index
        %parallel_loop3A_76 = tpu.vector_load %arg9[%parallel_loop3A_74, %parallel_loop3A_75] {strides = array<i32>} : memref<200x128xf32, #tpu.memory_space<vmem>>, vector<1x16xf32>,
        %parallel_loop3A_77 = vector.shape_cast %parallel_loop3A_76 : vector<1x16xf32> to vector<16xf32>
        %parallel_loop3A_78 = arith.index_cast %parallel_loop3A_31 : i32 to index
        %parallel_loop3A_79 = arith.constant 48 : index
        %parallel_loop3A_80 = tpu.vector_load %arg10[%parallel_loop3A_78, %parallel_loop3A_79] {strides = array<i32>} : memref<200x128xf32, #tpu.memory_space<vmem>>, vector<1x16xf32>,
        %parallel_loop3A_81 = vector.shape_cast %parallel_loop3A_80 : vector<1x16xf32> to vector<16xf32>
        %parallel_loop3A_82 = arith.addf %parallel_loop3A_77, %parallel_loop3A_81 : vector<16xf32>
        %parallel_loop3A_83 = arith.index_cast %parallel_loop3A_31 : i32 to index
        %parallel_loop3A_84 = arith.constant 48 : index
        %parallel_loop3A_85 = tpu.vector_load %arg9[%parallel_loop3A_83, %parallel_loop3A_84] {strides = array<i32>} : memref<200x128xf32, #tpu.memory_space<vmem>>, vector<1x16xf32>,
        %parallel_loop3A_86 = vector.shape_cast %parallel_loop3A_85 : vector<1x16xf32> to vector<16xf32>
        %parallel_loop3A_87 = vector.shape_cast %parallel_loop3A_82 : vector<16xf32> to vector<1x16xf32>
        tpu.vector_store %arg9[%parallel_loop3A_83, %parallel_loop3A_84], %parallel_loop3A_87 {strides = array<i32>} : memref<200x128xf32, #tpu.memory_space<vmem>>, vector<1x16xf32>,
        %parallel_loop3A_88 = arith.index_cast %parallel_loop3A_31 : i32 to index
        %parallel_loop3A_89 = arith.constant 64 : index
        %parallel_loop3A_90 = tpu.vector_load %arg9[%parallel_loop3A_88, %parallel_loop3A_89] {strides = array<i32>} : memref<200x128xf32, #tpu.memory_space<vmem>>, vector<1x16xf32>,
        %parallel_loop3A_91 = vector.shape_cast %parallel_loop3A_90 : vector<1x16xf32> to vector<16xf32>
        %parallel_loop3A_92 = arith.index_cast %parallel_loop3A_31 : i32 to index
        %parallel_loop3A_93 = arith.constant 64 : index
        %parallel_loop3A_94 = tpu.vector_load %arg10[%parallel_loop3A_92, %parallel_loop3A_93] {strides = array<i32>} : memref<200x128xf32, #tpu.memory_space<vmem>>, vector<1x16xf32>,
        %parallel_loop3A_95 = vector.shape_cast %parallel_loop3A_94 : vector<1x16xf32> to vector<16xf32>
        %parallel_loop3A_96 = arith.addf %parallel_loop3A_91, %parallel_loop3A_95 : vector<16xf32>
        %parallel_loop3A_97 = arith.index_cast %parallel_loop3A_31 : i32 to index
        %parallel_loop3A_98 = arith.constant 64 : index
        %parallel_loop3A_99 = tpu.vector_load %arg9[%parallel_loop3A_97, %parallel_loop3A_98] {strides = array<i32>} : memref<200x128xf32, #tpu.memory_space<vmem>>, vector<1x16xf32>,
        %parallel_loop3A_100 = vector.shape_cast %parallel_loop3A_99 : vector<1x16xf32> to vector<16xf32>
        %parallel_loop3A_101 = vector.shape_cast %parallel_loop3A_96 : vector<16xf32> to vector<1x16xf32>
        tpu.vector_store %arg9[%parallel_loop3A_97, %parallel_loop3A_98], %parallel_loop3A_101 {strides = array<i32>} : memref<200x128xf32, #tpu.memory_space<vmem>>, vector<1x16xf32>,
        %parallel_loop3A_102 = arith.index_cast %parallel_loop3A_31 : i32 to index
        %parallel_loop3A_103 = arith.constant 80 : index
        %parallel_loop3A_104 = tpu.vector_load %arg9[%parallel_loop3A_102, %parallel_loop3A_103] {strides = array<i32>} : memref<200x128xf32, #tpu.memory_space<vmem>>, vector<1x16xf32>,
        %parallel_loop3A_105 = vector.shape_cast %parallel_loop3A_104 : vector<1x16xf32> to vector<16xf32>
        %parallel_loop3A_106 = arith.index_cast %parallel_loop3A_31 : i32 to index
        %parallel_loop3A_107 = arith.constant 80 : index
        %parallel_loop3A_108 = tpu.vector_load %arg10[%parallel_loop3A_106, %parallel_loop3A_107] {strides = array<i32>} : memref<200x128xf32, #tpu.memory_space<vmem>>, vector<1x16xf32>,
        %parallel_loop3A_109 = vector.shape_cast %parallel_loop3A_108 : vector<1x16xf32> to vector<16xf32>
        %parallel_loop3A_110 = arith.addf %parallel_loop3A_105, %parallel_loop3A_109 : vector<16xf32>
        %parallel_loop3A_111 = arith.index_cast %parallel_loop3A_31 : i32 to index
        %parallel_loop3A_112 = arith.constant 80 : index
        %parallel_loop3A_113 = tpu.vector_load %arg9[%parallel_loop3A_111, %parallel_loop3A_112] {strides = array<i32>} : memref<200x128xf32, #tpu.memory_space<vmem>>, vector<1x16xf32>,
        %parallel_loop3A_114 = vector.shape_cast %parallel_loop3A_113 : vector<1x16xf32> to vector<16xf32>
        %parallel_loop3A_115 = vector.shape_cast %parallel_loop3A_110 : vector<16xf32> to vector<1x16xf32>
        tpu.vector_store %arg9[%parallel_loop3A_111, %parallel_loop3A_112], %parallel_loop3A_115 {strides = array<i32>} : memref<200x128xf32, #tpu.memory_space<vmem>>, vector<1x16xf32>,
        %parallel_loop3A_116 = arith.index_cast %parallel_loop3A_31 : i32 to index
        %parallel_loop3A_117 = arith.constant 96 : index
        %parallel_loop3A_118 = tpu.vector_load %arg9[%parallel_loop3A_116, %parallel_loop3A_117] {strides = array<i32>} : memref<200x128xf32, #tpu.memory_space<vmem>>, vector<1x16xf32>,
        %parallel_loop3A_119 = vector.shape_cast %parallel_loop3A_118 : vector<1x16xf32> to vector<16xf32>
        %parallel_loop3A_120 = arith.index_cast %parallel_loop3A_31 : i32 to index
        %parallel_loop3A_121 = arith.constant 96 : index
        %parallel_loop3A_122 = tpu.vector_load %arg10[%parallel_loop3A_120, %parallel_loop3A_121] {strides = array<i32>} : memref<200x128xf32, #tpu.memory_space<vmem>>, vector<1x16xf32>,
        %parallel_loop3A_123 = vector.shape_cast %parallel_loop3A_122 : vector<1x16xf32> to vector<16xf32>
        %parallel_loop3A_124 = arith.addf %parallel_loop3A_119, %parallel_loop3A_123 : vector<16xf32>
        %parallel_loop3A_125 = arith.index_cast %parallel_loop3A_31 : i32 to index
        %parallel_loop3A_126 = arith.constant 96 : index
        %parallel_loop3A_127 = tpu.vector_load %arg9[%parallel_loop3A_125, %parallel_loop3A_126] {strides = array<i32>} : memref<200x128xf32, #tpu.memory_space<vmem>>, vector<1x16xf32>,
        %parallel_loop3A_128 = vector.shape_cast %parallel_loop3A_127 : vector<1x16xf32> to vector<16xf32>
        %parallel_loop3A_129 = vector.shape_cast %parallel_loop3A_124 : vector<16xf32> to vector<1x16xf32>
        tpu.vector_store %arg9[%parallel_loop3A_125, %parallel_loop3A_126], %parallel_loop3A_129 {strides = array<i32>} : memref<200x128xf32, #tpu.memory_space<vmem>>, vector<1x16xf32>,
        %parallel_loop3A_130 = arith.index_cast %parallel_loop3A_31 : i32 to index
        %parallel_loop3A_131 = arith.constant 112 : index
        %parallel_loop3A_132 = tpu.vector_load %arg9[%parallel_loop3A_130, %parallel_loop3A_131] {strides = array<i32>} : memref<200x128xf32, #tpu.memory_space<vmem>>, vector<1x16xf32>,
        %parallel_loop3A_133 = vector.shape_cast %parallel_loop3A_132 : vector<1x16xf32> to vector<16xf32>
        %parallel_loop3A_134 = arith.index_cast %parallel_loop3A_31 : i32 to index
        %parallel_loop3A_135 = arith.constant 112 : index
        %parallel_loop3A_136 = tpu.vector_load %arg10[%parallel_loop3A_134, %parallel_loop3A_135] {strides = array<i32>} : memref<200x128xf32, #tpu.memory_space<vmem>>, vector<1x16xf32>,
        %parallel_loop3A_137 = vector.shape_cast %parallel_loop3A_136 : vector<1x16xf32> to vector<16xf32>
        %parallel_loop3A_138 = arith.addf %parallel_loop3A_133, %parallel_loop3A_137 : vector<16xf32>
        %parallel_loop3A_139 = arith.index_cast %parallel_loop3A_31 : i32 to index
        %parallel_loop3A_140 = arith.constant 112 : index
        %parallel_loop3A_141 = tpu.vector_load %arg9[%parallel_loop3A_139, %parallel_loop3A_140] {strides = array<i32>} : memref<200x128xf32, #tpu.memory_space<vmem>>, vector<1x16xf32>,
        %parallel_loop3A_142 = vector.shape_cast %parallel_loop3A_141 : vector<1x16xf32> to vector<16xf32>
        %parallel_loop3A_143 = vector.shape_cast %parallel_loop3A_138 : vector<16xf32> to vector<1x16xf32>
        tpu.vector_store %arg9[%parallel_loop3A_139, %parallel_loop3A_140], %parallel_loop3A_143 {strides = array<i32>} : memref<200x128xf32, #tpu.memory_space<vmem>>, vector<1x16xf32>,
      } {sc.loop_unroll_factor = 4 : i64, sc.parallel_access}
      "tpu.region"() ({
        %run_scoped3A = tpu.sem_alloc : memref<!tpu.dma_semaphore, #tpu.memory_space<semaphore_mem>>
        %dma_start3A_31 = arith.constant 0 : i32
        %dma_start3A_32 = tpu.memref_slice %arg6[%multiple_of3A, %dma_start3A_31] : memref<128000x128xf32, #tpu.memory_space<hbm>> -> memref<200x128xf32, #tpu.memory_space<hbm>>
        %dma_start3A_33 = arith.constant 0 : i32
        %dma_start3A_34 = tpu.memref_slice %arg6[%multiple_of3A, %dma_start3A_33] : memref<128000x128xf32, #tpu.memory_space<hbm>> -> memref<200x128xf32, #tpu.memory_space<hbm>>
        tpu.enqueue_dma source(%arg9 : memref<200x128xf32, #tpu.memory_space<vmem>>) target(%dma_start3A_34 : memref<200x128xf32, #tpu.memory_space<hbm>>) target_semaphore(%run_scoped3A : memref<!tpu.dma_semaphore, #tpu.memory_space<semaphore_mem>>)
        %dma_wait3A_35 = arith.constant 0 : i32
        %dma_wait3A_36 = tpu.memref_slice %arg6[%multiple_of3A, %dma_wait3A_35] : memref<128000x128xf32, #tpu.memory_space<hbm>> -> memref<200x128xf32, #tpu.memory_space<hbm>>
        %dma_wait3A_37 = arith.constant 0 : i32
        %dma_wait3A_38 = tpu.memref_slice %arg6[%multiple_of3A, %dma_wait3A_37] : memref<128000x128xf32, #tpu.memory_space<hbm>> -> memref<200x128xf32, #tpu.memory_space<hbm>>
        tpu.wait_dma2 semaphore(%run_scoped3A : memref<!tpu.dma_semaphore, #tpu.memory_space<semaphore_mem>>) src(%arg9 : memref<200x128xf32, #tpu.memory_space<vmem>>) dst(%dma_wait3A_38 : memref<200x128xf32, #tpu.memory_space<hbm>>)
        tpu.yield
      }) : () -> ()
    }
    %scan3A_4 = arith.constant 20 : i32
    return
  }
}

#map = affine_map<(d0, d1) -> (0, 0)>
#map1 = affine_map<(d0, d1) -> (0)>
#map2 = affine_map<(d0, d1) -> (0, 0, 0)>
module attributes {stable_mosaic.version = 14 : i64} {
  func.func @body(%arg0: i32, %arg1: i32, %arg2: memref<10000x128xf32, #tpu.memory_space<hbm>>, %arg3: memref<10000x128xf32, #tpu.memory_space<hbm>>, %arg4: memref<192000x128xf32, #tpu.memory_space<hbm>>, %arg5: memref<320000xi32, #tpu.memory_space<hbm>>, %arg6: memref<320000xi32, #tpu.memory_space<hbm>>, %arg7: memref<10000xf32, #tpu.memory_space<hbm>>, %arg8: memref<192000x128xf32, #tpu.memory_space<hbm>>, %arg9: memref<192000xf32, #tpu.memory_space<hbm>>, %arg10: memref<192000xf32, #tpu.memory_space<hbm>>, %arg11: memref<2x10240x128xf32, #tpu.memory_space<hbm>>, %arg12: memref<2x80xi32, #tpu.memory_space<vmem>>, %arg13: memref<2x80xi32, #tpu.memory_space<vmem>>, %arg14: memref<80x128xf32, #tpu.memory_space<vmem>>, %arg15: memref<80x128xf32, #tpu.memory_space<vmem>>, %arg16: memref<80x128xf32, #tpu.memory_space<vmem>>, %arg17: memref<80x128xf32, #tpu.memory_space<vmem>>, %arg18: memref<80xf32, #tpu.memory_space<vmem>>, %arg19: memref<80xf32, #tpu.memory_space<vmem>>, %arg20: memref<10240x128xf32, #tpu.memory_space<vmem_shared>>, %arg21: memref<!tpu.dma_semaphore, #tpu.memory_space<semaphore_mem>>, %arg22: memref<!tpu.dma_semaphore, #tpu.memory_space<semaphore_mem>>, %arg23: memref<!tpu.dma_semaphore, #tpu.memory_space<semaphore_mem>>, %arg24: memref<!tpu.dma_semaphore, #tpu.memory_space<semaphore_mem>>, %arg25: memref<!tpu.dma_semaphore, #tpu.memory_space<semaphore_mem>>, %arg26: memref<!tpu.dma_semaphore, #tpu.memory_space<semaphore_mem>>) attributes {dimension_semantics = [#tpu.dimension_semantics<core_parallel>, #tpu.dimension_semantics<subcore_parallel>], iteration_bounds = array<i64: 2, 16>, scalar_prefetch = 0 : i64, scratch_operands = 15 : i64, tpu.core_type = #tpu.core_type<sc_vector_subcore>, window_params = [{transform_indices = #map}, {transform_indices = #map}, {transform_indices = #map}, {transform_indices = #map1}, {transform_indices = #map1}, {transform_indices = #map1}, {transform_indices = #map}, {transform_indices = #map1}, {transform_indices = #map1}, {transform_indices = #map2}]} {
    %mul3A = arith.constant 2 : i32
    %mul3A_0 = arith.muli %arg1, %mul3A : i32
    %add3A = arith.addi %mul3A_0, %arg0 : i32
    %broadcast_in_dim3A = arith.constant 0.000000e+00 : f32
    %broadcast_in_dim3A_1 = vector.broadcast %broadcast_in_dim3A : f32 to vector<16xf32>
    %scan3A = arith.constant 0 : i32
    %scan3A_2 = arith.constant 640 : i32
    %scan3A_3 = arith.addi %scan3A, %scan3A_2 : i32
    %scan3A_4 = arith.constant 1 : i32
    scf.for %scan3A_45 = %scan3A to %scan3A_3 step %scan3A_4  : i32 {
      %jit3A = arith.constant 8 : i32
      %div3A = arith.divsi %scan3A_45, %jit3A : i32
      %sign3A = arith.constant 0 : i32
      %sign3A_46 = arith.cmpi sgt, %scan3A_45, %sign3A : i32
      %sign3A_47 = arith.extui %sign3A_46 : i1 to i32
      %sign3A_48 = arith.constant 0 : i32
      %sign3A_49 = arith.cmpi slt, %scan3A_45, %sign3A_48 : i32
      %sign3A_50 = arith.extui %sign3A_49 : i1 to i32
      %sign3A_51 = arith.subi %sign3A_47, %sign3A_50 : i32
      %sign3A_52 = arith.constant 0 : i32
      %sign3A_53 = arith.cmpi sgt, %jit3A, %sign3A_52 : i32
      %sign3A_54 = arith.extui %sign3A_53 : i1 to i32
      %sign3A_55 = arith.constant 0 : i32
      %sign3A_56 = arith.cmpi slt, %jit3A, %sign3A_55 : i32
      %sign3A_57 = arith.extui %sign3A_56 : i1 to i32
      %sign3A_58 = arith.subi %sign3A_54, %sign3A_57 : i32
      %ne3A = arith.cmpi ne, %sign3A_51, %sign3A_58 : i32
      %rem3A = arith.remsi %scan3A_45, %jit3A : i32
      %ne3A_59 = arith.constant 0 : i32
      %ne3A_60 = arith.cmpi ne, %rem3A, %ne3A_59 : i32
      %and3A = arith.andi %ne3A, %ne3A_60 : i1
      %sub3A = arith.constant 1 : i32
      %sub3A_61 = arith.subi %div3A, %sub3A : i32
      %select_n3A = arith.select %and3A, %sub3A_61, %div3A : i32
      %jit3A_62 = arith.constant 8 : i32
      %eq3A = arith.constant 0 : i32
      %eq3A_63 = arith.cmpi eq, %jit3A_62, %eq3A : i32
      %jit3A_64 = arith.constant 1 : i32
      %select_n3A_65 = arith.select %eq3A_63, %jit3A_64, %jit3A_62 : i32
      %rem3A_66 = arith.remsi %scan3A_45, %select_n3A_65 : i32
      %ne3A_67 = arith.constant 0 : i32
      %ne3A_68 = arith.cmpi ne, %rem3A_66, %ne3A_67 : i32
      %lt3A = arith.constant 0 : i32
      %lt3A_69 = arith.cmpi slt, %rem3A_66, %lt3A : i32
      %lt3A_70 = arith.constant 0 : i32
      %lt3A_71 = arith.cmpi slt, %select_n3A_65, %lt3A_70 : i32
      %ne3A_72 = arith.xori %lt3A_69, %lt3A_71 : i1
      %and3A_73 = arith.andi %ne3A_72, %ne3A_68 : i1
      %add3A_74 = arith.addi %rem3A_66, %select_n3A_65 : i32
      %select_n3A_75 = arith.select %and3A_73, %add3A_74, %rem3A_66 : i32
      %mul3A_76 = arith.constant 16 : i32
      %mul3A_77 = arith.muli %select_n3A_75, %mul3A_76 : i32
      %swap3A = arith.index_cast %select_n3A : i32 to index
      %swap3A_78 = arith.index_cast %mul3A_77 : i32 to index
      %swap3A_79 = tpu.vector_load %arg17[%swap3A, %swap3A_78] {strides = array<i32>} : memref<80x128xf32, #tpu.memory_space<vmem>>, vector<1x16xf32>,
      %swap3A_80 = vector.shape_cast %swap3A_79 : vector<1x16xf32> to vector<16xf32>
      %swap3A_81 = vector.shape_cast %broadcast_in_dim3A_1 : vector<16xf32> to vector<1x16xf32>
      tpu.vector_store %arg17[%swap3A, %swap3A_78], %swap3A_81 {strides = array<i32>} : memref<80x128xf32, #tpu.memory_space<vmem>>, vector<1x16xf32>,
    }
    %scan3A_5 = arith.constant 640 : i32
    %scan3A_6 = arith.constant 0 : i32
    %scan3A_7 = arith.constant 8 : i32
    %scan3A_8 = arith.addi %scan3A_6, %scan3A_7 : i32
    %scan3A_9 = arith.constant 1 : i32
    scf.for %scan3A_45 = %scan3A_6 to %scan3A_8 step %scan3A_9  : i32 {
      %mul3A_46 = arith.constant 640 : i32
      %mul3A_47 = arith.muli %arg1, %mul3A_46 : i32
      %mul3A_48 = arith.constant 80 : i32
      %mul3A_49 = arith.muli %scan3A_45, %mul3A_48 : i32
      %add3A_50 = arith.addi %mul3A_47, %mul3A_49 : i32
      %multiple_of3A_51 = tpu.assume_multiple %add3A_50, 80 : i32
      "tpu.region"() ({
        %run_scoped3A_52 = tpu.sem_alloc : memref<!tpu.dma_semaphore, #tpu.memory_space<semaphore_mem>>
        %dma_start3A_53 = arith.constant 0 : i32
        %dma_start3A_54 = tpu.memref_slice %arg20[%multiple_of3A_51, %dma_start3A_53] : memref<10240x128xf32, #tpu.memory_space<vmem_shared>> -> memref<80x128xf32, #tpu.memory_space<vmem_shared>>
        %dma_start3A_55 = arith.constant 0 : i32
        %dma_start3A_56 = tpu.memref_slice %arg20[%multiple_of3A_51, %dma_start3A_55] : memref<10240x128xf32, #tpu.memory_space<vmem_shared>> -> memref<80x128xf32, #tpu.memory_space<vmem_shared>>
        tpu.enqueue_dma source(%arg17 : memref<80x128xf32, #tpu.memory_space<vmem>>) target(%dma_start3A_56 : memref<80x128xf32, #tpu.memory_space<vmem_shared>>) target_semaphore(%run_scoped3A_52 : memref<!tpu.dma_semaphore, #tpu.memory_space<semaphore_mem>>)
        %dma_wait3A = arith.constant 0 : i32
        %dma_wait3A_57 = tpu.memref_slice %arg20[%multiple_of3A_51, %dma_wait3A] : memref<10240x128xf32, #tpu.memory_space<vmem_shared>> -> memref<80x128xf32, #tpu.memory_space<vmem_shared>>
        %dma_wait3A_58 = arith.constant 0 : i32
        %dma_wait3A_59 = tpu.memref_slice %arg20[%multiple_of3A_51, %dma_wait3A_58] : memref<10240x128xf32, #tpu.memory_space<vmem_shared>> -> memref<80x128xf32, #tpu.memory_space<vmem_shared>>
        tpu.wait_dma2 semaphore(%run_scoped3A_52 : memref<!tpu.dma_semaphore, #tpu.memory_space<semaphore_mem>>) src(%arg17 : memref<80x128xf32, #tpu.memory_space<vmem>>) dst(%dma_wait3A_59 : memref<80x128xf32, #tpu.memory_space<vmem_shared>>)
        tpu.yield
      }) : () -> ()
    }
    %scan3A_10 = arith.constant 8 : i32
    %barrier3A = arith.constant 0 : index
    tpu.barrier barrier_id(%barrier3A)
    %mul3A_11 = arith.constant 6000 : i32
    %mul3A_12 = arith.muli %add3A, %mul3A_11 : i32
    %add3A_13 = arith.constant 0 : i32
    %add3A_14 = arith.addi %add3A_13, %mul3A_12 : i32
    %multiple_of3A = tpu.assume_multiple %add3A_14, 80 : i32
    %mul3A_15 = arith.constant 6000 : i32
    %mul3A_16 = arith.muli %add3A, %mul3A_15 : i32
    %multiple_of3A_17 = tpu.assume_multiple %mul3A_16, 80 : i32
    %run_scoped3A = arith.constant 0 : i32
    "tpu.region"() ({
      %run_scoped3A_45 = tpu.sem_alloc : memref<!tpu.dma_semaphore, #tpu.memory_space<semaphore_mem>>
      %dma_start3A_46 = arith.constant 0 : i32
      %dma_start3A_47 = tpu.memref_slice %arg12[%run_scoped3A, %dma_start3A_46] : memref<2x80xi32, #tpu.memory_space<vmem>> -> memref<1x80xi32, #tpu.memory_space<vmem>>
      %dma_start3A_48 = tpu.memref_squeeze %dma_start3A_47 : memref<1x80xi32, #tpu.memory_space<vmem>> -> memref<80xi32, #tpu.memory_space<vmem>>
      %dma_start3A_49 = tpu.memref_slice %arg5[%multiple_of3A] : memref<320000xi32, #tpu.memory_space<hbm>> -> memref<80xi32, #tpu.memory_space<hbm>>
      %dma_start3A_50 = arith.constant 0 : i32
      %dma_start3A_51 = tpu.memref_slice %arg12[%run_scoped3A, %dma_start3A_50] : memref<2x80xi32, #tpu.memory_space<vmem>> -> memref<1x80xi32, #tpu.memory_space<vmem>>
      %dma_start3A_52 = tpu.memref_squeeze %dma_start3A_51 : memref<1x80xi32, #tpu.memory_space<vmem>> -> memref<80xi32, #tpu.memory_space<vmem>>
      %dma_start3A_53 = tpu.memref_slice %arg5[%multiple_of3A] : memref<320000xi32, #tpu.memory_space<hbm>> -> memref<80xi32, #tpu.memory_space<hbm>>
      tpu.enqueue_dma source(%dma_start3A_53 : memref<80xi32, #tpu.memory_space<hbm>>) target(%dma_start3A_52 : memref<80xi32, #tpu.memory_space<vmem>>) target_semaphore(%run_scoped3A_45 : memref<!tpu.dma_semaphore, #tpu.memory_space<semaphore_mem>>)
      %dma_wait3A = arith.constant 0 : i32
      %dma_wait3A_54 = tpu.memref_slice %arg12[%run_scoped3A, %dma_wait3A] : memref<2x80xi32, #tpu.memory_space<vmem>> -> memref<1x80xi32, #tpu.memory_space<vmem>>
      %dma_wait3A_55 = tpu.memref_squeeze %dma_wait3A_54 : memref<1x80xi32, #tpu.memory_space<vmem>> -> memref<80xi32, #tpu.memory_space<vmem>>
      %dma_wait3A_56 = tpu.memref_slice %arg5[%multiple_of3A] : memref<320000xi32, #tpu.memory_space<hbm>> -> memref<80xi32, #tpu.memory_space<hbm>>
      %dma_wait3A_57 = arith.constant 0 : i32
      %dma_wait3A_58 = tpu.memref_slice %arg12[%run_scoped3A, %dma_wait3A_57] : memref<2x80xi32, #tpu.memory_space<vmem>> -> memref<1x80xi32, #tpu.memory_space<vmem>>
      %dma_wait3A_59 = tpu.memref_squeeze %dma_wait3A_58 : memref<1x80xi32, #tpu.memory_space<vmem>> -> memref<80xi32, #tpu.memory_space<vmem>>
      %dma_wait3A_60 = tpu.memref_slice %arg5[%multiple_of3A] : memref<320000xi32, #tpu.memory_space<hbm>> -> memref<80xi32, #tpu.memory_space<hbm>>
      tpu.wait_dma2 semaphore(%run_scoped3A_45 : memref<!tpu.dma_semaphore, #tpu.memory_space<semaphore_mem>>) src(%dma_wait3A_60 : memref<80xi32, #tpu.memory_space<hbm>>) dst(%dma_wait3A_59 : memref<80xi32, #tpu.memory_space<vmem>>)
      tpu.yield
    }) : () -> ()
    %run_scoped3A_18 = arith.constant 0 : i32
    "tpu.region"() ({
      %run_scoped3A_45 = tpu.sem_alloc : memref<!tpu.dma_semaphore, #tpu.memory_space<semaphore_mem>>
      %dma_start3A_46 = arith.constant 0 : i32
      %dma_start3A_47 = tpu.memref_slice %arg13[%run_scoped3A_18, %dma_start3A_46] : memref<2x80xi32, #tpu.memory_space<vmem>> -> memref<1x80xi32, #tpu.memory_space<vmem>>
      %dma_start3A_48 = tpu.memref_squeeze %dma_start3A_47 : memref<1x80xi32, #tpu.memory_space<vmem>> -> memref<80xi32, #tpu.memory_space<vmem>>
      %dma_start3A_49 = tpu.memref_slice %arg6[%multiple_of3A] : memref<320000xi32, #tpu.memory_space<hbm>> -> memref<80xi32, #tpu.memory_space<hbm>>
      %dma_start3A_50 = arith.constant 0 : i32
      %dma_start3A_51 = tpu.memref_slice %arg13[%run_scoped3A_18, %dma_start3A_50] : memref<2x80xi32, #tpu.memory_space<vmem>> -> memref<1x80xi32, #tpu.memory_space<vmem>>
      %dma_start3A_52 = tpu.memref_squeeze %dma_start3A_51 : memref<1x80xi32, #tpu.memory_space<vmem>> -> memref<80xi32, #tpu.memory_space<vmem>>
      %dma_start3A_53 = tpu.memref_slice %arg6[%multiple_of3A] : memref<320000xi32, #tpu.memory_space<hbm>> -> memref<80xi32, #tpu.memory_space<hbm>>
      tpu.enqueue_dma source(%dma_start3A_53 : memref<80xi32, #tpu.memory_space<hbm>>) target(%dma_start3A_52 : memref<80xi32, #tpu.memory_space<vmem>>) target_semaphore(%run_scoped3A_45 : memref<!tpu.dma_semaphore, #tpu.memory_space<semaphore_mem>>)
      %dma_wait3A = arith.constant 0 : i32
      %dma_wait3A_54 = tpu.memref_slice %arg13[%run_scoped3A_18, %dma_wait3A] : memref<2x80xi32, #tpu.memory_space<vmem>> -> memref<1x80xi32, #tpu.memory_space<vmem>>
      %dma_wait3A_55 = tpu.memref_squeeze %dma_wait3A_54 : memref<1x80xi32, #tpu.memory_space<vmem>> -> memref<80xi32, #tpu.memory_space<vmem>>
      %dma_wait3A_56 = tpu.memref_slice %arg6[%multiple_of3A] : memref<320000xi32, #tpu.memory_space<hbm>> -> memref<80xi32, #tpu.memory_space<hbm>>
      %dma_wait3A_57 = arith.constant 0 : i32
      %dma_wait3A_58 = tpu.memref_slice %arg13[%run_scoped3A_18, %dma_wait3A_57] : memref<2x80xi32, #tpu.memory_space<vmem>> -> memref<1x80xi32, #tpu.memory_space<vmem>>
      %dma_wait3A_59 = tpu.memref_squeeze %dma_wait3A_58 : memref<1x80xi32, #tpu.memory_space<vmem>> -> memref<80xi32, #tpu.memory_space<vmem>>
      %dma_wait3A_60 = tpu.memref_slice %arg6[%multiple_of3A] : memref<320000xi32, #tpu.memory_space<hbm>> -> memref<80xi32, #tpu.memory_space<hbm>>
      tpu.wait_dma2 semaphore(%run_scoped3A_45 : memref<!tpu.dma_semaphore, #tpu.memory_space<semaphore_mem>>) src(%dma_wait3A_60 : memref<80xi32, #tpu.memory_space<hbm>>) dst(%dma_wait3A_59 : memref<80xi32, #tpu.memory_space<vmem>>)
      tpu.yield
    }) : () -> ()
    %dma_start3A = arith.constant 0 : i32
    %dma_start3A_19 = arith.constant 0 : i32
    %dma_start3A_20 = tpu.memref_slice %arg12[%dma_start3A, %dma_start3A_19] : memref<2x80xi32, #tpu.memory_space<vmem>> -> memref<1x80xi32, #tpu.memory_space<vmem>>
    %dma_start3A_21 = tpu.memref_squeeze %dma_start3A_20 : memref<1x80xi32, #tpu.memory_space<vmem>> -> memref<80xi32, #tpu.memory_space<vmem>>
    %dma_start3A_22 = arith.constant 0 : i32
    %dma_start3A_23 = arith.constant 0 : i32
    %dma_start3A_24 = tpu.memref_slice %arg2[%dma_start3A_22, %dma_start3A_23] : memref<10000x128xf32, #tpu.memory_space<hbm>> -> memref<10000x128xf32, #tpu.memory_space<hbm>>
    tpu.enqueue_indirect_dma source(%dma_start3A_24 : memref<10000x128xf32, #tpu.memory_space<hbm>>) target(%arg14 : memref<80x128xf32, #tpu.memory_space<vmem>>) offsets(%dma_start3A_21 : memref<80xi32, #tpu.memory_space<vmem>>) semaphore(%arg21 : memref<!tpu.dma_semaphore, #tpu.memory_space<semaphore_mem>>)
    %dma_start3A_25 = arith.constant 0 : i32
    %dma_start3A_26 = arith.constant 0 : i32
    %dma_start3A_27 = tpu.memref_slice %arg13[%dma_start3A_25, %dma_start3A_26] : memref<2x80xi32, #tpu.memory_space<vmem>> -> memref<1x80xi32, #tpu.memory_space<vmem>>
    %dma_start3A_28 = tpu.memref_squeeze %dma_start3A_27 : memref<1x80xi32, #tpu.memory_space<vmem>> -> memref<80xi32, #tpu.memory_space<vmem>>
    %dma_start3A_29 = arith.constant 0 : i32
    %dma_start3A_30 = arith.constant 0 : i32
    %dma_start3A_31 = tpu.memref_slice %arg3[%dma_start3A_29, %dma_start3A_30] : memref<10000x128xf32, #tpu.memory_space<hbm>> -> memref<10000x128xf32, #tpu.memory_space<hbm>>
    tpu.enqueue_indirect_dma source(%dma_start3A_31 : memref<10000x128xf32, #tpu.memory_space<hbm>>) target(%arg15 : memref<80x128xf32, #tpu.memory_space<vmem>>) offsets(%dma_start3A_28 : memref<80xi32, #tpu.memory_space<vmem>>) semaphore(%arg22 : memref<!tpu.dma_semaphore, #tpu.memory_space<semaphore_mem>>)
    %dma_start3A_32 = arith.constant 0 : i32
    %dma_start3A_33 = tpu.memref_slice %arg4[%multiple_of3A_17, %dma_start3A_32] : memref<192000x128xf32, #tpu.memory_space<hbm>> -> memref<80x128xf32, #tpu.memory_space<hbm>>
    %dma_start3A_34 = arith.constant 0 : i32
    %dma_start3A_35 = tpu.memref_slice %arg4[%multiple_of3A_17, %dma_start3A_34] : memref<192000x128xf32, #tpu.memory_space<hbm>> -> memref<80x128xf32, #tpu.memory_space<hbm>>
    tpu.enqueue_dma source(%dma_start3A_35 : memref<80x128xf32, #tpu.memory_space<hbm>>) target(%arg16 : memref<80x128xf32, #tpu.memory_space<vmem>>) target_semaphore(%arg23 : memref<!tpu.dma_semaphore, #tpu.memory_space<semaphore_mem>>)
    %scan3A_36 = arith.constant 0 : i32
    %scan3A_37 = arith.constant 75 : i32
    %scan3A_38 = arith.addi %scan3A_36, %scan3A_37 : i32
    %scan3A_39 = arith.constant 1 : i32
    scf.for %scan3A_45 = %scan3A_36 to %scan3A_38 step %scan3A_39  : i32 {
      %rem3A = arith.constant 2 : i32
      %rem3A_46 = arith.remsi %scan3A_45, %rem3A : i32
      %sub3A = arith.constant 1 : i32
      %sub3A_47 = arith.subi %sub3A, %rem3A_46 : i32
      %mul3A_48 = arith.constant 6000 : i32
      %mul3A_49 = arith.muli %add3A, %mul3A_48 : i32
      %mul3A_50 = arith.constant 80 : i32
      %mul3A_51 = arith.muli %scan3A_45, %mul3A_50 : i32
      %add3A_52 = arith.addi %mul3A_49, %mul3A_51 : i32
      %multiple_of3A_53 = tpu.assume_multiple %add3A_52, 80 : i32
      %dma_wait3A = arith.constant 0 : i32
      %dma_wait3A_54 = tpu.memref_slice %arg12[%rem3A_46, %dma_wait3A] : memref<2x80xi32, #tpu.memory_space<vmem>> -> memref<1x80xi32, #tpu.memory_space<vmem>>
      %dma_wait3A_55 = tpu.memref_squeeze %dma_wait3A_54 : memref<1x80xi32, #tpu.memory_space<vmem>> -> memref<80xi32, #tpu.memory_space<vmem>>
      %dma_wait3A_56 = arith.constant 0 : i32
      %dma_wait3A_57 = arith.constant 0 : i32
      %dma_wait3A_58 = tpu.memref_slice %arg2[%dma_wait3A_56, %dma_wait3A_57] : memref<10000x128xf32, #tpu.memory_space<hbm>> -> memref<10000x128xf32, #tpu.memory_space<hbm>>
      tpu.wait_indirect_dma semaphore(%arg21 : memref<!tpu.dma_semaphore, #tpu.memory_space<semaphore_mem>>) src(%dma_wait3A_58 : memref<10000x128xf32, #tpu.memory_space<hbm>>) dst(%arg14 : memref<80x128xf32, #tpu.memory_space<vmem>>)
      %dma_wait3A_59 = arith.constant 0 : i32
      %dma_wait3A_60 = tpu.memref_slice %arg13[%rem3A_46, %dma_wait3A_59] : memref<2x80xi32, #tpu.memory_space<vmem>> -> memref<1x80xi32, #tpu.memory_space<vmem>>
      %dma_wait3A_61 = tpu.memref_squeeze %dma_wait3A_60 : memref<1x80xi32, #tpu.memory_space<vmem>> -> memref<80xi32, #tpu.memory_space<vmem>>
      %dma_wait3A_62 = arith.constant 0 : i32
      %dma_wait3A_63 = arith.constant 0 : i32
      %dma_wait3A_64 = tpu.memref_slice %arg3[%dma_wait3A_62, %dma_wait3A_63] : memref<10000x128xf32, #tpu.memory_space<hbm>> -> memref<10000x128xf32, #tpu.memory_space<hbm>>
      tpu.wait_indirect_dma semaphore(%arg22 : memref<!tpu.dma_semaphore, #tpu.memory_space<semaphore_mem>>) src(%dma_wait3A_64 : memref<10000x128xf32, #tpu.memory_space<hbm>>) dst(%arg15 : memref<80x128xf32, #tpu.memory_space<vmem>>)
      %dma_wait3A_65 = arith.constant 0 : i32
      %dma_wait3A_66 = tpu.memref_slice %arg4[%multiple_of3A_53, %dma_wait3A_65] : memref<192000x128xf32, #tpu.memory_space<hbm>> -> memref<80x128xf32, #tpu.memory_space<hbm>>
      %dma_wait3A_67 = arith.constant 0 : i32
      %dma_wait3A_68 = tpu.memref_slice %arg4[%multiple_of3A_53, %dma_wait3A_67] : memref<192000x128xf32, #tpu.memory_space<hbm>> -> memref<80x128xf32, #tpu.memory_space<hbm>>
      tpu.wait_dma2 semaphore(%arg23 : memref<!tpu.dma_semaphore, #tpu.memory_space<semaphore_mem>>) src(%dma_wait3A_68 : memref<80x128xf32, #tpu.memory_space<hbm>>) dst(%arg16 : memref<80x128xf32, #tpu.memory_space<vmem>>)
      %lt3A = arith.constant 74 : i32
      %lt3A_69 = arith.cmpi slt, %scan3A_45, %lt3A : i32
      %convert_element_type3A = arith.extui %lt3A_69 : i1 to i32
      %cond3A = arith.constant 0 : i32
      %cond3A_70 = arith.cmpi ne, %convert_element_type3A, %cond3A : i32
      scf.if %cond3A_70 {
        %mul3A_106 = arith.constant 6000 : i32
        %mul3A_107 = arith.muli %add3A, %mul3A_106 : i32
        %add3A_108 = arith.constant 0 : i32
        %add3A_109 = arith.addi %add3A_108, %mul3A_107 : i32
        %add3A_110 = arith.constant 1 : i32
        %add3A_111 = arith.addi %scan3A_45, %add3A_110 : i32
        %mul3A_112 = arith.constant 80 : i32
        %mul3A_113 = arith.muli %add3A_111, %mul3A_112 : i32
        %add3A_114 = arith.addi %add3A_109, %mul3A_113 : i32
        %multiple_of3A_115 = tpu.assume_multiple %add3A_114, 80 : i32
        "tpu.region"() ({
          %run_scoped3A_116 = tpu.sem_alloc : memref<!tpu.dma_semaphore, #tpu.memory_space<semaphore_mem>>
          %dma_start3A_117 = arith.constant 0 : i32
          %dma_start3A_118 = tpu.memref_slice %arg12[%sub3A_47, %dma_start3A_117] : memref<2x80xi32, #tpu.memory_space<vmem>> -> memref<1x80xi32, #tpu.memory_space<vmem>>
          %dma_start3A_119 = tpu.memref_squeeze %dma_start3A_118 : memref<1x80xi32, #tpu.memory_space<vmem>> -> memref<80xi32, #tpu.memory_space<vmem>>
          %dma_start3A_120 = tpu.memref_slice %arg5[%multiple_of3A_115] : memref<320000xi32, #tpu.memory_space<hbm>> -> memref<80xi32, #tpu.memory_space<hbm>>
          %dma_start3A_121 = arith.constant 0 : i32
          %dma_start3A_122 = tpu.memref_slice %arg12[%sub3A_47, %dma_start3A_121] : memref<2x80xi32, #tpu.memory_space<vmem>> -> memref<1x80xi32, #tpu.memory_space<vmem>>
          %dma_start3A_123 = tpu.memref_squeeze %dma_start3A_122 : memref<1x80xi32, #tpu.memory_space<vmem>> -> memref<80xi32, #tpu.memory_space<vmem>>
          %dma_start3A_124 = tpu.memref_slice %arg5[%multiple_of3A_115] : memref<320000xi32, #tpu.memory_space<hbm>> -> memref<80xi32, #tpu.memory_space<hbm>>
          tpu.enqueue_dma source(%dma_start3A_124 : memref<80xi32, #tpu.memory_space<hbm>>) target(%dma_start3A_123 : memref<80xi32, #tpu.memory_space<vmem>>) target_semaphore(%run_scoped3A_116 : memref<!tpu.dma_semaphore, #tpu.memory_space<semaphore_mem>>)
          %dma_wait3A_125 = arith.constant 0 : i32
          %dma_wait3A_126 = tpu.memref_slice %arg12[%sub3A_47, %dma_wait3A_125] : memref<2x80xi32, #tpu.memory_space<vmem>> -> memref<1x80xi32, #tpu.memory_space<vmem>>
          %dma_wait3A_127 = tpu.memref_squeeze %dma_wait3A_126 : memref<1x80xi32, #tpu.memory_space<vmem>> -> memref<80xi32, #tpu.memory_space<vmem>>
          %dma_wait3A_128 = tpu.memref_slice %arg5[%multiple_of3A_115] : memref<320000xi32, #tpu.memory_space<hbm>> -> memref<80xi32, #tpu.memory_space<hbm>>
          %dma_wait3A_129 = arith.constant 0 : i32
          %dma_wait3A_130 = tpu.memref_slice %arg12[%sub3A_47, %dma_wait3A_129] : memref<2x80xi32, #tpu.memory_space<vmem>> -> memref<1x80xi32, #tpu.memory_space<vmem>>
          %dma_wait3A_131 = tpu.memref_squeeze %dma_wait3A_130 : memref<1x80xi32, #tpu.memory_space<vmem>> -> memref<80xi32, #tpu.memory_space<vmem>>
          %dma_wait3A_132 = tpu.memref_slice %arg5[%multiple_of3A_115] : memref<320000xi32, #tpu.memory_space<hbm>> -> memref<80xi32, #tpu.memory_space<hbm>>
          tpu.wait_dma2 semaphore(%run_scoped3A_116 : memref<!tpu.dma_semaphore, #tpu.memory_space<semaphore_mem>>) src(%dma_wait3A_132 : memref<80xi32, #tpu.memory_space<hbm>>) dst(%dma_wait3A_131 : memref<80xi32, #tpu.memory_space<vmem>>)
          tpu.yield
        }) : () -> ()
        "tpu.region"() ({
          %run_scoped3A_116 = tpu.sem_alloc : memref<!tpu.dma_semaphore, #tpu.memory_space<semaphore_mem>>
          %dma_start3A_117 = arith.constant 0 : i32
          %dma_start3A_118 = tpu.memref_slice %arg13[%sub3A_47, %dma_start3A_117] : memref<2x80xi32, #tpu.memory_space<vmem>> -> memref<1x80xi32, #tpu.memory_space<vmem>>
          %dma_start3A_119 = tpu.memref_squeeze %dma_start3A_118 : memref<1x80xi32, #tpu.memory_space<vmem>> -> memref<80xi32, #tpu.memory_space<vmem>>
          %dma_start3A_120 = tpu.memref_slice %arg6[%multiple_of3A_115] : memref<320000xi32, #tpu.memory_space<hbm>> -> memref<80xi32, #tpu.memory_space<hbm>>
          %dma_start3A_121 = arith.constant 0 : i32
          %dma_start3A_122 = tpu.memref_slice %arg13[%sub3A_47, %dma_start3A_121] : memref<2x80xi32, #tpu.memory_space<vmem>> -> memref<1x80xi32, #tpu.memory_space<vmem>>
          %dma_start3A_123 = tpu.memref_squeeze %dma_start3A_122 : memref<1x80xi32, #tpu.memory_space<vmem>> -> memref<80xi32, #tpu.memory_space<vmem>>
          %dma_start3A_124 = tpu.memref_slice %arg6[%multiple_of3A_115] : memref<320000xi32, #tpu.memory_space<hbm>> -> memref<80xi32, #tpu.memory_space<hbm>>
          tpu.enqueue_dma source(%dma_start3A_124 : memref<80xi32, #tpu.memory_space<hbm>>) target(%dma_start3A_123 : memref<80xi32, #tpu.memory_space<vmem>>) target_semaphore(%run_scoped3A_116 : memref<!tpu.dma_semaphore, #tpu.memory_space<semaphore_mem>>)
          %dma_wait3A_125 = arith.constant 0 : i32
          %dma_wait3A_126 = tpu.memref_slice %arg13[%sub3A_47, %dma_wait3A_125] : memref<2x80xi32, #tpu.memory_space<vmem>> -> memref<1x80xi32, #tpu.memory_space<vmem>>
          %dma_wait3A_127 = tpu.memref_squeeze %dma_wait3A_126 : memref<1x80xi32, #tpu.memory_space<vmem>> -> memref<80xi32, #tpu.memory_space<vmem>>
          %dma_wait3A_128 = tpu.memref_slice %arg6[%multiple_of3A_115] : memref<320000xi32, #tpu.memory_space<hbm>> -> memref<80xi32, #tpu.memory_space<hbm>>
          %dma_wait3A_129 = arith.constant 0 : i32
          %dma_wait3A_130 = tpu.memref_slice %arg13[%sub3A_47, %dma_wait3A_129] : memref<2x80xi32, #tpu.memory_space<vmem>> -> memref<1x80xi32, #tpu.memory_space<vmem>>
          %dma_wait3A_131 = tpu.memref_squeeze %dma_wait3A_130 : memref<1x80xi32, #tpu.memory_space<vmem>> -> memref<80xi32, #tpu.memory_space<vmem>>
          %dma_wait3A_132 = tpu.memref_slice %arg6[%multiple_of3A_115] : memref<320000xi32, #tpu.memory_space<hbm>> -> memref<80xi32, #tpu.memory_space<hbm>>
          tpu.wait_dma2 semaphore(%run_scoped3A_116 : memref<!tpu.dma_semaphore, #tpu.memory_space<semaphore_mem>>) src(%dma_wait3A_132 : memref<80xi32, #tpu.memory_space<hbm>>) dst(%dma_wait3A_131 : memref<80xi32, #tpu.memory_space<vmem>>)
          tpu.yield
        }) : () -> ()
      } else {
      }
      %dma_start3A_71 = arith.constant 0 : i32
      %dma_start3A_72 = tpu.memref_slice %arg12[%rem3A_46, %dma_start3A_71] : memref<2x80xi32, #tpu.memory_space<vmem>> -> memref<1x80xi32, #tpu.memory_space<vmem>>
      %dma_start3A_73 = tpu.memref_squeeze %dma_start3A_72 : memref<1x80xi32, #tpu.memory_space<vmem>> -> memref<80xi32, #tpu.memory_space<vmem>>
      %dma_start3A_74 = arith.constant 0 : i32
      %dma_start3A_75 = tpu.memref_slice %arg7[%dma_start3A_74] : memref<10000xf32, #tpu.memory_space<hbm>> -> memref<10000xf32, #tpu.memory_space<hbm>>
      tpu.enqueue_indirect_dma source(%dma_start3A_75 : memref<10000xf32, #tpu.memory_space<hbm>>) target(%arg18 : memref<80xf32, #tpu.memory_space<vmem>>) offsets(%dma_start3A_73 : memref<80xi32, #tpu.memory_space<vmem>>) semaphore(%arg24 : memref<!tpu.dma_semaphore, #tpu.memory_space<semaphore_mem>>)
      %dma_start3A_76 = arith.constant 0 : i32
      %dma_start3A_77 = tpu.memref_slice %arg13[%rem3A_46, %dma_start3A_76] : memref<2x80xi32, #tpu.memory_space<vmem>> -> memref<1x80xi32, #tpu.memory_space<vmem>>
      %dma_start3A_78 = tpu.memref_squeeze %dma_start3A_77 : memref<1x80xi32, #tpu.memory_space<vmem>> -> memref<80xi32, #tpu.memory_space<vmem>>
      %dma_start3A_79 = arith.constant 0 : i32
      %dma_start3A_80 = tpu.memref_slice %arg7[%dma_start3A_79] : memref<10000xf32, #tpu.memory_space<hbm>> -> memref<10000xf32, #tpu.memory_space<hbm>>
      tpu.enqueue_indirect_dma source(%dma_start3A_80 : memref<10000xf32, #tpu.memory_space<hbm>>) target(%arg19 : memref<80xf32, #tpu.memory_space<vmem>>) offsets(%dma_start3A_78 : memref<80xi32, #tpu.memory_space<vmem>>) semaphore(%arg25 : memref<!tpu.dma_semaphore, #tpu.memory_space<semaphore_mem>>)
      %parallel_loop3A = arith.constant 0 : i32
      %parallel_loop3A_81 = arith.constant 80 : i32
      %parallel_loop3A_82 = arith.constant 1 : i32
      scf.for %parallel_loop3A_106 = %parallel_loop3A to %parallel_loop3A_81 step %parallel_loop3A_82  : i32 {
        %parallel_loop3A_107 = arith.index_cast %parallel_loop3A_106 : i32 to index
        %parallel_loop3A_108 = arith.constant 0 : index
        %parallel_loop3A_109 = tpu.vector_load %arg16[%parallel_loop3A_107, %parallel_loop3A_108] {strides = array<i32>} : memref<80x128xf32, #tpu.memory_space<vmem>>, vector<1x16xf32>,
        %parallel_loop3A_110 = vector.shape_cast %parallel_loop3A_109 : vector<1x16xf32> to vector<16xf32>
        %parallel_loop3A_111 = arith.index_cast %parallel_loop3A_106 : i32 to index
        %parallel_loop3A_112 = arith.constant 0 : index
        %parallel_loop3A_113 = tpu.vector_load %arg14[%parallel_loop3A_111, %parallel_loop3A_112] {strides = array<i32>} : memref<80x128xf32, #tpu.memory_space<vmem>>, vector<1x16xf32>,
        %parallel_loop3A_114 = vector.shape_cast %parallel_loop3A_113 : vector<1x16xf32> to vector<16xf32>
        %parallel_loop3A_115 = arith.addf %parallel_loop3A_110, %parallel_loop3A_114 : vector<16xf32>
        %parallel_loop3A_116 = arith.index_cast %parallel_loop3A_106 : i32 to index
        %parallel_loop3A_117 = arith.constant 0 : index
        %parallel_loop3A_118 = tpu.vector_load %arg15[%parallel_loop3A_116, %parallel_loop3A_117] {strides = array<i32>} : memref<80x128xf32, #tpu.memory_space<vmem>>, vector<1x16xf32>,
        %parallel_loop3A_119 = vector.shape_cast %parallel_loop3A_118 : vector<1x16xf32> to vector<16xf32>
        %parallel_loop3A_120 = arith.addf %parallel_loop3A_115, %parallel_loop3A_119 : vector<16xf32>
        %parallel_loop3A_121 = arith.constant 0.000000e+00 : f32
        %parallel_loop3A_122 = vector.broadcast %parallel_loop3A_121 : f32 to vector<16xf32>
        %parallel_loop3A_123 = arith.maximumf %parallel_loop3A_120, %parallel_loop3A_122 : vector<16xf32>
        %parallel_loop3A_124 = arith.index_cast %parallel_loop3A_106 : i32 to index
        %parallel_loop3A_125 = arith.constant 0 : index
        %parallel_loop3A_126 = tpu.vector_load %arg17[%parallel_loop3A_124, %parallel_loop3A_125] {strides = array<i32>} : memref<80x128xf32, #tpu.memory_space<vmem>>, vector<1x16xf32>,
        %parallel_loop3A_127 = vector.shape_cast %parallel_loop3A_126 : vector<1x16xf32> to vector<16xf32>
        %parallel_loop3A_128 = vector.shape_cast %parallel_loop3A_123 : vector<16xf32> to vector<1x16xf32>
        tpu.vector_store %arg17[%parallel_loop3A_124, %parallel_loop3A_125], %parallel_loop3A_128 {strides = array<i32>} : memref<80x128xf32, #tpu.memory_space<vmem>>, vector<1x16xf32>,
        %parallel_loop3A_129 = arith.index_cast %parallel_loop3A_106 : i32 to index
        %parallel_loop3A_130 = arith.constant 16 : index
        %parallel_loop3A_131 = tpu.vector_load %arg16[%parallel_loop3A_129, %parallel_loop3A_130] {strides = array<i32>} : memref<80x128xf32, #tpu.memory_space<vmem>>, vector<1x16xf32>,
        %parallel_loop3A_132 = vector.shape_cast %parallel_loop3A_131 : vector<1x16xf32> to vector<16xf32>
        %parallel_loop3A_133 = arith.index_cast %parallel_loop3A_106 : i32 to index
        %parallel_loop3A_134 = arith.constant 16 : index
        %parallel_loop3A_135 = tpu.vector_load %arg14[%parallel_loop3A_133, %parallel_loop3A_134] {strides = array<i32>} : memref<80x128xf32, #tpu.memory_space<vmem>>, vector<1x16xf32>,
        %parallel_loop3A_136 = vector.shape_cast %parallel_loop3A_135 : vector<1x16xf32> to vector<16xf32>
        %parallel_loop3A_137 = arith.addf %parallel_loop3A_132, %parallel_loop3A_136 : vector<16xf32>
        %parallel_loop3A_138 = arith.index_cast %parallel_loop3A_106 : i32 to index
        %parallel_loop3A_139 = arith.constant 16 : index
        %parallel_loop3A_140 = tpu.vector_load %arg15[%parallel_loop3A_138, %parallel_loop3A_139] {strides = array<i32>} : memref<80x128xf32, #tpu.memory_space<vmem>>, vector<1x16xf32>,
        %parallel_loop3A_141 = vector.shape_cast %parallel_loop3A_140 : vector<1x16xf32> to vector<16xf32>
        %parallel_loop3A_142 = arith.addf %parallel_loop3A_137, %parallel_loop3A_141 : vector<16xf32>
        %parallel_loop3A_143 = arith.constant 0.000000e+00 : f32
        %parallel_loop3A_144 = vector.broadcast %parallel_loop3A_143 : f32 to vector<16xf32>
        %parallel_loop3A_145 = arith.maximumf %parallel_loop3A_142, %parallel_loop3A_144 : vector<16xf32>
        %parallel_loop3A_146 = arith.index_cast %parallel_loop3A_106 : i32 to index
        %parallel_loop3A_147 = arith.constant 16 : index
        %parallel_loop3A_148 = tpu.vector_load %arg17[%parallel_loop3A_146, %parallel_loop3A_147] {strides = array<i32>} : memref<80x128xf32, #tpu.memory_space<vmem>>, vector<1x16xf32>,
        %parallel_loop3A_149 = vector.shape_cast %parallel_loop3A_148 : vector<1x16xf32> to vector<16xf32>
        %parallel_loop3A_150 = vector.shape_cast %parallel_loop3A_145 : vector<16xf32> to vector<1x16xf32>
        tpu.vector_store %arg17[%parallel_loop3A_146, %parallel_loop3A_147], %parallel_loop3A_150 {strides = array<i32>} : memref<80x128xf32, #tpu.memory_space<vmem>>, vector<1x16xf32>,
        %parallel_loop3A_151 = arith.index_cast %parallel_loop3A_106 : i32 to index
        %parallel_loop3A_152 = arith.constant 32 : index
        %parallel_loop3A_153 = tpu.vector_load %arg16[%parallel_loop3A_151, %parallel_loop3A_152] {strides = array<i32>} : memref<80x128xf32, #tpu.memory_space<vmem>>, vector<1x16xf32>,
        %parallel_loop3A_154 = vector.shape_cast %parallel_loop3A_153 : vector<1x16xf32> to vector<16xf32>
        %parallel_loop3A_155 = arith.index_cast %parallel_loop3A_106 : i32 to index
        %parallel_loop3A_156 = arith.constant 32 : index
        %parallel_loop3A_157 = tpu.vector_load %arg14[%parallel_loop3A_155, %parallel_loop3A_156] {strides = array<i32>} : memref<80x128xf32, #tpu.memory_space<vmem>>, vector<1x16xf32>,
        %parallel_loop3A_158 = vector.shape_cast %parallel_loop3A_157 : vector<1x16xf32> to vector<16xf32>
        %parallel_loop3A_159 = arith.addf %parallel_loop3A_154, %parallel_loop3A_158 : vector<16xf32>
        %parallel_loop3A_160 = arith.index_cast %parallel_loop3A_106 : i32 to index
        %parallel_loop3A_161 = arith.constant 32 : index
        %parallel_loop3A_162 = tpu.vector_load %arg15[%parallel_loop3A_160, %parallel_loop3A_161] {strides = array<i32>} : memref<80x128xf32, #tpu.memory_space<vmem>>, vector<1x16xf32>,
        %parallel_loop3A_163 = vector.shape_cast %parallel_loop3A_162 : vector<1x16xf32> to vector<16xf32>
        %parallel_loop3A_164 = arith.addf %parallel_loop3A_159, %parallel_loop3A_163 : vector<16xf32>
        %parallel_loop3A_165 = arith.constant 0.000000e+00 : f32
        %parallel_loop3A_166 = vector.broadcast %parallel_loop3A_165 : f32 to vector<16xf32>
        %parallel_loop3A_167 = arith.maximumf %parallel_loop3A_164, %parallel_loop3A_166 : vector<16xf32>
        %parallel_loop3A_168 = arith.index_cast %parallel_loop3A_106 : i32 to index
        %parallel_loop3A_169 = arith.constant 32 : index
        %parallel_loop3A_170 = tpu.vector_load %arg17[%parallel_loop3A_168, %parallel_loop3A_169] {strides = array<i32>} : memref<80x128xf32, #tpu.memory_space<vmem>>, vector<1x16xf32>,
        %parallel_loop3A_171 = vector.shape_cast %parallel_loop3A_170 : vector<1x16xf32> to vector<16xf32>
        %parallel_loop3A_172 = vector.shape_cast %parallel_loop3A_167 : vector<16xf32> to vector<1x16xf32>
        tpu.vector_store %arg17[%parallel_loop3A_168, %parallel_loop3A_169], %parallel_loop3A_172 {strides = array<i32>} : memref<80x128xf32, #tpu.memory_space<vmem>>, vector<1x16xf32>,
        %parallel_loop3A_173 = arith.index_cast %parallel_loop3A_106 : i32 to index
        %parallel_loop3A_174 = arith.constant 48 : index
        %parallel_loop3A_175 = tpu.vector_load %arg16[%parallel_loop3A_173, %parallel_loop3A_174] {strides = array<i32>} : memref<80x128xf32, #tpu.memory_space<vmem>>, vector<1x16xf32>,
        %parallel_loop3A_176 = vector.shape_cast %parallel_loop3A_175 : vector<1x16xf32> to vector<16xf32>
        %parallel_loop3A_177 = arith.index_cast %parallel_loop3A_106 : i32 to index
        %parallel_loop3A_178 = arith.constant 48 : index
        %parallel_loop3A_179 = tpu.vector_load %arg14[%parallel_loop3A_177, %parallel_loop3A_178] {strides = array<i32>} : memref<80x128xf32, #tpu.memory_space<vmem>>, vector<1x16xf32>,
        %parallel_loop3A_180 = vector.shape_cast %parallel_loop3A_179 : vector<1x16xf32> to vector<16xf32>
        %parallel_loop3A_181 = arith.addf %parallel_loop3A_176, %parallel_loop3A_180 : vector<16xf32>
        %parallel_loop3A_182 = arith.index_cast %parallel_loop3A_106 : i32 to index
        %parallel_loop3A_183 = arith.constant 48 : index
        %parallel_loop3A_184 = tpu.vector_load %arg15[%parallel_loop3A_182, %parallel_loop3A_183] {strides = array<i32>} : memref<80x128xf32, #tpu.memory_space<vmem>>, vector<1x16xf32>,
        %parallel_loop3A_185 = vector.shape_cast %parallel_loop3A_184 : vector<1x16xf32> to vector<16xf32>
        %parallel_loop3A_186 = arith.addf %parallel_loop3A_181, %parallel_loop3A_185 : vector<16xf32>
        %parallel_loop3A_187 = arith.constant 0.000000e+00 : f32
        %parallel_loop3A_188 = vector.broadcast %parallel_loop3A_187 : f32 to vector<16xf32>
        %parallel_loop3A_189 = arith.maximumf %parallel_loop3A_186, %parallel_loop3A_188 : vector<16xf32>
        %parallel_loop3A_190 = arith.index_cast %parallel_loop3A_106 : i32 to index
        %parallel_loop3A_191 = arith.constant 48 : index
        %parallel_loop3A_192 = tpu.vector_load %arg17[%parallel_loop3A_190, %parallel_loop3A_191] {strides = array<i32>} : memref<80x128xf32, #tpu.memory_space<vmem>>, vector<1x16xf32>,
        %parallel_loop3A_193 = vector.shape_cast %parallel_loop3A_192 : vector<1x16xf32> to vector<16xf32>
        %parallel_loop3A_194 = vector.shape_cast %parallel_loop3A_189 : vector<16xf32> to vector<1x16xf32>
        tpu.vector_store %arg17[%parallel_loop3A_190, %parallel_loop3A_191], %parallel_loop3A_194 {strides = array<i32>} : memref<80x128xf32, #tpu.memory_space<vmem>>, vector<1x16xf32>,
        %parallel_loop3A_195 = arith.index_cast %parallel_loop3A_106 : i32 to index
        %parallel_loop3A_196 = arith.constant 64 : index
        %parallel_loop3A_197 = tpu.vector_load %arg16[%parallel_loop3A_195, %parallel_loop3A_196] {strides = array<i32>} : memref<80x128xf32, #tpu.memory_space<vmem>>, vector<1x16xf32>,
        %parallel_loop3A_198 = vector.shape_cast %parallel_loop3A_197 : vector<1x16xf32> to vector<16xf32>
        %parallel_loop3A_199 = arith.index_cast %parallel_loop3A_106 : i32 to index
        %parallel_loop3A_200 = arith.constant 64 : index
        %parallel_loop3A_201 = tpu.vector_load %arg14[%parallel_loop3A_199, %parallel_loop3A_200] {strides = array<i32>} : memref<80x128xf32, #tpu.memory_space<vmem>>, vector<1x16xf32>,
        %parallel_loop3A_202 = vector.shape_cast %parallel_loop3A_201 : vector<1x16xf32> to vector<16xf32>
        %parallel_loop3A_203 = arith.addf %parallel_loop3A_198, %parallel_loop3A_202 : vector<16xf32>
        %parallel_loop3A_204 = arith.index_cast %parallel_loop3A_106 : i32 to index
        %parallel_loop3A_205 = arith.constant 64 : index
        %parallel_loop3A_206 = tpu.vector_load %arg15[%parallel_loop3A_204, %parallel_loop3A_205] {strides = array<i32>} : memref<80x128xf32, #tpu.memory_space<vmem>>, vector<1x16xf32>,
        %parallel_loop3A_207 = vector.shape_cast %parallel_loop3A_206 : vector<1x16xf32> to vector<16xf32>
        %parallel_loop3A_208 = arith.addf %parallel_loop3A_203, %parallel_loop3A_207 : vector<16xf32>
        %parallel_loop3A_209 = arith.constant 0.000000e+00 : f32
        %parallel_loop3A_210 = vector.broadcast %parallel_loop3A_209 : f32 to vector<16xf32>
        %parallel_loop3A_211 = arith.maximumf %parallel_loop3A_208, %parallel_loop3A_210 : vector<16xf32>
        %parallel_loop3A_212 = arith.index_cast %parallel_loop3A_106 : i32 to index
        %parallel_loop3A_213 = arith.constant 64 : index
        %parallel_loop3A_214 = tpu.vector_load %arg17[%parallel_loop3A_212, %parallel_loop3A_213] {strides = array<i32>} : memref<80x128xf32, #tpu.memory_space<vmem>>, vector<1x16xf32>,
        %parallel_loop3A_215 = vector.shape_cast %parallel_loop3A_214 : vector<1x16xf32> to vector<16xf32>
        %parallel_loop3A_216 = vector.shape_cast %parallel_loop3A_211 : vector<16xf32> to vector<1x16xf32>
        tpu.vector_store %arg17[%parallel_loop3A_212, %parallel_loop3A_213], %parallel_loop3A_216 {strides = array<i32>} : memref<80x128xf32, #tpu.memory_space<vmem>>, vector<1x16xf32>,
        %parallel_loop3A_217 = arith.index_cast %parallel_loop3A_106 : i32 to index
        %parallel_loop3A_218 = arith.constant 80 : index
        %parallel_loop3A_219 = tpu.vector_load %arg16[%parallel_loop3A_217, %parallel_loop3A_218] {strides = array<i32>} : memref<80x128xf32, #tpu.memory_space<vmem>>, vector<1x16xf32>,
        %parallel_loop3A_220 = vector.shape_cast %parallel_loop3A_219 : vector<1x16xf32> to vector<16xf32>
        %parallel_loop3A_221 = arith.index_cast %parallel_loop3A_106 : i32 to index
        %parallel_loop3A_222 = arith.constant 80 : index
        %parallel_loop3A_223 = tpu.vector_load %arg14[%parallel_loop3A_221, %parallel_loop3A_222] {strides = array<i32>} : memref<80x128xf32, #tpu.memory_space<vmem>>, vector<1x16xf32>,
        %parallel_loop3A_224 = vector.shape_cast %parallel_loop3A_223 : vector<1x16xf32> to vector<16xf32>
        %parallel_loop3A_225 = arith.addf %parallel_loop3A_220, %parallel_loop3A_224 : vector<16xf32>
        %parallel_loop3A_226 = arith.index_cast %parallel_loop3A_106 : i32 to index
        %parallel_loop3A_227 = arith.constant 80 : index
        %parallel_loop3A_228 = tpu.vector_load %arg15[%parallel_loop3A_226, %parallel_loop3A_227] {strides = array<i32>} : memref<80x128xf32, #tpu.memory_space<vmem>>, vector<1x16xf32>,
        %parallel_loop3A_229 = vector.shape_cast %parallel_loop3A_228 : vector<1x16xf32> to vector<16xf32>
        %parallel_loop3A_230 = arith.addf %parallel_loop3A_225, %parallel_loop3A_229 : vector<16xf32>
        %parallel_loop3A_231 = arith.constant 0.000000e+00 : f32
        %parallel_loop3A_232 = vector.broadcast %parallel_loop3A_231 : f32 to vector<16xf32>
        %parallel_loop3A_233 = arith.maximumf %parallel_loop3A_230, %parallel_loop3A_232 : vector<16xf32>
        %parallel_loop3A_234 = arith.index_cast %parallel_loop3A_106 : i32 to index
        %parallel_loop3A_235 = arith.constant 80 : index
        %parallel_loop3A_236 = tpu.vector_load %arg17[%parallel_loop3A_234, %parallel_loop3A_235] {strides = array<i32>} : memref<80x128xf32, #tpu.memory_space<vmem>>, vector<1x16xf32>,
        %parallel_loop3A_237 = vector.shape_cast %parallel_loop3A_236 : vector<1x16xf32> to vector<16xf32>
        %parallel_loop3A_238 = vector.shape_cast %parallel_loop3A_233 : vector<16xf32> to vector<1x16xf32>
        tpu.vector_store %arg17[%parallel_loop3A_234, %parallel_loop3A_235], %parallel_loop3A_238 {strides = array<i32>} : memref<80x128xf32, #tpu.memory_space<vmem>>, vector<1x16xf32>,
        %parallel_loop3A_239 = arith.index_cast %parallel_loop3A_106 : i32 to index
        %parallel_loop3A_240 = arith.constant 96 : index
        %parallel_loop3A_241 = tpu.vector_load %arg16[%parallel_loop3A_239, %parallel_loop3A_240] {strides = array<i32>} : memref<80x128xf32, #tpu.memory_space<vmem>>, vector<1x16xf32>,
        %parallel_loop3A_242 = vector.shape_cast %parallel_loop3A_241 : vector<1x16xf32> to vector<16xf32>
        %parallel_loop3A_243 = arith.index_cast %parallel_loop3A_106 : i32 to index
        %parallel_loop3A_244 = arith.constant 96 : index
        %parallel_loop3A_245 = tpu.vector_load %arg14[%parallel_loop3A_243, %parallel_loop3A_244] {strides = array<i32>} : memref<80x128xf32, #tpu.memory_space<vmem>>, vector<1x16xf32>,
        %parallel_loop3A_246 = vector.shape_cast %parallel_loop3A_245 : vector<1x16xf32> to vector<16xf32>
        %parallel_loop3A_247 = arith.addf %parallel_loop3A_242, %parallel_loop3A_246 : vector<16xf32>
        %parallel_loop3A_248 = arith.index_cast %parallel_loop3A_106 : i32 to index
        %parallel_loop3A_249 = arith.constant 96 : index
        %parallel_loop3A_250 = tpu.vector_load %arg15[%parallel_loop3A_248, %parallel_loop3A_249] {strides = array<i32>} : memref<80x128xf32, #tpu.memory_space<vmem>>, vector<1x16xf32>,
        %parallel_loop3A_251 = vector.shape_cast %parallel_loop3A_250 : vector<1x16xf32> to vector<16xf32>
        %parallel_loop3A_252 = arith.addf %parallel_loop3A_247, %parallel_loop3A_251 : vector<16xf32>
        %parallel_loop3A_253 = arith.constant 0.000000e+00 : f32
        %parallel_loop3A_254 = vector.broadcast %parallel_loop3A_253 : f32 to vector<16xf32>
        %parallel_loop3A_255 = arith.maximumf %parallel_loop3A_252, %parallel_loop3A_254 : vector<16xf32>
        %parallel_loop3A_256 = arith.index_cast %parallel_loop3A_106 : i32 to index
        %parallel_loop3A_257 = arith.constant 96 : index
        %parallel_loop3A_258 = tpu.vector_load %arg17[%parallel_loop3A_256, %parallel_loop3A_257] {strides = array<i32>} : memref<80x128xf32, #tpu.memory_space<vmem>>, vector<1x16xf32>,
        %parallel_loop3A_259 = vector.shape_cast %parallel_loop3A_258 : vector<1x16xf32> to vector<16xf32>
        %parallel_loop3A_260 = vector.shape_cast %parallel_loop3A_255 : vector<16xf32> to vector<1x16xf32>
        tpu.vector_store %arg17[%parallel_loop3A_256, %parallel_loop3A_257], %parallel_loop3A_260 {strides = array<i32>} : memref<80x128xf32, #tpu.memory_space<vmem>>, vector<1x16xf32>,
        %parallel_loop3A_261 = arith.index_cast %parallel_loop3A_106 : i32 to index
        %parallel_loop3A_262 = arith.constant 112 : index
        %parallel_loop3A_263 = tpu.vector_load %arg16[%parallel_loop3A_261, %parallel_loop3A_262] {strides = array<i32>} : memref<80x128xf32, #tpu.memory_space<vmem>>, vector<1x16xf32>,
        %parallel_loop3A_264 = vector.shape_cast %parallel_loop3A_263 : vector<1x16xf32> to vector<16xf32>
        %parallel_loop3A_265 = arith.index_cast %parallel_loop3A_106 : i32 to index
        %parallel_loop3A_266 = arith.constant 112 : index
        %parallel_loop3A_267 = tpu.vector_load %arg14[%parallel_loop3A_265, %parallel_loop3A_266] {strides = array<i32>} : memref<80x128xf32, #tpu.memory_space<vmem>>, vector<1x16xf32>,
        %parallel_loop3A_268 = vector.shape_cast %parallel_loop3A_267 : vector<1x16xf32> to vector<16xf32>
        %parallel_loop3A_269 = arith.addf %parallel_loop3A_264, %parallel_loop3A_268 : vector<16xf32>
        %parallel_loop3A_270 = arith.index_cast %parallel_loop3A_106 : i32 to index
        %parallel_loop3A_271 = arith.constant 112 : index
        %parallel_loop3A_272 = tpu.vector_load %arg15[%parallel_loop3A_270, %parallel_loop3A_271] {strides = array<i32>} : memref<80x128xf32, #tpu.memory_space<vmem>>, vector<1x16xf32>,
        %parallel_loop3A_273 = vector.shape_cast %parallel_loop3A_272 : vector<1x16xf32> to vector<16xf32>
        %parallel_loop3A_274 = arith.addf %parallel_loop3A_269, %parallel_loop3A_273 : vector<16xf32>
        %parallel_loop3A_275 = arith.constant 0.000000e+00 : f32
        %parallel_loop3A_276 = vector.broadcast %parallel_loop3A_275 : f32 to vector<16xf32>
        %parallel_loop3A_277 = arith.maximumf %parallel_loop3A_274, %parallel_loop3A_276 : vector<16xf32>
        %parallel_loop3A_278 = arith.index_cast %parallel_loop3A_106 : i32 to index
        %parallel_loop3A_279 = arith.constant 112 : index
        %parallel_loop3A_280 = tpu.vector_load %arg17[%parallel_loop3A_278, %parallel_loop3A_279] {strides = array<i32>} : memref<80x128xf32, #tpu.memory_space<vmem>>, vector<1x16xf32>,
        %parallel_loop3A_281 = vector.shape_cast %parallel_loop3A_280 : vector<1x16xf32> to vector<16xf32>
        %parallel_loop3A_282 = vector.shape_cast %parallel_loop3A_277 : vector<16xf32> to vector<1x16xf32>
        tpu.vector_store %arg17[%parallel_loop3A_278, %parallel_loop3A_279], %parallel_loop3A_282 {strides = array<i32>} : memref<80x128xf32, #tpu.memory_space<vmem>>, vector<1x16xf32>,
      } {sc.loop_unroll_factor = 4 : i64, sc.parallel_access}
      %lt3A_83 = arith.constant 74 : i32
      %lt3A_84 = arith.cmpi slt, %scan3A_45, %lt3A_83 : i32
      %convert_element_type3A_85 = arith.extui %lt3A_84 : i1 to i32
      %cond3A_86 = arith.constant 0 : i32
      %cond3A_87 = arith.cmpi ne, %convert_element_type3A_85, %cond3A_86 : i32
      scf.if %cond3A_87 {
        %mul3A_106 = arith.constant 6000 : i32
        %mul3A_107 = arith.muli %add3A, %mul3A_106 : i32
        %add3A_108 = arith.constant 1 : i32
        %add3A_109 = arith.addi %scan3A_45, %add3A_108 : i32
        %mul3A_110 = arith.constant 80 : i32
        %mul3A_111 = arith.muli %add3A_109, %mul3A_110 : i32
        %add3A_112 = arith.addi %mul3A_107, %mul3A_111 : i32
        %multiple_of3A_113 = tpu.assume_multiple %add3A_112, 80 : i32
        %dma_start3A_114 = arith.constant 0 : i32
        %dma_start3A_115 = tpu.memref_slice %arg12[%sub3A_47, %dma_start3A_114] : memref<2x80xi32, #tpu.memory_space<vmem>> -> memref<1x80xi32, #tpu.memory_space<vmem>>
        %dma_start3A_116 = tpu.memref_squeeze %dma_start3A_115 : memref<1x80xi32, #tpu.memory_space<vmem>> -> memref<80xi32, #tpu.memory_space<vmem>>
        %dma_start3A_117 = arith.constant 0 : i32
        %dma_start3A_118 = arith.constant 0 : i32
        %dma_start3A_119 = tpu.memref_slice %arg2[%dma_start3A_117, %dma_start3A_118] : memref<10000x128xf32, #tpu.memory_space<hbm>> -> memref<10000x128xf32, #tpu.memory_space<hbm>>
        tpu.enqueue_indirect_dma source(%dma_start3A_119 : memref<10000x128xf32, #tpu.memory_space<hbm>>) target(%arg14 : memref<80x128xf32, #tpu.memory_space<vmem>>) offsets(%dma_start3A_116 : memref<80xi32, #tpu.memory_space<vmem>>) semaphore(%arg21 : memref<!tpu.dma_semaphore, #tpu.memory_space<semaphore_mem>>)
        %dma_start3A_120 = arith.constant 0 : i32
        %dma_start3A_121 = tpu.memref_slice %arg13[%sub3A_47, %dma_start3A_120] : memref<2x80xi32, #tpu.memory_space<vmem>> -> memref<1x80xi32, #tpu.memory_space<vmem>>
        %dma_start3A_122 = tpu.memref_squeeze %dma_start3A_121 : memref<1x80xi32, #tpu.memory_space<vmem>> -> memref<80xi32, #tpu.memory_space<vmem>>
        %dma_start3A_123 = arith.constant 0 : i32
        %dma_start3A_124 = arith.constant 0 : i32
        %dma_start3A_125 = tpu.memref_slice %arg3[%dma_start3A_123, %dma_start3A_124] : memref<10000x128xf32, #tpu.memory_space<hbm>> -> memref<10000x128xf32, #tpu.memory_space<hbm>>
        tpu.enqueue_indirect_dma source(%dma_start3A_125 : memref<10000x128xf32, #tpu.memory_space<hbm>>) target(%arg15 : memref<80x128xf32, #tpu.memory_space<vmem>>) offsets(%dma_start3A_122 : memref<80xi32, #tpu.memory_space<vmem>>) semaphore(%arg22 : memref<!tpu.dma_semaphore, #tpu.memory_space<semaphore_mem>>)
        %dma_start3A_126 = arith.constant 0 : i32
        %dma_start3A_127 = tpu.memref_slice %arg4[%multiple_of3A_113, %dma_start3A_126] : memref<192000x128xf32, #tpu.memory_space<hbm>> -> memref<80x128xf32, #tpu.memory_space<hbm>>
        %dma_start3A_128 = arith.constant 0 : i32
        %dma_start3A_129 = tpu.memref_slice %arg4[%multiple_of3A_113, %dma_start3A_128] : memref<192000x128xf32, #tpu.memory_space<hbm>> -> memref<80x128xf32, #tpu.memory_space<hbm>>
        tpu.enqueue_dma source(%dma_start3A_129 : memref<80x128xf32, #tpu.memory_space<hbm>>) target(%arg16 : memref<80x128xf32, #tpu.memory_space<vmem>>) target_semaphore(%arg23 : memref<!tpu.dma_semaphore, #tpu.memory_space<semaphore_mem>>)
      } else {
      }
      %dma_start3A_88 = arith.constant 0 : i32
      %dma_start3A_89 = tpu.memref_slice %arg8[%multiple_of3A_53, %dma_start3A_88] : memref<192000x128xf32, #tpu.memory_space<hbm>> -> memref<80x128xf32, #tpu.memory_space<hbm>>
      %dma_start3A_90 = arith.constant 0 : i32
      %dma_start3A_91 = tpu.memref_slice %arg8[%multiple_of3A_53, %dma_start3A_90] : memref<192000x128xf32, #tpu.memory_space<hbm>> -> memref<80x128xf32, #tpu.memory_space<hbm>>
      tpu.enqueue_dma source(%arg17 : memref<80x128xf32, #tpu.memory_space<vmem>>) target(%dma_start3A_91 : memref<80x128xf32, #tpu.memory_space<hbm>>) target_semaphore(%arg26 : memref<!tpu.dma_semaphore, #tpu.memory_space<semaphore_mem>>)
      "tpu.region"() ({
        %run_scoped3A_106 = tpu.sem_alloc : memref<!tpu.dma_semaphore, #tpu.memory_space<semaphore_mem>>
        %dma_start3A_107 = arith.constant 0 : i32
        %dma_start3A_108 = tpu.memref_slice %arg12[%rem3A_46, %dma_start3A_107] : memref<2x80xi32, #tpu.memory_space<vmem>> -> memref<1x80xi32, #tpu.memory_space<vmem>>
        %dma_start3A_109 = tpu.memref_squeeze %dma_start3A_108 : memref<1x80xi32, #tpu.memory_space<vmem>> -> memref<80xi32, #tpu.memory_space<vmem>>
        %dma_start3A_110 = arith.constant 0 : i32
        %dma_start3A_111 = arith.constant 0 : i32
        %dma_start3A_112 = tpu.memref_slice %arg20[%dma_start3A_110, %dma_start3A_111] : memref<10240x128xf32, #tpu.memory_space<vmem_shared>> -> memref<10240x128xf32, #tpu.memory_space<vmem_shared>>
        tpu.enqueue_indirect_dma source(%arg17 : memref<80x128xf32, #tpu.memory_space<vmem>>) target(%dma_start3A_112 : memref<10240x128xf32, #tpu.memory_space<vmem_shared>>) offsets(%dma_start3A_109 : memref<80xi32, #tpu.memory_space<vmem>>) semaphore(%run_scoped3A_106 : memref<!tpu.dma_semaphore, #tpu.memory_space<semaphore_mem>>) {add = true}
        %dma_wait3A_113 = arith.constant 0 : i32
        %dma_wait3A_114 = tpu.memref_slice %arg12[%rem3A_46, %dma_wait3A_113] : memref<2x80xi32, #tpu.memory_space<vmem>> -> memref<1x80xi32, #tpu.memory_space<vmem>>
        %dma_wait3A_115 = tpu.memref_squeeze %dma_wait3A_114 : memref<1x80xi32, #tpu.memory_space<vmem>> -> memref<80xi32, #tpu.memory_space<vmem>>
        %dma_wait3A_116 = arith.constant 0 : i32
        %dma_wait3A_117 = arith.constant 0 : i32
        %dma_wait3A_118 = tpu.memref_slice %arg20[%dma_wait3A_116, %dma_wait3A_117] : memref<10240x128xf32, #tpu.memory_space<vmem_shared>> -> memref<10240x128xf32, #tpu.memory_space<vmem_shared>>
        tpu.wait_indirect_dma semaphore(%run_scoped3A_106 : memref<!tpu.dma_semaphore, #tpu.memory_space<semaphore_mem>>) src(%arg17 : memref<80x128xf32, #tpu.memory_space<vmem>>) dst(%dma_wait3A_118 : memref<10240x128xf32, #tpu.memory_space<vmem_shared>>)
        tpu.yield
      }) : () -> ()
      %dma_wait3A_92 = arith.constant 0 : i32
      %dma_wait3A_93 = tpu.memref_slice %arg12[%rem3A_46, %dma_wait3A_92] : memref<2x80xi32, #tpu.memory_space<vmem>> -> memref<1x80xi32, #tpu.memory_space<vmem>>
      %dma_wait3A_94 = tpu.memref_squeeze %dma_wait3A_93 : memref<1x80xi32, #tpu.memory_space<vmem>> -> memref<80xi32, #tpu.memory_space<vmem>>
      %dma_wait3A_95 = arith.constant 0 : i32
      %dma_wait3A_96 = tpu.memref_slice %arg7[%dma_wait3A_95] : memref<10000xf32, #tpu.memory_space<hbm>> -> memref<10000xf32, #tpu.memory_space<hbm>>
      tpu.wait_indirect_dma semaphore(%arg24 : memref<!tpu.dma_semaphore, #tpu.memory_space<semaphore_mem>>) src(%dma_wait3A_96 : memref<10000xf32, #tpu.memory_space<hbm>>) dst(%arg18 : memref<80xf32, #tpu.memory_space<vmem>>)
      %dma_wait3A_97 = arith.constant 0 : i32
      %dma_wait3A_98 = tpu.memref_slice %arg13[%rem3A_46, %dma_wait3A_97] : memref<2x80xi32, #tpu.memory_space<vmem>> -> memref<1x80xi32, #tpu.memory_space<vmem>>
      %dma_wait3A_99 = tpu.memref_squeeze %dma_wait3A_98 : memref<1x80xi32, #tpu.memory_space<vmem>> -> memref<80xi32, #tpu.memory_space<vmem>>
      %dma_wait3A_100 = arith.constant 0 : i32
      %dma_wait3A_101 = tpu.memref_slice %arg7[%dma_wait3A_100] : memref<10000xf32, #tpu.memory_space<hbm>> -> memref<10000xf32, #tpu.memory_space<hbm>>
      tpu.wait_indirect_dma semaphore(%arg25 : memref<!tpu.dma_semaphore, #tpu.memory_space<semaphore_mem>>) src(%dma_wait3A_101 : memref<10000xf32, #tpu.memory_space<hbm>>) dst(%arg19 : memref<80xf32, #tpu.memory_space<vmem>>)
      "tpu.region"() ({
        %run_scoped3A_106 = tpu.sem_alloc : memref<!tpu.dma_semaphore, #tpu.memory_space<semaphore_mem>>
        %dma_start3A_107 = tpu.memref_slice %arg9[%multiple_of3A_53] : memref<192000xf32, #tpu.memory_space<hbm>> -> memref<80xf32, #tpu.memory_space<hbm>>
        %dma_start3A_108 = tpu.memref_slice %arg9[%multiple_of3A_53] : memref<192000xf32, #tpu.memory_space<hbm>> -> memref<80xf32, #tpu.memory_space<hbm>>
        tpu.enqueue_dma source(%arg18 : memref<80xf32, #tpu.memory_space<vmem>>) target(%dma_start3A_108 : memref<80xf32, #tpu.memory_space<hbm>>) target_semaphore(%run_scoped3A_106 : memref<!tpu.dma_semaphore, #tpu.memory_space<semaphore_mem>>)
        %dma_wait3A_109 = tpu.memref_slice %arg9[%multiple_of3A_53] : memref<192000xf32, #tpu.memory_space<hbm>> -> memref<80xf32, #tpu.memory_space<hbm>>
        %dma_wait3A_110 = tpu.memref_slice %arg9[%multiple_of3A_53] : memref<192000xf32, #tpu.memory_space<hbm>> -> memref<80xf32, #tpu.memory_space<hbm>>
        tpu.wait_dma2 semaphore(%run_scoped3A_106 : memref<!tpu.dma_semaphore, #tpu.memory_space<semaphore_mem>>) src(%arg18 : memref<80xf32, #tpu.memory_space<vmem>>) dst(%dma_wait3A_110 : memref<80xf32, #tpu.memory_space<hbm>>)
        tpu.yield
      }) : () -> ()
      "tpu.region"() ({
        %run_scoped3A_106 = tpu.sem_alloc : memref<!tpu.dma_semaphore, #tpu.memory_space<semaphore_mem>>
        %dma_start3A_107 = tpu.memref_slice %arg10[%multiple_of3A_53] : memref<192000xf32, #tpu.memory_space<hbm>> -> memref<80xf32, #tpu.memory_space<hbm>>
        %dma_start3A_108 = tpu.memref_slice %arg10[%multiple_of3A_53] : memref<192000xf32, #tpu.memory_space<hbm>> -> memref<80xf32, #tpu.memory_space<hbm>>
        tpu.enqueue_dma source(%arg19 : memref<80xf32, #tpu.memory_space<vmem>>) target(%dma_start3A_108 : memref<80xf32, #tpu.memory_space<hbm>>) target_semaphore(%run_scoped3A_106 : memref<!tpu.dma_semaphore, #tpu.memory_space<semaphore_mem>>)
        %dma_wait3A_109 = tpu.memref_slice %arg10[%multiple_of3A_53] : memref<192000xf32, #tpu.memory_space<hbm>> -> memref<80xf32, #tpu.memory_space<hbm>>
        %dma_wait3A_110 = tpu.memref_slice %arg10[%multiple_of3A_53] : memref<192000xf32, #tpu.memory_space<hbm>> -> memref<80xf32, #tpu.memory_space<hbm>>
        tpu.wait_dma2 semaphore(%run_scoped3A_106 : memref<!tpu.dma_semaphore, #tpu.memory_space<semaphore_mem>>) src(%arg19 : memref<80xf32, #tpu.memory_space<vmem>>) dst(%dma_wait3A_110 : memref<80xf32, #tpu.memory_space<hbm>>)
        tpu.yield
      }) : () -> ()
      %dma_wait3A_102 = arith.constant 0 : i32
      %dma_wait3A_103 = tpu.memref_slice %arg8[%multiple_of3A_53, %dma_wait3A_102] : memref<192000x128xf32, #tpu.memory_space<hbm>> -> memref<80x128xf32, #tpu.memory_space<hbm>>
      %dma_wait3A_104 = arith.constant 0 : i32
      %dma_wait3A_105 = tpu.memref_slice %arg8[%multiple_of3A_53, %dma_wait3A_104] : memref<192000x128xf32, #tpu.memory_space<hbm>> -> memref<80x128xf32, #tpu.memory_space<hbm>>
      tpu.wait_dma2 semaphore(%arg26 : memref<!tpu.dma_semaphore, #tpu.memory_space<semaphore_mem>>) src(%arg17 : memref<80x128xf32, #tpu.memory_space<vmem>>) dst(%dma_wait3A_105 : memref<80x128xf32, #tpu.memory_space<hbm>>)
    }
    %scan3A_40 = arith.constant 75 : i32
    %barrier3A_41 = arith.constant 0 : index
    tpu.barrier barrier_id(%barrier3A_41)
    %mul3A_42 = arith.constant 640 : i32
    %mul3A_43 = arith.muli %arg1, %mul3A_42 : i32
    %multiple_of3A_44 = tpu.assume_multiple %mul3A_43, 640 : i32
    "tpu.region"() ({
      %run_scoped3A_45 = tpu.sem_alloc : memref<!tpu.dma_semaphore, #tpu.memory_space<semaphore_mem>>
      %dma_start3A_46 = arith.constant 0 : i32
      %dma_start3A_47 = tpu.memref_slice %arg11[%arg0, %multiple_of3A_44, %dma_start3A_46] : memref<2x10240x128xf32, #tpu.memory_space<hbm>> -> memref<1x640x128xf32, #tpu.memory_space<hbm>>
      %dma_start3A_48 = tpu.memref_squeeze %dma_start3A_47 : memref<1x640x128xf32, #tpu.memory_space<hbm>> -> memref<640x128xf32, #tpu.memory_space<hbm>>
      %dma_start3A_49 = arith.constant 0 : i32
      %dma_start3A_50 = tpu.memref_slice %arg20[%multiple_of3A_44, %dma_start3A_49] : memref<10240x128xf32, #tpu.memory_space<vmem_shared>> -> memref<640x128xf32, #tpu.memory_space<vmem_shared>>
      tpu.enqueue_dma source(%dma_start3A_50 : memref<640x128xf32, #tpu.memory_space<vmem_shared>>) target(%dma_start3A_48 : memref<640x128xf32, #tpu.memory_space<hbm>>) target_semaphore(%run_scoped3A_45 : memref<!tpu.dma_semaphore, #tpu.memory_space<semaphore_mem>>)
      %dma_wait3A = arith.constant 0 : i32
      %dma_wait3A_51 = tpu.memref_slice %arg11[%arg0, %multiple_of3A_44, %dma_wait3A] : memref<2x10240x128xf32, #tpu.memory_space<hbm>> -> memref<1x640x128xf32, #tpu.memory_space<hbm>>
      %dma_wait3A_52 = tpu.memref_squeeze %dma_wait3A_51 : memref<1x640x128xf32, #tpu.memory_space<hbm>> -> memref<640x128xf32, #tpu.memory_space<hbm>>
      %dma_wait3A_53 = arith.constant 0 : i32
      %dma_wait3A_54 = tpu.memref_slice %arg20[%multiple_of3A_44, %dma_wait3A_53] : memref<10240x128xf32, #tpu.memory_space<vmem_shared>> -> memref<640x128xf32, #tpu.memory_space<vmem_shared>>
      tpu.wait_dma2 semaphore(%run_scoped3A_45 : memref<!tpu.dma_semaphore, #tpu.memory_space<semaphore_mem>>) src(%dma_wait3A_54 : memref<640x128xf32, #tpu.memory_space<vmem_shared>>) dst(%dma_wait3A_52 : memref<640x128xf32, #tpu.memory_space<hbm>>)
      tpu.yield
    }) : () -> ()
    return
  }
}

module attributes {stable_mosaic.version = 14 : i64} {
  func.func @_k_tables(%arg0: i32, %arg1: memref<1000x128xf32, #tpu.memory_space<vmem>>, %arg2: memref<128x128xf32, #tpu.memory_space<vmem>>, %arg3: memref<128x128xf32, #tpu.memory_space<vmem>>, %arg4: memref<1000x128xf32, #tpu.memory_space<vmem>>, %arg5: memref<1000x128xf32, #tpu.memory_space<vmem>>) attributes {dimension_semantics = [#tpu.dimension_semantics<arbitrary>], iteration_bounds = array<i64: 10>, scalar_prefetch = 0 : i64, scratch_operands = 0 : i64, tpu.core_type = #tpu.core_type<tc>, window_params = [{transform_indices = @transform_0, window_bounds = array<i64: 1000, 128>}, {pipeline_mode = #tpu.pipeline_mode<synchronous>, transform_indices = @transform_1, window_bounds = array<i64: 128, 128>}, {pipeline_mode = #tpu.pipeline_mode<synchronous>, transform_indices = @transform_2, window_bounds = array<i64: 128, 128>}, {transform_indices = @transform_3, window_bounds = array<i64: 1000, 128>}, {transform_indices = @transform_4, window_bounds = array<i64: 1000, 128>}]} {
    %get3A = arith.constant 0 : index
    %get3A_0 = arith.constant 0 : index
    %get3A_1 = vector.load %arg1[%get3A, %get3A_0] : memref<1000x128xf32, #tpu.memory_space<vmem>>, vector<1000x128xf32>
    %get3A_2 = arith.constant 0 : index
    %get3A_3 = arith.constant 0 : index
    %get3A_4 = vector.load %arg2[%get3A_2, %get3A_3] : memref<128x128xf32, #tpu.memory_space<vmem>>, vector<128x128xf32>
    %dot_general3A = arith.constant dense<0.000000e+00> : vector<1000x128xf32>
    %dot_general3A_5 = tpu.matmul %get3A_1, %get3A_4, %dot_general3A {dimension_numbers = #tpu.dot_dimension_numbers<[1], [0], [0], [1], [0, 0, 1, 1], [], []>, transpose_lhs_hint = false} : vector<1000x128xf32>, vector<128x128xf32>, vector<1000x128xf32> -> vector<1000x128xf32>
    %swap3A = arith.constant 0 : index
    %swap3A_6 = arith.constant 0 : index
    %swap3A_7 = vector.load %arg4[%swap3A, %swap3A_6] : memref<1000x128xf32, #tpu.memory_space<vmem>>, vector<1000x128xf32>
    tpu.vector_store %arg4[%swap3A, %swap3A_6], %dot_general3A_5 {strides = array<i32>} : memref<1000x128xf32, #tpu.memory_space<vmem>>, vector<1000x128xf32>,
    %get3A_8 = arith.constant 0 : index
    %get3A_9 = arith.constant 0 : index
    %get3A_10 = vector.load %arg3[%get3A_8, %get3A_9] : memref<128x128xf32, #tpu.memory_space<vmem>>, vector<128x128xf32>
    %dot_general3A_11 = arith.constant dense<0.000000e+00> : vector<1000x128xf32>
    %dot_general3A_12 = tpu.matmul %get3A_1, %get3A_10, %dot_general3A_11 {dimension_numbers = #tpu.dot_dimension_numbers<[1], [0], [0], [1], [0, 0, 1, 1], [], []>, transpose_lhs_hint = false} : vector<1000x128xf32>, vector<128x128xf32>, vector<1000x128xf32> -> vector<1000x128xf32>
    %swap3A_13 = arith.constant 0 : index
    %swap3A_14 = arith.constant 0 : index
    %swap3A_15 = vector.load %arg5[%swap3A_13, %swap3A_14] : memref<1000x128xf32, #tpu.memory_space<vmem>>, vector<1000x128xf32>
    tpu.vector_store %arg5[%swap3A_13, %swap3A_14], %dot_general3A_12 {strides = array<i32>} : memref<1000x128xf32, #tpu.memory_space<vmem>>, vector<1000x128xf32>,
    return
  }
  func.func @transform_0(%arg0: i32) -> (i32, i32) {
    %c0_i32 = arith.constant 0 : i32
    %c0_i32_0 = arith.constant 0 : i32
    return %arg0, %c0_i32 : i32, i32
  }
  func.func @transform_1(%arg0: i32) -> (i32, i32) {
    %c0_i32 = arith.constant 0 : i32
    %c0_i32_0 = arith.constant 0 : i32
    %c0_i32_1 = arith.constant 0 : i32
    return %c0_i32, %c0_i32_0 : i32, i32
  }
  func.func @transform_2(%arg0: i32) -> (i32, i32) {
    %c0_i32 = arith.constant 0 : i32
    %c0_i32_0 = arith.constant 0 : i32
    %c0_i32_1 = arith.constant 0 : i32
    return %c0_i32, %c0_i32_0 : i32, i32
  }
  func.func @transform_3(%arg0: i32) -> (i32, i32) {
    %c0_i32 = arith.constant 0 : i32
    %c0_i32_0 = arith.constant 0 : i32
    return %arg0, %c0_i32 : i32, i32
  }
  func.func @transform_4(%arg0: i32) -> (i32, i32) {
    %c0_i32 = arith.constant 0 : i32
    %c0_i32_0 = arith.constant 0 : i32
    return %arg0, %c0_i32 : i32, i32
  }
}

module attributes {stable_mosaic.version = 14 : i64} {
  func.func @_k_q(%arg0: i32, %arg1: memref<16x2560xf32, #tpu.memory_space<vmem>>, %arg2: memref<16x128xf32, #tpu.memory_space<vmem>>, %arg3: memref<1x64xf32, #tpu.memory_space<vmem>>, %arg4: memref<64x128xf32, #tpu.memory_space<vmem>>, %arg5: memref<1x128xf32, #tpu.memory_space<vmem>>, %arg6: memref<2560x128xf32, #tpu.memory_space<vmem>>) attributes {dimension_semantics = [#tpu.dimension_semantics<arbitrary>], iteration_bounds = array<i64: 75>, scalar_prefetch = 0 : i64, scratch_operands = 0 : i64, tpu.core_type = #tpu.core_type<tc>, window_params = [{transform_indices = @transform_0, window_bounds = array<i64: 16, 2560>}, {pipeline_mode = #tpu.pipeline_mode<synchronous>, transform_indices = @transform_1, window_bounds = array<i64: 16, 128>}, {pipeline_mode = #tpu.pipeline_mode<synchronous>, transform_indices = @transform_2, window_bounds = array<i64: 1, 64>}, {pipeline_mode = #tpu.pipeline_mode<synchronous>, transform_indices = @transform_3, window_bounds = array<i64: 64, 128>}, {pipeline_mode = #tpu.pipeline_mode<synchronous>, transform_indices = @transform_4, window_bounds = array<i64: 1, 128>}, {transform_indices = @transform_5, window_bounds = array<i64: 2560, 128>}]} {
    %get3A = arith.constant 0 : index
    %get3A_0 = arith.constant 0 : index
    %get3A_1 = vector.load %arg1[%get3A, %get3A_0] : memref<16x2560xf32, #tpu.memory_space<vmem>>, vector<16x2560xf32>
    %get3A_2 = arith.constant 0 : index
    %get3A_3 = arith.constant 0 : index
    %get3A_4 = vector.load %arg2[%get3A_2, %get3A_3] : memref<16x128xf32, #tpu.memory_space<vmem>>, vector<16x128xf32>
    %dot_general3A = arith.constant dense<0.000000e+00> : vector<2560x128xf32>
    %dot_general3A_5 = tpu.matmul %get3A_1, %get3A_4, %dot_general3A {dimension_numbers = #tpu.dot_dimension_numbers<[0], [0], [1], [1], [0, 1, 1, 1], [], []>, transpose_lhs_hint = false} : vector<16x2560xf32>, vector<16x128xf32>, vector<2560x128xf32> -> vector<2560x128xf32>
    %get3A_6 = arith.constant 0 : index
    %get3A_7 = arith.constant 0 : index
    %get3A_8 = vector.load %arg3[%get3A_6, %get3A_7] : memref<1x64xf32, #tpu.memory_space<vmem>>, vector<1x64xf32>
    %get3A_9 = arith.constant 0 : index
    %get3A_10 = arith.constant 0 : index
    %get3A_11 = vector.load %arg4[%get3A_9, %get3A_10] : memref<64x128xf32, #tpu.memory_space<vmem>>, vector<64x128xf32>
    %dot_general3A_12 = arith.constant dense<0.000000e+00> : vector<1x128xf32>
    %dot_general3A_13 = tpu.matmul %get3A_8, %get3A_11, %dot_general3A_12 {dimension_numbers = #tpu.dot_dimension_numbers<[1], [0], [0], [1], [0, 0, 1, 1], [], []>, transpose_lhs_hint = false} : vector<1x64xf32>, vector<64x128xf32>, vector<1x128xf32> -> vector<1x128xf32>
    %add3A = vector.broadcast %dot_general3A_13 : vector<1x128xf32> to vector<2560x128xf32>
    %add3A_14 = arith.addf %dot_general3A_5, %add3A : vector<2560x128xf32>
    %get3A_15 = arith.constant 0 : index
    %get3A_16 = arith.constant 0 : index
    %get3A_17 = vector.load %arg5[%get3A_15, %get3A_16] : memref<1x128xf32, #tpu.memory_space<vmem>>, vector<1x128xf32>
    %add3A_18 = vector.broadcast %get3A_17 : vector<1x128xf32> to vector<2560x128xf32>
    %add3A_19 = arith.addf %add3A_14, %add3A_18 : vector<2560x128xf32>
    %swap3A = arith.constant 0 : index
    %swap3A_20 = arith.constant 0 : index
    %swap3A_21 = vector.load %arg6[%swap3A, %swap3A_20] : memref<2560x128xf32, #tpu.memory_space<vmem>>, vector<2560x128xf32>
    tpu.vector_store %arg6[%swap3A, %swap3A_20], %add3A_19 {strides = array<i32>} : memref<2560x128xf32, #tpu.memory_space<vmem>>, vector<2560x128xf32>,
    return
  }
  func.func @transform_0(%arg0: i32) -> (i32, i32) {
    %add3A = arith.constant 0 : i32
    %add3A_0 = arith.addi %arg0, %add3A : i32
    %c0_i32 = arith.constant 0 : i32
    %c0_i32_1 = arith.constant 0 : i32
    return %c0_i32, %add3A_0 : i32, i32
  }
  func.func @transform_1(%arg0: i32) -> (i32, i32) {
    %c0_i32 = arith.constant 0 : i32
    %c0_i32_0 = arith.constant 0 : i32
    %c0_i32_1 = arith.constant 0 : i32
    return %c0_i32, %c0_i32_0 : i32, i32
  }
  func.func @transform_2(%arg0: i32) -> (i32, i32) {
    %c0_i32 = arith.constant 0 : i32
    %c0_i32_0 = arith.constant 0 : i32
    %c0_i32_1 = arith.constant 0 : i32
    return %c0_i32, %c0_i32_0 : i32, i32
  }
  func.func @transform_3(%arg0: i32) -> (i32, i32) {
    %c0_i32 = arith.constant 0 : i32
    %c0_i32_0 = arith.constant 0 : i32
    %c0_i32_1 = arith.constant 0 : i32
    return %c0_i32, %c0_i32_0 : i32, i32
  }
  func.func @transform_4(%arg0: i32) -> (i32, i32) {
    %c0_i32 = arith.constant 0 : i32
    %c0_i32_0 = arith.constant 0 : i32
    %c0_i32_1 = arith.constant 0 : i32
    return %c0_i32, %c0_i32_0 : i32, i32
  }
  func.func @transform_5(%arg0: i32) -> (i32, i32) {
    %c0_i32 = arith.constant 0 : i32
    %c0_i32_0 = arith.constant 0 : i32
    return %arg0, %c0_i32 : i32, i32
  }
}

module attributes {stable_mosaic.version = 14 : i64} {
  func.func @_k_q(%arg0: i32, %arg1: memref<16x2560xf32, #tpu.memory_space<vmem>>, %arg2: memref<16x128xf32, #tpu.memory_space<vmem>>, %arg3: memref<1x64xf32, #tpu.memory_space<vmem>>, %arg4: memref<64x128xf32, #tpu.memory_space<vmem>>, %arg5: memref<1x128xf32, #tpu.memory_space<vmem>>, %arg6: memref<2560x128xf32, #tpu.memory_space<vmem>>) attributes {dimension_semantics = [#tpu.dimension_semantics<arbitrary>], iteration_bounds = array<i64: 50>, scalar_prefetch = 0 : i64, scratch_operands = 0 : i64, tpu.core_type = #tpu.core_type<tc>, window_params = [{transform_indices = @transform_0, window_bounds = array<i64: 16, 2560>}, {pipeline_mode = #tpu.pipeline_mode<synchronous>, transform_indices = @transform_1, window_bounds = array<i64: 16, 128>}, {pipeline_mode = #tpu.pipeline_mode<synchronous>, transform_indices = @transform_2, window_bounds = array<i64: 1, 64>}, {pipeline_mode = #tpu.pipeline_mode<synchronous>, transform_indices = @transform_3, window_bounds = array<i64: 64, 128>}, {pipeline_mode = #tpu.pipeline_mode<synchronous>, transform_indices = @transform_4, window_bounds = array<i64: 1, 128>}, {transform_indices = @transform_5, window_bounds = array<i64: 2560, 128>}]} {
    %get3A = arith.constant 0 : index
    %get3A_0 = arith.constant 0 : index
    %get3A_1 = vector.load %arg1[%get3A, %get3A_0] : memref<16x2560xf32, #tpu.memory_space<vmem>>, vector<16x2560xf32>
    %get3A_2 = arith.constant 0 : index
    %get3A_3 = arith.constant 0 : index
    %get3A_4 = vector.load %arg2[%get3A_2, %get3A_3] : memref<16x128xf32, #tpu.memory_space<vmem>>, vector<16x128xf32>
    %dot_general3A = arith.constant dense<0.000000e+00> : vector<2560x128xf32>
    %dot_general3A_5 = tpu.matmul %get3A_1, %get3A_4, %dot_general3A {dimension_numbers = #tpu.dot_dimension_numbers<[0], [0], [1], [1], [0, 1, 1, 1], [], []>, transpose_lhs_hint = false} : vector<16x2560xf32>, vector<16x128xf32>, vector<2560x128xf32> -> vector<2560x128xf32>
    %get3A_6 = arith.constant 0 : index
    %get3A_7 = arith.constant 0 : index
    %get3A_8 = vector.load %arg3[%get3A_6, %get3A_7] : memref<1x64xf32, #tpu.memory_space<vmem>>, vector<1x64xf32>
    %get3A_9 = arith.constant 0 : index
    %get3A_10 = arith.constant 0 : index
    %get3A_11 = vector.load %arg4[%get3A_9, %get3A_10] : memref<64x128xf32, #tpu.memory_space<vmem>>, vector<64x128xf32>
    %dot_general3A_12 = arith.constant dense<0.000000e+00> : vector<1x128xf32>
    %dot_general3A_13 = tpu.matmul %get3A_8, %get3A_11, %dot_general3A_12 {dimension_numbers = #tpu.dot_dimension_numbers<[1], [0], [0], [1], [0, 0, 1, 1], [], []>, transpose_lhs_hint = false} : vector<1x64xf32>, vector<64x128xf32>, vector<1x128xf32> -> vector<1x128xf32>
    %add3A = vector.broadcast %dot_general3A_13 : vector<1x128xf32> to vector<2560x128xf32>
    %add3A_14 = arith.addf %dot_general3A_5, %add3A : vector<2560x128xf32>
    %get3A_15 = arith.constant 0 : index
    %get3A_16 = arith.constant 0 : index
    %get3A_17 = vector.load %arg5[%get3A_15, %get3A_16] : memref<1x128xf32, #tpu.memory_space<vmem>>, vector<1x128xf32>
    %add3A_18 = vector.broadcast %get3A_17 : vector<1x128xf32> to vector<2560x128xf32>
    %add3A_19 = arith.addf %add3A_14, %add3A_18 : vector<2560x128xf32>
    %swap3A = arith.constant 0 : index
    %swap3A_20 = arith.constant 0 : index
    %swap3A_21 = vector.load %arg6[%swap3A, %swap3A_20] : memref<2560x128xf32, #tpu.memory_space<vmem>>, vector<2560x128xf32>
    tpu.vector_store %arg6[%swap3A, %swap3A_20], %add3A_19 {strides = array<i32>} : memref<2560x128xf32, #tpu.memory_space<vmem>>, vector<2560x128xf32>,
    return
  }
  func.func @transform_0(%arg0: i32) -> (i32, i32) {
    %add3A = arith.constant 75 : i32
    %add3A_0 = arith.addi %arg0, %add3A : i32
    %c0_i32 = arith.constant 0 : i32
    %c0_i32_1 = arith.constant 0 : i32
    return %c0_i32, %add3A_0 : i32, i32
  }
  func.func @transform_1(%arg0: i32) -> (i32, i32) {
    %c0_i32 = arith.constant 0 : i32
    %c0_i32_0 = arith.constant 0 : i32
    %c0_i32_1 = arith.constant 0 : i32
    return %c0_i32, %c0_i32_0 : i32, i32
  }
  func.func @transform_2(%arg0: i32) -> (i32, i32) {
    %c0_i32 = arith.constant 0 : i32
    %c0_i32_0 = arith.constant 0 : i32
    %c0_i32_1 = arith.constant 0 : i32
    return %c0_i32, %c0_i32_0 : i32, i32
  }
  func.func @transform_3(%arg0: i32) -> (i32, i32) {
    %c0_i32 = arith.constant 0 : i32
    %c0_i32_0 = arith.constant 0 : i32
    %c0_i32_1 = arith.constant 0 : i32
    return %c0_i32, %c0_i32_0 : i32, i32
  }
  func.func @transform_4(%arg0: i32) -> (i32, i32) {
    %c0_i32 = arith.constant 0 : i32
    %c0_i32_0 = arith.constant 0 : i32
    %c0_i32_1 = arith.constant 0 : i32
    return %c0_i32, %c0_i32_0 : i32, i32
  }
  func.func @transform_5(%arg0: i32) -> (i32, i32) {
    %c0_i32 = arith.constant 0 : i32
    %c0_i32_0 = arith.constant 0 : i32
    return %arg0, %c0_i32 : i32, i32
  }
}

module attributes {stable_mosaic.version = 14 : i64} {
  func.func @_k_node(%arg0: i32, %arg1: memref<1000x128xf32, #tpu.memory_space<vmem>>, %arg2: memref<1000x128xf32, #tpu.memory_space<vmem>>, %arg3: memref<1000x128xf32, #tpu.memory_space<vmem>>, %arg4: memref<1000x128xf32, #tpu.memory_space<vmem>>, %arg5: memref<1000x128xf32, #tpu.memory_space<vmem>>, %arg6: memref<1x64xf32, #tpu.memory_space<vmem>>, %arg7: memref<128x128xf32, #tpu.memory_space<vmem>>, %arg8: memref<128x128xf32, #tpu.memory_space<vmem>>, %arg9: memref<64x128xf32, #tpu.memory_space<vmem>>, %arg10: memref<1x128xf32, #tpu.memory_space<vmem>>, %arg11: memref<128x128xf32, #tpu.memory_space<vmem>>, %arg12: memref<128x128xf32, #tpu.memory_space<vmem>>, %arg13: memref<1000x128xf32, #tpu.memory_space<vmem>>, %arg14: memref<1000x128xf32, #tpu.memory_space<vmem>>, %arg15: memref<1x128xf32, #tpu.memory_space<vmem>>, %arg16: memref<1x128xf32, #tpu.memory_space<vmem>>) attributes {dimension_semantics = [#tpu.dimension_semantics<arbitrary>], iteration_bounds = array<i64: 10>, scalar_prefetch = 0 : i64, scratch_operands = 0 : i64, tpu.core_type = #tpu.core_type<tc>, window_params = [{transform_indices = @transform_0, window_bounds = array<i64: 1000, 128>}, {transform_indices = @transform_1, window_bounds = array<i64: 1000, 128>}, {transform_indices = @transform_2, window_bounds = array<i64: 1000, 128>}, {transform_indices = @transform_3, window_bounds = array<i64: 1000, 128>}, {transform_indices = @transform_4, window_bounds = array<i64: 1000, 128>}, {pipeline_mode = #tpu.pipeline_mode<synchronous>, transform_indices = @transform_5, window_bounds = array<i64: 1, 64>}, {pipeline_mode = #tpu.pipeline_mode<synchronous>, transform_indices = @transform_6, window_bounds = array<i64: 128, 128>}, {pipeline_mode = #tpu.pipeline_mode<synchronous>, transform_indices = @transform_7, window_bounds = array<i64: 128, 128>}, {pipeline_mode = #tpu.pipeline_mode<synchronous>, transform_indices = @transform_8, window_bounds = array<i64: 64, 128>}, {pipeline_mode = #tpu.pipeline_mode<synchronous>, transform_indices = @transform_9, window_bounds = array<i64: 1, 128>}, {pipeline_mode = #tpu.pipeline_mode<synchronous>, transform_indices = @transform_10, window_bounds = array<i64: 128, 128>}, {pipeline_mode = #tpu.pipeline_mode<synchronous>, transform_indices = @transform_11, window_bounds = array<i64: 128, 128>}, {transform_indices = @transform_12, window_bounds = array<i64: 1000, 128>}, {transform_indices = @transform_13, window_bounds = array<i64: 1000, 128>}, {pipeline_mode = #tpu.pipeline_mode<synchronous>, transform_indices = @transform_14, window_bounds = array<i64: 1, 128>}, {pipeline_mode = #tpu.pipeline_mode<synchronous>, transform_indices = @transform_15, window_bounds = array<i64: 1, 128>}]} {
    %get3A = arith.constant 0 : index
    %get3A_0 = arith.constant 0 : index
    %get3A_1 = vector.load %arg1[%get3A, %get3A_0] : memref<1000x128xf32, #tpu.memory_space<vmem>>, vector<1000x128xf32>
    %get3A_2 = arith.constant 0 : index
    %get3A_3 = arith.constant 0 : index
    %get3A_4 = vector.load %arg2[%get3A_2, %get3A_3] : memref<1000x128xf32, #tpu.memory_space<vmem>>, vector<1000x128xf32>
    %add3A = arith.addf %get3A_1, %get3A_4 : vector<1000x128xf32>
    %get3A_5 = arith.constant 0 : index
    %get3A_6 = arith.constant 0 : index
    %get3A_7 = vector.load %arg3[%get3A_5, %get3A_6] : memref<1000x128xf32, #tpu.memory_space<vmem>>, vector<1000x128xf32>
    %get3A_8 = arith.constant 0 : index
    %get3A_9 = arith.constant 0 : index
    %get3A_10 = vector.load %arg4[%get3A_8, %get3A_9] : memref<1000x128xf32, #tpu.memory_space<vmem>>, vector<1000x128xf32>
    %add3A_11 = arith.addf %get3A_7, %get3A_10 : vector<1000x128xf32>
    %add3A_12 = arith.addf %add3A, %add3A_11 : vector<1000x128xf32>
    %get3A_13 = arith.constant 0 : index
    %get3A_14 = arith.constant 0 : index
    %get3A_15 = vector.load %arg7[%get3A_13, %get3A_14] : memref<128x128xf32, #tpu.memory_space<vmem>>, vector<128x128xf32>
    %dot_general3A = arith.constant dense<0.000000e+00> : vector<1000x128xf32>
    %dot_general3A_16 = tpu.matmul %add3A_12, %get3A_15, %dot_general3A {dimension_numbers = #tpu.dot_dimension_numbers<[1], [0], [0], [1], [0, 0, 1, 1], [], []>, transpose_lhs_hint = false} : vector<1000x128xf32>, vector<128x128xf32>, vector<1000x128xf32> -> vector<1000x128xf32>
    %get3A_17 = arith.constant 0 : index
    %get3A_18 = arith.constant 0 : index
    %get3A_19 = vector.load %arg5[%get3A_17, %get3A_18] : memref<1000x128xf32, #tpu.memory_space<vmem>>, vector<1000x128xf32>
    %get3A_20 = arith.constant 0 : index
    %get3A_21 = arith.constant 0 : index
    %get3A_22 = vector.load %arg8[%get3A_20, %get3A_21] : memref<128x128xf32, #tpu.memory_space<vmem>>, vector<128x128xf32>
    %dot_general3A_23 = arith.constant dense<0.000000e+00> : vector<1000x128xf32>
    %dot_general3A_24 = tpu.matmul %get3A_19, %get3A_22, %dot_general3A_23 {dimension_numbers = #tpu.dot_dimension_numbers<[1], [0], [0], [1], [0, 0, 1, 1], [], []>, transpose_lhs_hint = false} : vector<1000x128xf32>, vector<128x128xf32>, vector<1000x128xf32> -> vector<1000x128xf32>
    %add3A_25 = arith.addf %dot_general3A_16, %dot_general3A_24 : vector<1000x128xf32>
    %get3A_26 = arith.constant 0 : index
    %get3A_27 = arith.constant 0 : index
    %get3A_28 = vector.load %arg6[%get3A_26, %get3A_27] : memref<1x64xf32, #tpu.memory_space<vmem>>, vector<1x64xf32>
    %get3A_29 = arith.constant 0 : index
    %get3A_30 = arith.constant 0 : index
    %get3A_31 = vector.load %arg9[%get3A_29, %get3A_30] : memref<64x128xf32, #tpu.memory_space<vmem>>, vector<64x128xf32>
    %dot_general3A_32 = arith.constant dense<0.000000e+00> : vector<1x128xf32>
    %dot_general3A_33 = tpu.matmul %get3A_28, %get3A_31, %dot_general3A_32 {dimension_numbers = #tpu.dot_dimension_numbers<[1], [0], [0], [1], [0, 0, 1, 1], [], []>, transpose_lhs_hint = false} : vector<1x64xf32>, vector<64x128xf32>, vector<1x128xf32> -> vector<1x128xf32>
    %add3A_34 = vector.broadcast %dot_general3A_33 : vector<1x128xf32> to vector<1000x128xf32>
    %add3A_35 = arith.addf %add3A_25, %add3A_34 : vector<1000x128xf32>
    %get3A_36 = arith.constant 0 : index
    %get3A_37 = arith.constant 0 : index
    %get3A_38 = vector.load %arg10[%get3A_36, %get3A_37] : memref<1x128xf32, #tpu.memory_space<vmem>>, vector<1x128xf32>
    %add3A_39 = vector.broadcast %get3A_38 : vector<1x128xf32> to vector<1000x128xf32>
    %add3A_40 = arith.addf %add3A_35, %add3A_39 : vector<1000x128xf32>
    %max3A = arith.constant 0.000000e+00 : f32
    %max3A_41 = vector.broadcast %max3A : f32 to vector<1000x128xf32>
    %max3A_42 = arith.maximumf %add3A_40, %max3A_41 : vector<1000x128xf32>
    %get3A_43 = arith.constant 0 : index
    %get3A_44 = arith.constant 0 : index
    %get3A_45 = vector.load %arg11[%get3A_43, %get3A_44] : memref<128x128xf32, #tpu.memory_space<vmem>>, vector<128x128xf32>
    %dot_general3A_46 = arith.constant dense<0.000000e+00> : vector<1000x128xf32>
    %dot_general3A_47 = tpu.matmul %max3A_42, %get3A_45, %dot_general3A_46 {dimension_numbers = #tpu.dot_dimension_numbers<[1], [0], [0], [1], [0, 0, 1, 1], [], []>, transpose_lhs_hint = false} : vector<1000x128xf32>, vector<128x128xf32>, vector<1000x128xf32> -> vector<1000x128xf32>
    %swap3A = arith.constant 0 : index
    %swap3A_48 = arith.constant 0 : index
    %swap3A_49 = vector.load %arg13[%swap3A, %swap3A_48] : memref<1000x128xf32, #tpu.memory_space<vmem>>, vector<1000x128xf32>
    tpu.vector_store %arg13[%swap3A, %swap3A_48], %dot_general3A_47 {strides = array<i32>} : memref<1000x128xf32, #tpu.memory_space<vmem>>, vector<1000x128xf32>,
    %get3A_50 = arith.constant 0 : index
    %get3A_51 = arith.constant 0 : index
    %get3A_52 = vector.load %arg12[%get3A_50, %get3A_51] : memref<128x128xf32, #tpu.memory_space<vmem>>, vector<128x128xf32>
    %dot_general3A_53 = arith.constant dense<0.000000e+00> : vector<1000x128xf32>
    %dot_general3A_54 = tpu.matmul %max3A_42, %get3A_52, %dot_general3A_53 {dimension_numbers = #tpu.dot_dimension_numbers<[1], [0], [0], [1], [0, 0, 1, 1], [], []>, transpose_lhs_hint = false} : vector<1000x128xf32>, vector<128x128xf32>, vector<1000x128xf32> -> vector<1000x128xf32>
    %swap3A_55 = arith.constant 0 : index
    %swap3A_56 = arith.constant 0 : index
    %swap3A_57 = vector.load %arg14[%swap3A_55, %swap3A_56] : memref<1000x128xf32, #tpu.memory_space<vmem>>, vector<1000x128xf32>
    tpu.vector_store %arg14[%swap3A_55, %swap3A_56], %dot_general3A_54 {strides = array<i32>} : memref<1000x128xf32, #tpu.memory_space<vmem>>, vector<1000x128xf32>,
    %eq3A = arith.constant 0 : i32
    %eq3A_58 = arith.cmpi eq, %arg0, %eq3A : i32
    %convert_element_type3A = arith.extui %eq3A_58 : i1 to i32
    %cond3A = arith.constant 0 : i32
    %cond3A_59 = arith.cmpi ne, %convert_element_type3A, %cond3A : i32
    scf.if %cond3A_59 {
      %broadcast_in_dim3A_78 = arith.constant 0.000000e+00 : f32
      %broadcast_in_dim3A_79 = vector.broadcast %broadcast_in_dim3A_78 : f32 to vector<1x128xf32>
      %swap3A_80 = arith.constant 0 : index
      %swap3A_81 = arith.constant 0 : index
      %swap3A_82 = vector.load %arg15[%swap3A_80, %swap3A_81] : memref<1x128xf32, #tpu.memory_space<vmem>>, vector<1x128xf32>
      tpu.vector_store %arg15[%swap3A_80, %swap3A_81], %broadcast_in_dim3A_79 {strides = array<i32>} : memref<1x128xf32, #tpu.memory_space<vmem>>, vector<1x128xf32>,
      %broadcast_in_dim3A_83 = arith.constant 0.000000e+00 : f32
      %broadcast_in_dim3A_84 = vector.broadcast %broadcast_in_dim3A_83 : f32 to vector<1x128xf32>
      %swap3A_85 = arith.constant 0 : index
      %swap3A_86 = arith.constant 0 : index
      %swap3A_87 = vector.load %arg16[%swap3A_85, %swap3A_86] : memref<1x128xf32, #tpu.memory_space<vmem>>, vector<1x128xf32>
      tpu.vector_store %arg16[%swap3A_85, %swap3A_86], %broadcast_in_dim3A_84 {strides = array<i32>} : memref<1x128xf32, #tpu.memory_space<vmem>>, vector<1x128xf32>,
    } else {
    }
    %get3A_60 = arith.constant 0 : index
    %get3A_61 = arith.constant 0 : index
    %get3A_62 = vector.load %arg15[%get3A_60, %get3A_61] : memref<1x128xf32, #tpu.memory_space<vmem>>, vector<1x128xf32>
    %reduce_sum3A = arith.constant dense<0.000000e+00> : vector<128xf32>
    %reduce_sum3A_63 = vector.multi_reduction <add>, %add3A_12, %reduce_sum3A [0] : vector<1000x128xf32> to vector<128xf32>
    %broadcast_in_dim3A = vector.shape_cast %reduce_sum3A_63 : vector<128xf32> to vector<1x128xf32>
    %add3A_64 = arith.addf %get3A_62, %broadcast_in_dim3A : vector<1x128xf32>
    %swap3A_65 = arith.constant 0 : index
    %swap3A_66 = arith.constant 0 : index
    %swap3A_67 = vector.load %arg15[%swap3A_65, %swap3A_66] : memref<1x128xf32, #tpu.memory_space<vmem>>, vector<1x128xf32>
    tpu.vector_store %arg15[%swap3A_65, %swap3A_66], %add3A_64 {strides = array<i32>} : memref<1x128xf32, #tpu.memory_space<vmem>>, vector<1x128xf32>,
    %get3A_68 = arith.constant 0 : index
    %get3A_69 = arith.constant 0 : index
    %get3A_70 = vector.load %arg16[%get3A_68, %get3A_69] : memref<1x128xf32, #tpu.memory_space<vmem>>, vector<1x128xf32>
    %reduce_sum3A_71 = arith.constant dense<0.000000e+00> : vector<128xf32>
    %reduce_sum3A_72 = vector.multi_reduction <add>, %max3A_42, %reduce_sum3A_71 [0] : vector<1000x128xf32> to vector<128xf32>
    %broadcast_in_dim3A_73 = vector.shape_cast %reduce_sum3A_72 : vector<128xf32> to vector<1x128xf32>
    %add3A_74 = arith.addf %get3A_70, %broadcast_in_dim3A_73 : vector<1x128xf32>
    %swap3A_75 = arith.constant 0 : index
    %swap3A_76 = arith.constant 0 : index
    %swap3A_77 = vector.load %arg16[%swap3A_75, %swap3A_76] : memref<1x128xf32, #tpu.memory_space<vmem>>, vector<1x128xf32>
    tpu.vector_store %arg16[%swap3A_75, %swap3A_76], %add3A_74 {strides = array<i32>} : memref<1x128xf32, #tpu.memory_space<vmem>>, vector<1x128xf32>,
    return
  }
  func.func @transform_0(%arg0: i32) -> (i32, i32) {
    %c0_i32 = arith.constant 0 : i32
    %c0_i32_0 = arith.constant 0 : i32
    return %arg0, %c0_i32 : i32, i32
  }
  func.func @transform_1(%arg0: i32) -> (i32, i32) {
    %c0_i32 = arith.constant 0 : i32
    %c0_i32_0 = arith.constant 0 : i32
    return %arg0, %c0_i32 : i32, i32
  }
  func.func @transform_2(%arg0: i32) -> (i32, i32) {
    %c0_i32 = arith.constant 0 : i32
    %c0_i32_0 = arith.constant 0 : i32
    return %arg0, %c0_i32 : i32, i32
  }
  func.func @transform_3(%arg0: i32) -> (i32, i32) {
    %c0_i32 = arith.constant 0 : i32
    %c0_i32_0 = arith.constant 0 : i32
    return %arg0, %c0_i32 : i32, i32
  }
  func.func @transform_4(%arg0: i32) -> (i32, i32) {
    %c0_i32 = arith.constant 0 : i32
    %c0_i32_0 = arith.constant 0 : i32
    return %arg0, %c0_i32 : i32, i32
  }
  func.func @transform_5(%arg0: i32) -> (i32, i32) {
    %c0_i32 = arith.constant 0 : i32
    %c0_i32_0 = arith.constant 0 : i32
    %c0_i32_1 = arith.constant 0 : i32
    return %c0_i32, %c0_i32_0 : i32, i32
  }
  func.func @transform_6(%arg0: i32) -> (i32, i32) {
    %c0_i32 = arith.constant 0 : i32
    %c0_i32_0 = arith.constant 0 : i32
    %c0_i32_1 = arith.constant 0 : i32
    return %c0_i32, %c0_i32_0 : i32, i32
  }
  func.func @transform_7(%arg0: i32) -> (i32, i32) {
    %c0_i32 = arith.constant 0 : i32
    %c0_i32_0 = arith.constant 0 : i32
    %c0_i32_1 = arith.constant 0 : i32
    return %c0_i32, %c0_i32_0 : i32, i32
  }
  func.func @transform_8(%arg0: i32) -> (i32, i32) {
    %c0_i32 = arith.constant 0 : i32
    %c0_i32_0 = arith.constant 0 : i32
    %c0_i32_1 = arith.constant 0 : i32
    return %c0_i32, %c0_i32_0 : i32, i32
  }
  func.func @transform_9(%arg0: i32) -> (i32, i32) {
    %c0_i32 = arith.constant 0 : i32
    %c0_i32_0 = arith.constant 0 : i32
    %c0_i32_1 = arith.constant 0 : i32
    return %c0_i32, %c0_i32_0 : i32, i32
  }
  func.func @transform_10(%arg0: i32) -> (i32, i32) {
    %c0_i32 = arith.constant 0 : i32
    %c0_i32_0 = arith.constant 0 : i32
    %c0_i32_1 = arith.constant 0 : i32
    return %c0_i32, %c0_i32_0 : i32, i32
  }
  func.func @transform_11(%arg0: i32) -> (i32, i32) {
    %c0_i32 = arith.constant 0 : i32
    %c0_i32_0 = arith.constant 0 : i32
    %c0_i32_1 = arith.constant 0 : i32
    return %c0_i32, %c0_i32_0 : i32, i32
  }
  func.func @transform_12(%arg0: i32) -> (i32, i32) {
    %c0_i32 = arith.constant 0 : i32
    %c0_i32_0 = arith.constant 0 : i32
    return %arg0, %c0_i32 : i32, i32
  }
  func.func @transform_13(%arg0: i32) -> (i32, i32) {
    %c0_i32 = arith.constant 0 : i32
    %c0_i32_0 = arith.constant 0 : i32
    return %arg0, %c0_i32 : i32, i32
  }
  func.func @transform_14(%arg0: i32) -> (i32, i32) {
    %c0_i32 = arith.constant 0 : i32
    %c0_i32_0 = arith.constant 0 : i32
    %c0_i32_1 = arith.constant 0 : i32
    return %c0_i32, %c0_i32_0 : i32, i32
  }
  func.func @transform_15(%arg0: i32) -> (i32, i32) {
    %c0_i32 = arith.constant 0 : i32
    %c0_i32_0 = arith.constant 0 : i32
    %c0_i32_1 = arith.constant 0 : i32
    return %c0_i32, %c0_i32_0 : i32, i32
  }
}

module attributes {stable_mosaic.version = 14 : i64} {
  func.func @_k_c2(%arg0: memref<1x128xf32, #tpu.memory_space<vmem>>, %arg1: memref<1x128xf32, #tpu.memory_space<vmem>>, %arg2: memref<1x64xf32, #tpu.memory_space<vmem>>, %arg3: memref<2x192x64xf32, #tpu.memory_space<vmem>>, %arg4: memref<2x1x64xf32, #tpu.memory_space<vmem>>, %arg5: memref<2x64x64xf32, #tpu.memory_space<vmem>>, %arg6: memref<2x1x64xf32, #tpu.memory_space<vmem>>, %arg7: memref<1x128xf32, #tpu.memory_space<vmem>>) attributes {dimension_semantics = [], scalar_prefetch = 0 : i64, scratch_operands = 0 : i64, tpu.core_type = #tpu.core_type<tc>} {
    %get3A = arith.constant 0 : index
    %get3A_0 = arith.constant 0 : index
    %get3A_1 = vector.load %arg2[%get3A, %get3A_0] : memref<1x64xf32, #tpu.memory_space<vmem>>, vector<1x64xf32>
    %get3A_2 = arith.constant 0 : index
    %get3A_3 = arith.constant 0 : index
    %get3A_4 = vector.load %arg0[%get3A_2, %get3A_3] : memref<1x128xf32, #tpu.memory_space<vmem>>, vector<1x64xf32>
    %mul3A = arith.constant 3.125000e-06 : f32
    %mul3A_5 = vector.broadcast %mul3A : f32 to vector<1x64xf32>
    %mul3A_6 = arith.mulf %get3A_4, %mul3A_5 : vector<1x64xf32>
    %get3A_7 = arith.constant 0 : index
    %get3A_8 = arith.constant 0 : index
    %get3A_9 = vector.load %arg1[%get3A_7, %get3A_8] : memref<1x128xf32, #tpu.memory_space<vmem>>, vector<1x64xf32>
    %mul3A_10 = arith.constant 9.99999974E-5 : f32
    %mul3A_11 = vector.broadcast %mul3A_10 : f32 to vector<1x64xf32>
    %mul3A_12 = arith.mulf %get3A_9, %mul3A_11 : vector<1x64xf32>
    %concatenate3A = tpu.concatenate %mul3A_6, %mul3A_12, %get3A_1 in 1 : vector<1x64xf32>, vector<1x64xf32>, vector<1x64xf32> -> vector<1x192xf32>
    %get3A_13 = arith.constant 0 : index
    %get3A_14 = arith.constant 0 : index
    %get3A_15 = arith.constant 0 : index
    %get3A_16 = vector.load %arg3[%get3A_13, %get3A_14, %get3A_15] : memref<2x192x64xf32, #tpu.memory_space<vmem>>, vector<1x192x64xf32>
    %get3A_17 = vector.shape_cast %get3A_16 : vector<1x192x64xf32> to vector<192x64xf32>
    %dot_general3A = arith.constant dense<0.000000e+00> : vector<1x64xf32>
    %dot_general3A_18 = tpu.matmul %concatenate3A, %get3A_17, %dot_general3A {dimension_numbers = #tpu.dot_dimension_numbers<[1], [0], [0], [1], [0, 0, 1, 1], [], []>, transpose_lhs_hint = false} : vector<1x192xf32>, vector<192x64xf32>, vector<1x64xf32> -> vector<1x64xf32>
    %get3A_19 = arith.constant 0 : index
    %get3A_20 = arith.constant 0 : index
    %get3A_21 = arith.constant 0 : index
    %get3A_22 = vector.load %arg4[%get3A_19, %get3A_20, %get3A_21] : memref<2x1x64xf32, #tpu.memory_space<vmem>>, vector<1x1x64xf32>
    %get3A_23 = vector.shape_cast %get3A_22 : vector<1x1x64xf32> to vector<1x64xf32>
    %add3A = arith.addf %dot_general3A_18, %get3A_23 : vector<1x64xf32>
    %max3A = arith.constant 0.000000e+00 : f32
    %max3A_24 = vector.broadcast %max3A : f32 to vector<1x64xf32>
    %max3A_25 = arith.maximumf %add3A, %max3A_24 : vector<1x64xf32>
    %get3A_26 = arith.constant 0 : index
    %get3A_27 = arith.constant 0 : index
    %get3A_28 = arith.constant 0 : index
    %get3A_29 = vector.load %arg6[%get3A_26, %get3A_27, %get3A_28] : memref<2x1x64xf32, #tpu.memory_space<vmem>>, vector<1x1x64xf32>
    %get3A_30 = vector.shape_cast %get3A_29 : vector<1x1x64xf32> to vector<1x64xf32>
    %get3A_31 = arith.constant 0 : index
    %get3A_32 = arith.constant 0 : index
    %get3A_33 = arith.constant 0 : index
    %get3A_34 = vector.load %arg5[%get3A_31, %get3A_32, %get3A_33] : memref<2x64x64xf32, #tpu.memory_space<vmem>>, vector<1x64x64xf32>
    %get3A_35 = vector.shape_cast %get3A_34 : vector<1x64x64xf32> to vector<64x64xf32>
    %dot_general3A_36 = arith.constant dense<0.000000e+00> : vector<1x64xf32>
    %dot_general3A_37 = tpu.matmul %max3A_25, %get3A_35, %dot_general3A_36 {dimension_numbers = #tpu.dot_dimension_numbers<[1], [0], [0], [1], [0, 0, 1, 1], [], []>, transpose_lhs_hint = false} : vector<1x64xf32>, vector<64x64xf32>, vector<1x64xf32> -> vector<1x64xf32>
    %add3A_38 = arith.addf %get3A_30, %dot_general3A_37 : vector<1x64xf32>
    %swap3A = arith.constant 0 : index
    %swap3A_39 = arith.constant 0 : index
    %swap3A_40 = vector.load %arg7[%swap3A, %swap3A_39] : memref<1x128xf32, #tpu.memory_space<vmem>>, vector<1x64xf32>
    tpu.vector_store %arg7[%swap3A, %swap3A_39], %add3A_38 {strides = array<i32>} : memref<1x128xf32, #tpu.memory_space<vmem>>, vector<1x64xf32>,
    %get3A_41 = arith.constant 0 : index
    %get3A_42 = arith.constant 64 : index
    %get3A_43 = vector.load %arg0[%get3A_41, %get3A_42] : memref<1x128xf32, #tpu.memory_space<vmem>>, vector<1x64xf32>
    %mul3A_44 = arith.constant 3.125000e-06 : f32
    %mul3A_45 = vector.broadcast %mul3A_44 : f32 to vector<1x64xf32>
    %mul3A_46 = arith.mulf %get3A_43, %mul3A_45 : vector<1x64xf32>
    %get3A_47 = arith.constant 0 : index
    %get3A_48 = arith.constant 64 : index
    %get3A_49 = vector.load %arg1[%get3A_47, %get3A_48] : memref<1x128xf32, #tpu.memory_space<vmem>>, vector<1x64xf32>
    %mul3A_50 = arith.constant 9.99999974E-5 : f32
    %mul3A_51 = vector.broadcast %mul3A_50 : f32 to vector<1x64xf32>
    %mul3A_52 = arith.mulf %get3A_49, %mul3A_51 : vector<1x64xf32>
    %concatenate3A_53 = tpu.concatenate %mul3A_46, %mul3A_52, %get3A_1 in 1 : vector<1x64xf32>, vector<1x64xf32>, vector<1x64xf32> -> vector<1x192xf32>
    %get3A_54 = arith.constant 1 : index
    %get3A_55 = arith.constant 0 : index
    %get3A_56 = arith.constant 0 : index
    %get3A_57 = vector.load %arg3[%get3A_54, %get3A_55, %get3A_56] : memref<2x192x64xf32, #tpu.memory_space<vmem>>, vector<1x192x64xf32>
    %get3A_58 = vector.shape_cast %get3A_57 : vector<1x192x64xf32> to vector<192x64xf32>
    %dot_general3A_59 = arith.constant dense<0.000000e+00> : vector<1x64xf32>
    %dot_general3A_60 = tpu.matmul %concatenate3A_53, %get3A_58, %dot_general3A_59 {dimension_numbers = #tpu.dot_dimension_numbers<[1], [0], [0], [1], [0, 0, 1, 1], [], []>, transpose_lhs_hint = false} : vector<1x192xf32>, vector<192x64xf32>, vector<1x64xf32> -> vector<1x64xf32>
    %get3A_61 = arith.constant 1 : index
    %get3A_62 = arith.constant 0 : index
    %get3A_63 = arith.constant 0 : index
    %get3A_64 = vector.load %arg4[%get3A_61, %get3A_62, %get3A_63] : memref<2x1x64xf32, #tpu.memory_space<vmem>>, vector<1x1x64xf32>
    %get3A_65 = vector.shape_cast %get3A_64 : vector<1x1x64xf32> to vector<1x64xf32>
    %add3A_66 = arith.addf %dot_general3A_60, %get3A_65 : vector<1x64xf32>
    %max3A_67 = arith.constant 0.000000e+00 : f32
    %max3A_68 = vector.broadcast %max3A_67 : f32 to vector<1x64xf32>
    %max3A_69 = arith.maximumf %add3A_66, %max3A_68 : vector<1x64xf32>
    %get3A_70 = arith.constant 1 : index
    %get3A_71 = arith.constant 0 : index
    %get3A_72 = arith.constant 0 : index
    %get3A_73 = vector.load %arg6[%get3A_70, %get3A_71, %get3A_72] : memref<2x1x64xf32, #tpu.memory_space<vmem>>, vector<1x1x64xf32>
    %get3A_74 = vector.shape_cast %get3A_73 : vector<1x1x64xf32> to vector<1x64xf32>
    %get3A_75 = arith.constant 1 : index
    %get3A_76 = arith.constant 0 : index
    %get3A_77 = arith.constant 0 : index
    %get3A_78 = vector.load %arg5[%get3A_75, %get3A_76, %get3A_77] : memref<2x64x64xf32, #tpu.memory_space<vmem>>, vector<1x64x64xf32>
    %get3A_79 = vector.shape_cast %get3A_78 : vector<1x64x64xf32> to vector<64x64xf32>
    %dot_general3A_80 = arith.constant dense<0.000000e+00> : vector<1x64xf32>
    %dot_general3A_81 = tpu.matmul %max3A_69, %get3A_79, %dot_general3A_80 {dimension_numbers = #tpu.dot_dimension_numbers<[1], [0], [0], [1], [0, 0, 1, 1], [], []>, transpose_lhs_hint = false} : vector<1x64xf32>, vector<64x64xf32>, vector<1x64xf32> -> vector<1x64xf32>
    %add3A_82 = arith.addf %get3A_74, %dot_general3A_81 : vector<1x64xf32>
    %swap3A_83 = arith.constant 0 : index
    %swap3A_84 = arith.constant 64 : index
    %swap3A_85 = vector.load %arg7[%swap3A_83, %swap3A_84] : memref<1x128xf32, #tpu.memory_space<vmem>>, vector<1x64xf32>
    tpu.vector_store %arg7[%swap3A_83, %swap3A_84], %add3A_82 {strides = array<i32>} : memref<1x128xf32, #tpu.memory_space<vmem>>, vector<1x64xf32>,
    return
  }
}

module attributes {stable_mosaic.version = 14 : i64} {
  func.func @_k_final(%arg0: i32, %arg1: memref<2560x128xf32, #tpu.memory_space<vmem>>, %arg2: memref<2560x128xf32, #tpu.memory_space<vmem>>, %arg3: memref<1x20x128xf32, #tpu.memory_space<vmem>>, %arg4: memref<1x20x128xf32, #tpu.memory_space<vmem>>, %arg5: memref<1x128xf32, #tpu.memory_space<vmem>>, %arg6: memref<128x128xf32, #tpu.memory_space<vmem>>, %arg7: memref<128x8xf32, #tpu.memory_space<vmem>>, %arg8: memref<1x8xf32, #tpu.memory_space<vmem>>, %arg9: memref<1x20x128xf32, #tpu.memory_space<vmem>>) attributes {dimension_semantics = [#tpu.dimension_semantics<arbitrary>], iteration_bounds = array<i64: 75>, scalar_prefetch = 0 : i64, scratch_operands = 0 : i64, tpu.core_type = #tpu.core_type<tc>, window_params = [{transform_indices = @transform_0, window_bounds = array<i64: 2560, 128>}, {transform_indices = @transform_1, window_bounds = array<i64: 2560, 128>}, {transform_indices = @transform_2, window_bounds = array<i64: 1, 20, 128>}, {transform_indices = @transform_3, window_bounds = array<i64: 1, 20, 128>}, {pipeline_mode = #tpu.pipeline_mode<synchronous>, transform_indices = @transform_4, window_bounds = array<i64: 1, 128>}, {pipeline_mode = #tpu.pipeline_mode<synchronous>, transform_indices = @transform_5, window_bounds = array<i64: 128, 128>}, {pipeline_mode = #tpu.pipeline_mode<synchronous>, transform_indices = @transform_6, window_bounds = array<i64: 128, 8>}, {pipeline_mode = #tpu.pipeline_mode<synchronous>, transform_indices = @transform_7, window_bounds = array<i64: 1, 8>}, {transform_indices = @transform_8, window_bounds = array<i64: 1, 20, 128>}]} {
    %get3A = arith.constant 0 : index
    %get3A_0 = arith.constant 0 : index
    %get3A_1 = vector.load %arg1[%get3A, %get3A_0] : memref<2560x128xf32, #tpu.memory_space<vmem>>, vector<2560x128xf32>
    %get3A_2 = arith.constant 0 : index
    %get3A_3 = arith.constant 0 : index
    %get3A_4 = vector.load %arg6[%get3A_2, %get3A_3] : memref<128x128xf32, #tpu.memory_space<vmem>>, vector<128x128xf32>
    %dot_general3A = arith.constant dense<0.000000e+00> : vector<2560x128xf32>
    %dot_general3A_5 = tpu.matmul %get3A_1, %get3A_4, %dot_general3A {dimension_numbers = #tpu.dot_dimension_numbers<[1], [0], [0], [1], [0, 0, 1, 1], [], []>, transpose_lhs_hint = false} : vector<2560x128xf32>, vector<128x128xf32>, vector<2560x128xf32> -> vector<2560x128xf32>
    %get3A_6 = arith.constant 0 : index
    %get3A_7 = arith.constant 0 : index
    %get3A_8 = vector.load %arg2[%get3A_6, %get3A_7] : memref<2560x128xf32, #tpu.memory_space<vmem>>, vector<2560x128xf32>
    %add3A = arith.addf %dot_general3A_5, %get3A_8 : vector<2560x128xf32>
    %get3A_9 = arith.constant 0 : index
    %get3A_10 = arith.constant 0 : index
    %get3A_11 = vector.load %arg5[%get3A_9, %get3A_10] : memref<1x128xf32, #tpu.memory_space<vmem>>, vector<1x128xf32>
    %add3A_12 = vector.broadcast %get3A_11 : vector<1x128xf32> to vector<2560x128xf32>
    %add3A_13 = arith.addf %add3A, %add3A_12 : vector<2560x128xf32>
    %max3A = arith.constant 0.000000e+00 : f32
    %max3A_14 = vector.broadcast %max3A : f32 to vector<2560x128xf32>
    %max3A_15 = arith.maximumf %add3A_13, %max3A_14 : vector<2560x128xf32>
    %get3A_16 = arith.constant 0 : index
    %get3A_17 = arith.constant 0 : index
    %get3A_18 = vector.load %arg7[%get3A_16, %get3A_17] : memref<128x8xf32, #tpu.memory_space<vmem>>, vector<128x8xf32>
    %dot_general3A_19 = arith.constant dense<0.000000e+00> : vector<2560x8xf32>
    %dot_general3A_20 = tpu.matmul %max3A_15, %get3A_18, %dot_general3A_19 {dimension_numbers = #tpu.dot_dimension_numbers<[1], [0], [0], [1], [0, 0, 1, 1], [], []>, transpose_lhs_hint = false} : vector<2560x128xf32>, vector<128x8xf32>, vector<2560x8xf32> -> vector<2560x8xf32>
    %get3A_21 = arith.constant 0 : index
    %get3A_22 = arith.constant 0 : index
    %get3A_23 = vector.load %arg8[%get3A_21, %get3A_22] : memref<1x8xf32, #tpu.memory_space<vmem>>, vector<1x8xf32>
    %add3A_24 = vector.broadcast %get3A_23 : vector<1x8xf32> to vector<2560x8xf32>
    %add3A_25 = arith.addf %dot_general3A_20, %add3A_24 : vector<2560x8xf32>
    %slice3A = vector.extract_strided_slice %add3A_25 {offsets = [0, 0], sizes = [2560, 1], strides = [1, 1]} : vector<2560x8xf32> to vector<2560x1xf32>
    %reshape3A = vector.shape_cast %slice3A : vector<2560x1xf32> to vector<1x20x128xf32>
    %slice3A_26 = vector.extract_strided_slice %add3A_25 {offsets = [0, 1], sizes = [2560, 1], strides = [1, 1]} : vector<2560x8xf32> to vector<2560x1xf32>
    %reshape3A_27 = vector.shape_cast %slice3A_26 : vector<2560x1xf32> to vector<1x20x128xf32>
    %get3A_28 = arith.constant 0 : index
    %get3A_29 = arith.constant 0 : index
    %get3A_30 = arith.constant 0 : index
    %get3A_31 = vector.load %arg3[%get3A_28, %get3A_29, %get3A_30] : memref<1x20x128xf32, #tpu.memory_space<vmem>>, vector<1x20x128xf32>
    %get3A_32 = arith.constant 0 : index
    %get3A_33 = arith.constant 0 : index
    %get3A_34 = arith.constant 0 : index
    %get3A_35 = vector.load %arg4[%get3A_32, %get3A_33, %get3A_34] : memref<1x20x128xf32, #tpu.memory_space<vmem>>, vector<1x20x128xf32>
    %mul3A = arith.mulf %reshape3A_27, %get3A_35 : vector<1x20x128xf32>
    %sub3A = arith.subf %get3A_31, %mul3A : vector<1x20x128xf32>
    %mul3A_36 = arith.mulf %reshape3A, %sub3A : vector<1x20x128xf32>
    %swap3A = arith.constant 0 : index
    %swap3A_37 = arith.constant 0 : index
    %swap3A_38 = arith.constant 0 : index
    %swap3A_39 = vector.load %arg9[%swap3A, %swap3A_37, %swap3A_38] : memref<1x20x128xf32, #tpu.memory_space<vmem>>, vector<1x20x128xf32>
    tpu.vector_store %arg9[%swap3A, %swap3A_37, %swap3A_38], %mul3A_36 {strides = array<i32>} : memref<1x20x128xf32, #tpu.memory_space<vmem>>, vector<1x20x128xf32>,
    return
  }
  func.func @transform_0(%arg0: i32) -> (i32, i32) {
    %c0_i32 = arith.constant 0 : i32
    %c0_i32_0 = arith.constant 0 : i32
    return %arg0, %c0_i32 : i32, i32
  }
  func.func @transform_1(%arg0: i32) -> (i32, i32) {
    %c0_i32 = arith.constant 0 : i32
    %c0_i32_0 = arith.constant 0 : i32
    return %arg0, %c0_i32 : i32, i32
  }
  func.func @transform_2(%arg0: i32) -> (i32, i32, i32) {
    %c0_i32 = arith.constant 0 : i32
    %c0_i32_0 = arith.constant 0 : i32
    %c0_i32_1 = arith.constant 0 : i32
    return %arg0, %c0_i32, %c0_i32_0 : i32, i32, i32
  }
  func.func @transform_3(%arg0: i32) -> (i32, i32, i32) {
    %c0_i32 = arith.constant 0 : i32
    %c0_i32_0 = arith.constant 0 : i32
    %c0_i32_1 = arith.constant 0 : i32
    return %arg0, %c0_i32, %c0_i32_0 : i32, i32, i32
  }
  func.func @transform_4(%arg0: i32) -> (i32, i32) {
    %c0_i32 = arith.constant 0 : i32
    %c0_i32_0 = arith.constant 0 : i32
    %c0_i32_1 = arith.constant 0 : i32
    return %c0_i32, %c0_i32_0 : i32, i32
  }
  func.func @transform_5(%arg0: i32) -> (i32, i32) {
    %c0_i32 = arith.constant 0 : i32
    %c0_i32_0 = arith.constant 0 : i32
    %c0_i32_1 = arith.constant 0 : i32
    return %c0_i32, %c0_i32_0 : i32, i32
  }
  func.func @transform_6(%arg0: i32) -> (i32, i32) {
    %c0_i32 = arith.constant 0 : i32
    %c0_i32_0 = arith.constant 0 : i32
    %c0_i32_1 = arith.constant 0 : i32
    return %c0_i32, %c0_i32_0 : i32, i32
  }
  func.func @transform_7(%arg0: i32) -> (i32, i32) {
    %c0_i32 = arith.constant 0 : i32
    %c0_i32_0 = arith.constant 0 : i32
    %c0_i32_1 = arith.constant 0 : i32
    return %c0_i32, %c0_i32_0 : i32, i32
  }
  func.func @transform_8(%arg0: i32) -> (i32, i32, i32) {
    %c0_i32 = arith.constant 0 : i32
    %c0_i32_0 = arith.constant 0 : i32
    %c0_i32_1 = arith.constant 0 : i32
    return %arg0, %c0_i32, %c0_i32_0 : i32, i32, i32
  }
}

module attributes {stable_mosaic.version = 14 : i64} {
  func.func @_k_final(%arg0: i32, %arg1: memref<2560x128xf32, #tpu.memory_space<vmem>>, %arg2: memref<2560x128xf32, #tpu.memory_space<vmem>>, %arg3: memref<1x20x128xf32, #tpu.memory_space<vmem>>, %arg4: memref<1x20x128xf32, #tpu.memory_space<vmem>>, %arg5: memref<1x128xf32, #tpu.memory_space<vmem>>, %arg6: memref<128x128xf32, #tpu.memory_space<vmem>>, %arg7: memref<128x8xf32, #tpu.memory_space<vmem>>, %arg8: memref<1x8xf32, #tpu.memory_space<vmem>>, %arg9: memref<1x20x128xf32, #tpu.memory_space<vmem>>) attributes {dimension_semantics = [#tpu.dimension_semantics<arbitrary>], iteration_bounds = array<i64: 50>, scalar_prefetch = 0 : i64, scratch_operands = 0 : i64, tpu.core_type = #tpu.core_type<tc>, window_params = [{transform_indices = @transform_0, window_bounds = array<i64: 2560, 128>}, {transform_indices = @transform_1, window_bounds = array<i64: 2560, 128>}, {transform_indices = @transform_2, window_bounds = array<i64: 1, 20, 128>}, {transform_indices = @transform_3, window_bounds = array<i64: 1, 20, 128>}, {pipeline_mode = #tpu.pipeline_mode<synchronous>, transform_indices = @transform_4, window_bounds = array<i64: 1, 128>}, {pipeline_mode = #tpu.pipeline_mode<synchronous>, transform_indices = @transform_5, window_bounds = array<i64: 128, 128>}, {pipeline_mode = #tpu.pipeline_mode<synchronous>, transform_indices = @transform_6, window_bounds = array<i64: 128, 8>}, {pipeline_mode = #tpu.pipeline_mode<synchronous>, transform_indices = @transform_7, window_bounds = array<i64: 1, 8>}, {transform_indices = @transform_8, window_bounds = array<i64: 1, 20, 128>}]} {
    %get3A = arith.constant 0 : index
    %get3A_0 = arith.constant 0 : index
    %get3A_1 = vector.load %arg1[%get3A, %get3A_0] : memref<2560x128xf32, #tpu.memory_space<vmem>>, vector<2560x128xf32>
    %get3A_2 = arith.constant 0 : index
    %get3A_3 = arith.constant 0 : index
    %get3A_4 = vector.load %arg6[%get3A_2, %get3A_3] : memref<128x128xf32, #tpu.memory_space<vmem>>, vector<128x128xf32>
    %dot_general3A = arith.constant dense<0.000000e+00> : vector<2560x128xf32>
    %dot_general3A_5 = tpu.matmul %get3A_1, %get3A_4, %dot_general3A {dimension_numbers = #tpu.dot_dimension_numbers<[1], [0], [0], [1], [0, 0, 1, 1], [], []>, transpose_lhs_hint = false} : vector<2560x128xf32>, vector<128x128xf32>, vector<2560x128xf32> -> vector<2560x128xf32>
    %get3A_6 = arith.constant 0 : index
    %get3A_7 = arith.constant 0 : index
    %get3A_8 = vector.load %arg2[%get3A_6, %get3A_7] : memref<2560x128xf32, #tpu.memory_space<vmem>>, vector<2560x128xf32>
    %add3A = arith.addf %dot_general3A_5, %get3A_8 : vector<2560x128xf32>
    %get3A_9 = arith.constant 0 : index
    %get3A_10 = arith.constant 0 : index
    %get3A_11 = vector.load %arg5[%get3A_9, %get3A_10] : memref<1x128xf32, #tpu.memory_space<vmem>>, vector<1x128xf32>
    %add3A_12 = vector.broadcast %get3A_11 : vector<1x128xf32> to vector<2560x128xf32>
    %add3A_13 = arith.addf %add3A, %add3A_12 : vector<2560x128xf32>
    %max3A = arith.constant 0.000000e+00 : f32
    %max3A_14 = vector.broadcast %max3A : f32 to vector<2560x128xf32>
    %max3A_15 = arith.maximumf %add3A_13, %max3A_14 : vector<2560x128xf32>
    %get3A_16 = arith.constant 0 : index
    %get3A_17 = arith.constant 0 : index
    %get3A_18 = vector.load %arg7[%get3A_16, %get3A_17] : memref<128x8xf32, #tpu.memory_space<vmem>>, vector<128x8xf32>
    %dot_general3A_19 = arith.constant dense<0.000000e+00> : vector<2560x8xf32>
    %dot_general3A_20 = tpu.matmul %max3A_15, %get3A_18, %dot_general3A_19 {dimension_numbers = #tpu.dot_dimension_numbers<[1], [0], [0], [1], [0, 0, 1, 1], [], []>, transpose_lhs_hint = false} : vector<2560x128xf32>, vector<128x8xf32>, vector<2560x8xf32> -> vector<2560x8xf32>
    %get3A_21 = arith.constant 0 : index
    %get3A_22 = arith.constant 0 : index
    %get3A_23 = vector.load %arg8[%get3A_21, %get3A_22] : memref<1x8xf32, #tpu.memory_space<vmem>>, vector<1x8xf32>
    %add3A_24 = vector.broadcast %get3A_23 : vector<1x8xf32> to vector<2560x8xf32>
    %add3A_25 = arith.addf %dot_general3A_20, %add3A_24 : vector<2560x8xf32>
    %slice3A = vector.extract_strided_slice %add3A_25 {offsets = [0, 0], sizes = [2560, 1], strides = [1, 1]} : vector<2560x8xf32> to vector<2560x1xf32>
    %reshape3A = vector.shape_cast %slice3A : vector<2560x1xf32> to vector<1x20x128xf32>
    %slice3A_26 = vector.extract_strided_slice %add3A_25 {offsets = [0, 1], sizes = [2560, 1], strides = [1, 1]} : vector<2560x8xf32> to vector<2560x1xf32>
    %reshape3A_27 = vector.shape_cast %slice3A_26 : vector<2560x1xf32> to vector<1x20x128xf32>
    %get3A_28 = arith.constant 0 : index
    %get3A_29 = arith.constant 0 : index
    %get3A_30 = arith.constant 0 : index
    %get3A_31 = vector.load %arg3[%get3A_28, %get3A_29, %get3A_30] : memref<1x20x128xf32, #tpu.memory_space<vmem>>, vector<1x20x128xf32>
    %get3A_32 = arith.constant 0 : index
    %get3A_33 = arith.constant 0 : index
    %get3A_34 = arith.constant 0 : index
    %get3A_35 = vector.load %arg4[%get3A_32, %get3A_33, %get3A_34] : memref<1x20x128xf32, #tpu.memory_space<vmem>>, vector<1x20x128xf32>
    %mul3A = arith.mulf %reshape3A_27, %get3A_35 : vector<1x20x128xf32>
    %sub3A = arith.subf %get3A_31, %mul3A : vector<1x20x128xf32>
    %mul3A_36 = arith.mulf %reshape3A, %sub3A : vector<1x20x128xf32>
    %swap3A = arith.constant 0 : index
    %swap3A_37 = arith.constant 0 : index
    %swap3A_38 = arith.constant 0 : index
    %swap3A_39 = vector.load %arg9[%swap3A, %swap3A_37, %swap3A_38] : memref<1x20x128xf32, #tpu.memory_space<vmem>>, vector<1x20x128xf32>
    tpu.vector_store %arg9[%swap3A, %swap3A_37, %swap3A_38], %mul3A_36 {strides = array<i32>} : memref<1x20x128xf32, #tpu.memory_space<vmem>>, vector<1x20x128xf32>,
    return
  }
  func.func @transform_0(%arg0: i32) -> (i32, i32) {
    %c0_i32 = arith.constant 0 : i32
    %c0_i32_0 = arith.constant 0 : i32
    return %arg0, %c0_i32 : i32, i32
  }
  func.func @transform_1(%arg0: i32) -> (i32, i32) {
    %c0_i32 = arith.constant 0 : i32
    %c0_i32_0 = arith.constant 0 : i32
    return %arg0, %c0_i32 : i32, i32
  }
  func.func @transform_2(%arg0: i32) -> (i32, i32, i32) {
    %c0_i32 = arith.constant 0 : i32
    %c0_i32_0 = arith.constant 0 : i32
    %c0_i32_1 = arith.constant 0 : i32
    return %arg0, %c0_i32, %c0_i32_0 : i32, i32, i32
  }
  func.func @transform_3(%arg0: i32) -> (i32, i32, i32) {
    %c0_i32 = arith.constant 0 : i32
    %c0_i32_0 = arith.constant 0 : i32
    %c0_i32_1 = arith.constant 0 : i32
    return %arg0, %c0_i32, %c0_i32_0 : i32, i32, i32
  }
  func.func @transform_4(%arg0: i32) -> (i32, i32) {
    %c0_i32 = arith.constant 0 : i32
    %c0_i32_0 = arith.constant 0 : i32
    %c0_i32_1 = arith.constant 0 : i32
    return %c0_i32, %c0_i32_0 : i32, i32
  }
  func.func @transform_5(%arg0: i32) -> (i32, i32) {
    %c0_i32 = arith.constant 0 : i32
    %c0_i32_0 = arith.constant 0 : i32
    %c0_i32_1 = arith.constant 0 : i32
    return %c0_i32, %c0_i32_0 : i32, i32
  }
  func.func @transform_6(%arg0: i32) -> (i32, i32) {
    %c0_i32 = arith.constant 0 : i32
    %c0_i32_0 = arith.constant 0 : i32
    %c0_i32_1 = arith.constant 0 : i32
    return %c0_i32, %c0_i32_0 : i32, i32
  }
  func.func @transform_7(%arg0: i32) -> (i32, i32) {
    %c0_i32 = arith.constant 0 : i32
    %c0_i32_0 = arith.constant 0 : i32
    %c0_i32_1 = arith.constant 0 : i32
    return %c0_i32, %c0_i32_0 : i32, i32
  }
  func.func @transform_8(%arg0: i32) -> (i32, i32, i32) {
    %c0_i32 = arith.constant 0 : i32
    %c0_i32_0 = arith.constant 0 : i32
    %c0_i32_1 = arith.constant 0 : i32
    return %arg0, %c0_i32, %c0_i32_0 : i32, i32, i32
  }
}

</mosaic_0001>

<sc_bundles>
// kernel: kernel.13.cloned.1.call-start
scs
__scs_entry_jumppad:
0x0: {  	(pc) =	sbr.rel $0x88, $3  }
0x1: {  	(tag) =	ssettag $0x0;
	lr =	simm.s32 $0x1  }
0x2: {  	[smem:$0x3F89] =	sst lr;
	_ =	strace $0xD0000000  }
0x3: {  	_ = 	snop  }
0x4: {  	_ = 	snop  }
0x5: {  	_ = 	snop  }
0x6: {  	_ = 	snop  }
0x7: {  	_ = 	snop  }
__scs_overlays_trampoline_lowered:
0x8: {  	[smem:$0x3F98] =	sst s0  }
0x9: {  	[smem:$0x3F99] =	sst s1  }
0xa: {  	[smem:$0x3F9A] =	sst s2  }
0xb: {  	[smem:$0x3F9B] =	sst s3  }
0xc: {  	[smem:$0x3F9C] =	sst s4  }
0xd: {  	[smem:$0x3F9D] =	sst s5  }
0xe: {  	[smem:$0x3F9E] =	sst s6  }
0xf: {  	[smem:$0x3F9F] =	sst s7  }
0x10: {  	[smem:$0x3FA0] =	sst s8  }
0x11: {  	[smem:$0x3FA1] =	sst s9;
	s0 =	simm.s32 @!p0 $0x0  }
0x12: {  	s1 =	sld [smem:$0x3F87];
	s0 =	simm.s32 @p0 $0x1  }
0x13: {  	[smem:$0x3FA2] =	sst s0;
	s0 =	simm.s32 @!p1 $0x0  }
0x14: {  	s2 =	sld [smem:$0x3F86];
	s0 =	simm.s32 @p1 $0x1  }
0x15: {  	[smem:$0x3FA3] =	sst s0;
	s0 =	simm.s32 @!p2 $0x0  }
0x16: {  	s3 =	sld [smem:$0x3FDB];
	s0 =	simm.s32 @p2 $0x1  }
0x17: {  	s4 =	simm.s32 $0x1BF5;
	[smem:$0x3FA5] =	sst s0  }
0x18: {  	s0 =	sld [smem:$0x3F88];
	_ =	swait.ge [sflag:s4], $0x0  }
0x19: {  	s7 =	sld [smem:$0x3F89]  }
0x1a: {  	s8 =	sadd.s32 $0xFFFFE003, lr  }
0x1b: {  	s9 =	sadd.s32 $0xFFFFFEF7, lr;
	s5 =	simm.s32 $0xFFFFFFFF;
	p2 =	slt.u32 s8, $0xFFFFF086  }
0x1c: {  	p1 =	slt.u32 s9, $0xF7A;
	s5 =	simm.s32 @!p2 $0x0  }
0x1d: {  	s5 =	simm.s32 @p1 $0x1;
	p0 =	seq.s32 s7, s2  }
0x1e: {  	s7 =	smul.u32 @!p0 $0xF7A, s2;
	p2 =	seq.s32 @!p0 s5, $0x0  }
0x1f: {  	s9 =	smul.u32 $0xF7A, s1;
	s8 =	simm.s32 @!p0 $0x1BF5;
	p2 =	por !p2, p0  }
0x20: {  	[sflag:s8] =	ssyncset.s32 @!p0 $0xFFFFF086;
	s6 =	sadd.s32 @!p0 s3, s7;
	s7 =	simm.s32 @!p0 $0x108  }
0x21: {  	s3 =	sadd.s32 s3, s9;
	s6 =	sadd.s32 @!p0 $0x88, s6;
	s7 =	simm.s32 @p2 $0x1082  }
0x22: {  	[simem:s7], [sflag:s8] =	dma.local @!p0 [hbm:s6], $0xF7A  }
0x23: {  	s9 =	sor.u32 $0xD0000000, s2;
	s6 =	simm.s32 $0x108;
	_ =	swait.ge @!p0 [sflag:s8], $0x0  }
0x24: {  	s3 =	sadd.s32 $0x88, s3;
	s6 =	simm.s32 @!p1 $0x1082;
	[sflag:s4] =	ssyncset.s32 $0xFFFFF086  }
0x25: {  	[simem:s6], [sflag:s4] =	dma.local [hbm:s3], $0xF7A  }
0x26: {  	[smem:$0x3F89] =	sst s1;
	(tag) =	ssettag s2;
	_ =	strace s9  }
0x27: {  	s1 =	sld [smem:$0x3F99]  }
0x28: {  	s2 =	sld [smem:$0x3F9A]  }
0x29: {  	s4 =	sld [smem:$0x3F9C]  }
0x2a: {  	p0 =	seq.s32 s5, $0x0;
	s5 =	sld [smem:$0x3F9D]  }
0x2b: {  	s6 =	sld [smem:$0x3F9E]  }
0x2c: {  	s7 =	sld [smem:$0x3F9F]  }
0x2d: {  	s3 =	simm.s32 $0x108;
	s8 =	sld [smem:$0x3FA0]  }
0x2e: {  	s3 =	simm.s32 @!p0 $0x1082;
	s9 =	sld [smem:$0x3FA1]  }
0x2f: {  	lr =	sadd.s32 s0, s3;
	s0 =	sld [smem:$0x3F98]  }
0x30: {  	s3 =	sld [smem:$0x3F9B]  }
0x31: {  	[smem:$0x3FA4] =	sst s10  }
0x32: {  	s10 =	sld [smem:$0x3FA2];
	_ =	sdelay $0x3  }
0x33: {  	p0 =	seq.s32 s10, $0x1;
	s10 =	sld [smem:$0x3FA4];
	_ =	sdelay $0x3  }
0x34: {  	[smem:$0x3FA4] =	sst s10  }
0x35: {  	s10 =	sld [smem:$0x3FA3];
	_ =	sdelay $0x3  }
0x36: {  	p1 =	seq.s32 s10, $0x1;
	s10 =	sld [smem:$0x3FA4];
	_ =	sdelay $0x3  }
0x37: {  	[smem:$0x3FA4] =	sst s10  }
0x38: {  	s10 =	sld [smem:$0x3FA5]  }
0x39: {  	_ = 	snop;
	(pc) =	sbr.ind lr, $3  }
0x3a: {  	_ = 	snop  }
0x3b: {  	_ = 	snop  }
0x3c: {  	p2 =	seq.s32 s10, $0x1;
	s10 =	sld [smem:$0x3FA4]  }
0x3d: {  	_ =	shalt  }
0x3e: {  	_ =	shalt  }
0x3f: {  	_ =	shalt  }
0x40: {  	_ =	shalt  }
0x41: {  	_ =	shalt  }
0x42: {  	_ =	shalt  }
0x43: {  	_ =	shalt  }
0x44: {  	_ =	shalt  }
0x45: {  	_ =	shalt  }
0x46: {  	_ =	shalt  }
0x47: {  	_ =	shalt  }
0x48: {  	_ =	shalt  }
0x49: {  	_ =	shalt  }
0x4a: {  	_ =	shalt  }
0x4b: {  	_ =	shalt  }
0x4c: {  	_ =	shalt  }
0x4d: {  	_ =	shalt  }
0x4e: {  	_ =	shalt  }
0x4f: {  	_ =	shalt  }
0x50: {  	_ =	shalt  }
0x51: {  	_ =	shalt  }
0x52: {  	_ =	shalt  }
0x53: {  	_ =	shalt  }
0x54: {  	_ =	shalt  }
0x55: {  	_ =	shalt  }
0x56: {  	_ =	shalt  }
0x57: {  	_ =	shalt  }
0x58: {  	_ =	shalt  }
0x59: {  	_ =	shalt  }
0x5a: {  	_ =	shalt  }
0x5b: {  	_ =	shalt  }
0x5c: {  	_ =	shalt  }
0x5d: {  	_ =	shalt  }
0x5e: {  	_ =	shalt  }
0x5f: {  	_ =	shalt  }
0x60: {  	_ =	shalt  }
0x61: {  	_ =	shalt  }
0x62: {  	_ =	shalt  }
0x63: {  	_ =	shalt  }
0x64: {  	_ =	shalt  }
0x65: {  	_ =	shalt  }
0x66: {  	_ =	shalt  }
0x67: {  	_ =	shalt  }
0x68: {  	_ =	shalt  }
0x69: {  	_ =	shalt  }
0x6a: {  	_ =	shalt  }
0x6b: {  	_ =	shalt  }
0x6c: {  	_ =	shalt  }
0x6d: {  	_ =	shalt  }
0x6e: {  	_ =	shalt  }
0x6f: {  	_ =	shalt  }
0x70: {  	_ =	shalt  }
0x71: {  	_ =	shalt  }
0x72: {  	_ =	shalt  }
0x73: {  	_ =	shalt  }
0x74: {  	_ =	shalt  }
0x75: {  	_ =	shalt  }
0x76: {  	_ =	shalt  }
0x77: {  	_ =	shalt  }
0x78: {  	_ =	shalt  }
0x79: {  	_ =	shalt  }
0x7a: {  	_ =	shalt  }
0x7b: {  	_ =	shalt  }
0x7c: {  	_ =	shalt  }
0x7d: {  	_ =	shalt  }
0x7e: {  	_ =	shalt  }
0x7f: {  	_ =	shalt  }
0x80: {  	_ =	shalt  }
0x81: {  	_ =	shalt  }
0x82: {  	_ =	shalt  }
0x83: {  	_ =	shalt  }
0x84: {  	_ =	shalt  }
0x85: {  	_ =	shalt  }
0x86: {  	_ =	shalt  }
0x87: {  	_ =	shalt  }
.Lfunc_end0:
.L_simem_size_0:
called_computation_lowered:
.L_overlay_start_0:
0x88: {  	s2 =	sld [smem:$0x3FD9]  }
0x89: {  	s3 =	sld [smem:$0x3FFE];
	_ =	sdelay $0x1  }
0x8a: {  	s1 =	srdreg.scid  }
0x8b: {  	s0 =	sand.u32 $0x1, s1  }
0x8c: {  	s17 =	sshll.u32 s0, $0xA;
	s2 =	sadd.s32 s3, s2  }
0x8d: {  	s2 =	sadd.s32 s2, s17  }
0x8e: {  	[smem:$0x3FB0] =	sst s2  }
0x8f: {  	_ = 	snop  }
0x90: {  	s2 =	sld [smem:$0x3FD0];
	(tm) =	ssettm $0x1  }
0x91: {  	s18 =	sld [smem:$0x3FFB];
	_ =	sdelay $0x3  }
0x92: {  	_ =	strace s18  }
0x93: {  	s3 =	sld [smem:$0x3FFC];
	_ =	sdelay $0x3  }
0x94: {  	_ =	strace s3  }
0x95: {  	s3 =	sld [smem:$0x3FFD];
	_ =	sdelay $0x3  }
0x96: {  	_ =	strace s3  }
0x97: {  	_ =	strace $0x8FFFFFFF  }
0x98: {  	s19 =	sld [smem:$0x3FDB];
	_ =	sdelay $0x1  }
0x99: {  	s4 =	simm.s32 $_scs_section_size  }
0x9a: {  	s5 =	simm.s32 $_size__tile_overlayer_lowered;
	s6 =	simm.s32 $_tile_overlayer_lowered  }
0x9b: {  	s22 =	simm.s32 $0x1BFF;
	s21 =	sshll.u32 s6, $0x1;
	s3 =	sadd.s32 s4, s19  }
0x9c: {  	s7 =	simm.s32 $0x0;
	s20 =	sshll.u32 s5, $0x1;
	s5 =	sadd.s32 s21, s3  }
0x9d: {  	[timem:s7], [sflag:s22] =	dma.local [hbm:s5], s20  }
0x9e: {  	_ =	swait.ge [sflag:s22], s20  }
0x9f: {  	s4 =	ssub.s32 $0x0, s20;
	[sflag:s22] =	ssyncset.done $0x0  }
0xa0: {  	[sflag:s22] =	ssyncadd.s32 s4;
	_ =	sdelay $0x1  }
0xa1: {  	s23 =	simm.s32 $0x1B8B  }
0xa2: {  	_ =	swait.ge [sflag:s23], $0x1  }
0xa3: {  	[sflag:s23] =	ssyncset.done $0x0  }
0xa4: {  	s25 =	simm.s32 $0x1B8E;
	s24 =	sld [smem:$0x3FFE];
	[sflag:s23] =	ssyncadd.s32 $0xFFFFFFFF  }
0xa5: {  	s26 =	simm.s32 $execute0_lowered;
	[smem:$0x3FD2] =	sst s25  }
0xa6: {  	s5 =	sshll.u32 s26, $0x1;
	_ =	strace $0x80000046;
	[dreg:$0x1] =	wrdreg $0xFFFFFFFF  }
0xa7: {  	s28 =	simm.s32 $_size_execute0_lowered;
	s3 =	sadd.s32 s3, s5;
	[dreg:$0x0] =	wrdreg $0x0  }
0xa8: {  	s5 =	sshll.u32 s28, $0x1;
	[dreg:$0x2] =	wrdreg s3  }
0xa9: {  	[dreg:$0x3] =	wrdreg s5  }
0xaa: {  	[dreg:$0x4] =	wrdreg $0xC0  }
0xab: {  	_ =	task [dreg:s7], $0x5FFFF  }
0xac: {  	[dreg:$0x1] =	wrdreg $0xFFFFFFFF  }
0xad: {  	[dreg:$0x0] =	wrdreg $0x60  }
0xae: {  	[dreg:$0x2] =	wrdreg s24  }
0xaf: {  	[dreg:$0x3] =	wrdreg s2  }
0xb0: {  	[dreg:$0x4] =	wrdreg $0xA3000  }
0xb1: {  	[dreg:$0x5] =	wrdreg $0x9  }
0xb2: {  	_ =	task.clear_ibuf [dreg:s7], $0x6FFFF;
	_ =	strace $0x90000046  }
0xb3: {  	s29 =	simm.s32 $0x9;
	_ =	strace $0x80000048  }
0xb4: {  	_ =	swait.ge [sflag:s29], $0x1  }
0xb5: {  	[sflag:s29] =	ssyncadd.s32 $0xFFFFFFFF  }
0xb6: {  	_ =	strace $0x90000048  }
0xb7: {  	_ =	sfence  }
0xb8: {  	s30 =	sld [smem:$0x0];
	_ =	sdelay $0x2  }
0xb9: {  	s31 =	sshll.u32 s1, $0xD;
	s1 =	sshrl.u32 s1, $0x2  }
0xba: {  	s3 =	sand.u32 $0x4000, s31;
	s1 =	sadd.s32 s1, s30  }
0xbb: {  	s0 =	sor.u32 s3, s0;
	s1 =	sshll.u32 s1, $0x11  }
0xbc: {  	s0 =	sor.u32 s1, s0  }
0xbd: {  	s0 =	sadd.s32 $0x8F2B, s0  }
0xbe: {  	[sflag:s0] =	ssyncadd.remote.s32 $0x1  }
0xbf: {  	_ =	sfence.sel $0xFFFF  }
0xc0: {  	[dreg:$0x0] =	wrdreg $0xFFFFFFFF;
	(pc) =	sbr.abs _section_cstart, $3  }
0xc1: {  	[dreg:$0x1] =	wrdreg $0xFFFFFFFF  }
0xc2: {  	_ =	task.clear_ibuf [dreg:s7], $0x2FFFF;
	_ =	strace $0x9FFFFFFF  }
0xc3: {  	(tm) =	ssettm $0x7FFFFFFF  }
tec
execute0_lowered:
.L_overlay_start_1:
0x0: {  	(tag) =	ssettag $0x1  }
0x1: {  	s0 =	rddreg [dreg:$0x0]  }
0x2: {  	s11 =	rddreg [dreg:$0x2];
	s3 =	simm.s32 $0x0;
	s25 =	srdreg.scid  }
0x3: {  	s9 =	stileid.u32;
	s29 =	simm.s32 $0x7A00;
	s30 =	simm.s32 $0x7  }
0x4: {  	s31 =	simm.s32 $0xA200;
	[smem:$0x7FF] =	sst s3;
	s1 =	sadd.s32 $0x1B200, s0  }
0x5: {  	s2 =	sadd.s32 $0x42400, s0;
	s12 =	sadd.s32 $0x69600, s0;
	s13 =	sadd.s32 $0x10E00, s0  }
0x6: {  	s14 =	sadd.s32 $0x7000, s0;
	s5 =	smul.u32 $0x14000, s9;
	s7 =	sshll.u32 s9, $0x1  }
0x7: {  	s10 =	sadd.s32 $0x1AC00, s0;
	_ =	strace $0x80000047;
	[dreg:$0x4] =	wrdreg s1  }
0x8: {  	s4 =	sadd.s32 $0x3AD400, s0;
	s28 =	sadd.s32 $0x3A7600, s0;
	[dreg:$0x5] =	wrdreg s2  }
0x9: {  	s9 =	smul.u32 $0x50000, s9;
	s1 =	sand.u32 $0x1, s25;
	[dreg:$0x6] =	wrdreg s4  }
0xa: {  	[dreg:$0x7] =	wrdreg s28;
	s26 =	smul.u32 $0x140000, s1;
	s7 =	sor.u32 s1, s7  }
0xb: {  	[dreg:$0x8] =	wrdreg s13;
	s17 =	smov.u32 s12;
	s15 =	smul.u32 $0x1770, s7  }
0xc: {  	s1 =	ssub.s32 $0x2, s1;
	s18 =	sshrl.u32 s9, $0x2;
	s4 =	smul.u32 $0x17700, s7  }
0xd: {  	s6 =	sshrl.u32 s1, $0x1;
	s9 =	sadd.s32 s18, s11;
	s18 =	simm.s32 $0x4  }
0xe: {  	s2 =	sadd.s32 s5, s26;
	s21 =	sadd.s32 $0x2800, s9;
	[dreg:$0xe] =	wrdreg s9  }
0xf: {  	s1 =	ssub.s32 s1, s6;
	s22 =	sadd.s32 $0x5000, s9;
	[dreg:$0x10] =	wrdreg s21  }
0x10: {  	s6 =	smov.u32 s14;
	s23 =	sadd.s32 $0x7800, s9;
	[dreg:$0x11] =	wrdreg s22  }
0x11: {  	s24 =	sadd.s32 $0xA000, s9;
	s25 =	sadd.s32 $0xC800, s9;
	[dreg:$0x12] =	wrdreg s23  }
0x12: {  	s26 =	sadd.s32 $0xF000, s9;
	s28 =	sadd.s32 $0x11800, s9;
	[dreg:$0x13] =	wrdreg s24  }
0x13: {  	s5 =	simm.s32 $0x1;
	s2 =	sshrl.u32 s2, $0x3;
	[dreg:$0x14] =	wrdreg s25  }
0x14: {  	s8 =	sshrl.u32 s15, $0x3;
	s16 =	sadd.s32 s12, s4;
	[dreg:$0x15] =	wrdreg s26  }
0x15: {  	s4 =	smov.u32 s15;
	s19 =	sadd.s32 $0x50, s15;
	[dreg:$0x16] =	wrdreg s28  }
0x16: {  	s20 =	smax.u32 s1, $0x1;
	s15 =	simm.s32 $0x3;
	[dreg:$0xb] =	wrdreg s16  }
0x17: {  	s21 =	simm.s32 $0x6;
	s0 =	sadd.s32 s2, s0;
	[dreg:$0xc] =	wrdreg s19  }
0x18: {  	s13 =	sadd.s32 s13, s8;
	s14 =	sadd.s32 s14, s8;
	[dreg:$0xf] =	wrdreg s20  }
0x19: {  	s16 =	simm.s32 $0xA280;
	s20 =	simm.s32 $0x5;
	[dreg:$0x9] =	wrdreg s13  }
0x1a: {  	s2 =	simm.s32 $0x0;
	[dreg:$0xa] =	wrdreg s14;
	s0 =	sadd.s32 $0x357600, s0  }
0x1b: {  	v0 =	vimm.f32 $0.0e+00;
	s14 =	simm.s32 $0x2;
	[dreg:$0xd] =	wrdreg s0;
	s0 =	simm.s32 $0x50  }
.LBB2_1:
0x1c: {  	s1 =	sand.u32 $0xFE00, s3  }
0x1d: {  	[dreg:$0x17] =	wrdreg s2;
	s28 =	sand.u32 $0x70, s3;
	s7 =	sshrl.u32 s1, $0x2  }
0x1e: {  	s2 =	simm.s32 $0x0;
	s1 =	simm.s32 $0x40;
	s7 =	sor.u32 s28, s7  }
.LBB2_2:
0x1f: {  	p0 =	sne.s32 s1, $0x9FC0  }
0x20: {  	[tilespmem:s7+$0x7A00] =	vst v0;
	s2 =	sadd.s32 $0x10, s2;
	s7 =	smov.u32 s1;
	s1 =	sadd.s32 $0x40, s1  }
.Ltmp0:
0x21: {  	(pc) =	sbr.rel @p0 .LBB2_2-.Ltmp0, $4  }
0x22: {  	_ = 	snop  }
0x23: {  	s7 =	sand.u32 $0xFE00, s7  }
0x24: {  	s8 =	sand.u32 $0x70, s2;
	s7 =	sshrl.u32 s7, $0x2  }
0x25: {  	s7 =	sor.u32 s8, s7  }
0x26: {  	[tilespmem:s7+$0x7A00] =	vst v0  }
0x27: {  	[spmem:s9] =	stream.linear.scatter [tilespmem:s29], [sflag:$0x7], $0x2800, $0x38;
	[tilespmem:$0x1E300] =	vst v63  }
0x28: {  	_ =	swait.ge [sflag:s30], $0x2800  }
0x29: {  	[sflag:s30] =	ssyncset.done $0x0  }
0x2a: {  	s1 =	rddreg [dreg:$0x10];
	[sflag:s30] =	ssyncadd.s32 $0xFFFFD800  }
0x2b: {  	[spmem:s1] =	stream.linear.scatter [tilespmem:s29], [sflag:$0x7], $0x2800, $0x38;
	[tilespmem:$0x1E300] =	vst v63  }
0x2c: {  	_ =	swait.ge [sflag:s30], $0x2800  }
0x2d: {  	[sflag:s30] =	ssyncset.done $0x0  }
0x2e: {  	s28 =	rddreg [dreg:$0x11];
	[sflag:s30] =	ssyncadd.s32 $0xFFFFD800  }
0x2f: {  	[spmem:s28] =	stream.linear.scatter [tilespmem:s29], [sflag:$0x7], $0x2800, $0x38;
	[tilespmem:$0x1E300] =	vst v63  }
0x30: {  	_ =	swait.ge [sflag:s30], $0x2800  }
0x31: {  	[sflag:s30] =	ssyncset.done $0x0  }
0x32: {  	s2 =	rddreg [dreg:$0x12];
	[sflag:s30] =	ssyncadd.s32 $0xFFFFD800  }
0x33: {  	[spmem:s2] =	stream.linear.scatter [tilespmem:s29], [sflag:$0x7], $0x2800, $0x38;
	[tilespmem:$0x1E300] =	vst v63  }
0x34: {  	_ =	swait.ge [sflag:s30], $0x2800  }
0x35: {  	[sflag:s30] =	ssyncset.done $0x0  }
0x36: {  	s7 =	rddreg [dreg:$0x13];
	[sflag:s30] =	ssyncadd.s32 $0xFFFFD800  }
0x37: {  	[spmem:s7] =	stream.linear.scatter [tilespmem:s29], [sflag:$0x7], $0x2800, $0x38;
	[tilespmem:$0x1E300] =	vst v63  }
0x38: {  	_ =	swait.ge [sflag:s30], $0x2800  }
0x39: {  	[sflag:s30] =	ssyncset.done $0x0  }
0x3a: {  	s8 =	rddreg [dreg:$0x14];
	[sflag:s30] =	ssyncadd.s32 $0xFFFFD800  }
0x3b: {  	[spmem:s8] =	stream.linear.scatter [tilespmem:s29], [sflag:$0x7], $0x2800, $0x38;
	[tilespmem:$0x1E300] =	vst v63  }
0x3c: {  	_ =	swait.ge [sflag:s30], $0x2800  }
0x3d: {  	[sflag:s30] =	ssyncset.done $0x0  }
0x3e: {  	s9 =	rddreg [dreg:$0x15];
	[sflag:s30] =	ssyncadd.s32 $0xFFFFD800  }
0x3f: {  	[spmem:s9] =	stream.linear.scatter [tilespmem:s29], [sflag:$0x7], $0x2800, $0x38;
	[tilespmem:$0x1E300] =	vst v63  }
0x40: {  	_ =	swait.ge [sflag:s30], $0x2800  }
0x41: {  	[sflag:s30] =	ssyncset.done $0x0  }
0x42: {  	s11 =	rddreg [dreg:$0x16];
	[sflag:s30] =	ssyncadd.s32 $0xFFFFD800  }
0x43: {  	[spmem:s11] =	stream.linear.scatter [tilespmem:s29], [sflag:$0x7], $0x2800, $0x38;
	[tilespmem:$0x1E300] =	vst v63  }
0x44: {  	_ =	swait.ge [sflag:s30], $0x2800  }
0x45: {  	[sflag:s30] =	ssyncset.done $0x0  }
0x46: {  	[sflag:s30] =	ssyncadd.s32 $0xFFFFD800  }
0x47: {  	[bflag:$0x0] =	sbarrier.arrive $0xFFFF  }
0x48: {  	s23 =	simm.s32 $0x0;
	s12 =	rddreg [dreg:$0x9]  }
0x49: {  	[tilespmem:s23], [sflag:$0x7] =	stream.linear.gather [hbm4b:s12+s23], $0x50, $0x38;
	[tilespmem:$0x1E300] =	vst v63  }
0x4a: {  	_ =	swait.ge [sflag:s30], $0x50  }
0x4b: {  	[sflag:s30] =	ssyncset.done $0x0  }
0x4c: {  	s2 =	simm.s32 $0x100;
	s13 =	rddreg [dreg:$0xa];
	[sflag:s30] =	ssyncadd.s32 $0xFFFFFFB0  }
0x4d: {  	[tilespmem:s2], [sflag:$0x7] =	stream.linear.gather [hbm4b:s13+s23], $0x50, $0x38;
	[tilespmem:$0x1E300] =	vst v63  }
0x4e: {  	_ =	swait.ge [sflag:s30], $0x50  }
0x4f: {  	[sflag:s30] =	ssyncset.done $0x0  }
0x50: {  	s22 =	simm.s32 $0x200;
	s19 =	rddreg [dreg:$0x4];
	[sflag:s30] =	ssyncadd.s32 $0xFFFFFFB0  }
0x51: {  	[tilespmem:s22], [sflag:$0x1] =	stream.indirect.gather [hbm4b:s19+s0], $0x80, s23, s0, $0xb8;
	[tilespmem:$0x1E300] =	vst v63  }
0x52: {  	s25 =	simm.s32 $0x2A00;
	s24 =	rddreg [dreg:$0x5]  }
0x53: {  	[tilespmem:s25], [sflag:$0x2] =	stream.indirect.gather [hbm4b:s24+s0], $0x80, s2, s0, $0xb8;
	[tilespmem:$0x1E300] =	vst v63  }
0x54: {  	s28 =	simm.s32 $0x5200;
	s26 =	rddreg [dreg:$0xb]  }
0x55: {  	[tilespmem:s28], [sflag:$0x3] =	stream.linear.gather [hbm4b:s26+s23], $0x2800, $0x38;
	[tilespmem:$0x1E300] =	vst v63  }
.LBB2_4:
0x56: {  	_ =	swait.ge [sflag:s5], $0x2800  }
0x57: {  	[sflag:s5] =	ssyncset.done $0x0  }
0x58: {  	[sflag:s5] =	ssyncadd.s32 $0xFFFFD800  }
0x59: {  	_ =	swait.ge [sflag:s14], $0x2800  }
0x5a: {  	[sflag:s14] =	ssyncset.done $0x0  }
0x5b: {  	[sflag:s14] =	ssyncadd.s32 $0xFFFFD800  }
0x5c: {  	s8 =	smul.u32 $0x50, s23;
	_ =	swait.ge [sflag:s15], $0x2800  }
0x5d: {  	p0 =	seq.s32 s23, $0x4A;
	s1 =	sand.u32 $0x1, s23;
	s2 =	rddreg [dreg:$0xc]  }
0x5e: {  	[sflag:s15] =	ssyncset.done $0x0;
	s24 =	sadd.s32 @!p0 s8, s2;
	s2 =	sxor.u32 $0x1, s1  }
0x5f: {  	s7 =	sshrl.u32 @!p0 s24, $0x3;
	s25 =	sshll.u32 @!p0 s2, $0x7;
	s2 =	rddreg [dreg:$0x8]  }
0x60: {  	s9 =	simm.s32 @!p0 $0x0;
	[sflag:s15] =	ssyncadd.s32 $0xFFFFD800;
	s2 =	sadd.s32 @!p0 s2, s7  }
0x61: {  	[tilespmem:s25], [sflag:$0x7] =	stream.linear.gather @!p0 [hbm4b:s2+s9], $0x50, $0x38;
	[tilespmem:$0x1E300] =	vst v63  }
0x62: {  	s2 =	simm.s32 @!p0 $0x7  }
0x63: {  	_ =	swait.ge @!p0 [sflag:s2], $0x50  }
0x64: {  	[sflag:s2] =	ssyncset.done @!p0 $0x0  }
0x65: {  	s28 =	sor.u32 @!p0 $0x100, s25;
	s7 =	sadd.s32 @!p0 s6, s7;
	[sflag:s2] =	ssyncadd.s32 @!p0 $0xFFFFFFB0  }
0x66: {  	[tilespmem:s28], [sflag:$0x7] =	stream.linear.gather @!p0 [hbm4b:s7+s9], $0x50, $0x38;
	[tilespmem:$0x1E300] =	vst v63  }
0x67: {  	_ =	swait.ge @!p0 [sflag:s2], $0x50  }
0x68: {  	[sflag:s2] =	ssyncset.done @!p0 $0x0  }
0x69: {  	s26 =	sshll.u32 s1, $0x7;
	[sflag:s2] =	ssyncadd.s32 @!p0 $0xFFFFFFB0  }
0x6a: {  	[tilespmem:s31], [sflag:$0x4] =	stream.indirect.gather [hbm4b:s10+s0], $0x1, s26, s0, $0xb8;
	[tilespmem:$0x1E300] =	vst v63  }
0x6b: {  	s12 =	simm.s32 $0x5300;
	s1 =	sor.u32 $0x100, s26  }
0x6c: {  	[tilespmem:s16], [sflag:$0x5] =	stream.indirect.gather [hbm4b:s10+s0], $0x1, s1, s0, $0xb8;
	[tilespmem:$0x1E300] =	vst v63  }
0x6d: {  	s11 =	simm.s32 $0x300;
	v1 =	vld [tilespmem:s12+$0x80]  }
0x6e: {  	v2 =	vld [tilespmem:s11+$0x80]  }
0x6f: {  	s13 =	simm.s32 $0x2B00  }
0x70: {  	v3 =	vld [tilespmem:s13+$0x80];
	_ =	sdelay $0x2  }
0x71: {  	v1 =	vadd.f32 v2, v1;
	_ =	sdelay $0x1  }
0x72: {  	v4 =	vld [tilespmem:s11+$0xFFFFFF00];
	v1 =	vadd.f32 v3, v1  }
0x73: {  	v5 =	vld [tilespmem:s12+$0xFFFFFF80]  }
0x74: {  	s19 =	simm.s32 $0x7B00;
	v6 =	vld [tilespmem:s11+$0xFFFFFF80];
	v1 =	vmax.f32 v1, $0.0e+00  }
0x75: {  	v7 =	vld [tilespmem:s13+$0xFFFFFF80];
	[tilespmem:s19+$0x80] =	vst v1  }
0x76: {  	v1 =	vld [tilespmem:s12+$0x90]  }
0x77: {  	v2 =	vld [tilespmem:s11+$0x90]  }
0x78: {  	v8 =	vld [tilespmem:s12+$0x0]  }
0x79: {  	s1 =	simm.s32 $0x5500;
	v3 =	vld [tilespmem:s13+$0x90]  }
0x7a: {  	s2 =	simm.s32 $0x500;
	v11 =	vld [tilespmem:s1+$0x80]  }
0x7b: {  	v12 =	vld [tilespmem:s2+$0x80]  }
0x7c: {  	v1 =	vadd.f32 v2, v1;
	v2 =	vld [tilespmem:s12+$0xFFFFFF00]  }
0x7d: {  	v13 =	vld [tilespmem:s2+$0xFFFFFF00]  }
0x7e: {  	s7 =	simm.s32 $0x2D00;
	v1 =	vadd.f32 v3, v1;
	v3 =	vld [tilespmem:s13+$0xFFFFFF00]  }
0x7f: {  	v14 =	vld [tilespmem:s7+$0x80]  }
0x80: {  	v15 =	vld [tilespmem:s1+$0xFFFFFF80];
	v1 =	vmax.f32 v1, $0.0e+00  }
0x81: {  	v16 =	vld [tilespmem:s2+$0xFFFFFF80];
	[tilespmem:s19+$0x90] =	vst v1;
	v1 =	vadd.f32 v4, v2  }
0x82: {  	v2 =	vld [tilespmem:s12+$0xA0]  }
0x83: {  	v5 =	vadd.f32 v6, v5;
	v4 =	vld [tilespmem:s11+$0xA0];
	v1 =	vadd.f32 v3, v1  }
0x84: {  	v6 =	vld [tilespmem:s11+$0x0]  }
0x85: {  	v5 =	vadd.f32 v7, v5;
	v3 =	vld [tilespmem:s13+$0xA0];
	v1 =	vmax.f32 v1, $0.0e+00  }
0x86: {  	v7 =	vld [tilespmem:s13+$0x0];
	[tilespmem:s19+$0xFFFFFF00] =	vst v1  }
0x87: {  	v1 =	vmax.f32 v5, $0.0e+00;
	v5 =	vld [tilespmem:s12+$0xFFFFFF10]  }
0x88: {  	v2 =	vadd.f32 v4, v2;
	[tilespmem:s19+$0xFFFFFF80] =	vst v1;
	v1 =	vld [tilespmem:s11+$0xFFFFFF10]  }
0x89: {  	v6 =	vadd.f32 v6, v8;
	v8 =	vld [tilespmem:s13+$0xFFFFFF10]  }
0x8a: {  	v4 =	vld [tilespmem:s12+$0xFFFFFF90];
	v2 =	vadd.f32 v3, v2  }
0x8b: {  	v3 =	vld [tilespmem:s11+$0xFFFFFF90]  }
0x8c: {  	v17 =	vld [tilespmem:s1+$0x0];
	v2 =	vmax.f32 v2, $0.0e+00  }
0x8d: {  	v9 =	vld [tilespmem:s13+$0xFFFFFF90];
	[tilespmem:s19+$0xA0] =	vst v2;
	v2 =	vadd.f32 v7, v6  }
0x8e: {  	v1 =	vadd.f32 v1, v5;
	v6 =	vld [tilespmem:s12+$0xB0]  }
0x8f: {  	v5 =	vld [tilespmem:s11+$0xB0];
	v2 =	vmax.f32 v2, $0.0e+00  }
0x90: {  	v1 =	vadd.f32 v8, v1;
	[tilespmem:s19+$0x0] =	vst v2;
	v2 =	vadd.f32 v3, v4;
	v3 =	vld [tilespmem:s13+$0xB0]  }
0x91: {  	v4 =	vld [tilespmem:s12+$0x10]  }
0x92: {  	v7 =	vld [tilespmem:s11+$0x10];
	v1 =	vmax.f32 v1, $0.0e+00;
	v2 =	vadd.f32 v9, v2  }
0x93: {  	v8 =	vld [tilespmem:s13+$0x10];
	[tilespmem:s19+$0xFFFFFF10] =	vst v1  }
0x94: {  	v1 =	vadd.f32 v5, v6;
	v5 =	vld [tilespmem:s12+$0xFFFFFF20];
	v2 =	vmax.f32 v2, $0.0e+00  }
0x95: {  	[tilespmem:s19+$0xFFFFFF90] =	vst v2;
	v2 =	vld [tilespmem:s11+$0xFFFFFF20]  }
0x96: {  	v1 =	vadd.f32 v3, v1;
	v3 =	vld [tilespmem:s12+$0xFFFFFFA0]  }
0x97: {  	v6 =	vld [tilespmem:s11+$0xFFFFFFA0];
	v4 =	vadd.f32 v7, v4  }
0x98: {  	v7 =	vld [tilespmem:s13+$0xFFFFFF20];
	v1 =	vmax.f32 v1, $0.0e+00  }
0x99: {  	v42 =	vld [tilespmem:s13+$0xFFFFFFA0];
	[tilespmem:s19+$0xB0] =	vst v1;
	v4 =	vadd.f32 v8, v4  }
0x9a: {  	v1 =	vld [tilespmem:s12+$0xC0]  }
0x9b: {  	v8 =	vld [tilespmem:s11+$0xC0];
	v4 =	vmax.f32 v4, $0.0e+00  }
0x9c: {  	v2 =	vadd.f32 v2, v5;
	v5 =	vld [tilespmem:s13+$0xC0];
	[tilespmem:s19+$0x10] =	vst v4  }
0x9d: {  	v4 =	vld [tilespmem:s12+$0x20]  }
0x9e: {  	v3 =	vadd.f32 v6, v3;
	v2 =	vadd.f32 v7, v2;
	v6 =	vld [tilespmem:s11+$0x20]  }
0x9f: {  	v46 =	vld [tilespmem:s2+$0x0]  }
0xa0: {  	v7 =	vld [tilespmem:s13+$0x20];
	v3 =	vadd.f32 v42, v3;
	v1 =	vadd.f32 v8, v1;
	v2 =	vmax.f32 v2, $0.0e+00  }
0xa1: {  	v18 =	vld [tilespmem:s1+$0xFFFFFF00];
	[tilespmem:s19+$0xFFFFFF20] =	vst v2  }
0xa2: {  	v2 =	vmax.f32 v3, $0.0e+00;
	v1 =	vadd.f32 v5, v1;
	v3 =	vld [tilespmem:s12+$0xFFFFFF30]  }
0xa3: {  	[tilespmem:s19+$0xFFFFFFA0] =	vst v2;
	v2 =	vld [tilespmem:s11+$0xFFFFFF30];
	v4 =	vadd.f32 v6, v4  }
0xa4: {  	v5 =	vld [tilespmem:s12+$0xFFFFFFB0];
	v1 =	vmax.f32 v1, $0.0e+00  }
0xa5: {  	[tilespmem:s19+$0xC0] =	vst v1;
	v4 =	vadd.f32 v7, v4;
	v7 =	vld [tilespmem:s13+$0xFFFFFF30]  }
0xa6: {  	v1 =	vld [tilespmem:s12+$0xD0]  }
0xa7: {  	v6 =	vld [tilespmem:s11+$0xD0]  }
0xa8: {  	v8 =	vld [tilespmem:s13+$0xD0];
	v4 =	vmax.f32 v4, $0.0e+00  }
0xa9: {  	[tilespmem:s19+$0x20] =	vst v4;
	v4 =	vld [tilespmem:s11+$0xFFFFFFB0]  }
0xaa: {  	v2 =	vadd.f32 v2, v3;
	v43 =	vld [tilespmem:s12+$0x30]  }
0xab: {  	v3 =	vld [tilespmem:s11+$0x30]  }
0xac: {  	v2 =	vadd.f32 v7, v2;
	v1 =	vadd.f32 v6, v1;
	v6 =	vld [tilespmem:s13+$0xFFFFFFB0]  }
0xad: {  	v47 =	vld [tilespmem:s7+$0xFFFFFF00]  }
0xae: {  	v7 =	vld [tilespmem:s13+$0x30];
	v2 =	vmax.f32 v2, $0.0e+00;
	v1 =	vadd.f32 v8, v1  }
0xaf: {  	v19 =	vld [tilespmem:s7+$0xFFFFFF80];
	v4 =	vadd.f32 v4, v5;
	[tilespmem:s19+$0xFFFFFF30] =	vst v2  }
0xb0: {  	v2 =	vld [tilespmem:s12+$0xFFFFFF40];
	v1 =	vmax.f32 v1, $0.0e+00  }
0xb1: {  	[tilespmem:s19+$0xD0] =	vst v1;
	v1 =	vadd.f32 v3, v43;
	v3 =	vadd.f32 v6, v4;
	v6 =	vld [tilespmem:s11+$0xFFFFFF40]  }
0xb2: {  	v4 =	vld [tilespmem:s12+$0xE0]  }
0xb3: {  	v5 =	vld [tilespmem:s11+$0xE0];
	v1 =	vadd.f32 v7, v1;
	v3 =	vmax.f32 v3, $0.0e+00  }
0xb4: {  	[tilespmem:s19+$0xFFFFFFB0] =	vst v3;
	v3 =	vld [tilespmem:s13+$0xE0]  }
0xb5: {  	v11 =	vadd.f32 v12, v11;
	v1 =	vmax.f32 v1, $0.0e+00;
	v7 =	vld [tilespmem:s12+$0xFFFFFFC0]  }
0xb6: {  	[tilespmem:s19+$0x30] =	vst v1;
	v1 =	vld [tilespmem:s11+$0xFFFFFFC0]  }
0xb7: {  	v11 =	vadd.f32 v14, v11;
	v8 =	vld [tilespmem:s12+$0x40]  }
0xb8: {  	v4 =	vadd.f32 v5, v4;
	v5 =	vld [tilespmem:s13+$0xFFFFFF40]  }
0xb9: {  	s22 =	simm.s32 $0x7D00;
	v15 =	vadd.f32 v16, v15;
	v11 =	vmax.f32 v11, $0.0e+00;
	v44 =	vld [tilespmem:s11+$0x40]  }
0xba: {  	[tilespmem:s22+$0x80] =	vst v11;
	v3 =	vadd.f32 v3, v4;
	v4 =	vld [tilespmem:s13+$0xFFFFFFC0]  }
0xbb: {  	v15 =	vadd.f32 v19, v15;
	v11 =	vld [tilespmem:s1+$0x90];
	v2 =	vadd.f32 v6, v2  }
0xbc: {  	v6 =	vld [tilespmem:s13+$0x40]  }
0xbd: {  	v55 =	vmax.f32 v15, $0.0e+00;
	v49 =	vld [tilespmem:s2+$0x90];
	v1 =	vadd.f32 v1, v7;
	v5 =	vadd.f32 v5, v2  }
0xbe: {  	[tilespmem:s22+$0xFFFFFF80] =	vst v55;
	v51 =	vld [tilespmem:s7+$0x90];
	v3 =	vmax.f32 v3, $0.0e+00  }
0xbf: {  	v58 =	vld [tilespmem:s1+$0xFFFFFF90];
	[tilespmem:s19+$0xE0] =	vst v3;
	v7 =	vadd.f32 v44, v8;
	v4 =	vadd.f32 v4, v1;
	v5 =	vmax.f32 v5, $0.0e+00  }
0xc0: {  	v2 =	vld [tilespmem:s12+$0xF0];
	[tilespmem:s19+$0xFFFFFF40] =	vst v5  }
0xc1: {  	v5 =	vadd.f32 v6, v7;
	v4 =	vmax.f32 v4, $0.0e+00;
	v6 =	vld [tilespmem:s12+$0xFFFFFF50]  }
0xc2: {  	[tilespmem:s19+$0xFFFFFFC0] =	vst v4;
	v4 =	vld [tilespmem:s11+$0xFFFFFF50]  }
0xc3: {  	v3 =	vld [tilespmem:s11+$0xF0]  }
0xc4: {  	v10 =	vld [tilespmem:s13+$0xFFFFFF50]  }
0xc5: {  	v1 =	vld [tilespmem:s13+$0xF0]  }
0xc6: {  	v5 =	vmax.f32 v5, $0.0e+00;
	v7 =	vld [tilespmem:s12+$0xFFFFFFD0]  }
0xc7: {  	[tilespmem:s19+$0x40] =	vst v5;
	v5 =	vld [tilespmem:s11+$0xFFFFFFD0];
	v4 =	vadd.f32 v4, v6  }
0xc8: {  	v50 =	vld [tilespmem:s13+$0xFFFFFFD0]  }
0xc9: {  	v48 =	vadd.f32 v13, v18;
	v8 =	vld [tilespmem:s12+$0x50];
	v4 =	vadd.f32 v10, v4  }
0xca: {  	v45 =	vld [tilespmem:s11+$0x50]  }
0xcb: {  	v6 =	vld [tilespmem:s7+$0x0];
	v10 =	vadd.f32 v47, v48;
	v4 =	vmax.f32 v4, $0.0e+00  }
0xcc: {  	v5 =	vadd.f32 v5, v7;
	[tilespmem:s19+$0xFFFFFF50] =	vst v4;
	v4 =	vld [tilespmem:s13+$0x50]  }
0xcd: {  	v53 =	vadd.f32 v49, v11;
	v10 =	vmax.f32 v10, $0.0e+00;
	v52 =	vld [tilespmem:s12+$0xFFFFFF60]  }
0xce: {  	v5 =	vadd.f32 v50, v5;
	[tilespmem:s22+$0xFFFFFF00] =	vst v10;
	v54 =	vld [tilespmem:s11+$0xFFFFFF60]  }
0xcf: {  	v10 =	vadd.f32 v51, v53;
	v56 =	vld [tilespmem:s1+$0xFFFFFF10]  }
0xd0: {  	v5 =	vmax.f32 v5, $0.0e+00;
	v57 =	vld [tilespmem:s2+$0xFFFFFF10]  }
0xd1: {  	v62 =	vld [tilespmem:s7+$0xFFFFFF10];
	[tilespmem:s19+$0xFFFFFFD0] =	vst v5;
	v10 =	vmax.f32 v10, $0.0e+00  }
0xd2: {  	v63 =	vld [tilespmem:s12+$0xFFFFFFE0];
	[tilespmem:s22+$0x90] =	vst v10  }
0xd3: {  	v12 =	vadd.f32 v46, v17;
	v10 =	vld [tilespmem:s1+$0xA0]  }
0xd4: {  	v7 =	vld [tilespmem:s2+$0xA0]  }
0xd5: {  	v6 =	vadd.f32 v6, v12;
	v21 =	vld [tilespmem:s11+$0xFFFFFFE0]  }
0xd6: {  	v8 =	vadd.f32 v45, v8;
	v61 =	vld [tilespmem:s7+$0xA0]  }
0xd7: {  	v6 =	vmax.f32 v6, $0.0e+00;
	v32 =	vld [tilespmem:s13+$0xFFFFFFE0]  }
0xd8: {  	[tilespmem:s22+$0x0] =	vst v6;
	v6 =	vld [tilespmem:s2+$0xFFFFFF90];
	v4 =	vadd.f32 v4, v8  }
0xd9: {  	v59 =	vld [tilespmem:s1+$0x10];
	v7 =	vadd.f32 v7, v10  }
0xda: {  	v60 =	vld [tilespmem:s2+$0x10];
	v4 =	vmax.f32 v4, $0.0e+00  }
0xdb: {  	v5 =	vld [tilespmem:s7+$0x10];
	[tilespmem:s19+$0x50] =	vst v4;
	v4 =	vadd.f32 v57, v56;
	v7 =	vadd.f32 v61, v7  }
0xdc: {  	v8 =	vld [tilespmem:s7+$0xFFFFFF90]  }
0xdd: {  	v9 =	vadd.f32 v21, v63;
	v22 =	vld [tilespmem:s12+$0x60];
	v4 =	vadd.f32 v62, v4;
	v7 =	vmax.f32 v7, $0.0e+00  }
0xde: {  	v23 =	vld [tilespmem:s11+$0x60];
	[tilespmem:s22+$0xA0] =	vst v7  }
0xdf: {  	v9 =	vadd.f32 v32, v9;
	v4 =	vmax.f32 v4, $0.0e+00;
	v24 =	vld [tilespmem:s1+$0xB0]  }
0xe0: {  	[tilespmem:s22+$0xFFFFFF10] =	vst v4;
	v4 =	vld [tilespmem:s2+$0xB0]  }
0xe1: {  	v6 =	vadd.f32 v6, v58;
	v34 =	vld [tilespmem:s13+$0x60];
	v9 =	vmax.f32 v9, $0.0e+00  }
0xe2: {  	[tilespmem:s19+$0xFFFFFFE0] =	vst v9;
	v25 =	vld [tilespmem:s7+$0xB0]  }
0xe3: {  	v6 =	vadd.f32 v8, v6;
	v45 =	vld [tilespmem:s12+$0xFFFFFFF0]  }
0xe4: {  	v15 =	vadd.f32 v60, v59;
	v46 =	vld [tilespmem:s11+$0xFFFFFFF0]  }
0xe5: {  	v6 =	vmax.f32 v6, $0.0e+00;
	v8 =	vld [tilespmem:s1+$0xFFFFFF20];
	v4 =	vadd.f32 v4, v24  }
0xe6: {  	v5 =	vadd.f32 v5, v15;
	[tilespmem:s22+$0xFFFFFF90] =	vst v6;
	v6 =	vld [tilespmem:s2+$0xFFFFFF20]  }
0xe7: {  	v7 =	vld [tilespmem:s13+$0xFFFFFF60];
	v4 =	vadd.f32 v25, v4  }
0xe8: {  	v5 =	vmax.f32 v5, $0.0e+00;
	v26 =	vld [tilespmem:s1+$0xFFFFFFA0]  }
0xe9: {  	[tilespmem:s22+$0x10] =	vst v5;
	v5 =	vld [tilespmem:s2+$0xFFFFFFA0];
	v4 =	vmax.f32 v4, $0.0e+00  }
0xea: {  	v29 =	vld [tilespmem:s7+$0xFFFFFF20];
	[tilespmem:s22+$0xB0] =	vst v4  }
0xeb: {  	v4 =	vadd.f32 v6, v8;
	v6 =	vld [tilespmem:s1+$0xC0]  }
0xec: {  	v8 =	vld [tilespmem:s2+$0xC0]  }
0xed: {  	v30 =	vld [tilespmem:s7+$0xFFFFFFA0];
	v12 =	vadd.f32 v23, v22  }
0xee: {  	v11 =	vadd.f32 v54, v52;
	v33 =	vld [tilespmem:s7+$0xC0]  }
0xef: {  	v2 =	vadd.f32 v3, v2;
	v3 =	vld [tilespmem:s13+$0xFFFFFFF0];
	v12 =	vadd.f32 v34, v12  }
0xf0: {  	v27 =	vld [tilespmem:s1+$0x20];
	v7 =	vadd.f32 v7, v11;
	v5 =	vadd.f32 v5, v26  }
0xf1: {  	v28 =	vld [tilespmem:s2+$0x20];
	v44 =	vmax.f32 v12, $0.0e+00;
	v4 =	vadd.f32 v29, v4;
	v6 =	vadd.f32 v8, v6  }
0xf2: {  	v31 =	vld [tilespmem:s7+$0x20];
	[tilespmem:s19+$0x60] =	vst v44;
	v7 =	vmax.f32 v7, $0.0e+00;
	v5 =	vadd.f32 v30, v5  }
0xf3: {  	v47 =	vld [tilespmem:s12+$0x70];
	[tilespmem:s19+$0xFFFFFF60] =	vst v7;
	v4 =	vmax.f32 v4, $0.0e+00;
	v6 =	vadd.f32 v33, v6  }
0xf4: {  	v5 =	vmax.f32 v5, $0.0e+00;
	v43 =	vld [tilespmem:s11+$0xFFFFFF70];
	[tilespmem:s22+$0xFFFFFF20] =	vst v4  }
0xf5: {  	[tilespmem:s22+$0xFFFFFFA0] =	vst v5;
	v35 =	vld [tilespmem:s1+$0xFFFFFF30];
	v6 =	vmax.f32 v6, $0.0e+00  }
0xf6: {  	v7 =	vadd.f32 v28, v27;
	v5 =	vld [tilespmem:s2+$0xFFFFFF30];
	[tilespmem:s22+$0xC0] =	vst v6  }
0xf7: {  	v6 =	vld [tilespmem:s1+$0xD0]  }
0xf8: {  	v7 =	vadd.f32 v31, v7;
	v38 =	vld [tilespmem:s2+$0xD0]  }
0xf9: {  	v39 =	vld [tilespmem:s7+$0xFFFFFF30]  }
0xfa: {  	v7 =	vmax.f32 v7, $0.0e+00;
	v40 =	vld [tilespmem:s7+$0xD0]  }
0xfb: {  	[tilespmem:s22+$0x20] =	vst v7;
	v7 =	vld [tilespmem:s2+$0xFFFFFFB0]  }
0xfc: {  	v8 =	vld [tilespmem:s1+$0xFFFFFFB0];
	v5 =	vadd.f32 v5, v35  }
0xfd: {  	v41 =	vld [tilespmem:s7+$0xFFFFFFB0];
	v6 =	vadd.f32 v38, v6  }
0xfe: {  	v36 =	vld [tilespmem:s1+$0x30];
	v5 =	vadd.f32 v39, v5  }
0xff: {  	v37 =	vld [tilespmem:s2+$0x30];
	v6 =	vadd.f32 v40, v6  }
0x100: {  	v42 =	vld [tilespmem:s7+$0x30];
	v5 =	vmax.f32 v5, $0.0e+00  }
0x101: {  	v4 =	vld [tilespmem:s12+$0xFFFFFF70];
	v7 =	vadd.f32 v7, v8;
	[tilespmem:s22+$0xFFFFFF30] =	vst v5;
	v5 =	vmax.f32 v6, $0.0e+00  }
0x102: {  	v8 =	vld [tilespmem:s1+$0xFFFFFF40];
	[tilespmem:s22+$0xD0] =	vst v5  }
0x103: {  	v7 =	vadd.f32 v41, v7;
	v48 =	vld [tilespmem:s1+$0xE0]  }
0x104: {  	v49 =	vld [tilespmem:s2+$0xE0]  }
0x105: {  	v7 =	vmax.f32 v7, $0.0e+00;
	v50 =	vld [tilespmem:s2+$0xFFFFFF40];
	v5 =	vadd.f32 v37, v36  }
0x106: {  	[tilespmem:s22+$0xFFFFFFB0] =	vst v7;
	v7 =	vld [tilespmem:s7+$0xE0]  }
0x107: {  	v51 =	vld [tilespmem:s1+$0xFFFFFFC0];
	v5 =	vadd.f32 v42, v5  }
0x108: {  	v54 =	vld [tilespmem:s7+$0xFFFFFF40]  }
0x109: {  	v55 =	vld [tilespmem:s7+$0xFFFFFFC0];
	v5 =	vmax.f32 v5, $0.0e+00;
	v13 =	vadd.f32 v49, v48  }
0x10a: {  	[tilespmem:s22+$0x30] =	vst v5;
	v5 =	vld [tilespmem:s2+$0xFFFFFFC0]  }
0x10b: {  	v52 =	vld [tilespmem:s1+$0x40];
	v7 =	vadd.f32 v7, v13  }
0x10c: {  	v53 =	vld [tilespmem:s2+$0x40]  }
0x10d: {  	v56 =	vld [tilespmem:s7+$0x40];
	v7 =	vmax.f32 v7, $0.0e+00  }
0x10e: {  	v8 =	vadd.f32 v50, v8;
	[tilespmem:s22+$0xE0] =	vst v7;
	v7 =	vld [tilespmem:s13+$0xFFFFFF70]  }
0x10f: {  	v57 =	vld [tilespmem:s1+$0xF0]  }
0x110: {  	v8 =	vadd.f32 v54, v8;
	v5 =	vadd.f32 v5, v51;
	v58 =	vld [tilespmem:s2+$0xF0]  }
0x111: {  	v6 =	vld [tilespmem:s11+$0x70]  }
0x112: {  	v8 =	vmax.f32 v8, $0.0e+00;
	v15 =	vadd.f32 v53, v52;
	v5 =	vadd.f32 v55, v5;
	v59 =	vld [tilespmem:s7+$0xF0]  }
0x113: {  	v1 =	vadd.f32 v1, v2;
	v2 =	vadd.f32 v43, v4;
	[tilespmem:s22+$0xFFFFFF40] =	vst v8;
	v8 =	vld [tilespmem:s13+$0x70]  }
0x114: {  	v4 =	vadd.f32 v46, v45;
	v61 =	vld [tilespmem:s1+$0xFFFFFF50];
	v60 =	vadd.f32 v56, v15;
	v5 =	vmax.f32 v5, $0.0e+00  }
0x115: {  	v1 =	vmax.f32 v1, $0.0e+00;
	v62 =	vld [tilespmem:s2+$0xFFFFFF50];
	[tilespmem:s22+$0xFFFFFFC0] =	vst v5;
	v7 =	vadd.f32 v7, v2;
	v5 =	vadd.f32 v58, v57  }
0x116: {  	[tilespmem:s19+$0xF0] =	vst v1;
	v63 =	vadd.f32 v3, v4;
	v1 =	vadd.f32 v6, v47;
	v6 =	vmax.f32 v60, $0.0e+00;
	v2 =	vld [tilespmem:s1+$0xFFFFFFD0]  }
0x117: {  	[tilespmem:s22+$0x40] =	vst v6;
	v4 =	vld [tilespmem:s2+$0xFFFFFFD0];
	v3 =	vmax.f32 v7, $0.0e+00;
	v6 =	vadd.f32 v59, v5  }
0x118: {  	v1 =	vadd.f32 v8, v1;
	v7 =	vmax.f32 v63, $0.0e+00;
	[tilespmem:s19+$0xFFFFFF70] =	vst v3;
	v3 =	vld [tilespmem:s1+$0x50]  }
0x119: {  	s8 =	sadd.s32 s4, s8;
	s9 =	simm.s32 $0x2D00;
	v5 =	vld [tilespmem:s2+$0x50];
	[tilespmem:s19+$0xFFFFFFF0] =	vst v7;
	v8 =	vmax.f32 v6, $0.0e+00  }
0x11a: {  	s12 =	simm.s32 $0x4;
	s11 =	simm.s32 $0x500;
	s13 =	simm.s32 $0x5700;
	v1 =	vmax.f32 v1, $0.0e+00;
	v7 =	vld [tilespmem:s7+$0xFFFFFF50];
	v6 =	vadd.f32 v62, v61;
	[tilespmem:s22+$0xF0] =	vst v8  }
.LBB2_5:
0x11b: {  	v8 =	vld [tilespmem:s13+$0x80];
	s2 =	sadd.s32 $0x200, s2;
	[tilespmem:s19+$0x70] =	vst v1;
	s19 =	smov.u32 s22  }
0x11c: {  	v1 =	vld [tilespmem:s2+$0x80];
	v2 =	vadd.f32 v4, v2  }
0x11d: {  	s7 =	sadd.s32 $0x200, s7;
	v4 =	vld [tilespmem:s2+$0xFFFFFF00]  }
0x11e: {  	v9 =	vld [tilespmem:s7+$0x80];
	v3 =	vadd.f32 v5, v3  }
0x11f: {  	v5 =	vld [tilespmem:s13+$0xFFFFFF80];
	v6 =	vadd.f32 v7, v6  }
0x120: {  	v7 =	vld [tilespmem:s2+$0xFFFFFF80]  }
0x121: {  	v10 =	vld [tilespmem:s13+$0x0];
	v1 =	vadd.f32 v1, v8;
	v6 =	vmax.f32 v6, $0.0e+00  }
0x122: {  	v8 =	vld [tilespmem:s2+$0x0];
	[tilespmem:s22+$0xFFFFFF50] =	vst v6  }
0x123: {  	s12 =	sadd.s32 $0x4, s12;
	v6 =	vld [tilespmem:s13+$0xFFFFFF00];
	v1 =	vadd.f32 v9, v1  }
0x124: {  	p1 =	slt.u32 s12, $0x4C;
	v9 =	vld [tilespmem:s7+$0xFFFFFF00]  }
0x125: {  	s22 =	sadd.s32 $0x200, s22;
	v5 =	vadd.f32 v7, v5;
	v7 =	vld [tilespmem:s7+$0xFFFFFF80];
	v1 =	vmax.f32 v1, $0.0e+00  }
0x126: {  	v11 =	vld [tilespmem:s7+$0x0];
	[tilespmem:s22+$0x80] =	vst v1  }
0x127: {  	v1 =	vadd.f32 v8, v10;
	v8 =	vld [tilespmem:s13+$0x90]  }
0x128: {  	v4 =	vadd.f32 v4, v6;
	v6 =	vld [tilespmem:s2+$0x90]  }
0x129: {  	v10 =	vld [tilespmem:s9+$0xFFFFFFD0]  }
0x12a: {  	v4 =	vadd.f32 v9, v4;
	v5 =	vadd.f32 v7, v5;
	v7 =	vld [tilespmem:s7+$0x90]  }
0x12b: {  	v1 =	vadd.f32 v11, v1;
	v9 =	vld [tilespmem:s9+$0x50]  }
0x12c: {  	v4 =	vmax.f32 v4, $0.0e+00;
	v5 =	vmax.f32 v5, $0.0e+00;
	v11 =	vld [tilespmem:s1+$0xFFFFFF60]  }
0x12d: {  	[tilespmem:s22+$0xFFFFFF00] =	vst v4;
	v1 =	vmax.f32 v1, $0.0e+00;
	v4 =	vadd.f32 v6, v8;
	v6 =	vld [tilespmem:s11+$0xFFFFFF60]  }
0x12e: {  	v8 =	vld [tilespmem:s13+$0xFFFFFF10];
	[tilespmem:s22+$0xFFFFFF80] =	vst v5;
	v2 =	vadd.f32 v10, v2  }
0x12f: {  	v5 =	vld [tilespmem:s2+$0xFFFFFF10];
	[tilespmem:s22+$0x0] =	vst v1;
	v1 =	vadd.f32 v7, v4  }
0x130: {  	v4 =	vld [tilespmem:s13+$0xFFFFFF90];
	v2 =	vmax.f32 v2, $0.0e+00;
	v3 =	vadd.f32 v9, v3  }
0x131: {  	v7 =	vld [tilespmem:s2+$0xFFFFFF90];
	v1 =	vmax.f32 v1, $0.0e+00;
	[tilespmem:s19+$0xFFFFFFD0] =	vst v2  }
0x132: {  	v2 =	vld [tilespmem:s13+$0x10];
	[tilespmem:s22+$0x90] =	vst v1;
	v1 =	vadd.f32 v6, v11;
	v3 =	vmax.f32 v3, $0.0e+00  }
0x133: {  	v6 =	vld [tilespmem:s13+$0xA0];
	[tilespmem:s19+$0x50] =	vst v3  }
0x134: {  	v3 =	vadd.f32 v5, v8;
	v5 =	vld [tilespmem:s2+$0xA0]  }
0x135: {  	v8 =	vld [tilespmem:s2+$0x10]  }
0x136: {  	v4 =	vadd.f32 v7, v4;
	v7 =	vld [tilespmem:s7+$0xA0]  }
0x137: {  	v9 =	vld [tilespmem:s7+$0xFFFFFF10]  }
0x138: {  	v10 =	vld [tilespmem:s7+$0xFFFFFF90]  }
0x139: {  	v11 =	vld [tilespmem:s7+$0x10];
	v5 =	vadd.f32 v5, v6  }
0x13a: {  	v2 =	vadd.f32 v8, v2;
	v6 =	vld [tilespmem:s1+$0xFFFFFFE0]  }
0x13b: {  	v5 =	vadd.f32 v7, v5;
	v7 =	vld [tilespmem:s11+$0xFFFFFFE0]  }
0x13c: {  	v3 =	vadd.f32 v9, v3;
	v8 =	vld [tilespmem:s1+$0x60]  }
0x13d: {  	v4 =	vadd.f32 v10, v4;
	v5 =	vmax.f32 v5, $0.0e+00;
	v9 =	vld [tilespmem:s11+$0x60]  }
0x13e: {  	v3 =	vmax.f32 v3, $0.0e+00;
	v2 =	vadd.f32 v11, v2;
	[tilespmem:s22+$0xA0] =	vst v5;
	v5 =	vld [tilespmem:s9+$0xFFFFFF60]  }
0x13f: {  	[tilespmem:s22+$0xFFFFFF10] =	vst v3;
	v3 =	vmax.f32 v4, $0.0e+00;
	v4 =	vld [tilespmem:s13+$0xB0]  }
0x140: {  	[tilespmem:s22+$0xFFFFFF90] =	vst v3;
	v2 =	vmax.f32 v2, $0.0e+00;
	v3 =	vld [tilespmem:s2+$0xB0];
	v6 =	vadd.f32 v7, v6  }
0x141: {  	v7 =	vld [tilespmem:s13+$0xFFFFFF20];
	[tilespmem:s22+$0x10] =	vst v2  }
0x142: {  	v2 =	vld [tilespmem:s7+$0xB0];
	v8 =	vadd.f32 v9, v8  }
0x143: {  	v9 =	vld [tilespmem:s2+$0xFFFFFF20];
	v1 =	vadd.f32 v5, v1  }
0x144: {  	v5 =	vld [tilespmem:s13+$0xFFFFFFA0]  }
0x145: {  	v10 =	vld [tilespmem:s2+$0xFFFFFFA0];
	v3 =	vadd.f32 v3, v4;
	v1 =	vmax.f32 v1, $0.0e+00  }
0x146: {  	v4 =	vld [tilespmem:s13+$0x20];
	[tilespmem:s19+$0xFFFFFF60] =	vst v1  }
0x147: {  	v1 =	vld [tilespmem:s2+$0x20];
	v2 =	vadd.f32 v2, v3  }
0x148: {  	v3 =	vadd.f32 v9, v7;
	v7 =	vld [tilespmem:s7+$0xFFFFFF20]  }
0x149: {  	v9 =	vld [tilespmem:s7+$0xFFFFFFA0];
	v2 =	vmax.f32 v2, $0.0e+00  }
0x14a: {  	v5 =	vadd.f32 v10, v5;
	v10 =	vld [tilespmem:s7+$0x20];
	[tilespmem:s22+$0xB0] =	vst v2  }
0x14b: {  	v2 =	vld [tilespmem:s13+$0xC0]  }
0x14c: {  	v1 =	vadd.f32 v1, v4;
	v4 =	vld [tilespmem:s2+$0xC0]  }
0x14d: {  	v3 =	vadd.f32 v7, v3;
	v7 =	vld [tilespmem:s9+$0xFFFFFFE0]  }
0x14e: {  	v5 =	vadd.f32 v9, v5;
	v9 =	vld [tilespmem:s7+$0xC0]  }
0x14f: {  	v3 =	vmax.f32 v3, $0.0e+00;
	v1 =	vadd.f32 v10, v1;
	v10 =	vld [tilespmem:s9+$0x60]  }
0x150: {  	[tilespmem:s22+$0xFFFFFF20] =	vst v3;
	v3 =	vmax.f32 v5, $0.0e+00;
	v5 =	vld [tilespmem:s1+$0xFFFFFF70]  }
0x151: {  	v11 =	vld [tilespmem:s13+$0xFFFFFF30];
	[tilespmem:s22+$0xFFFFFFA0] =	vst v3;
	v1 =	vmax.f32 v1, $0.0e+00;
	v2 =	vadd.f32 v4, v2  }
0x152: {  	v3 =	vld [tilespmem:s2+$0xFFFFFF30];
	[tilespmem:s22+$0x20] =	vst v1;
	v1 =	vadd.f32 v7, v6  }
0x153: {  	v4 =	vld [tilespmem:s13+$0xFFFFFFB0];
	v2 =	vadd.f32 v9, v2  }
0x154: {  	v6 =	vld [tilespmem:s2+$0xFFFFFFB0];
	v1 =	vmax.f32 v1, $0.0e+00;
	v7 =	vadd.f32 v10, v8  }
0x155: {  	v8 =	vld [tilespmem:s13+$0x30];
	v2 =	vmax.f32 v2, $0.0e+00;
	[tilespmem:s19+$0xFFFFFFE0] =	vst v1  }
0x156: {  	v1 =	vld [tilespmem:s2+$0x30];
	[tilespmem:s22+$0xC0] =	vst v2;
	v2 =	vmax.f32 v7, $0.0e+00  }
0x157: {  	v3 =	vadd.f32 v3, v11;
	v7 =	vld [tilespmem:s13+$0xD0];
	[tilespmem:s19+$0x60] =	vst v2  }
0x158: {  	v2 =	vld [tilespmem:s2+$0xD0]  }
0x159: {  	v9 =	vld [tilespmem:s7+$0xFFFFFF30];
	v4 =	vadd.f32 v6, v4  }
0x15a: {  	v6 =	vld [tilespmem:s7+$0xD0]  }
0x15b: {  	v10 =	vld [tilespmem:s7+$0xFFFFFFB0];
	v1 =	vadd.f32 v1, v8  }
0x15c: {  	v8 =	vld [tilespmem:s7+$0x30]  }
0x15d: {  	v2 =	vadd.f32 v2, v7;
	v7 =	vld [tilespmem:s11+$0xFFFFFF70]  }
0x15e: {  	v3 =	vadd.f32 v9, v3;
	v9 =	vld [tilespmem:s1+$0xFFFFFFF0]  }
0x15f: {  	v2 =	vadd.f32 v6, v2;
	v6 =	vld [tilespmem:s11+$0xFFFFFFF0]  }
0x160: {  	v3 =	vmax.f32 v3, $0.0e+00;
	v4 =	vadd.f32 v10, v4;
	v10 =	vld [tilespmem:s1+$0x70];
	s1 =	smov.u32 s13  }
0x161: {  	[tilespmem:s22+$0xFFFFFF30] =	vst v3;
	v1 =	vadd.f32 v8, v1;
	v2 =	vmax.f32 v2, $0.0e+00;
	v3 =	vld [tilespmem:s11+$0x70];
	s11 =	smov.u32 s2  }
0x162: {  	v8 =	vld [tilespmem:s13+$0xFFFFFF40];
	v4 =	vmax.f32 v4, $0.0e+00;
	[tilespmem:s22+$0xD0] =	vst v2;
	v2 =	vadd.f32 v7, v5  }
0x163: {  	[tilespmem:s22+$0xFFFFFFB0] =	vst v4;
	v1 =	vmax.f32 v1, $0.0e+00;
	v4 =	vld [tilespmem:s13+$0xE0]  }
0x164: {  	[tilespmem:s22+$0x30] =	vst v1;
	v1 =	vld [tilespmem:s2+$0xE0];
	v5 =	vadd.f32 v6, v9  }
0x165: {  	v6 =	vld [tilespmem:s2+$0xFFFFFF40]  }
0x166: {  	v7 =	vld [tilespmem:s7+$0xE0];
	v9 =	vadd.f32 v3, v10  }
0x167: {  	v3 =	vld [tilespmem:s13+$0xFFFFFFC0]  }
0x168: {  	v10 =	vld [tilespmem:s2+$0xFFFFFFC0]  }
0x169: {  	v11 =	vld [tilespmem:s13+$0x40];
	v1 =	vadd.f32 v1, v4  }
0x16a: {  	v4 =	vadd.f32 v6, v8;
	v6 =	vld [tilespmem:s2+$0x40]  }
0x16b: {  	v8 =	vld [tilespmem:s7+$0xFFFFFF40];
	v1 =	vadd.f32 v7, v1  }
0x16c: {  	v7 =	vld [tilespmem:s7+$0xFFFFFFC0]  }
0x16d: {  	v3 =	vadd.f32 v10, v3;
	v10 =	vld [tilespmem:s7+$0x40];
	v1 =	vmax.f32 v1, $0.0e+00  }
0x16e: {  	[tilespmem:s22+$0xE0] =	vst v1;
	v1 =	vld [tilespmem:s9+$0xFFFFFF70]  }
0x16f: {  	v6 =	vadd.f32 v6, v11;
	v11 =	vld [tilespmem:s13+$0xF0]  }
0x170: {  	v4 =	vadd.f32 v8, v4;
	v8 =	vld [tilespmem:s2+$0xF0]  }
0x171: {  	v3 =	vadd.f32 v7, v3;
	v7 =	vld [tilespmem:s9+$0xFFFFFFF0]  }
0x172: {  	v4 =	vmax.f32 v4, $0.0e+00;
	v6 =	vadd.f32 v10, v6;
	v10 =	vld [tilespmem:s7+$0xF0]  }
0x173: {  	[tilespmem:s22+$0xFFFFFF40] =	vst v4;
	v3 =	vmax.f32 v3, $0.0e+00;
	v1 =	vadd.f32 v1, v2;
	v12 =	vld [tilespmem:s9+$0x70];
	s9 =	smov.u32 s7  }
0x174: {  	v13 =	vld [tilespmem:s13+$0xFFFFFF50];
	[tilespmem:s22+$0xFFFFFFC0] =	vst v3;
	v2 =	vmax.f32 v6, $0.0e+00  }
0x175: {  	v6 =	vld [tilespmem:s2+$0xFFFFFF50];
	[tilespmem:s22+$0x40] =	vst v2;
	v3 =	vadd.f32 v8, v11;
	v1 =	vmax.f32 v1, $0.0e+00  }
.Ltmp1:
0x176: {  	v2 =	vld [tilespmem:s13+$0xFFFFFFD0];
	[tilespmem:s19+$0xFFFFFF70] =	vst v1;
	v1 =	vadd.f32 v7, v5;
	(pc) =	sbr.rel @p1 .LBB2_5-.Ltmp1, $4  }
0x177: {  	v4 =	vld [tilespmem:s2+$0xFFFFFFD0];
	v7 =	vadd.f32 v10, v3  }
0x178: {  	v3 =	vld [tilespmem:s13+$0x50];
	v1 =	vmax.f32 v1, $0.0e+00;
	v8 =	vadd.f32 v12, v9  }
0x179: {  	v5 =	vld [tilespmem:s2+$0x50];
	v9 =	vmax.f32 v7, $0.0e+00;
	[tilespmem:s19+$0xFFFFFFF0] =	vst v1  }
0x17a: {  	s13 =	sadd.s32 $0x200, s13;
	v6 =	vadd.f32 v6, v13;
	v7 =	vld [tilespmem:s7+$0xFFFFFF50];
	[tilespmem:s22+$0xF0] =	vst v9;
	v1 =	vmax.f32 v8, $0.0e+00  }
0x17b: {  	_ =	sdelay $0x1  }
0x17c: {  	v8 =	vld [tilespmem:s9+$0xFFFFFFD0];
	_ =	sdelay $0x1  }
0x17d: {  	v9 =	vld [tilespmem:s9+$0x50];
	v52 =	vadd.f32 v7, v6  }
0x17e: {  	v2 =	vadd.f32 v4, v2  }
0x17f: {  	v4 =	vmax.f32 v52, $0.0e+00  }
0x180: {  	v3 =	vadd.f32 v5, v3;
	v2 =	vadd.f32 v8, v2;
	[tilespmem:s22+$0xFFFFFF50] =	vst v4  }
0x181: {  	v4 =	vld [tilespmem:s1+$0xFFFFFF60]  }
0x182: {  	v3 =	vadd.f32 v9, v3;
	v2 =	vmax.f32 v2, $0.0e+00;
	v53 =	vld [tilespmem:s11+$0xFFFFFF60]  }
0x183: {  	[tilespmem:s22+$0xFFFFFFD0] =	vst v2;
	v56 =	vld [tilespmem:s9+$0xFFFFFF60]  }
0x184: {  	v2 =	vmax.f32 v3, $0.0e+00;
	v3 =	vld [tilespmem:s1+$0xFFFFFFE0]  }
0x185: {  	[tilespmem:s22+$0x50] =	vst v2;
	v2 =	vld [tilespmem:s11+$0xFFFFFFE0]  }
0x186: {  	v54 =	vld [tilespmem:s1+$0x60]  }
0x187: {  	v55 =	vld [tilespmem:s11+$0x60]  }
0x188: {  	v57 =	vld [tilespmem:s9+$0xFFFFFFE0];
	v4 =	vadd.f32 v53, v4  }
0x189: {  	v10 =	vld [tilespmem:s9+$0x60]  }
0x18a: {  	v4 =	vadd.f32 v56, v4  }
0x18b: {  	v2 =	vadd.f32 v2, v3  }
0x18c: {  	v3 =	vadd.f32 v55, v54;
	v4 =	vmax.f32 v4, $0.0e+00  }
0x18d: {  	v2 =	vadd.f32 v57, v2;
	[tilespmem:s22+$0xFFFFFF60] =	vst v4  }
0x18e: {  	v3 =	vadd.f32 v10, v3;
	v4 =	vld [tilespmem:s1+$0xFFFFFF70]  }
0x18f: {  	v2 =	vmax.f32 v2, $0.0e+00;
	v58 =	vld [tilespmem:s11+$0xFFFFFF70]  }
0x190: {  	[tilespmem:s22+$0xFFFFFFE0] =	vst v2;
	v2 =	vmax.f32 v3, $0.0e+00;
	v61 =	vld [tilespmem:s9+$0xFFFFFF70]  }
0x191: {  	[tilespmem:s22+$0x60] =	vst v2;
	v2 =	vld [tilespmem:s1+$0xFFFFFFF0]  }
0x192: {  	v59 =	vld [tilespmem:s11+$0xFFFFFFF0]  }
0x193: {  	v3 =	vld [tilespmem:s1+$0x70]  }
0x194: {  	v60 =	vld [tilespmem:s11+$0x70]  }
0x195: {  	v62 =	vld [tilespmem:s9+$0xFFFFFFF0]  }
0x196: {  	v63 =	vld [tilespmem:s9+$0x70]  }
0x197: {  	v4 =	vadd.f32 v58, v4  }
0x198: {  	v2 =	vadd.f32 v59, v2  }
0x199: {  	v3 =	vadd.f32 v60, v3;
	v4 =	vadd.f32 v61, v4  }
0x19a: {  	v2 =	vadd.f32 v62, v2  }
0x19b: {  	[tilespmem:s19+$0x70] =	vst v1;
	v1 =	vmax.f32 v4, $0.0e+00;
	v3 =	vadd.f32 v63, v3  }
0x19c: {  	[tilespmem:s22+$0xFFFFFF70] =	vst v1;
	v1 =	vmax.f32 v2, $0.0e+00  }
0x19d: {  	[tilespmem:s22+$0xFFFFFFF0] =	vst v1;
	v1 =	vmax.f32 v3, $0.0e+00  }
0x19e: {  	[tilespmem:s22+$0x70] =	vst v1  }
0x19f: {  	s2 =	simm.s32 @!p0 $0x200;
	s1 =	simm.s32 @!p0 $0x50;
	s7 =	rddreg [dreg:$0x4]  }
0x1a0: {  	[tilespmem:s2], [sflag:$0x1] =	stream.indirect.gather @!p0 [hbm4b:s7+s1], $0x80, s25, s1, $0xb8;
	[tilespmem:$0x1E300] =	vst v63  }
0x1a1: {  	s2 =	simm.s32 @!p0 $0x2A00;
	s7 =	rddreg [dreg:$0x5]  }
0x1a2: {  	[tilespmem:s2], [sflag:$0x2] =	stream.indirect.gather @!p0 [hbm4b:s7+s1], $0x80, s28, s1, $0xb8;
	[tilespmem:$0x1E300] =	vst v63  }
0x1a3: {  	s19 =	sshll.u32 s8, $0x4;
	s22 =	rddreg [dreg:$0x6];
	s1 =	sshll.u32 @!p0 s24, $0x4  }
0x1a4: {  	s2 =	simm.s32 @!p0 $0x0;
	s7 =	simm.s32 @!p0 $0x5200;
	s1 =	sadd.s32 @!p0 s17, s1  }
0x1a5: {  	[tilespmem:s7], [sflag:$0x3] =	stream.linear.gather @!p0 [hbm4b:s1+s2], $0x2800, $0x38;
	[tilespmem:$0x1E300] =	vst v63  }
0x1a6: {  	s1 =	sadd.s32 s22, s19  }
0x1a7: {  	[hbm4b:s1+s3] =	stream.linear.scatter [tilespmem:s29], [sflag:$0x6], $0x2800, $0x38;
	[tilespmem:$0x1E300] =	vst v63  }
0x1a8: {  	s24 =	rddreg [dreg:$0x2]  }
0x1a9: {  	[spmem:s24] =	stream.indirect.scatter.add.f32 [tilespmem:s29], [sflag:$0x7], $0x80, s26, s0, $0xb8;
	[tilespmem:$0x1E300] =	vst v63  }
0x1aa: {  	_ =	swait.ge [sflag:s30], $0x2800  }
0x1ab: {  	[sflag:s30] =	ssyncset.done $0x0  }
0x1ac: {  	[sflag:s30] =	ssyncadd.s32 $0xFFFFD800  }
0x1ad: {  	_ =	swait.ge [sflag:s18], $0x50  }
0x1ae: {  	[sflag:s18] =	ssyncset.done $0x0  }
0x1af: {  	[sflag:s18] =	ssyncadd.s32 $0xFFFFFFB0  }
0x1b0: {  	_ =	swait.ge [sflag:s20], $0x50  }
0x1b1: {  	[sflag:s20] =	ssyncset.done $0x0  }
0x1b2: {  	[sflag:s20] =	ssyncadd.s32 $0xFFFFFFB0  }
0x1b3: {  	s25 =	sshrl.u32 s8, $0x3;
	s26 =	rddreg [dreg:$0x1]  }
0x1b4: {  	s2 =	sadd.s32 s26, s25  }
0x1b5: {  	[hbm4b:s2+s3] =	stream.linear.scatter [tilespmem:s31], [sflag:$0x7], $0x50, $0x38;
	[tilespmem:$0x1E300] =	vst v63  }
0x1b6: {  	_ =	swait.ge [sflag:s30], $0x50  }
0x1b7: {  	[sflag:s30] =	ssyncset.done $0x0;
	s28 =	rddreg [dreg:$0x7]  }
0x1b8: {  	s23 =	sadd.s32 $0x1, s23;
	[sflag:s30] =	ssyncadd.s32 $0xFFFFFFB0;
	s1 =	sadd.s32 s28, s25  }
0x1b9: {  	[hbm4b:s1+s3] =	stream.linear.scatter [tilespmem:s16], [sflag:$0x7], $0x50, $0x38;
	[tilespmem:$0x1E300] =	vst v63  }
0x1ba: {  	p0 =	sne.s32 s23, $0x4B;
	_ =	swait.ge [sflag:s30], $0x50  }
.Ltmp2:
0x1bb: {  	[sflag:s30] =	ssyncset.done $0x0;
	(pc) =	sbr.rel @p0 .LBB2_4-.Ltmp2, $4  }
0x1bc: {  	[sflag:s30] =	ssyncadd.s32 $0xFFFFFFB0  }
0x1bd: {  	_ =	swait.ge [sflag:s21], $0x2800  }
0x1be: {  	[sflag:s21] =	ssyncset.done $0x0  }
0x1bf: {  	[sflag:s21] =	ssyncadd.s32 $0xFFFFD800  }
0x1c0: {  	s1 =	stileid.u32;
	[bflag:$0x0] =	sbarrier.arrive $0xFFFF  }
0x1c1: {  	s1 =	sshll.u32 s1, $0x6;
	s9 =	rddreg [dreg:$0xe]  }
0x1c2: {  	s7 =	rddreg [dreg:$0xd];
	s1 =	sor.u32 $0x1C07, s1;
	s2 =	sshrl.u32 s9, $0x3  }
0x1c3: {  	[hbm:s7], [sflag:s1] =	dma.local [spmem:s2], $0x2800  }
0x1c4: {  	_ =	swait.ge [sflag:s30], $0x2800  }
0x1c5: {  	s26 =	rddreg [dreg:$0x17]  }
0x1c6: {  	s28 =	rddreg [dreg:$0xf];
	s2 =	sadd.s32 $0x1, s26  }
0x1c7: {  	p0 =	sne.s32 s2, s28  }
.Ltmp3:
0x1c8: {  	_ = 	snop;
	(pc) =	sbr.rel @p0 .LBB2_1-.Ltmp3, $3  }
0x1c9: {  	_ =	sdelay $0x1  }
0x1ca: {  	[sflag:s30] =	ssyncset.done $0x0  }
0x1cb: {  	[sflag:s30] =	ssyncadd.s32 $0xFFFFD800  }
0x1cc: {  	_ =	sfence.sel $0x180000  }
0x1cd: {  	[bflag:$0x0] =	sbarrier.arrive $0xFFFF  }
0x1ce: {  	_ =	strace $0x90000047  }
0x1cf: {  	s0 =	stileid.u32;
	[bflag:$0x2] =	sbarrier.arrive $0xFFFF  }
0x1d0: {  	p0 =	sne.s32 s0, $0x0;
	s0 =	rddreg [dreg:$0x3]  }
0x1d1: {  	s0 =	sadd.s32 @!p0 $0x100000, s0  }
0x1d2: {  	[sflag:s0] =	ssyncadd.tile.s32 @!p0 $0x1;
	_ =	shalt  }
.Lfunc_end2:
_tile_overlayer_lowered:
.L_overlay_start_2:
0x1d3: {  	(tag) =	ssettag $0x2  }
0x1d4: {  	s0 =	rddreg [dreg:$0x0];
	s2 =	stileid.u32  }
0x1d5: {  	s1 =	rddreg [dreg:$0x1];
	p0 =	sne.s32 s2, $0x0  }
0x1d6: {  	s3 =	rddreg [dreg:$0x2];
	[bflag:$0x3] =	sbarrier.arrive $0xFFFF;
	s2 =	simm.s32 @!p0 $0x1C07  }
0x1d7: {  	[timem:s3], [sflag:s2] =	dma.local @!p0 [hbm:s0], s1  }
0x1d8: {  	s0 =	simm.s32 @!p0 $0x7  }
0x1d9: {  	_ =	swait.ge @!p0 [sflag:s0], s1  }
0x1da: {  	s1 =	ssub.s32 @!p0 $0x0, s1;
	[sflag:s0] =	ssyncset.done @!p0 $0x0  }
0x1db: {  	[sflag:s0] =	ssyncadd.s32 @!p0 s1  }
0x1dc: {  	[bflag:$0x3] =	sbarrier.arrive $0xFFFF  }
0x1dd: {  	_ =	shalt  }

// kernel: kernel.16.cloned.1.call-start
scs
__scs_entry_jumppad:
0x0: {  	(pc) =	sbr.rel $0x88, $3  }
0x1: {  	(tag) =	ssettag $0x0;
	lr =	simm.s32 $0x1  }
0x2: {  	[smem:$0x3F89] =	sst lr;
	_ =	strace $0xD0000000  }
0x3: {  	_ = 	snop  }
0x4: {  	_ = 	snop  }
0x5: {  	_ = 	snop  }
0x6: {  	_ = 	snop  }
0x7: {  	_ = 	snop  }
__scs_overlays_trampoline_lowered:
0x8: {  	[smem:$0x3F98] =	sst s0  }
0x9: {  	[smem:$0x3F99] =	sst s1  }
0xa: {  	[smem:$0x3F9A] =	sst s2  }
0xb: {  	[smem:$0x3F9B] =	sst s3  }
0xc: {  	[smem:$0x3F9C] =	sst s4  }
0xd: {  	[smem:$0x3F9D] =	sst s5  }
0xe: {  	[smem:$0x3F9E] =	sst s6  }
0xf: {  	[smem:$0x3F9F] =	sst s7  }
0x10: {  	[smem:$0x3FA0] =	sst s8  }
0x11: {  	[smem:$0x3FA1] =	sst s9;
	s0 =	simm.s32 @!p0 $0x0  }
0x12: {  	s1 =	sld [smem:$0x3F87];
	s0 =	simm.s32 @p0 $0x1  }
0x13: {  	[smem:$0x3FA2] =	sst s0;
	s0 =	simm.s32 @!p1 $0x0  }
0x14: {  	s2 =	sld [smem:$0x3F86];
	s0 =	simm.s32 @p1 $0x1  }
0x15: {  	[smem:$0x3FA3] =	sst s0;
	s0 =	simm.s32 @!p2 $0x0  }
0x16: {  	s3 =	sld [smem:$0x3FDB];
	s0 =	simm.s32 @p2 $0x1  }
0x17: {  	s4 =	simm.s32 $0x1BF5;
	[smem:$0x3FA5] =	sst s0  }
0x18: {  	s0 =	sld [smem:$0x3F88];
	_ =	swait.ge [sflag:s4], $0x0  }
0x19: {  	s7 =	sld [smem:$0x3F89]  }
0x1a: {  	s8 =	sadd.s32 $0xFFFFE003, lr  }
0x1b: {  	s9 =	sadd.s32 $0xFFFFFEF7, lr;
	s5 =	simm.s32 $0xFFFFFFFF;
	p2 =	slt.u32 s8, $0xFFFFF086  }
0x1c: {  	p1 =	slt.u32 s9, $0xF7A;
	s5 =	simm.s32 @!p2 $0x0  }
0x1d: {  	s5 =	simm.s32 @p1 $0x1;
	p0 =	seq.s32 s7, s2  }
0x1e: {  	s7 =	smul.u32 @!p0 $0xF7A, s2;
	p2 =	seq.s32 @!p0 s5, $0x0  }
0x1f: {  	s9 =	smul.u32 $0xF7A, s1;
	s8 =	simm.s32 @!p0 $0x1BF5;
	p2 =	por !p2, p0  }
0x20: {  	[sflag:s8] =	ssyncset.s32 @!p0 $0xFFFFF086;
	s6 =	sadd.s32 @!p0 s3, s7;
	s7 =	simm.s32 @!p0 $0x108  }
0x21: {  	s3 =	sadd.s32 s3, s9;
	s6 =	sadd.s32 @!p0 $0x88, s6;
	s7 =	simm.s32 @p2 $0x1082  }
0x22: {  	[simem:s7], [sflag:s8] =	dma.local @!p0 [hbm:s6], $0xF7A  }
0x23: {  	s9 =	sor.u32 $0xD0000000, s2;
	s6 =	simm.s32 $0x108;
	_ =	swait.ge @!p0 [sflag:s8], $0x0  }
0x24: {  	s3 =	sadd.s32 $0x88, s3;
	s6 =	simm.s32 @!p1 $0x1082;
	[sflag:s4] =	ssyncset.s32 $0xFFFFF086  }
0x25: {  	[simem:s6], [sflag:s4] =	dma.local [hbm:s3], $0xF7A  }
0x26: {  	[smem:$0x3F89] =	sst s1;
	(tag) =	ssettag s2;
	_ =	strace s9  }
0x27: {  	s1 =	sld [smem:$0x3F99]  }
0x28: {  	s2 =	sld [smem:$0x3F9A]  }
0x29: {  	s4 =	sld [smem:$0x3F9C]  }
0x2a: {  	p0 =	seq.s32 s5, $0x0;
	s5 =	sld [smem:$0x3F9D]  }
0x2b: {  	s6 =	sld [smem:$0x3F9E]  }
0x2c: {  	s7 =	sld [smem:$0x3F9F]  }
0x2d: {  	s3 =	simm.s32 $0x108;
	s8 =	sld [smem:$0x3FA0]  }
0x2e: {  	s3 =	simm.s32 @!p0 $0x1082;
	s9 =	sld [smem:$0x3FA1]  }
0x2f: {  	lr =	sadd.s32 s0, s3;
	s0 =	sld [smem:$0x3F98]  }
0x30: {  	s3 =	sld [smem:$0x3F9B]  }
0x31: {  	[smem:$0x3FA4] =	sst s10  }
0x32: {  	s10 =	sld [smem:$0x3FA2];
	_ =	sdelay $0x3  }
0x33: {  	p0 =	seq.s32 s10, $0x1;
	s10 =	sld [smem:$0x3FA4];
	_ =	sdelay $0x3  }
0x34: {  	[smem:$0x3FA4] =	sst s10  }
0x35: {  	s10 =	sld [smem:$0x3FA3];
	_ =	sdelay $0x3  }
0x36: {  	p1 =	seq.s32 s10, $0x1;
	s10 =	sld [smem:$0x3FA4];
	_ =	sdelay $0x3  }
0x37: {  	[smem:$0x3FA4] =	sst s10  }
0x38: {  	s10 =	sld [smem:$0x3FA5]  }
0x39: {  	_ = 	snop;
	(pc) =	sbr.ind lr, $3  }
0x3a: {  	_ = 	snop  }
0x3b: {  	_ = 	snop  }
0x3c: {  	p2 =	seq.s32 s10, $0x1;
	s10 =	sld [smem:$0x3FA4]  }
0x3d: {  	_ =	shalt  }
0x3e: {  	_ =	shalt  }
0x3f: {  	_ =	shalt  }
0x40: {  	_ =	shalt  }
0x41: {  	_ =	shalt  }
0x42: {  	_ =	shalt  }
0x43: {  	_ =	shalt  }
0x44: {  	_ =	shalt  }
0x45: {  	_ =	shalt  }
0x46: {  	_ =	shalt  }
0x47: {  	_ =	shalt  }
0x48: {  	_ =	shalt  }
0x49: {  	_ =	shalt  }
0x4a: {  	_ =	shalt  }
0x4b: {  	_ =	shalt  }
0x4c: {  	_ =	shalt  }
0x4d: {  	_ =	shalt  }
0x4e: {  	_ =	shalt  }
0x4f: {  	_ =	shalt  }
0x50: {  	_ =	shalt  }
0x51: {  	_ =	shalt  }
0x52: {  	_ =	shalt  }
0x53: {  	_ =	shalt  }
0x54: {  	_ =	shalt  }
0x55: {  	_ =	shalt  }
0x56: {  	_ =	shalt  }
0x57: {  	_ =	shalt  }
0x58: {  	_ =	shalt  }
0x59: {  	_ =	shalt  }
0x5a: {  	_ =	shalt  }
0x5b: {  	_ =	shalt  }
0x5c: {  	_ =	shalt  }
0x5d: {  	_ =	shalt  }
0x5e: {  	_ =	shalt  }
0x5f: {  	_ =	shalt  }
0x60: {  	_ =	shalt  }
0x61: {  	_ =	shalt  }
0x62: {  	_ =	shalt  }
0x63: {  	_ =	shalt  }
0x64: {  	_ =	shalt  }
0x65: {  	_ =	shalt  }
0x66: {  	_ =	shalt  }
0x67: {  	_ =	shalt  }
0x68: {  	_ =	shalt  }
0x69: {  	_ =	shalt  }
0x6a: {  	_ =	shalt  }
0x6b: {  	_ =	shalt  }
0x6c: {  	_ =	shalt  }
0x6d: {  	_ =	shalt  }
0x6e: {  	_ =	shalt  }
0x6f: {  	_ =	shalt  }
0x70: {  	_ =	shalt  }
0x71: {  	_ =	shalt  }
0x72: {  	_ =	shalt  }
0x73: {  	_ =	shalt  }
0x74: {  	_ =	shalt  }
0x75: {  	_ =	shalt  }
0x76: {  	_ =	shalt  }
0x77: {  	_ =	shalt  }
0x78: {  	_ =	shalt  }
0x79: {  	_ =	shalt  }
0x7a: {  	_ =	shalt  }
0x7b: {  	_ =	shalt  }
0x7c: {  	_ =	shalt  }
0x7d: {  	_ =	shalt  }
0x7e: {  	_ =	shalt  }
0x7f: {  	_ =	shalt  }
0x80: {  	_ =	shalt  }
0x81: {  	_ =	shalt  }
0x82: {  	_ =	shalt  }
0x83: {  	_ =	shalt  }
0x84: {  	_ =	shalt  }
0x85: {  	_ =	shalt  }
0x86: {  	_ =	shalt  }
0x87: {  	_ =	shalt  }
.Lfunc_end0:
.L_simem_size_0:
called_computation.1_lowered:
.L_overlay_start_0:
0x88: {  	s2 =	sld [smem:$0x3FD9]  }
0x89: {  	s3 =	sld [smem:$0x3FFE];
	_ =	sdelay $0x1  }
0x8a: {  	s1 =	srdreg.scid  }
0x8b: {  	s0 =	sand.u32 $0x1, s1  }
0x8c: {  	s17 =	sshll.u32 s0, $0xA;
	s2 =	sadd.s32 s3, s2  }
0x8d: {  	s2 =	sadd.s32 s2, s17  }
0x8e: {  	[smem:$0x3FB0] =	sst s2  }
0x8f: {  	_ = 	snop  }
0x90: {  	(tm) =	ssettm $0x1  }
0x91: {  	s18 =	sld [smem:$0x3FFB];
	_ =	sdelay $0x3  }
0x92: {  	_ =	strace s18  }
0x93: {  	s2 =	sld [smem:$0x3FFC];
	_ =	sdelay $0x3  }
0x94: {  	_ =	strace s2  }
0x95: {  	s2 =	sld [smem:$0x3FFD];
	_ =	sdelay $0x3  }
0x96: {  	_ =	strace s2  }
0x97: {  	_ =	strace $0x8FFFFFFF  }
0x98: {  	s19 =	sld [smem:$0x3FDB];
	_ =	sdelay $0x1  }
0x99: {  	s20 =	simm.s32 $_scs_section_size  }
0x9a: {  	s4 =	simm.s32 $_size__tile_overlayer_lowered;
	s5 =	simm.s32 $_tile_overlayer_lowered  }
0x9b: {  	s6 =	simm.s32 $0x1BFF;
	s21 =	sshll.u32 s5, $0x1;
	s3 =	sadd.s32 s20, s19  }
0x9c: {  	s22 =	simm.s32 $0x0;
	s4 =	sshll.u32 s4, $0x1;
	s5 =	sadd.s32 s21, s3  }
0x9d: {  	[timem:s22], [sflag:s6] =	dma.local [hbm:s5], s4  }
0x9e: {  	_ =	swait.ge [sflag:s6], s4  }
0x9f: {  	s4 =	ssub.s32 $0x0, s4;
	[sflag:s6] =	ssyncset.done $0x0  }
0xa0: {  	[sflag:s6] =	ssyncadd.s32 s4;
	_ =	sdelay $0x1  }
0xa1: {  	s23 =	simm.s32 $0x1B8B  }
0xa2: {  	_ =	swait.ge [sflag:s23], $0x1  }
0xa3: {  	[sflag:s23] =	ssyncset.done $0x0  }
0xa4: {  	[sflag:s23] =	ssyncadd.s32 $0xFFFFFFFF  }
0xa5: {  	s4 =	sld [smem:$0x0]  }
0xa6: {  	s5 =	sand.u32 $0xFFFFFFFE, s1  }
0xa7: {  	p0 =	sne.s32 s1, s5  }
0xa8: {  	s5 =	sshll.u32 @p0 s5, $0xE  }
0xa9: {  	s5 =	sadd.s32 @p0 $0x11B8D, s5;
	s6 =	sshll.u32 @p0 s4, $0x11  }
0xaa: {  	s5 =	sor.u32 @p0 s6, s5  }
0xab: {  	[sflag:s5] =	ssyncadd.remote.s32 @p0 $0x1;
	_ =	sdelay $0x1  }
0xac: {  	s5 =	simm.s32 @p0 $0x1B8D  }
0xad: {  	_ =	swait.eq @p0 [sflag:s5], $0x1  }
0xae: {  	[sflag:s5] =	ssyncadd.s32 @p0 $0xFFFFFFFF  }
0xaf: {  	s6 =	sshll.u32 @!p0 s1, $0xE  }
0xb0: {  	s6 =	sor.u32 @!p0 $0x4000, s6;
	s5 =	simm.s32 @!p0 $0x1B8D  }
0xb1: {  	s4 =	sshll.u32 @!p0 s4, $0x11;
	s6 =	sadd.s32 @!p0 $0x11B8D, s6;
	_ =	swait.eq @!p0 [sflag:s5], $0x1  }
0xb2: {  	s4 =	sor.u32 @!p0 s4, s6;
	[sflag:s5] =	ssyncadd.s32 @!p0 $0xFFFFFFFF  }
0xb3: {  	s25 =	simm.s32 $0x1B8E;
	s24 =	sld [smem:$0x3FFE];
	[sflag:s4] =	ssyncadd.remote.s32 @!p0 $0x1  }
0xb4: {  	s26 =	simm.s32 $execute0_lowered;
	[smem:$0x3FD2] =	sst s25  }
0xb5: {  	s5 =	sshll.u32 s26, $0x1;
	_ =	strace $0x80000049;
	[dreg:$0x1] =	wrdreg $0xFFFFFFFF  }
0xb6: {  	s28 =	simm.s32 $_size_execute0_lowered;
	s3 =	sadd.s32 s3, s5;
	[dreg:$0x0] =	wrdreg $0x0  }
0xb7: {  	s5 =	sshll.u32 s28, $0x1;
	[dreg:$0x2] =	wrdreg s3  }
0xb8: {  	[dreg:$0x3] =	wrdreg s5  }
0xb9: {  	[dreg:$0x4] =	wrdreg $0xC0  }
0xba: {  	_ =	task [dreg:s22], $0x5FFFF  }
0xbb: {  	[dreg:$0x1] =	wrdreg $0xFFFFFFFF  }
0xbc: {  	[dreg:$0x0] =	wrdreg $0x60  }
0xbd: {  	[dreg:$0x2] =	wrdreg s24  }
0xbe: {  	[dreg:$0x3] =	wrdreg $0xA3000  }
0xbf: {  	[dreg:$0x4] =	wrdreg $0xA  }
0xc0: {  	_ =	task.clear_ibuf [dreg:s22], $0x5FFFF;
	_ =	strace $0x90000049  }
0xc1: {  	s29 =	simm.s32 $0xA;
	_ =	strace $0x8000004B  }
0xc2: {  	_ =	swait.ge [sflag:s29], $0x1  }
0xc3: {  	[sflag:s29] =	ssyncadd.s32 $0xFFFFFFFF  }
0xc4: {  	_ =	strace $0x9000004B  }
0xc5: {  	_ =	sfence  }
0xc6: {  	s30 =	sld [smem:$0x0];
	_ =	sdelay $0x2  }
0xc7: {  	s31 =	sshll.u32 s1, $0xD;
	s1 =	sshrl.u32 s1, $0x2  }
0xc8: {  	s4 =	sand.u32 $0x4000, s31;
	s1 =	sadd.s32 s1, s30  }
0xc9: {  	s0 =	sor.u32 s4, s0;
	s1 =	sshll.u32 s1, $0x11  }
0xca: {  	s0 =	sor.u32 s1, s0  }
0xcb: {  	s0 =	sadd.s32 $0x8F2B, s0  }
0xcc: {  	[sflag:s0] =	ssyncadd.remote.s32 $0x1  }
0xcd: {  	_ =	sfence.sel $0xFFFF  }
0xce: {  	[dreg:$0x0] =	wrdreg $0xFFFFFFFF;
	(pc) =	sbr.abs _section_cstart, $3  }
0xcf: {  	[dreg:$0x1] =	wrdreg $0xFFFFFFFF  }
0xd0: {  	_ =	task.clear_ibuf [dreg:s22], $0x2FFFF;
	_ =	strace $0x9FFFFFFF  }
0xd1: {  	(tm) =	ssettm $0x7FFFFFFF  }
tec
execute0_lowered:
.L_overlay_start_1:
0x0: {  	(tag) =	ssettag $0x1  }
0x1: {  	s0 =	rddreg [dreg:$0x0]  }
0x2: {  	s10 =	rddreg [dreg:$0x1];
	s2 =	simm.s32 $0x0  }
0x3: {  	s1 =	srdreg.scid;
	s8 =	stileid.u32;
	s30 =	simm.s32 $0x7A00  }
0x4: {  	s31 =	simm.s32 $0x7;
	[smem:$0x7FF] =	sst s2;
	s1 =	sand.u32 $0x1, s1  }
0x5: {  	s3 =	sadd.s32 $0x1B200, s0;
	s4 =	sadd.s32 $0x42400, s0;
	s11 =	sadd.s32 $0x69B400, s0  }
0x6: {  	s6 =	smul.u32 $0x14000, s8;
	s12 =	sadd.s32 $0x10E00, s0;
	s13 =	sadd.s32 $0x7000, s0  }
0x7: {  	s7 =	sshll.u32 s8, $0x1;
	_ =	strace $0x8000004A;
	[dreg:$0x3] =	wrdreg s3  }
0x8: {  	s9 =	sadd.s32 $0x1AC00, s0;
	s26 =	sadd.s32 $0x8E7400, s0;
	[dreg:$0x4] =	wrdreg s4  }
0x9: {  	s28 =	sadd.s32 $0x8DF400, s0;
	s8 =	smul.u32 $0x50000, s8;
	[dreg:$0x5] =	wrdreg s26  }
0xa: {  	s29 =	sadd.s32 $0x8E3400, s0;
	s24 =	smul.u32 $0x140000, s1;
	[dreg:$0x7] =	wrdreg s28  }
0xb: {  	s25 =	sor.u32 s1, s7;
	[dreg:$0x8] =	wrdreg s29;
	s1 =	ssub.s32 $0x2, s1  }
0xc: {  	[dreg:$0x6] =	wrdreg s12;
	s14 =	smul.u32 $0xFA0, s25;
	s19 =	sshrl.u32 s8, $0x2  }
0xd: {  	s18 =	smov.u32 s11;
	s5 =	sshrl.u32 s1, $0x1;
	s10 =	sadd.s32 s19, s10  }
0xe: {  	s3 =	sadd.s32 s6, s24;
	s17 =	sadd.s32 $0x2EE50, s14;
	[dreg:$0xf] =	wrdreg s10  }
0xf: {  	s1 =	ssub.s32 s1, s5;
	s20 =	sadd.s32 $0x50, s14;
	[dreg:$0xc] =	wrdreg s17  }
0x10: {  	s6 =	smul.u32 $0xFA00, s25;
	s21 =	smax.u32 s1, $0x1;
	[dreg:$0xd] =	wrdreg s20  }
0x11: {  	s5 =	smov.u32 s13;
	s22 =	sadd.s32 $0x2800, s10;
	[dreg:$0x10] =	wrdreg s21  }
0x12: {  	s19 =	simm.s32 $0xA280;
	s23 =	sadd.s32 $0x5000, s10;
	[dreg:$0x11] =	wrdreg s22  }
0x13: {  	s3 =	sshrl.u32 s3, $0x3;
	s24 =	sadd.s32 $0x7800, s10;
	[dreg:$0x12] =	wrdreg s23  }
0x14: {  	s4 =	sshrl.u32 s14, $0x3;
	s25 =	sadd.s32 $0xA000, s10;
	[dreg:$0x13] =	wrdreg s24  }
0x15: {  	s26 =	sadd.s32 $0xC800, s10;
	s28 =	sadd.s32 $0xF000, s10;
	[dreg:$0x14] =	wrdreg s25  }
0x16: {  	s29 =	sadd.s32 $0x11800, s10;
	s0 =	sadd.s32 s3, s0;
	[dreg:$0x15] =	wrdreg s26  }
0x17: {  	s3 =	sadd.s32 $0x5DC0, s4;
	s16 =	sadd.s32 s11, s6;
	[dreg:$0x16] =	wrdreg s28  }
0x18: {  	s4 =	smov.u32 s14;
	[dreg:$0x17] =	wrdreg s29;
	s14 =	simm.s32 $0x1  }
0x19: {  	s21 =	simm.s32 $0x4;
	s15 =	sadd.s32 s12, s3;
	[dreg:$0xb] =	wrdreg s16  }
0x1a: {  	s22 =	simm.s32 $0x5;
	s3 =	sadd.s32 s13, s3;
	[dreg:$0x9] =	wrdreg s15  }
0x1b: {  	s23 =	simm.s32 $0x6;
	s0 =	sadd.s32 $0x88F400, s0;
	[dreg:$0xa] =	wrdreg s3  }
0x1c: {  	s6 =	simm.s32 $0x0;
	s16 =	simm.s32 $0x3;
	[dreg:$0xe] =	wrdreg s0  }
0x1d: {  	v0 =	vimm.f32 $0.0e+00;
	s3 =	simm.s32 $0x50;
	s15 =	simm.s32 $0x2;
	s0 =	simm.s32 $0xA200  }
.LBB2_1:
0x1e: {  	s1 =	sand.u32 $0xFE00, s2  }
0x1f: {  	[dreg:$0x18] =	wrdreg s6;
	s29 =	sand.u32 $0x70, s2;
	s7 =	sshrl.u32 s1, $0x2  }
0x20: {  	s6 =	simm.s32 $0x0;
	s1 =	simm.s32 $0x40;
	s7 =	sor.u32 s29, s7  }
.LBB2_2:
0x21: {  	p0 =	sne.s32 s1, $0x9FC0  }
0x22: {  	[tilespmem:s7+$0x7A00] =	vst v0;
	s6 =	sadd.s32 $0x10, s6;
	s7 =	smov.u32 s1;
	s1 =	sadd.s32 $0x40, s1  }
.Ltmp0:
0x23: {  	(pc) =	sbr.rel @p0 .LBB2_2-.Ltmp0, $4  }
0x24: {  	_ = 	snop  }
0x25: {  	s7 =	sand.u32 $0xFE00, s7  }
0x26: {  	s8 =	sand.u32 $0x70, s6;
	s7 =	sshrl.u32 s7, $0x2  }
0x27: {  	s7 =	sor.u32 s8, s7  }
0x28: {  	[tilespmem:s7+$0x7A00] =	vst v0  }
0x29: {  	[spmem:s10] =	stream.linear.scatter [tilespmem:s30], [sflag:$0x7], $0x2800, $0x38;
	[tilespmem:$0x1E300] =	vst v63  }
0x2a: {  	_ =	swait.ge [sflag:s31], $0x2800  }
0x2b: {  	[sflag:s31] =	ssyncset.done $0x0  }
0x2c: {  	s1 =	rddreg [dreg:$0x11];
	[sflag:s31] =	ssyncadd.s32 $0xFFFFD800  }
0x2d: {  	[spmem:s1] =	stream.linear.scatter [tilespmem:s30], [sflag:$0x7], $0x2800, $0x38;
	[tilespmem:$0x1E300] =	vst v63  }
0x2e: {  	_ =	swait.ge [sflag:s31], $0x2800  }
0x2f: {  	[sflag:s31] =	ssyncset.done $0x0  }
0x30: {  	s29 =	rddreg [dreg:$0x12];
	[sflag:s31] =	ssyncadd.s32 $0xFFFFD800  }
0x31: {  	[spmem:s29] =	stream.linear.scatter [tilespmem:s30], [sflag:$0x7], $0x2800, $0x38;
	[tilespmem:$0x1E300] =	vst v63  }
0x32: {  	_ =	swait.ge [sflag:s31], $0x2800  }
0x33: {  	[sflag:s31] =	ssyncset.done $0x0  }
0x34: {  	s6 =	rddreg [dreg:$0x13];
	[sflag:s31] =	ssyncadd.s32 $0xFFFFD800  }
0x35: {  	[spmem:s6] =	stream.linear.scatter [tilespmem:s30], [sflag:$0x7], $0x2800, $0x38;
	[tilespmem:$0x1E300] =	vst v63  }
0x36: {  	_ =	swait.ge [sflag:s31], $0x2800  }
0x37: {  	[sflag:s31] =	ssyncset.done $0x0  }
0x38: {  	s7 =	rddreg [dreg:$0x14];
	[sflag:s31] =	ssyncadd.s32 $0xFFFFD800  }
0x39: {  	[spmem:s7] =	stream.linear.scatter [tilespmem:s30], [sflag:$0x7], $0x2800, $0x38;
	[tilespmem:$0x1E300] =	vst v63  }
0x3a: {  	_ =	swait.ge [sflag:s31], $0x2800  }
0x3b: {  	[sflag:s31] =	ssyncset.done $0x0  }
0x3c: {  	s8 =	rddreg [dreg:$0x15];
	[sflag:s31] =	ssyncadd.s32 $0xFFFFD800  }
0x3d: {  	[spmem:s8] =	stream.linear.scatter [tilespmem:s30], [sflag:$0x7], $0x2800, $0x38;
	[tilespmem:$0x1E300] =	vst v63  }
0x3e: {  	_ =	swait.ge [sflag:s31], $0x2800  }
0x3f: {  	[sflag:s31] =	ssyncset.done $0x0  }
0x40: {  	s10 =	rddreg [dreg:$0x16];
	[sflag:s31] =	ssyncadd.s32 $0xFFFFD800  }
0x41: {  	[spmem:s10] =	stream.linear.scatter [tilespmem:s30], [sflag:$0x7], $0x2800, $0x38;
	[tilespmem:$0x1E300] =	vst v63  }
0x42: {  	_ =	swait.ge [sflag:s31], $0x2800  }
0x43: {  	[sflag:s31] =	ssyncset.done $0x0  }
0x44: {  	s11 =	rddreg [dreg:$0x17];
	[sflag:s31] =	ssyncadd.s32 $0xFFFFD800  }
0x45: {  	[spmem:s11] =	stream.linear.scatter [tilespmem:s30], [sflag:$0x7], $0x2800, $0x38;
	[tilespmem:$0x1E300] =	vst v63  }
0x46: {  	_ =	swait.ge [sflag:s31], $0x2800  }
0x47: {  	[sflag:s31] =	ssyncset.done $0x0  }
0x48: {  	[sflag:s31] =	ssyncadd.s32 $0xFFFFD800  }
0x49: {  	[bflag:$0x0] =	sbarrier.arrive $0xFFFF  }
0x4a: {  	s25 =	simm.s32 $0x0;
	s12 =	rddreg [dreg:$0x9]  }
0x4b: {  	[tilespmem:s25], [sflag:$0x7] =	stream.linear.gather [hbm4b:s12+s25], $0x50, $0x38;
	[tilespmem:$0x1E300] =	vst v63  }
0x4c: {  	_ =	swait.ge [sflag:s31], $0x50  }
0x4d: {  	[sflag:s31] =	ssyncset.done $0x0  }
0x4e: {  	s6 =	simm.s32 $0x100;
	s13 =	rddreg [dreg:$0xa];
	[sflag:s31] =	ssyncadd.s32 $0xFFFFFFB0  }
0x4f: {  	[tilespmem:s6], [sflag:$0x7] =	stream.linear.gather [hbm4b:s13+s25], $0x50, $0x38;
	[tilespmem:$0x1E300] =	vst v63  }
0x50: {  	_ =	swait.ge [sflag:s31], $0x50  }
0x51: {  	[sflag:s31] =	ssyncset.done $0x0  }
0x52: {  	s20 =	simm.s32 $0x200;
	s17 =	rddreg [dreg:$0x3];
	[sflag:s31] =	ssyncadd.s32 $0xFFFFFFB0  }
0x53: {  	[tilespmem:s20], [sflag:$0x1] =	stream.indirect.gather [hbm4b:s17+s3], $0x80, s25, s3, $0xb8;
	[tilespmem:$0x1E300] =	vst v63  }
0x54: {  	s26 =	simm.s32 $0x2A00;
	s24 =	rddreg [dreg:$0x4]  }
0x55: {  	[tilespmem:s26], [sflag:$0x2] =	stream.indirect.gather [hbm4b:s24+s3], $0x80, s6, s3, $0xb8;
	[tilespmem:$0x1E300] =	vst v63  }
0x56: {  	s29 =	simm.s32 $0x5200;
	s28 =	rddreg [dreg:$0xb]  }
0x57: {  	[tilespmem:s29], [sflag:$0x3] =	stream.linear.gather [hbm4b:s28+s25], $0x2800, $0x38;
	[tilespmem:$0x1E300] =	vst v63  }
.LBB2_4:
0x58: {  	_ =	swait.ge [sflag:s14], $0x2800  }
0x59: {  	[sflag:s14] =	ssyncset.done $0x0  }
0x5a: {  	[sflag:s14] =	ssyncadd.s32 $0xFFFFD800  }
0x5b: {  	_ =	swait.ge [sflag:s15], $0x2800  }
0x5c: {  	[sflag:s15] =	ssyncset.done $0x0  }
0x5d: {  	[sflag:s15] =	ssyncadd.s32 $0xFFFFD800  }
0x5e: {  	s26 =	smul.u32 $0x50, s25;
	s1 =	sand.u32 $0x1, s25;
	_ =	swait.ge [sflag:s16], $0x2800  }
0x5f: {  	p0 =	seq.s32 s25, $0x31;
	s7 =	sxor.u32 $0x1, s1;
	s6 =	rddreg [dreg:$0xc]  }
0x60: {  	s28 =	sshll.u32 @!p0 s7, $0x7;
	s6 =	sadd.s32 @!p0 s26, s6  }
0x61: {  	[sflag:s16] =	ssyncset.done $0x0;
	s7 =	rddreg [dreg:$0x6];
	s6 =	sshrl.u32 @!p0 s6, $0x3  }
0x62: {  	s8 =	simm.s32 @!p0 $0x0;
	[sflag:s16] =	ssyncadd.s32 $0xFFFFD800;
	s7 =	sadd.s32 @!p0 s7, s6  }
0x63: {  	[tilespmem:s28], [sflag:$0x7] =	stream.linear.gather @!p0 [hbm4b:s7+s8], $0x50, $0x38;
	[tilespmem:$0x1E300] =	vst v63  }
0x64: {  	s7 =	simm.s32 @!p0 $0x7  }
0x65: {  	_ =	swait.ge @!p0 [sflag:s7], $0x50  }
0x66: {  	[sflag:s7] =	ssyncset.done @!p0 $0x0  }
0x67: {  	s20 =	sor.u32 @!p0 $0x100, s28;
	s6 =	sadd.s32 @!p0 s5, s6;
	[sflag:s7] =	ssyncadd.s32 @!p0 $0xFFFFFFB0  }
0x68: {  	[tilespmem:s20], [sflag:$0x7] =	stream.linear.gather @!p0 [hbm4b:s6+s8], $0x50, $0x38;
	[tilespmem:$0x1E300] =	vst v63  }
0x69: {  	_ =	swait.ge @!p0 [sflag:s7], $0x50  }
0x6a: {  	[sflag:s7] =	ssyncset.done @!p0 $0x0  }
0x6b: {  	s29 =	sshll.u32 s1, $0x7;
	[sflag:s7] =	ssyncadd.s32 @!p0 $0xFFFFFFB0  }
0x6c: {  	[tilespmem:s0], [sflag:$0x4] =	stream.indirect.gather [hbm4b:s9+s3], $0x1, s29, s3, $0xb8;
	[tilespmem:$0x1E300] =	vst v63  }
0x6d: {  	s12 =	simm.s32 $0x5300;
	s1 =	sor.u32 $0x100, s29  }
0x6e: {  	[tilespmem:s19], [sflag:$0x5] =	stream.indirect.gather [hbm4b:s9+s3], $0x1, s1, s3, $0xb8;
	[tilespmem:$0x1E300] =	vst v63  }
0x6f: {  	s11 =	simm.s32 $0x300;
	v1 =	vld [tilespmem:s12+$0x80]  }
0x70: {  	v2 =	vld [tilespmem:s11+$0x80]  }
0x71: {  	s10 =	simm.s32 $0x2B00  }
0x72: {  	v3 =	vld [tilespmem:s10+$0x80];
	_ =	sdelay $0x2  }
0x73: {  	v1 =	vadd.f32 v2, v1;
	_ =	sdelay $0x1  }
0x74: {  	v4 =	vld [tilespmem:s11+$0xFFFFFF00];
	v1 =	vadd.f32 v3, v1  }
0x75: {  	v5 =	vld [tilespmem:s12+$0xFFFFFF80]  }
0x76: {  	s24 =	simm.s32 $0x7B00;
	v6 =	vld [tilespmem:s11+$0xFFFFFF80];
	v1 =	vmax.f32 v1, $0.0e+00  }
0x77: {  	v7 =	vld [tilespmem:s10+$0xFFFFFF80];
	[tilespmem:s24+$0x80] =	vst v1  }
0x78: {  	v1 =	vld [tilespmem:s12+$0x90]  }
0x79: {  	v2 =	vld [tilespmem:s11+$0x90]  }
0x7a: {  	v8 =	vld [tilespmem:s12+$0x0]  }
0x7b: {  	s6 =	simm.s32 $0x5500;
	v3 =	vld [tilespmem:s10+$0x90]  }
0x7c: {  	s7 =	simm.s32 $0x500;
	v11 =	vld [tilespmem:s6+$0x80]  }
0x7d: {  	v12 =	vld [tilespmem:s7+$0x80]  }
0x7e: {  	v1 =	vadd.f32 v2, v1;
	v2 =	vld [tilespmem:s12+$0xFFFFFF00]  }
0x7f: {  	v13 =	vld [tilespmem:s7+$0xFFFFFF00]  }
0x80: {  	s8 =	simm.s32 $0x2D00;
	v1 =	vadd.f32 v3, v1;
	v3 =	vld [tilespmem:s10+$0xFFFFFF00]  }
0x81: {  	v14 =	vld [tilespmem:s8+$0x80]  }
0x82: {  	v15 =	vld [tilespmem:s6+$0xFFFFFF80];
	v1 =	vmax.f32 v1, $0.0e+00  }
0x83: {  	v16 =	vld [tilespmem:s7+$0xFFFFFF80];
	[tilespmem:s24+$0x90] =	vst v1;
	v1 =	vadd.f32 v4, v2  }
0x84: {  	v2 =	vld [tilespmem:s12+$0xA0]  }
0x85: {  	v5 =	vadd.f32 v6, v5;
	v4 =	vld [tilespmem:s11+$0xA0];
	v1 =	vadd.f32 v3, v1  }
0x86: {  	v6 =	vld [tilespmem:s11+$0x0]  }
0x87: {  	v5 =	vadd.f32 v7, v5;
	v3 =	vld [tilespmem:s10+$0xA0];
	v1 =	vmax.f32 v1, $0.0e+00  }
0x88: {  	v7 =	vld [tilespmem:s10+$0x0];
	[tilespmem:s24+$0xFFFFFF00] =	vst v1  }
0x89: {  	v1 =	vmax.f32 v5, $0.0e+00;
	v5 =	vld [tilespmem:s12+$0xFFFFFF10]  }
0x8a: {  	v2 =	vadd.f32 v4, v2;
	[tilespmem:s24+$0xFFFFFF80] =	vst v1;
	v1 =	vld [tilespmem:s11+$0xFFFFFF10]  }
0x8b: {  	v6 =	vadd.f32 v6, v8;
	v8 =	vld [tilespmem:s10+$0xFFFFFF10]  }
0x8c: {  	v4 =	vld [tilespmem:s12+$0xFFFFFF90];
	v2 =	vadd.f32 v3, v2  }
0x8d: {  	v3 =	vld [tilespmem:s11+$0xFFFFFF90]  }
0x8e: {  	v17 =	vld [tilespmem:s6+$0x0];
	v2 =	vmax.f32 v2, $0.0e+00  }
0x8f: {  	v9 =	vld [tilespmem:s10+$0xFFFFFF90];
	[tilespmem:s24+$0xA0] =	vst v2;
	v2 =	vadd.f32 v7, v6  }
0x90: {  	v1 =	vadd.f32 v1, v5;
	v6 =	vld [tilespmem:s12+$0xB0]  }
0x91: {  	v5 =	vld [tilespmem:s11+$0xB0];
	v2 =	vmax.f32 v2, $0.0e+00  }
0x92: {  	v1 =	vadd.f32 v8, v1;
	[tilespmem:s24+$0x0] =	vst v2;
	v2 =	vadd.f32 v3, v4;
	v3 =	vld [tilespmem:s10+$0xB0]  }
0x93: {  	v4 =	vld [tilespmem:s12+$0x10]  }
0x94: {  	v7 =	vld [tilespmem:s11+$0x10];
	v1 =	vmax.f32 v1, $0.0e+00;
	v2 =	vadd.f32 v9, v2  }
0x95: {  	v8 =	vld [tilespmem:s10+$0x10];
	[tilespmem:s24+$0xFFFFFF10] =	vst v1  }
0x96: {  	v1 =	vadd.f32 v5, v6;
	v5 =	vld [tilespmem:s12+$0xFFFFFF20];
	v2 =	vmax.f32 v2, $0.0e+00  }
0x97: {  	[tilespmem:s24+$0xFFFFFF90] =	vst v2;
	v2 =	vld [tilespmem:s11+$0xFFFFFF20]  }
0x98: {  	v1 =	vadd.f32 v3, v1;
	v3 =	vld [tilespmem:s12+$0xFFFFFFA0]  }
0x99: {  	v6 =	vld [tilespmem:s11+$0xFFFFFFA0];
	v4 =	vadd.f32 v7, v4  }
0x9a: {  	v7 =	vld [tilespmem:s10+$0xFFFFFF20];
	v1 =	vmax.f32 v1, $0.0e+00  }
0x9b: {  	v42 =	vld [tilespmem:s10+$0xFFFFFFA0];
	[tilespmem:s24+$0xB0] =	vst v1;
	v4 =	vadd.f32 v8, v4  }
0x9c: {  	v1 =	vld [tilespmem:s12+$0xC0]  }
0x9d: {  	v8 =	vld [tilespmem:s11+$0xC0];
	v4 =	vmax.f32 v4, $0.0e+00  }
0x9e: {  	v2 =	vadd.f32 v2, v5;
	v5 =	vld [tilespmem:s10+$0xC0];
	[tilespmem:s24+$0x10] =	vst v4  }
0x9f: {  	v4 =	vld [tilespmem:s12+$0x20]  }
0xa0: {  	v3 =	vadd.f32 v6, v3;
	v2 =	vadd.f32 v7, v2;
	v6 =	vld [tilespmem:s11+$0x20]  }
0xa1: {  	v46 =	vld [tilespmem:s7+$0x0]  }
0xa2: {  	v7 =	vld [tilespmem:s10+$0x20];
	v3 =	vadd.f32 v42, v3;
	v1 =	vadd.f32 v8, v1;
	v2 =	vmax.f32 v2, $0.0e+00  }
0xa3: {  	v18 =	vld [tilespmem:s6+$0xFFFFFF00];
	[tilespmem:s24+$0xFFFFFF20] =	vst v2  }
0xa4: {  	v2 =	vmax.f32 v3, $0.0e+00;
	v1 =	vadd.f32 v5, v1;
	v3 =	vld [tilespmem:s12+$0xFFFFFF30]  }
0xa5: {  	[tilespmem:s24+$0xFFFFFFA0] =	vst v2;
	v2 =	vld [tilespmem:s11+$0xFFFFFF30];
	v4 =	vadd.f32 v6, v4  }
0xa6: {  	v5 =	vld [tilespmem:s12+$0xFFFFFFB0];
	v1 =	vmax.f32 v1, $0.0e+00  }
0xa7: {  	[tilespmem:s24+$0xC0] =	vst v1;
	v4 =	vadd.f32 v7, v4;
	v7 =	vld [tilespmem:s10+$0xFFFFFF30]  }
0xa8: {  	v1 =	vld [tilespmem:s12+$0xD0]  }
0xa9: {  	v6 =	vld [tilespmem:s11+$0xD0]  }
0xaa: {  	v8 =	vld [tilespmem:s10+$0xD0];
	v4 =	vmax.f32 v4, $0.0e+00  }
0xab: {  	[tilespmem:s24+$0x20] =	vst v4;
	v4 =	vld [tilespmem:s11+$0xFFFFFFB0]  }
0xac: {  	v2 =	vadd.f32 v2, v3;
	v43 =	vld [tilespmem:s12+$0x30]  }
0xad: {  	v3 =	vld [tilespmem:s11+$0x30]  }
0xae: {  	v2 =	vadd.f32 v7, v2;
	v1 =	vadd.f32 v6, v1;
	v6 =	vld [tilespmem:s10+$0xFFFFFFB0]  }
0xaf: {  	v47 =	vld [tilespmem:s8+$0xFFFFFF00]  }
0xb0: {  	v7 =	vld [tilespmem:s10+$0x30];
	v2 =	vmax.f32 v2, $0.0e+00;
	v1 =	vadd.f32 v8, v1  }
0xb1: {  	v19 =	vld [tilespmem:s8+$0xFFFFFF80];
	v4 =	vadd.f32 v4, v5;
	[tilespmem:s24+$0xFFFFFF30] =	vst v2  }
0xb2: {  	v2 =	vld [tilespmem:s12+$0xFFFFFF40];
	v1 =	vmax.f32 v1, $0.0e+00  }
0xb3: {  	[tilespmem:s24+$0xD0] =	vst v1;
	v1 =	vadd.f32 v3, v43;
	v3 =	vadd.f32 v6, v4;
	v6 =	vld [tilespmem:s11+$0xFFFFFF40]  }
0xb4: {  	v4 =	vld [tilespmem:s12+$0xE0]  }
0xb5: {  	v5 =	vld [tilespmem:s11+$0xE0];
	v1 =	vadd.f32 v7, v1;
	v3 =	vmax.f32 v3, $0.0e+00  }
0xb6: {  	[tilespmem:s24+$0xFFFFFFB0] =	vst v3;
	v3 =	vld [tilespmem:s10+$0xE0]  }
0xb7: {  	v11 =	vadd.f32 v12, v11;
	v1 =	vmax.f32 v1, $0.0e+00;
	v7 =	vld [tilespmem:s12+$0xFFFFFFC0]  }
0xb8: {  	[tilespmem:s24+$0x30] =	vst v1;
	v1 =	vld [tilespmem:s11+$0xFFFFFFC0]  }
0xb9: {  	v11 =	vadd.f32 v14, v11;
	v8 =	vld [tilespmem:s12+$0x40]  }
0xba: {  	v4 =	vadd.f32 v5, v4;
	v5 =	vld [tilespmem:s10+$0xFFFFFF40]  }
0xbb: {  	s1 =	simm.s32 $0x7D00;
	v15 =	vadd.f32 v16, v15;
	v11 =	vmax.f32 v11, $0.0e+00;
	v44 =	vld [tilespmem:s11+$0x40]  }
0xbc: {  	[tilespmem:s1+$0x80] =	vst v11;
	v3 =	vadd.f32 v3, v4;
	v4 =	vld [tilespmem:s10+$0xFFFFFFC0]  }
0xbd: {  	v15 =	vadd.f32 v19, v15;
	v11 =	vld [tilespmem:s6+$0x90];
	v2 =	vadd.f32 v6, v2  }
0xbe: {  	v6 =	vld [tilespmem:s10+$0x40]  }
0xbf: {  	v55 =	vmax.f32 v15, $0.0e+00;
	v49 =	vld [tilespmem:s7+$0x90];
	v1 =	vadd.f32 v1, v7;
	v5 =	vadd.f32 v5, v2  }
0xc0: {  	[tilespmem:s1+$0xFFFFFF80] =	vst v55;
	v51 =	vld [tilespmem:s8+$0x90];
	v3 =	vmax.f32 v3, $0.0e+00  }
0xc1: {  	v58 =	vld [tilespmem:s6+$0xFFFFFF90];
	[tilespmem:s24+$0xE0] =	vst v3;
	v7 =	vadd.f32 v44, v8;
	v4 =	vadd.f32 v4, v1;
	v5 =	vmax.f32 v5, $0.0e+00  }
0xc2: {  	v2 =	vld [tilespmem:s12+$0xF0];
	[tilespmem:s24+$0xFFFFFF40] =	vst v5  }
0xc3: {  	v5 =	vadd.f32 v6, v7;
	v4 =	vmax.f32 v4, $0.0e+00;
	v6 =	vld [tilespmem:s12+$0xFFFFFF50]  }
0xc4: {  	[tilespmem:s24+$0xFFFFFFC0] =	vst v4;
	v4 =	vld [tilespmem:s11+$0xFFFFFF50]  }
0xc5: {  	v3 =	vld [tilespmem:s11+$0xF0]  }
0xc6: {  	v10 =	vld [tilespmem:s10+$0xFFFFFF50]  }
0xc7: {  	v1 =	vld [tilespmem:s10+$0xF0]  }
0xc8: {  	v5 =	vmax.f32 v5, $0.0e+00;
	v7 =	vld [tilespmem:s12+$0xFFFFFFD0]  }
0xc9: {  	[tilespmem:s24+$0x40] =	vst v5;
	v5 =	vld [tilespmem:s11+$0xFFFFFFD0];
	v4 =	vadd.f32 v4, v6  }
0xca: {  	v50 =	vld [tilespmem:s10+$0xFFFFFFD0]  }
0xcb: {  	v48 =	vadd.f32 v13, v18;
	v8 =	vld [tilespmem:s12+$0x50];
	v4 =	vadd.f32 v10, v4  }
0xcc: {  	v45 =	vld [tilespmem:s11+$0x50]  }
0xcd: {  	v6 =	vld [tilespmem:s8+$0x0];
	v10 =	vadd.f32 v47, v48;
	v4 =	vmax.f32 v4, $0.0e+00  }
0xce: {  	v5 =	vadd.f32 v5, v7;
	[tilespmem:s24+$0xFFFFFF50] =	vst v4;
	v4 =	vld [tilespmem:s10+$0x50]  }
0xcf: {  	v53 =	vadd.f32 v49, v11;
	v10 =	vmax.f32 v10, $0.0e+00;
	v52 =	vld [tilespmem:s12+$0xFFFFFF60]  }
0xd0: {  	v5 =	vadd.f32 v50, v5;
	[tilespmem:s1+$0xFFFFFF00] =	vst v10;
	v54 =	vld [tilespmem:s11+$0xFFFFFF60]  }
0xd1: {  	v10 =	vadd.f32 v51, v53;
	v56 =	vld [tilespmem:s6+$0xFFFFFF10]  }
0xd2: {  	v5 =	vmax.f32 v5, $0.0e+00;
	v57 =	vld [tilespmem:s7+$0xFFFFFF10]  }
0xd3: {  	v62 =	vld [tilespmem:s8+$0xFFFFFF10];
	[tilespmem:s24+$0xFFFFFFD0] =	vst v5;
	v10 =	vmax.f32 v10, $0.0e+00  }
0xd4: {  	v63 =	vld [tilespmem:s12+$0xFFFFFFE0];
	[tilespmem:s1+$0x90] =	vst v10  }
0xd5: {  	v12 =	vadd.f32 v46, v17;
	v10 =	vld [tilespmem:s6+$0xA0]  }
0xd6: {  	v7 =	vld [tilespmem:s7+$0xA0]  }
0xd7: {  	v6 =	vadd.f32 v6, v12;
	v21 =	vld [tilespmem:s11+$0xFFFFFFE0]  }
0xd8: {  	v8 =	vadd.f32 v45, v8;
	v61 =	vld [tilespmem:s8+$0xA0]  }
0xd9: {  	v6 =	vmax.f32 v6, $0.0e+00;
	v32 =	vld [tilespmem:s10+$0xFFFFFFE0]  }
0xda: {  	[tilespmem:s1+$0x0] =	vst v6;
	v6 =	vld [tilespmem:s7+$0xFFFFFF90];
	v4 =	vadd.f32 v4, v8  }
0xdb: {  	v59 =	vld [tilespmem:s6+$0x10];
	v7 =	vadd.f32 v7, v10  }
0xdc: {  	v60 =	vld [tilespmem:s7+$0x10];
	v4 =	vmax.f32 v4, $0.0e+00  }
0xdd: {  	v5 =	vld [tilespmem:s8+$0x10];
	[tilespmem:s24+$0x50] =	vst v4;
	v4 =	vadd.f32 v57, v56;
	v7 =	vadd.f32 v61, v7  }
0xde: {  	v8 =	vld [tilespmem:s8+$0xFFFFFF90]  }
0xdf: {  	v9 =	vadd.f32 v21, v63;
	v22 =	vld [tilespmem:s12+$0x60];
	v4 =	vadd.f32 v62, v4;
	v7 =	vmax.f32 v7, $0.0e+00  }
0xe0: {  	v23 =	vld [tilespmem:s11+$0x60];
	[tilespmem:s1+$0xA0] =	vst v7  }
0xe1: {  	v9 =	vadd.f32 v32, v9;
	v4 =	vmax.f32 v4, $0.0e+00;
	v24 =	vld [tilespmem:s6+$0xB0]  }
0xe2: {  	[tilespmem:s1+$0xFFFFFF10] =	vst v4;
	v4 =	vld [tilespmem:s7+$0xB0]  }
0xe3: {  	v6 =	vadd.f32 v6, v58;
	v34 =	vld [tilespmem:s10+$0x60];
	v9 =	vmax.f32 v9, $0.0e+00  }
0xe4: {  	[tilespmem:s24+$0xFFFFFFE0] =	vst v9;
	v25 =	vld [tilespmem:s8+$0xB0]  }
0xe5: {  	v6 =	vadd.f32 v8, v6;
	v45 =	vld [tilespmem:s12+$0xFFFFFFF0]  }
0xe6: {  	v15 =	vadd.f32 v60, v59;
	v46 =	vld [tilespmem:s11+$0xFFFFFFF0]  }
0xe7: {  	v6 =	vmax.f32 v6, $0.0e+00;
	v8 =	vld [tilespmem:s6+$0xFFFFFF20];
	v4 =	vadd.f32 v4, v24  }
0xe8: {  	v5 =	vadd.f32 v5, v15;
	[tilespmem:s1+$0xFFFFFF90] =	vst v6;
	v6 =	vld [tilespmem:s7+$0xFFFFFF20]  }
0xe9: {  	v7 =	vld [tilespmem:s10+$0xFFFFFF60];
	v4 =	vadd.f32 v25, v4  }
0xea: {  	v5 =	vmax.f32 v5, $0.0e+00;
	v26 =	vld [tilespmem:s6+$0xFFFFFFA0]  }
0xeb: {  	[tilespmem:s1+$0x10] =	vst v5;
	v5 =	vld [tilespmem:s7+$0xFFFFFFA0];
	v4 =	vmax.f32 v4, $0.0e+00  }
0xec: {  	v29 =	vld [tilespmem:s8+$0xFFFFFF20];
	[tilespmem:s1+$0xB0] =	vst v4  }
0xed: {  	v4 =	vadd.f32 v6, v8;
	v6 =	vld [tilespmem:s6+$0xC0]  }
0xee: {  	v8 =	vld [tilespmem:s7+$0xC0]  }
0xef: {  	v30 =	vld [tilespmem:s8+$0xFFFFFFA0];
	v12 =	vadd.f32 v23, v22  }
0xf0: {  	v11 =	vadd.f32 v54, v52;
	v33 =	vld [tilespmem:s8+$0xC0]  }
0xf1: {  	v2 =	vadd.f32 v3, v2;
	v3 =	vld [tilespmem:s10+$0xFFFFFFF0];
	v12 =	vadd.f32 v34, v12  }
0xf2: {  	v27 =	vld [tilespmem:s6+$0x20];
	v7 =	vadd.f32 v7, v11;
	v5 =	vadd.f32 v5, v26  }
0xf3: {  	v28 =	vld [tilespmem:s7+$0x20];
	v44 =	vmax.f32 v12, $0.0e+00;
	v4 =	vadd.f32 v29, v4;
	v6 =	vadd.f32 v8, v6  }
0xf4: {  	v31 =	vld [tilespmem:s8+$0x20];
	[tilespmem:s24+$0x60] =	vst v44;
	v7 =	vmax.f32 v7, $0.0e+00;
	v5 =	vadd.f32 v30, v5  }
0xf5: {  	v47 =	vld [tilespmem:s12+$0x70];
	[tilespmem:s24+$0xFFFFFF60] =	vst v7;
	v4 =	vmax.f32 v4, $0.0e+00;
	v6 =	vadd.f32 v33, v6  }
0xf6: {  	v5 =	vmax.f32 v5, $0.0e+00;
	v43 =	vld [tilespmem:s11+$0xFFFFFF70];
	[tilespmem:s1+$0xFFFFFF20] =	vst v4  }
0xf7: {  	[tilespmem:s1+$0xFFFFFFA0] =	vst v5;
	v35 =	vld [tilespmem:s6+$0xFFFFFF30];
	v6 =	vmax.f32 v6, $0.0e+00  }
0xf8: {  	v7 =	vadd.f32 v28, v27;
	v5 =	vld [tilespmem:s7+$0xFFFFFF30];
	[tilespmem:s1+$0xC0] =	vst v6  }
0xf9: {  	v6 =	vld [tilespmem:s6+$0xD0]  }
0xfa: {  	v7 =	vadd.f32 v31, v7;
	v38 =	vld [tilespmem:s7+$0xD0]  }
0xfb: {  	v39 =	vld [tilespmem:s8+$0xFFFFFF30]  }
0xfc: {  	v7 =	vmax.f32 v7, $0.0e+00;
	v40 =	vld [tilespmem:s8+$0xD0]  }
0xfd: {  	[tilespmem:s1+$0x20] =	vst v7;
	v7 =	vld [tilespmem:s7+$0xFFFFFFB0]  }
0xfe: {  	v8 =	vld [tilespmem:s6+$0xFFFFFFB0];
	v5 =	vadd.f32 v5, v35  }
0xff: {  	v41 =	vld [tilespmem:s8+$0xFFFFFFB0];
	v6 =	vadd.f32 v38, v6  }
0x100: {  	v36 =	vld [tilespmem:s6+$0x30];
	v5 =	vadd.f32 v39, v5  }
0x101: {  	v37 =	vld [tilespmem:s7+$0x30];
	v6 =	vadd.f32 v40, v6  }
0x102: {  	v42 =	vld [tilespmem:s8+$0x30];
	v5 =	vmax.f32 v5, $0.0e+00  }
0x103: {  	v4 =	vld [tilespmem:s12+$0xFFFFFF70];
	v7 =	vadd.f32 v7, v8;
	[tilespmem:s1+$0xFFFFFF30] =	vst v5;
	v5 =	vmax.f32 v6, $0.0e+00  }
0x104: {  	v8 =	vld [tilespmem:s6+$0xFFFFFF40];
	[tilespmem:s1+$0xD0] =	vst v5  }
0x105: {  	v7 =	vadd.f32 v41, v7;
	v48 =	vld [tilespmem:s6+$0xE0]  }
0x106: {  	v49 =	vld [tilespmem:s7+$0xE0]  }
0x107: {  	v7 =	vmax.f32 v7, $0.0e+00;
	v50 =	vld [tilespmem:s7+$0xFFFFFF40];
	v5 =	vadd.f32 v37, v36  }
0x108: {  	[tilespmem:s1+$0xFFFFFFB0] =	vst v7;
	v7 =	vld [tilespmem:s8+$0xE0]  }
0x109: {  	v51 =	vld [tilespmem:s6+$0xFFFFFFC0];
	v5 =	vadd.f32 v42, v5  }
0x10a: {  	v54 =	vld [tilespmem:s8+$0xFFFFFF40]  }
0x10b: {  	v55 =	vld [tilespmem:s8+$0xFFFFFFC0];
	v5 =	vmax.f32 v5, $0.0e+00;
	v13 =	vadd.f32 v49, v48  }
0x10c: {  	[tilespmem:s1+$0x30] =	vst v5;
	v5 =	vld [tilespmem:s7+$0xFFFFFFC0]  }
0x10d: {  	v52 =	vld [tilespmem:s6+$0x40];
	v7 =	vadd.f32 v7, v13  }
0x10e: {  	v53 =	vld [tilespmem:s7+$0x40]  }
0x10f: {  	v56 =	vld [tilespmem:s8+$0x40];
	v7 =	vmax.f32 v7, $0.0e+00  }
0x110: {  	v8 =	vadd.f32 v50, v8;
	[tilespmem:s1+$0xE0] =	vst v7;
	v7 =	vld [tilespmem:s10+$0xFFFFFF70]  }
0x111: {  	v57 =	vld [tilespmem:s6+$0xF0]  }
0x112: {  	v8 =	vadd.f32 v54, v8;
	v5 =	vadd.f32 v5, v51;
	v58 =	vld [tilespmem:s7+$0xF0]  }
0x113: {  	v6 =	vld [tilespmem:s11+$0x70]  }
0x114: {  	v8 =	vmax.f32 v8, $0.0e+00;
	v15 =	vadd.f32 v53, v52;
	v5 =	vadd.f32 v55, v5;
	v59 =	vld [tilespmem:s8+$0xF0]  }
0x115: {  	v1 =	vadd.f32 v1, v2;
	v2 =	vadd.f32 v43, v4;
	[tilespmem:s1+$0xFFFFFF40] =	vst v8;
	v8 =	vld [tilespmem:s10+$0x70]  }
0x116: {  	v4 =	vadd.f32 v46, v45;
	v61 =	vld [tilespmem:s6+$0xFFFFFF50];
	v60 =	vadd.f32 v56, v15;
	v5 =	vmax.f32 v5, $0.0e+00  }
0x117: {  	v1 =	vmax.f32 v1, $0.0e+00;
	v62 =	vld [tilespmem:s7+$0xFFFFFF50];
	[tilespmem:s1+$0xFFFFFFC0] =	vst v5;
	v7 =	vadd.f32 v7, v2;
	v5 =	vadd.f32 v58, v57  }
0x118: {  	[tilespmem:s24+$0xF0] =	vst v1;
	v63 =	vadd.f32 v3, v4;
	v1 =	vadd.f32 v6, v47;
	v6 =	vmax.f32 v60, $0.0e+00;
	v2 =	vld [tilespmem:s6+$0xFFFFFFD0]  }
0x119: {  	[tilespmem:s1+$0x40] =	vst v6;
	v4 =	vld [tilespmem:s7+$0xFFFFFFD0];
	v3 =	vmax.f32 v7, $0.0e+00;
	v6 =	vadd.f32 v59, v5  }
0x11a: {  	v1 =	vadd.f32 v8, v1;
	v7 =	vmax.f32 v63, $0.0e+00;
	[tilespmem:s24+$0xFFFFFF70] =	vst v3;
	v3 =	vld [tilespmem:s6+$0x50]  }
0x11b: {  	s17 =	simm.s32 $0x5700;
	s13 =	simm.s32 $0x500;
	v5 =	vld [tilespmem:s7+$0x50];
	[tilespmem:s24+$0xFFFFFFF0] =	vst v7;
	v8 =	vmax.f32 v6, $0.0e+00  }
0x11c: {  	s12 =	simm.s32 $0x2D00;
	s11 =	simm.s32 $0x4;
	s10 =	sadd.s32 s4, s26;
	v1 =	vmax.f32 v1, $0.0e+00;
	v7 =	vld [tilespmem:s8+$0xFFFFFF50];
	v6 =	vadd.f32 v62, v61;
	[tilespmem:s1+$0xF0] =	vst v8  }
.LBB2_5:
0x11d: {  	v8 =	vld [tilespmem:s17+$0x80];
	s7 =	sadd.s32 $0x200, s7;
	[tilespmem:s24+$0x70] =	vst v1;
	s24 =	smov.u32 s1  }
0x11e: {  	v1 =	vld [tilespmem:s7+$0x80];
	v2 =	vadd.f32 v4, v2  }
0x11f: {  	s8 =	sadd.s32 $0x200, s8;
	v4 =	vld [tilespmem:s7+$0xFFFFFF00]  }
0x120: {  	v9 =	vld [tilespmem:s8+$0x80];
	v3 =	vadd.f32 v5, v3  }
0x121: {  	v5 =	vld [tilespmem:s17+$0xFFFFFF80];
	v6 =	vadd.f32 v7, v6  }
0x122: {  	v7 =	vld [tilespmem:s7+$0xFFFFFF80]  }
0x123: {  	v10 =	vld [tilespmem:s17+$0x0];
	v1 =	vadd.f32 v1, v8;
	v6 =	vmax.f32 v6, $0.0e+00  }
0x124: {  	v8 =	vld [tilespmem:s7+$0x0];
	[tilespmem:s1+$0xFFFFFF50] =	vst v6  }
0x125: {  	s11 =	sadd.s32 $0x4, s11;
	v6 =	vld [tilespmem:s17+$0xFFFFFF00];
	v1 =	vadd.f32 v9, v1  }
0x126: {  	p1 =	slt.u32 s11, $0x4C;
	v9 =	vld [tilespmem:s8+$0xFFFFFF00]  }
0x127: {  	s1 =	sadd.s32 $0x200, s1;
	v5 =	vadd.f32 v7, v5;
	v7 =	vld [tilespmem:s8+$0xFFFFFF80];
	v1 =	vmax.f32 v1, $0.0e+00  }
0x128: {  	v11 =	vld [tilespmem:s8+$0x0];
	[tilespmem:s1+$0x80] =	vst v1  }
0x129: {  	v1 =	vadd.f32 v8, v10;
	v8 =	vld [tilespmem:s17+$0x90]  }
0x12a: {  	v4 =	vadd.f32 v4, v6;
	v6 =	vld [tilespmem:s7+$0x90]  }
0x12b: {  	v10 =	vld [tilespmem:s12+$0xFFFFFFD0]  }
0x12c: {  	v4 =	vadd.f32 v9, v4;
	v5 =	vadd.f32 v7, v5;
	v7 =	vld [tilespmem:s8+$0x90]  }
0x12d: {  	v1 =	vadd.f32 v11, v1;
	v9 =	vld [tilespmem:s12+$0x50]  }
0x12e: {  	v4 =	vmax.f32 v4, $0.0e+00;
	v5 =	vmax.f32 v5, $0.0e+00;
	v11 =	vld [tilespmem:s6+$0xFFFFFF60]  }
0x12f: {  	[tilespmem:s1+$0xFFFFFF00] =	vst v4;
	v1 =	vmax.f32 v1, $0.0e+00;
	v4 =	vadd.f32 v6, v8;
	v6 =	vld [tilespmem:s13+$0xFFFFFF60]  }
0x130: {  	v8 =	vld [tilespmem:s17+$0xFFFFFF10];
	[tilespmem:s1+$0xFFFFFF80] =	vst v5;
	v2 =	vadd.f32 v10, v2  }
0x131: {  	v5 =	vld [tilespmem:s7+$0xFFFFFF10];
	[tilespmem:s1+$0x0] =	vst v1;
	v1 =	vadd.f32 v7, v4  }
0x132: {  	v4 =	vld [tilespmem:s17+$0xFFFFFF90];
	v2 =	vmax.f32 v2, $0.0e+00;
	v3 =	vadd.f32 v9, v3  }
0x133: {  	v7 =	vld [tilespmem:s7+$0xFFFFFF90];
	v1 =	vmax.f32 v1, $0.0e+00;
	[tilespmem:s24+$0xFFFFFFD0] =	vst v2  }
0x134: {  	v2 =	vld [tilespmem:s17+$0x10];
	[tilespmem:s1+$0x90] =	vst v1;
	v1 =	vadd.f32 v6, v11;
	v3 =	vmax.f32 v3, $0.0e+00  }
0x135: {  	v6 =	vld [tilespmem:s17+$0xA0];
	[tilespmem:s24+$0x50] =	vst v3  }
0x136: {  	v3 =	vadd.f32 v5, v8;
	v5 =	vld [tilespmem:s7+$0xA0]  }
0x137: {  	v8 =	vld [tilespmem:s7+$0x10]  }
0x138: {  	v4 =	vadd.f32 v7, v4;
	v7 =	vld [tilespmem:s8+$0xA0]  }
0x139: {  	v9 =	vld [tilespmem:s8+$0xFFFFFF10]  }
0x13a: {  	v10 =	vld [tilespmem:s8+$0xFFFFFF90]  }
0x13b: {  	v11 =	vld [tilespmem:s8+$0x10];
	v5 =	vadd.f32 v5, v6  }
0x13c: {  	v2 =	vadd.f32 v8, v2;
	v6 =	vld [tilespmem:s6+$0xFFFFFFE0]  }
0x13d: {  	v5 =	vadd.f32 v7, v5;
	v7 =	vld [tilespmem:s13+$0xFFFFFFE0]  }
0x13e: {  	v3 =	vadd.f32 v9, v3;
	v8 =	vld [tilespmem:s6+$0x60]  }
0x13f: {  	v4 =	vadd.f32 v10, v4;
	v5 =	vmax.f32 v5, $0.0e+00;
	v9 =	vld [tilespmem:s13+$0x60]  }
0x140: {  	v3 =	vmax.f32 v3, $0.0e+00;
	v2 =	vadd.f32 v11, v2;
	[tilespmem:s1+$0xA0] =	vst v5;
	v5 =	vld [tilespmem:s12+$0xFFFFFF60]  }
0x141: {  	[tilespmem:s1+$0xFFFFFF10] =	vst v3;
	v3 =	vmax.f32 v4, $0.0e+00;
	v4 =	vld [tilespmem:s17+$0xB0]  }
0x142: {  	[tilespmem:s1+$0xFFFFFF90] =	vst v3;
	v2 =	vmax.f32 v2, $0.0e+00;
	v3 =	vld [tilespmem:s7+$0xB0];
	v6 =	vadd.f32 v7, v6  }
0x143: {  	v7 =	vld [tilespmem:s17+$0xFFFFFF20];
	[tilespmem:s1+$0x10] =	vst v2  }
0x144: {  	v2 =	vld [tilespmem:s8+$0xB0];
	v8 =	vadd.f32 v9, v8  }
0x145: {  	v9 =	vld [tilespmem:s7+$0xFFFFFF20];
	v1 =	vadd.f32 v5, v1  }
0x146: {  	v5 =	vld [tilespmem:s17+$0xFFFFFFA0]  }
0x147: {  	v10 =	vld [tilespmem:s7+$0xFFFFFFA0];
	v3 =	vadd.f32 v3, v4;
	v1 =	vmax.f32 v1, $0.0e+00  }
0x148: {  	v4 =	vld [tilespmem:s17+$0x20];
	[tilespmem:s24+$0xFFFFFF60] =	vst v1  }
0x149: {  	v1 =	vld [tilespmem:s7+$0x20];
	v2 =	vadd.f32 v2, v3  }
0x14a: {  	v3 =	vadd.f32 v9, v7;
	v7 =	vld [tilespmem:s8+$0xFFFFFF20]  }
0x14b: {  	v9 =	vld [tilespmem:s8+$0xFFFFFFA0];
	v2 =	vmax.f32 v2, $0.0e+00  }
0x14c: {  	v5 =	vadd.f32 v10, v5;
	v10 =	vld [tilespmem:s8+$0x20];
	[tilespmem:s1+$0xB0] =	vst v2  }
0x14d: {  	v2 =	vld [tilespmem:s17+$0xC0]  }
0x14e: {  	v1 =	vadd.f32 v1, v4;
	v4 =	vld [tilespmem:s7+$0xC0]  }
0x14f: {  	v3 =	vadd.f32 v7, v3;
	v7 =	vld [tilespmem:s12+$0xFFFFFFE0]  }
0x150: {  	v5 =	vadd.f32 v9, v5;
	v9 =	vld [tilespmem:s8+$0xC0]  }
0x151: {  	v3 =	vmax.f32 v3, $0.0e+00;
	v1 =	vadd.f32 v10, v1;
	v10 =	vld [tilespmem:s12+$0x60]  }
0x152: {  	[tilespmem:s1+$0xFFFFFF20] =	vst v3;
	v3 =	vmax.f32 v5, $0.0e+00;
	v5 =	vld [tilespmem:s6+$0xFFFFFF70]  }
0x153: {  	v11 =	vld [tilespmem:s17+$0xFFFFFF30];
	[tilespmem:s1+$0xFFFFFFA0] =	vst v3;
	v1 =	vmax.f32 v1, $0.0e+00;
	v2 =	vadd.f32 v4, v2  }
0x154: {  	v3 =	vld [tilespmem:s7+$0xFFFFFF30];
	[tilespmem:s1+$0x20] =	vst v1;
	v1 =	vadd.f32 v7, v6  }
0x155: {  	v4 =	vld [tilespmem:s17+$0xFFFFFFB0];
	v2 =	vadd.f32 v9, v2  }
0x156: {  	v6 =	vld [tilespmem:s7+$0xFFFFFFB0];
	v1 =	vmax.f32 v1, $0.0e+00;
	v7 =	vadd.f32 v10, v8  }
0x157: {  	v8 =	vld [tilespmem:s17+$0x30];
	v2 =	vmax.f32 v2, $0.0e+00;
	[tilespmem:s24+$0xFFFFFFE0] =	vst v1  }
0x158: {  	v1 =	vld [tilespmem:s7+$0x30];
	[tilespmem:s1+$0xC0] =	vst v2;
	v2 =	vmax.f32 v7, $0.0e+00  }
0x159: {  	v3 =	vadd.f32 v3, v11;
	v7 =	vld [tilespmem:s17+$0xD0];
	[tilespmem:s24+$0x60] =	vst v2  }
0x15a: {  	v2 =	vld [tilespmem:s7+$0xD0]  }
0x15b: {  	v9 =	vld [tilespmem:s8+$0xFFFFFF30];
	v4 =	vadd.f32 v6, v4  }
0x15c: {  	v6 =	vld [tilespmem:s8+$0xD0]  }
0x15d: {  	v10 =	vld [tilespmem:s8+$0xFFFFFFB0];
	v1 =	vadd.f32 v1, v8  }
0x15e: {  	v8 =	vld [tilespmem:s8+$0x30]  }
0x15f: {  	v2 =	vadd.f32 v2, v7;
	v7 =	vld [tilespmem:s13+$0xFFFFFF70]  }
0x160: {  	v3 =	vadd.f32 v9, v3;
	v9 =	vld [tilespmem:s6+$0xFFFFFFF0]  }
0x161: {  	v2 =	vadd.f32 v6, v2;
	v6 =	vld [tilespmem:s13+$0xFFFFFFF0]  }
0x162: {  	v3 =	vmax.f32 v3, $0.0e+00;
	v4 =	vadd.f32 v10, v4;
	v10 =	vld [tilespmem:s6+$0x70];
	s6 =	smov.u32 s17  }
0x163: {  	[tilespmem:s1+$0xFFFFFF30] =	vst v3;
	v1 =	vadd.f32 v8, v1;
	v2 =	vmax.f32 v2, $0.0e+00;
	v3 =	vld [tilespmem:s13+$0x70];
	s13 =	smov.u32 s7  }
0x164: {  	v8 =	vld [tilespmem:s17+$0xFFFFFF40];
	v4 =	vmax.f32 v4, $0.0e+00;
	[tilespmem:s1+$0xD0] =	vst v2;
	v2 =	vadd.f32 v7, v5  }
0x165: {  	[tilespmem:s1+$0xFFFFFFB0] =	vst v4;
	v1 =	vmax.f32 v1, $0.0e+00;
	v4 =	vld [tilespmem:s17+$0xE0]  }
0x166: {  	[tilespmem:s1+$0x30] =	vst v1;
	v1 =	vld [tilespmem:s7+$0xE0];
	v5 =	vadd.f32 v6, v9  }
0x167: {  	v6 =	vld [tilespmem:s7+$0xFFFFFF40]  }
0x168: {  	v7 =	vld [tilespmem:s8+$0xE0];
	v9 =	vadd.f32 v3, v10  }
0x169: {  	v3 =	vld [tilespmem:s17+$0xFFFFFFC0]  }
0x16a: {  	v10 =	vld [tilespmem:s7+$0xFFFFFFC0]  }
0x16b: {  	v11 =	vld [tilespmem:s17+$0x40];
	v1 =	vadd.f32 v1, v4  }
0x16c: {  	v4 =	vadd.f32 v6, v8;
	v6 =	vld [tilespmem:s7+$0x40]  }
0x16d: {  	v8 =	vld [tilespmem:s8+$0xFFFFFF40];
	v1 =	vadd.f32 v7, v1  }
0x16e: {  	v7 =	vld [tilespmem:s8+$0xFFFFFFC0]  }
0x16f: {  	v3 =	vadd.f32 v10, v3;
	v10 =	vld [tilespmem:s8+$0x40];
	v1 =	vmax.f32 v1, $0.0e+00  }
0x170: {  	[tilespmem:s1+$0xE0] =	vst v1;
	v1 =	vld [tilespmem:s12+$0xFFFFFF70]  }
0x171: {  	v6 =	vadd.f32 v6, v11;
	v11 =	vld [tilespmem:s17+$0xF0]  }
0x172: {  	v4 =	vadd.f32 v8, v4;
	v8 =	vld [tilespmem:s7+$0xF0]  }
0x173: {  	v3 =	vadd.f32 v7, v3;
	v7 =	vld [tilespmem:s12+$0xFFFFFFF0]  }
0x174: {  	v4 =	vmax.f32 v4, $0.0e+00;
	v6 =	vadd.f32 v10, v6;
	v10 =	vld [tilespmem:s8+$0xF0]  }
0x175: {  	[tilespmem:s1+$0xFFFFFF40] =	vst v4;
	v3 =	vmax.f32 v3, $0.0e+00;
	v1 =	vadd.f32 v1, v2;
	v12 =	vld [tilespmem:s12+$0x70];
	s12 =	smov.u32 s8  }
0x176: {  	v13 =	vld [tilespmem:s17+$0xFFFFFF50];
	[tilespmem:s1+$0xFFFFFFC0] =	vst v3;
	v2 =	vmax.f32 v6, $0.0e+00  }
0x177: {  	v6 =	vld [tilespmem:s7+$0xFFFFFF50];
	[tilespmem:s1+$0x40] =	vst v2;
	v3 =	vadd.f32 v8, v11;
	v1 =	vmax.f32 v1, $0.0e+00  }
.Ltmp1:
0x178: {  	v2 =	vld [tilespmem:s17+$0xFFFFFFD0];
	[tilespmem:s24+$0xFFFFFF70] =	vst v1;
	v1 =	vadd.f32 v7, v5;
	(pc) =	sbr.rel @p1 .LBB2_5-.Ltmp1, $4  }
0x179: {  	v4 =	vld [tilespmem:s7+$0xFFFFFFD0];
	v7 =	vadd.f32 v10, v3  }
0x17a: {  	v3 =	vld [tilespmem:s17+$0x50];
	v1 =	vmax.f32 v1, $0.0e+00;
	v8 =	vadd.f32 v12, v9  }
0x17b: {  	v5 =	vld [tilespmem:s7+$0x50];
	v9 =	vmax.f32 v7, $0.0e+00;
	[tilespmem:s24+$0xFFFFFFF0] =	vst v1  }
0x17c: {  	s17 =	sadd.s32 $0x200, s17;
	v6 =	vadd.f32 v6, v13;
	v7 =	vld [tilespmem:s8+$0xFFFFFF50];
	[tilespmem:s1+$0xF0] =	vst v9;
	v1 =	vmax.f32 v8, $0.0e+00  }
0x17d: {  	_ =	sdelay $0x1  }
0x17e: {  	v8 =	vld [tilespmem:s12+$0xFFFFFFD0];
	_ =	sdelay $0x1  }
0x17f: {  	v9 =	vld [tilespmem:s12+$0x50];
	v52 =	vadd.f32 v7, v6  }
0x180: {  	v2 =	vadd.f32 v4, v2  }
0x181: {  	v4 =	vmax.f32 v52, $0.0e+00  }
0x182: {  	v3 =	vadd.f32 v5, v3;
	v2 =	vadd.f32 v8, v2;
	[tilespmem:s1+$0xFFFFFF50] =	vst v4  }
0x183: {  	v4 =	vld [tilespmem:s6+$0xFFFFFF60]  }
0x184: {  	v3 =	vadd.f32 v9, v3;
	v2 =	vmax.f32 v2, $0.0e+00;
	v53 =	vld [tilespmem:s13+$0xFFFFFF60]  }
0x185: {  	[tilespmem:s1+$0xFFFFFFD0] =	vst v2;
	v56 =	vld [tilespmem:s12+$0xFFFFFF60]  }
0x186: {  	v2 =	vmax.f32 v3, $0.0e+00;
	v3 =	vld [tilespmem:s6+$0xFFFFFFE0]  }
0x187: {  	[tilespmem:s1+$0x50] =	vst v2;
	v2 =	vld [tilespmem:s13+$0xFFFFFFE0]  }
0x188: {  	v54 =	vld [tilespmem:s6+$0x60]  }
0x189: {  	v55 =	vld [tilespmem:s13+$0x60]  }
0x18a: {  	v57 =	vld [tilespmem:s12+$0xFFFFFFE0];
	v4 =	vadd.f32 v53, v4  }
0x18b: {  	v10 =	vld [tilespmem:s12+$0x60]  }
0x18c: {  	v4 =	vadd.f32 v56, v4  }
0x18d: {  	v2 =	vadd.f32 v2, v3  }
0x18e: {  	v3 =	vadd.f32 v55, v54;
	v4 =	vmax.f32 v4, $0.0e+00  }
0x18f: {  	v2 =	vadd.f32 v57, v2;
	[tilespmem:s1+$0xFFFFFF60] =	vst v4  }
0x190: {  	v3 =	vadd.f32 v10, v3;
	v4 =	vld [tilespmem:s6+$0xFFFFFF70]  }
0x191: {  	v2 =	vmax.f32 v2, $0.0e+00;
	v58 =	vld [tilespmem:s13+$0xFFFFFF70]  }
0x192: {  	[tilespmem:s1+$0xFFFFFFE0] =	vst v2;
	v2 =	vmax.f32 v3, $0.0e+00;
	v61 =	vld [tilespmem:s12+$0xFFFFFF70]  }
0x193: {  	[tilespmem:s1+$0x60] =	vst v2;
	v2 =	vld [tilespmem:s6+$0xFFFFFFF0]  }
0x194: {  	v59 =	vld [tilespmem:s13+$0xFFFFFFF0]  }
0x195: {  	v3 =	vld [tilespmem:s6+$0x70]  }
0x196: {  	v60 =	vld [tilespmem:s13+$0x70]  }
0x197: {  	v62 =	vld [tilespmem:s12+$0xFFFFFFF0]  }
0x198: {  	v63 =	vld [tilespmem:s12+$0x70]  }
0x199: {  	v4 =	vadd.f32 v58, v4  }
0x19a: {  	v2 =	vadd.f32 v59, v2  }
0x19b: {  	v3 =	vadd.f32 v60, v3;
	v4 =	vadd.f32 v61, v4  }
0x19c: {  	v2 =	vadd.f32 v62, v2  }
0x19d: {  	[tilespmem:s24+$0x70] =	vst v1;
	v1 =	vmax.f32 v4, $0.0e+00;
	v3 =	vadd.f32 v63, v3  }
0x19e: {  	[tilespmem:s1+$0xFFFFFF70] =	vst v1;
	v1 =	vmax.f32 v2, $0.0e+00  }
0x19f: {  	[tilespmem:s1+$0xFFFFFFF0] =	vst v1;
	v1 =	vmax.f32 v3, $0.0e+00  }
0x1a0: {  	[tilespmem:s1+$0x70] =	vst v1  }
0x1a1: {  	s6 =	simm.s32 @!p0 $0x200;
	s1 =	simm.s32 @!p0 $0x50;
	s7 =	rddreg [dreg:$0x3]  }
0x1a2: {  	[tilespmem:s6], [sflag:$0x1] =	stream.indirect.gather @!p0 [hbm4b:s7+s1], $0x80, s28, s1, $0xb8;
	[tilespmem:$0x1E300] =	vst v63  }
0x1a3: {  	s6 =	simm.s32 @!p0 $0x2A00;
	s7 =	rddreg [dreg:$0x4]  }
0x1a4: {  	[tilespmem:s6], [sflag:$0x2] =	stream.indirect.gather @!p0 [hbm4b:s7+s1], $0x80, s20, s1, $0xb8;
	[tilespmem:$0x1E300] =	vst v63  }
0x1a5: {  	s1 =	rddreg [dreg:$0xd]  }
0x1a6: {  	s1 =	sadd.s32 @!p0 s26, s1  }
0x1a7: {  	s17 =	sshll.u32 s10, $0x4;
	s6 =	simm.s32 @!p0 $0x0;
	s1 =	sshll.u32 @!p0 s1, $0x4  }
0x1a8: {  	s7 =	simm.s32 @!p0 $0x5200;
	s20 =	rddreg [dreg:$0x5];
	s1 =	sadd.s32 @!p0 s18, s1  }
0x1a9: {  	[tilespmem:s7], [sflag:$0x3] =	stream.linear.gather @!p0 [hbm4b:s1+s6], $0x2800, $0x38;
	[tilespmem:$0x1E300] =	vst v63  }
0x1aa: {  	s1 =	sadd.s32 s20, s17  }
0x1ab: {  	[hbm4b:s1+s2] =	stream.linear.scatter [tilespmem:s30], [sflag:$0x6], $0x2800, $0x38;
	[tilespmem:$0x1E300] =	vst v63  }
0x1ac: {  	s24 =	rddreg [dreg:$0x1]  }
0x1ad: {  	[spmem:s24] =	stream.indirect.scatter.add.f32 [tilespmem:s30], [sflag:$0x7], $0x80, s29, s3, $0xb8;
	[tilespmem:$0x1E300] =	vst v63  }
0x1ae: {  	_ =	swait.ge [sflag:s31], $0x2800  }
0x1af: {  	[sflag:s31] =	ssyncset.done $0x0  }
0x1b0: {  	[sflag:s31] =	ssyncadd.s32 $0xFFFFD800  }
0x1b1: {  	_ =	swait.ge [sflag:s21], $0x50  }
0x1b2: {  	[sflag:s21] =	ssyncset.done $0x0  }
0x1b3: {  	[sflag:s21] =	ssyncadd.s32 $0xFFFFFFB0  }
0x1b4: {  	_ =	swait.ge [sflag:s22], $0x50  }
0x1b5: {  	s26 =	sshrl.u32 s10, $0x3;
	[sflag:s22] =	ssyncset.done $0x0;
	s28 =	rddreg [dreg:$0x7]  }
0x1b6: {  	[sflag:s22] =	ssyncadd.s32 $0xFFFFFFB0;
	s6 =	sadd.s32 s28, s26  }
0x1b7: {  	[hbm4b:s6+s2] =	stream.linear.scatter [tilespmem:s0], [sflag:$0x7], $0x50, $0x38;
	[tilespmem:$0x1E300] =	vst v63  }
0x1b8: {  	_ =	swait.ge [sflag:s31], $0x50  }
0x1b9: {  	[sflag:s31] =	ssyncset.done $0x0;
	s29 =	rddreg [dreg:$0x8]  }
0x1ba: {  	s25 =	sadd.s32 $0x1, s25;
	[sflag:s31] =	ssyncadd.s32 $0xFFFFFFB0;
	s1 =	sadd.s32 s29, s26  }
0x1bb: {  	[hbm4b:s1+s2] =	stream.linear.scatter [tilespmem:s19], [sflag:$0x7], $0x50, $0x38;
	[tilespmem:$0x1E300] =	vst v63  }
0x1bc: {  	p0 =	sne.s32 s25, $0x32;
	_ =	swait.ge [sflag:s31], $0x50  }
.Ltmp2:
0x1bd: {  	[sflag:s31] =	ssyncset.done $0x0;
	(pc) =	sbr.rel @p0 .LBB2_4-.Ltmp2, $4  }
0x1be: {  	[sflag:s31] =	ssyncadd.s32 $0xFFFFFFB0  }
0x1bf: {  	_ =	swait.ge [sflag:s23], $0x2800  }
0x1c0: {  	[sflag:s23] =	ssyncset.done $0x0  }
0x1c1: {  	[sflag:s23] =	ssyncadd.s32 $0xFFFFD800  }
0x1c2: {  	s1 =	stileid.u32;
	[bflag:$0x0] =	sbarrier.arrive $0xFFFF  }
0x1c3: {  	s1 =	sshll.u32 s1, $0x6;
	s10 =	rddreg [dreg:$0xf]  }
0x1c4: {  	s7 =	rddreg [dreg:$0xe];
	s1 =	sor.u32 $0x1C07, s1;
	s6 =	sshrl.u32 s10, $0x3  }
0x1c5: {  	[hbm:s7], [sflag:s1] =	dma.local [spmem:s6], $0x2800  }
0x1c6: {  	_ =	swait.ge [sflag:s31], $0x2800  }
0x1c7: {  	s28 =	rddreg [dreg:$0x18]  }
0x1c8: {  	s29 =	rddreg [dreg:$0x10];
	s6 =	sadd.s32 $0x1, s28  }
0x1c9: {  	p0 =	sne.s32 s6, s29  }
.Ltmp3:
0x1ca: {  	_ = 	snop;
	(pc) =	sbr.rel @p0 .LBB2_1-.Ltmp3, $3  }
0x1cb: {  	_ =	sdelay $0x1  }
0x1cc: {  	[sflag:s31] =	ssyncset.done $0x0  }
0x1cd: {  	[sflag:s31] =	ssyncadd.s32 $0xFFFFD800  }
0x1ce: {  	_ =	sfence.sel $0x180000  }
0x1cf: {  	[bflag:$0x0] =	sbarrier.arrive $0xFFFF  }
0x1d0: {  	_ =	strace $0x9000004A  }
0x1d1: {  	s0 =	stileid.u32;
	[bflag:$0x2] =	sbarrier.arrive $0xFFFF  }
0x1d2: {  	p0 =	sne.s32 s0, $0x0;
	s0 =	rddreg [dreg:$0x2]  }
0x1d3: {  	s0 =	sadd.s32 @!p0 $0x100000, s0  }
0x1d4: {  	[sflag:s0] =	ssyncadd.tile.s32 @!p0 $0x1;
	_ =	shalt  }
.Lfunc_end2:
_tile_overlayer_lowered:
.L_overlay_start_2:
0x1d5: {  	(tag) =	ssettag $0x2  }
0x1d6: {  	s0 =	rddreg [dreg:$0x0];
	s2 =	stileid.u32  }
0x1d7: {  	s1 =	rddreg [dreg:$0x1];
	p0 =	sne.s32 s2, $0x0  }
0x1d8: {  	s3 =	rddreg [dreg:$0x2];
	[bflag:$0x3] =	sbarrier.arrive $0xFFFF;
	s2 =	simm.s32 @!p0 $0x1C07  }
0x1d9: {  	[timem:s3], [sflag:s2] =	dma.local @!p0 [hbm:s0], s1  }
0x1da: {  	s0 =	simm.s32 @!p0 $0x7  }
0x1db: {  	_ =	swait.ge @!p0 [sflag:s0], s1  }
0x1dc: {  	s1 =	ssub.s32 @!p0 $0x0, s1;
	[sflag:s0] =	ssyncset.done @!p0 $0x0  }
0x1dd: {  	[sflag:s0] =	ssyncadd.s32 @!p0 s1  }
0x1de: {  	[bflag:$0x3] =	sbarrier.arrive $0xFFFF  }
0x1df: {  	_ =	shalt  }

// kernel: kernel.19.cloned.1.call-start
scs
__scs_entry_jumppad:
0x0: {  	(pc) =	sbr.rel $0x88, $3  }
0x1: {  	(tag) =	ssettag $0x0;
	lr =	simm.s32 $0x1  }
0x2: {  	[smem:$0x3F89] =	sst lr;
	_ =	strace $0xD0000000  }
0x3: {  	_ = 	snop  }
0x4: {  	_ = 	snop  }
0x5: {  	_ = 	snop  }
0x6: {  	_ = 	snop  }
0x7: {  	_ = 	snop  }
__scs_overlays_trampoline_lowered:
0x8: {  	[smem:$0x3F98] =	sst s0  }
0x9: {  	[smem:$0x3F99] =	sst s1  }
0xa: {  	[smem:$0x3F9A] =	sst s2  }
0xb: {  	[smem:$0x3F9B] =	sst s3  }
0xc: {  	[smem:$0x3F9C] =	sst s4  }
0xd: {  	[smem:$0x3F9D] =	sst s5  }
0xe: {  	[smem:$0x3F9E] =	sst s6  }
0xf: {  	[smem:$0x3F9F] =	sst s7  }
0x10: {  	[smem:$0x3FA0] =	sst s8  }
0x11: {  	[smem:$0x3FA1] =	sst s9;
	s0 =	simm.s32 @!p0 $0x0  }
0x12: {  	s1 =	sld [smem:$0x3F87];
	s0 =	simm.s32 @p0 $0x1  }
0x13: {  	[smem:$0x3FA2] =	sst s0;
	s0 =	simm.s32 @!p1 $0x0  }
0x14: {  	s2 =	sld [smem:$0x3F86];
	s0 =	simm.s32 @p1 $0x1  }
0x15: {  	[smem:$0x3FA3] =	sst s0;
	s0 =	simm.s32 @!p2 $0x0  }
0x16: {  	s3 =	sld [smem:$0x3FDB];
	s0 =	simm.s32 @p2 $0x1  }
0x17: {  	s4 =	simm.s32 $0x1BF5;
	[smem:$0x3FA5] =	sst s0  }
0x18: {  	s0 =	sld [smem:$0x3F88];
	_ =	swait.ge [sflag:s4], $0x0  }
0x19: {  	s7 =	sld [smem:$0x3F89]  }
0x1a: {  	s8 =	sadd.s32 $0xFFFFE003, lr  }
0x1b: {  	s9 =	sadd.s32 $0xFFFFFEF7, lr;
	s5 =	simm.s32 $0xFFFFFFFF;
	p2 =	slt.u32 s8, $0xFFFFF086  }
0x1c: {  	p1 =	slt.u32 s9, $0xF7A;
	s5 =	simm.s32 @!p2 $0x0  }
0x1d: {  	s5 =	simm.s32 @p1 $0x1;
	p0 =	seq.s32 s7, s2  }
0x1e: {  	s7 =	smul.u32 @!p0 $0xF7A, s2;
	p2 =	seq.s32 @!p0 s5, $0x0  }
0x1f: {  	s9 =	smul.u32 $0xF7A, s1;
	s8 =	simm.s32 @!p0 $0x1BF5;
	p2 =	por !p2, p0  }
0x20: {  	[sflag:s8] =	ssyncset.s32 @!p0 $0xFFFFF086;
	s6 =	sadd.s32 @!p0 s3, s7;
	s7 =	simm.s32 @!p0 $0x108  }
0x21: {  	s3 =	sadd.s32 s3, s9;
	s6 =	sadd.s32 @!p0 $0x88, s6;
	s7 =	simm.s32 @p2 $0x1082  }
0x22: {  	[simem:s7], [sflag:s8] =	dma.local @!p0 [hbm:s6], $0xF7A  }
0x23: {  	s9 =	sor.u32 $0xD0000000, s2;
	s6 =	simm.s32 $0x108;
	_ =	swait.ge @!p0 [sflag:s8], $0x0  }
0x24: {  	s3 =	sadd.s32 $0x88, s3;
	s6 =	simm.s32 @!p1 $0x1082;
	[sflag:s4] =	ssyncset.s32 $0xFFFFF086  }
0x25: {  	[simem:s6], [sflag:s4] =	dma.local [hbm:s3], $0xF7A  }
0x26: {  	[smem:$0x3F89] =	sst s1;
	(tag) =	ssettag s2;
	_ =	strace s9  }
0x27: {  	s1 =	sld [smem:$0x3F99]  }
0x28: {  	s2 =	sld [smem:$0x3F9A]  }
0x29: {  	s4 =	sld [smem:$0x3F9C]  }
0x2a: {  	p0 =	seq.s32 s5, $0x0;
	s5 =	sld [smem:$0x3F9D]  }
0x2b: {  	s6 =	sld [smem:$0x3F9E]  }
0x2c: {  	s7 =	sld [smem:$0x3F9F]  }
0x2d: {  	s3 =	simm.s32 $0x108;
	s8 =	sld [smem:$0x3FA0]  }
0x2e: {  	s3 =	simm.s32 @!p0 $0x1082;
	s9 =	sld [smem:$0x3FA1]  }
0x2f: {  	lr =	sadd.s32 s0, s3;
	s0 =	sld [smem:$0x3F98]  }
0x30: {  	s3 =	sld [smem:$0x3F9B]  }
0x31: {  	[smem:$0x3FA4] =	sst s10  }
0x32: {  	s10 =	sld [smem:$0x3FA2];
	_ =	sdelay $0x3  }
0x33: {  	p0 =	seq.s32 s10, $0x1;
	s10 =	sld [smem:$0x3FA4];
	_ =	sdelay $0x3  }
0x34: {  	[smem:$0x3FA4] =	sst s10  }
0x35: {  	s10 =	sld [smem:$0x3FA3];
	_ =	sdelay $0x3  }
0x36: {  	p1 =	seq.s32 s10, $0x1;
	s10 =	sld [smem:$0x3FA4];
	_ =	sdelay $0x3  }
0x37: {  	[smem:$0x3FA4] =	sst s10  }
0x38: {  	s10 =	sld [smem:$0x3FA5]  }
0x39: {  	_ = 	snop;
	(pc) =	sbr.ind lr, $3  }
0x3a: {  	_ = 	snop  }
0x3b: {  	_ = 	snop  }
0x3c: {  	p2 =	seq.s32 s10, $0x1;
	s10 =	sld [smem:$0x3FA4]  }
0x3d: {  	_ =	shalt  }
0x3e: {  	_ =	shalt  }
0x3f: {  	_ =	shalt  }
0x40: {  	_ =	shalt  }
0x41: {  	_ =	shalt  }
0x42: {  	_ =	shalt  }
0x43: {  	_ =	shalt  }
0x44: {  	_ =	shalt  }
0x45: {  	_ =	shalt  }
0x46: {  	_ =	shalt  }
0x47: {  	_ =	shalt  }
0x48: {  	_ =	shalt  }
0x49: {  	_ =	shalt  }
0x4a: {  	_ =	shalt  }
0x4b: {  	_ =	shalt  }
0x4c: {  	_ =	shalt  }
0x4d: {  	_ =	shalt  }
0x4e: {  	_ =	shalt  }
0x4f: {  	_ =	shalt  }
0x50: {  	_ =	shalt  }
0x51: {  	_ =	shalt  }
0x52: {  	_ =	shalt  }
0x53: {  	_ =	shalt  }
0x54: {  	_ =	shalt  }
0x55: {  	_ =	shalt  }
0x56: {  	_ =	shalt  }
0x57: {  	_ =	shalt  }
0x58: {  	_ =	shalt  }
0x59: {  	_ =	shalt  }
0x5a: {  	_ =	shalt  }
0x5b: {  	_ =	shalt  }
0x5c: {  	_ =	shalt  }
0x5d: {  	_ =	shalt  }
0x5e: {  	_ =	shalt  }
0x5f: {  	_ =	shalt  }
0x60: {  	_ =	shalt  }
0x61: {  	_ =	shalt  }
0x62: {  	_ =	shalt  }
0x63: {  	_ =	shalt  }
0x64: {  	_ =	shalt  }
0x65: {  	_ =	shalt  }
0x66: {  	_ =	shalt  }
0x67: {  	_ =	shalt  }
0x68: {  	_ =	shalt  }
0x69: {  	_ =	shalt  }
0x6a: {  	_ =	shalt  }
0x6b: {  	_ =	shalt  }
0x6c: {  	_ =	shalt  }
0x6d: {  	_ =	shalt  }
0x6e: {  	_ =	shalt  }
0x6f: {  	_ =	shalt  }
0x70: {  	_ =	shalt  }
0x71: {  	_ =	shalt  }
0x72: {  	_ =	shalt  }
0x73: {  	_ =	shalt  }
0x74: {  	_ =	shalt  }
0x75: {  	_ =	shalt  }
0x76: {  	_ =	shalt  }
0x77: {  	_ =	shalt  }
0x78: {  	_ =	shalt  }
0x79: {  	_ =	shalt  }
0x7a: {  	_ =	shalt  }
0x7b: {  	_ =	shalt  }
0x7c: {  	_ =	shalt  }
0x7d: {  	_ =	shalt  }
0x7e: {  	_ =	shalt  }
0x7f: {  	_ =	shalt  }
0x80: {  	_ =	shalt  }
0x81: {  	_ =	shalt  }
0x82: {  	_ =	shalt  }
0x83: {  	_ =	shalt  }
0x84: {  	_ =	shalt  }
0x85: {  	_ =	shalt  }
0x86: {  	_ =	shalt  }
0x87: {  	_ =	shalt  }
.Lfunc_end0:
.L_simem_size_0:
called_computation.2_lowered:
.L_overlay_start_0:
0x88: {  	s2 =	sld [smem:$0x3FD9]  }
0x89: {  	s3 =	sld [smem:$0x3FFE];
	_ =	sdelay $0x1  }
0x8a: {  	s1 =	srdreg.scid  }
0x8b: {  	s0 =	sand.u32 $0x1, s1  }
0x8c: {  	s16 =	sshll.u32 s0, $0xA;
	s2 =	sadd.s32 s3, s2  }
0x8d: {  	s2 =	sadd.s32 s2, s16  }
0x8e: {  	[smem:$0x3FB0] =	sst s2  }
0x8f: {  	_ = 	snop  }
0x90: {  	(tm) =	ssettm $0x1  }
0x91: {  	s17 =	sld [smem:$0x3FFB];
	_ =	sdelay $0x3  }
0x92: {  	_ =	strace s17  }
0x93: {  	s2 =	sld [smem:$0x3FFC];
	_ =	sdelay $0x3  }
0x94: {  	_ =	strace s2  }
0x95: {  	s2 =	sld [smem:$0x3FFD];
	_ =	sdelay $0x3  }
0x96: {  	_ =	strace s2  }
0x97: {  	_ =	strace $0x8FFFFFFF  }
0x98: {  	s18 =	sld [smem:$0x3FDB];
	_ =	sdelay $0x1  }
0x99: {  	s19 =	simm.s32 $_scs_section_size  }
0x9a: {  	s4 =	simm.s32 $_size__tile_overlayer_lowered;
	s5 =	simm.s32 $_tile_overlayer_lowered  }
0x9b: {  	s22 =	simm.s32 $0x1BFF;
	s21 =	sshll.u32 s5, $0x1;
	s2 =	sadd.s32 s19, s18  }
0x9c: {  	s6 =	simm.s32 $0x0;
	s20 =	sshll.u32 s4, $0x1;
	s4 =	sadd.s32 s21, s2  }
0x9d: {  	[timem:s6], [sflag:s22] =	dma.local [hbm:s4], s20  }
0x9e: {  	_ =	swait.ge [sflag:s22], s20  }
0x9f: {  	s3 =	ssub.s32 $0x0, s20;
	[sflag:s22] =	ssyncset.done $0x0  }
0xa0: {  	[sflag:s22] =	ssyncadd.s32 s3;
	_ =	sdelay $0x1  }
0xa1: {  	s23 =	simm.s32 $0x1B8B  }
0xa2: {  	_ =	swait.ge [sflag:s23], $0x1  }
0xa3: {  	[sflag:s23] =	ssyncset.done $0x0  }
0xa4: {  	s25 =	simm.s32 $0x1B8E;
	s24 =	sld [smem:$0x3FFE];
	[sflag:s23] =	ssyncadd.s32 $0xFFFFFFFF  }
0xa5: {  	s26 =	simm.s32 $execute0_lowered;
	[smem:$0x3FD2] =	sst s25  }
0xa6: {  	s4 =	sshll.u32 s26, $0x1;
	_ =	strace $0x8000004C;
	[dreg:$0x1] =	wrdreg $0xFFFFFFFF  }
0xa7: {  	s28 =	simm.s32 $_size_execute0_lowered;
	s2 =	sadd.s32 s2, s4;
	[dreg:$0x0] =	wrdreg $0x0  }
0xa8: {  	s4 =	sshll.u32 s28, $0x1;
	[dreg:$0x2] =	wrdreg s2  }
0xa9: {  	[dreg:$0x3] =	wrdreg s4  }
0xaa: {  	[dreg:$0x4] =	wrdreg $0xC0  }
0xab: {  	_ =	task [dreg:s6], $0x5FFFF  }
0xac: {  	[dreg:$0x1] =	wrdreg $0xFFFFFFFF  }
0xad: {  	[dreg:$0x0] =	wrdreg $0x60  }
0xae: {  	[dreg:$0x2] =	wrdreg s24  }
0xaf: {  	[dreg:$0x3] =	wrdreg $0x9  }
0xb0: {  	_ =	task.clear_ibuf [dreg:s6], $0x4FFFF;
	_ =	strace $0x9000004C  }
0xb1: {  	s29 =	simm.s32 $0x9;
	_ =	strace $0x8000004E  }
0xb2: {  	_ =	swait.ge [sflag:s29], $0x1  }
0xb3: {  	[sflag:s29] =	ssyncadd.s32 $0xFFFFFFFF  }
0xb4: {  	_ =	strace $0x9000004E  }
0xb5: {  	_ =	sfence  }
0xb6: {  	s30 =	sld [smem:$0x0];
	_ =	sdelay $0x2  }
0xb7: {  	s31 =	sshll.u32 s1, $0xD;
	s1 =	sshrl.u32 s1, $0x2  }
0xb8: {  	s3 =	sand.u32 $0x4000, s31;
	s1 =	sadd.s32 s1, s30  }
0xb9: {  	s0 =	sor.u32 s3, s0;
	s1 =	sshll.u32 s1, $0x11  }
0xba: {  	s0 =	sor.u32 s1, s0  }
0xbb: {  	s0 =	sadd.s32 $0x8F2B, s0  }
0xbc: {  	[sflag:s0] =	ssyncadd.remote.s32 $0x1  }
0xbd: {  	_ =	sfence.sel $0xFFFF  }
0xbe: {  	[dreg:$0x0] =	wrdreg $0xFFFFFFFF;
	(pc) =	sbr.abs _section_cstart, $3  }
0xbf: {  	[dreg:$0x1] =	wrdreg $0xFFFFFFFF  }
0xc0: {  	_ =	task.clear_ibuf [dreg:s6], $0x2FFFF;
	_ =	strace $0x9FFFFFFF  }
0xc1: {  	(tm) =	ssettm $0x7FFFFFFF  }
tec
execute0_lowered:
.L_overlay_start_1:
0x0: {  	(tag) =	ssettag $0x1  }
0x1: {  	s7 =	rddreg [dreg:$0x0]  }
0x2: {  	s0 =	rddreg [dreg:$0x1];
	s1 =	simm.s32 $0x0;
	s5 =	srdreg.scid  }
0x3: {  	s2 =	stileid.u32;
	s12 =	simm.s32 $0xC8;
	s13 =	simm.s32 $0x200  }
0x4: {  	s14 =	simm.s32 $0x6600;
	s15 =	simm.s32 $0x1;
	s16 =	simm.s32 $0x2  }
0x5: {  	s17 =	simm.s32 $0x0;
	[smem:$0x7FF] =	sst s1;
	s3 =	sadd.s32 $0x69B400, s7  }
0x6: {  	s4 =	sadd.s32 $0x6C2600, s7;
	s8 =	sand.u32 $0x1, s5;
	s5 =	sadd.s32 $0x10E00, s7  }
0x7: {  	s10 =	sshll.u32 s2, $0x1;
	s6 =	sadd.s32 $0x7000, s7;
	s9 =	ssub.s32 $0x2, s8  }
0x8: {  	s7 =	sadd.s32 $0x1AC00, s7;
	_ =	strace $0x8000004D;
	s11 =	sshrl.u32 s9, $0x1  }
0x9: {  	s8 =	sor.u32 s8, s10;
	s10 =	simm.s32 $0x3;
	s9 =	ssub.s32 s9, s11  }
0xa: {  	s8 =	smul.u32 $0x1770, s8;
	s11 =	simm.s32 $0x100;
	s9 =	smax.u32 s9, $0x1  }
.LBB2_1:
0xb: {  	s18 =	simm.s32 $0x0  }
.LBB2_2:
0xc: {  	s19 =	smul.u32 $0xC8, s18;
	_ =	sdelay $0x1  }
0xd: {  	s19 =	sadd.s32 s8, s19  }
0xe: {  	s20 =	sshrl.u32 s19, $0x3  }
0xf: {  	s21 =	sadd.s32 s5, s20  }
0x10: {  	[tilespmem:s1], [sflag:$0x3] =	stream.linear.gather [hbm4b:s21+s1], $0xC8, $0x38;
	[tilespmem:$0xCA00] =	vst v63  }
0x11: {  	_ =	swait.ge [sflag:s10], $0xC8  }
0x12: {  	[sflag:s10] =	ssyncset.done $0x0  }
0x13: {  	s20 =	sadd.s32 s6, s20;
	[sflag:s10] =	ssyncadd.s32 $0xFFFFFF38  }
0x14: {  	[tilespmem:s11], [sflag:$0x3] =	stream.linear.gather [hbm4b:s20+s1], $0xC8, $0x38;
	[tilespmem:$0xCA00] =	vst v63  }
0x15: {  	_ =	swait.ge [sflag:s10], $0xC8  }
0x16: {  	[sflag:s10] =	ssyncset.done $0x0  }
0x17: {  	[sflag:s10] =	ssyncadd.s32 $0xFFFFFF38  }
0x18: {  	[tilespmem:s13], [sflag:$0x1] =	stream.indirect.gather [hbm4b:s3+s12], $0x80, s1, s12, $0xb8;
	[tilespmem:$0xCA00] =	vst v63  }
0x19: {  	_ = 	snop  }
0x1a: {  	[tilespmem:s14], [sflag:$0x2] =	stream.indirect.gather [hbm4b:s4+s12], $0x80, s11, s12, $0xb8;
	[tilespmem:$0xCA00] =	vst v63  }
0x1b: {  	_ =	swait.ge [sflag:s15], $0x6400  }
0x1c: {  	[sflag:s15] =	ssyncset.done $0x0  }
0x1d: {  	[sflag:s15] =	ssyncadd.s32 $0xFFFF9C00  }
0x1e: {  	_ =	swait.ge [sflag:s16], $0x6400  }
0x1f: {  	[sflag:s16] =	ssyncset.done $0x0  }
0x20: {  	s20 =	simm.s32 $0x300;
	[sflag:s16] =	ssyncadd.s32 $0xFFFF9C00  }
0x21: {  	s21 =	simm.s32 $0x6700;
	v0 =	vld [tilespmem:s20+$0x80]  }
0x22: {  	v1 =	vld [tilespmem:s21+$0x80]  }
0x23: {  	v2 =	vld [tilespmem:s20+$0xFFFFFF80]  }
0x24: {  	v3 =	vld [tilespmem:s21+$0xFFFFFF80]  }
0x25: {  	v4 =	vld [tilespmem:s20+$0x0]  }
0x26: {  	v5 =	vld [tilespmem:s21+$0x0]  }
0x27: {  	v6 =	vld [tilespmem:s20+$0xFFFFFF00];
	v0 =	vadd.f32 v1, v0  }
0x28: {  	v1 =	vld [tilespmem:s21+$0xFFFFFF00]  }
0x29: {  	[tilespmem:s20+$0x80] =	vst v0;
	v0 =	vld [tilespmem:s20+$0x90]  }
0x2a: {  	v2 =	vadd.f32 v3, v2;
	v3 =	vld [tilespmem:s21+$0x90]  }
0x2b: {  	v7 =	vld [tilespmem:s20+$0xFFFFFF10]  }
0x2c: {  	[tilespmem:s20+$0xFFFFFF80] =	vst v2;
	v2 =	vadd.f32 v5, v4;
	v4 =	vld [tilespmem:s20+$0xFFFFFF90]  }
0x2d: {  	v5 =	vld [tilespmem:s21+$0xFFFFFF90];
	v1 =	vadd.f32 v1, v6  }
0x2e: {  	[tilespmem:s20+$0x0] =	vst v2;
	v2 =	vld [tilespmem:s20+$0x10]  }
0x2f: {  	v6 =	vld [tilespmem:s21+$0x10];
	[tilespmem:s20+$0xFFFFFF00] =	vst v1;
	v0 =	vadd.f32 v3, v0  }
0x30: {  	v1 =	vld [tilespmem:s21+$0xFFFFFF10]  }
0x31: {  	[tilespmem:s20+$0x90] =	vst v0;
	v0 =	vld [tilespmem:s20+$0xA0]  }
0x32: {  	v3 =	vadd.f32 v5, v4;
	v4 =	vld [tilespmem:s21+$0xA0]  }
0x33: {  	v5 =	vld [tilespmem:s20+$0xFFFFFF20]  }
0x34: {  	[tilespmem:s20+$0xFFFFFF90] =	vst v3;
	v2 =	vadd.f32 v6, v2;
	v3 =	vld [tilespmem:s20+$0xFFFFFFA0]  }
0x35: {  	v6 =	vld [tilespmem:s21+$0xFFFFFFA0];
	v1 =	vadd.f32 v1, v7  }
0x36: {  	[tilespmem:s20+$0x10] =	vst v2;
	v2 =	vld [tilespmem:s20+$0x20]  }
0x37: {  	v7 =	vld [tilespmem:s21+$0x20];
	[tilespmem:s20+$0xFFFFFF10] =	vst v1;
	v0 =	vadd.f32 v4, v0  }
0x38: {  	v1 =	vld [tilespmem:s21+$0xFFFFFF20]  }
0x39: {  	[tilespmem:s20+$0xA0] =	vst v0;
	v0 =	vld [tilespmem:s20+$0xB0]  }
0x3a: {  	v3 =	vadd.f32 v6, v3;
	v4 =	vld [tilespmem:s21+$0xB0]  }
0x3b: {  	v6 =	vld [tilespmem:s20+$0xFFFFFF30]  }
0x3c: {  	[tilespmem:s20+$0xFFFFFFA0] =	vst v3;
	v2 =	vadd.f32 v7, v2;
	v3 =	vld [tilespmem:s20+$0xFFFFFFB0]  }
0x3d: {  	v7 =	vld [tilespmem:s21+$0xFFFFFFB0];
	v1 =	vadd.f32 v1, v5  }
0x3e: {  	[tilespmem:s20+$0x20] =	vst v2;
	v2 =	vld [tilespmem:s20+$0x30]  }
0x3f: {  	v5 =	vld [tilespmem:s21+$0x30];
	[tilespmem:s20+$0xFFFFFF20] =	vst v1;
	v0 =	vadd.f32 v4, v0  }
0x40: {  	v1 =	vld [tilespmem:s21+$0xFFFFFF30]  }
0x41: {  	[tilespmem:s20+$0xB0] =	vst v0;
	v0 =	vld [tilespmem:s20+$0xC0]  }
0x42: {  	v3 =	vadd.f32 v7, v3;
	v4 =	vld [tilespmem:s21+$0xC0]  }
0x43: {  	v7 =	vld [tilespmem:s20+$0xFFFFFF40]  }
0x44: {  	[tilespmem:s20+$0xFFFFFFB0] =	vst v3;
	v2 =	vadd.f32 v5, v2;
	v3 =	vld [tilespmem:s20+$0xFFFFFFC0]  }
0x45: {  	v5 =	vld [tilespmem:s21+$0xFFFFFFC0];
	v1 =	vadd.f32 v1, v6  }
0x46: {  	[tilespmem:s20+$0x30] =	vst v2;
	v2 =	vld [tilespmem:s20+$0x40]  }
0x47: {  	v6 =	vld [tilespmem:s21+$0x40];
	[tilespmem:s20+$0xFFFFFF30] =	vst v1;
	v0 =	vadd.f32 v4, v0  }
0x48: {  	v1 =	vld [tilespmem:s21+$0xFFFFFF40]  }
0x49: {  	[tilespmem:s20+$0xC0] =	vst v0;
	v0 =	vld [tilespmem:s20+$0xD0]  }
0x4a: {  	v3 =	vadd.f32 v5, v3;
	v4 =	vld [tilespmem:s21+$0xD0]  }
0x4b: {  	v5 =	vld [tilespmem:s20+$0xFFFFFF50]  }
0x4c: {  	[tilespmem:s20+$0xFFFFFFC0] =	vst v3;
	v2 =	vadd.f32 v6, v2;
	v3 =	vld [tilespmem:s20+$0xFFFFFFD0]  }
0x4d: {  	v6 =	vld [tilespmem:s21+$0xFFFFFFD0];
	v1 =	vadd.f32 v1, v7  }
0x4e: {  	[tilespmem:s20+$0x40] =	vst v2;
	v2 =	vld [tilespmem:s20+$0x50]  }
0x4f: {  	v7 =	vld [tilespmem:s21+$0x50];
	[tilespmem:s20+$0xFFFFFF40] =	vst v1;
	v0 =	vadd.f32 v4, v0  }
0x50: {  	v1 =	vld [tilespmem:s21+$0xFFFFFF50]  }
0x51: {  	[tilespmem:s20+$0xD0] =	vst v0;
	v0 =	vld [tilespmem:s20+$0xE0]  }
0x52: {  	v3 =	vadd.f32 v6, v3;
	v4 =	vld [tilespmem:s21+$0xE0]  }
0x53: {  	v6 =	vld [tilespmem:s20+$0xFFFFFF60]  }
0x54: {  	[tilespmem:s20+$0xFFFFFFD0] =	vst v3;
	v2 =	vadd.f32 v7, v2;
	v3 =	vld [tilespmem:s20+$0xFFFFFFE0]  }
0x55: {  	v7 =	vld [tilespmem:s21+$0xFFFFFFE0];
	v1 =	vadd.f32 v1, v5  }
0x56: {  	[tilespmem:s20+$0x50] =	vst v2;
	v2 =	vld [tilespmem:s20+$0x60]  }
0x57: {  	v5 =	vld [tilespmem:s21+$0x60];
	[tilespmem:s20+$0xFFFFFF50] =	vst v1;
	v0 =	vadd.f32 v4, v0  }
0x58: {  	v4 =	vld [tilespmem:s21+$0xFFFFFF60]  }
0x59: {  	v8 =	vld [tilespmem:s20+$0xF0];
	[tilespmem:s20+$0xE0] =	vst v0  }
0x5a: {  	v1 =	vadd.f32 v7, v3;
	v7 =	vld [tilespmem:s21+$0xF0]  }
0x5b: {  	v0 =	vld [tilespmem:s20+$0xFFFFFF70]  }
0x5c: {  	[tilespmem:s20+$0xFFFFFFE0] =	vst v1;
	v2 =	vadd.f32 v5, v2;
	v1 =	vld [tilespmem:s20+$0xFFFFFFF0]  }
0x5d: {  	v3 =	vld [tilespmem:s21+$0xFFFFFFF0];
	v4 =	vadd.f32 v4, v6  }
0x5e: {  	[tilespmem:s20+$0x60] =	vst v2;
	v2 =	vld [tilespmem:s20+$0x70]  }
0x5f: {  	[tilespmem:s20+$0xFFFFFF60] =	vst v4;
	v4 =	vld [tilespmem:s21+$0x70];
	v6 =	vadd.f32 v7, v8  }
0x60: {  	s22 =	simm.s32 $0x0;
	s23 =	simm.s32 $0x500;
	v5 =	vld [tilespmem:s21+$0xFFFFFF70]  }
.LBB2_3:
0x61: {  	v7 =	vld [tilespmem:s23+$0x80];
	[tilespmem:s20+$0xF0] =	vst v6;
	s21 =	sadd.s32 $0x200, s21  }
0x62: {  	s22 =	sadd.s32 $0x4, s22;
	v6 =	vld [tilespmem:s21+$0x80];
	v1 =	vadd.f32 v3, v1  }
0x63: {  	p0 =	slt.u32 s22, $0xC4;
	v3 =	vld [tilespmem:s21+$0xFFFFFF00]  }
0x64: {  	v8 =	vld [tilespmem:s23+$0xFFFFFF80];
	[tilespmem:s20+$0xFFFFFFF0] =	vst v1;
	v1 =	vadd.f32 v4, v2  }
0x65: {  	v2 =	vld [tilespmem:s21+$0xFFFFFF80];
	v0 =	vadd.f32 v5, v0  }
0x66: {  	v4 =	vld [tilespmem:s23+$0x0];
	[tilespmem:s20+$0x70] =	vst v1  }
0x67: {  	v1 =	vld [tilespmem:s21+$0x0];
	v5 =	vadd.f32 v6, v7;
	[tilespmem:s20+$0xFFFFFF70] =	vst v0;
	s20 =	smov.u32 s23  }
0x68: {  	v0 =	vld [tilespmem:s23+$0xFFFFFF00]  }
0x69: {  	[tilespmem:s23+$0x80] =	vst v5;
	v5 =	vld [tilespmem:s23+$0x90]  }
0x6a: {  	v2 =	vadd.f32 v2, v8;
	v6 =	vld [tilespmem:s21+$0x90]  }
0x6b: {  	v7 =	vld [tilespmem:s23+$0xFFFFFF10]  }
0x6c: {  	[tilespmem:s23+$0xFFFFFF80] =	vst v2;
	v2 =	vld [tilespmem:s23+$0xFFFFFF90];
	v1 =	vadd.f32 v1, v4  }
0x6d: {  	v0 =	vadd.f32 v3, v0;
	v3 =	vld [tilespmem:s21+$0xFFFFFF90]  }
0x6e: {  	[tilespmem:s23+$0x0] =	vst v1;
	v1 =	vld [tilespmem:s23+$0x10]  }
0x6f: {  	[tilespmem:s23+$0xFFFFFF00] =	vst v0;
	v0 =	vld [tilespmem:s21+$0x10];
	v4 =	vadd.f32 v6, v5  }
0x70: {  	v5 =	vld [tilespmem:s21+$0xFFFFFF10]  }
0x71: {  	[tilespmem:s23+$0x90] =	vst v4;
	v4 =	vld [tilespmem:s23+$0xA0]  }
0x72: {  	v2 =	vadd.f32 v3, v2;
	v3 =	vld [tilespmem:s21+$0xA0]  }
0x73: {  	v6 =	vld [tilespmem:s23+$0xFFFFFF20]  }
0x74: {  	[tilespmem:s23+$0xFFFFFF90] =	vst v2;
	v2 =	vld [tilespmem:s23+$0xFFFFFFA0];
	v0 =	vadd.f32 v0, v1  }
0x75: {  	v1 =	vadd.f32 v5, v7;
	v5 =	vld [tilespmem:s21+$0xFFFFFFA0]  }
0x76: {  	[tilespmem:s23+$0x10] =	vst v0;
	v0 =	vld [tilespmem:s23+$0x20]  }
0x77: {  	[tilespmem:s23+$0xFFFFFF10] =	vst v1;
	v1 =	vld [tilespmem:s21+$0x20];
	v3 =	vadd.f32 v3, v4  }
0x78: {  	v4 =	vld [tilespmem:s21+$0xFFFFFF20]  }
0x79: {  	[tilespmem:s23+$0xA0] =	vst v3;
	v3 =	vld [tilespmem:s23+$0xB0]  }
0x7a: {  	v2 =	vadd.f32 v5, v2;
	v5 =	vld [tilespmem:s21+$0xB0]  }
0x7b: {  	v7 =	vld [tilespmem:s23+$0xFFFFFF30]  }
0x7c: {  	[tilespmem:s23+$0xFFFFFFA0] =	vst v2;
	v2 =	vld [tilespmem:s23+$0xFFFFFFB0];
	v0 =	vadd.f32 v1, v0  }
0x7d: {  	v1 =	vadd.f32 v4, v6;
	v4 =	vld [tilespmem:s21+$0xFFFFFFB0]  }
0x7e: {  	[tilespmem:s23+$0x20] =	vst v0;
	v0 =	vld [tilespmem:s23+$0x30]  }
0x7f: {  	[tilespmem:s23+$0xFFFFFF20] =	vst v1;
	v1 =	vld [tilespmem:s21+$0x30];
	v3 =	vadd.f32 v5, v3  }
0x80: {  	v5 =	vld [tilespmem:s21+$0xFFFFFF30]  }
0x81: {  	[tilespmem:s23+$0xB0] =	vst v3;
	v3 =	vld [tilespmem:s23+$0xC0]  }
0x82: {  	v2 =	vadd.f32 v4, v2;
	v4 =	vld [tilespmem:s21+$0xC0]  }
0x83: {  	v6 =	vld [tilespmem:s23+$0xFFFFFF40]  }
0x84: {  	[tilespmem:s23+$0xFFFFFFB0] =	vst v2;
	v2 =	vld [tilespmem:s23+$0xFFFFFFC0];
	v0 =	vadd.f32 v1, v0  }
0x85: {  	v1 =	vadd.f32 v5, v7;
	v5 =	vld [tilespmem:s21+$0xFFFFFFC0]  }
0x86: {  	[tilespmem:s23+$0x30] =	vst v0;
	v0 =	vld [tilespmem:s23+$0x40]  }
0x87: {  	[tilespmem:s23+$0xFFFFFF30] =	vst v1;
	v1 =	vld [tilespmem:s21+$0x40];
	v3 =	vadd.f32 v4, v3  }
0x88: {  	v4 =	vld [tilespmem:s21+$0xFFFFFF40]  }
0x89: {  	[tilespmem:s23+$0xC0] =	vst v3;
	v3 =	vld [tilespmem:s23+$0xD0]  }
0x8a: {  	v2 =	vadd.f32 v5, v2;
	v5 =	vld [tilespmem:s21+$0xD0]  }
0x8b: {  	v7 =	vld [tilespmem:s23+$0xFFFFFF50]  }
0x8c: {  	[tilespmem:s23+$0xFFFFFFC0] =	vst v2;
	v2 =	vld [tilespmem:s23+$0xFFFFFFD0];
	v0 =	vadd.f32 v1, v0  }
0x8d: {  	v1 =	vadd.f32 v4, v6;
	v4 =	vld [tilespmem:s21+$0xFFFFFFD0]  }
0x8e: {  	[tilespmem:s23+$0x40] =	vst v0;
	v0 =	vld [tilespmem:s23+$0x50]  }
0x8f: {  	[tilespmem:s23+$0xFFFFFF40] =	vst v1;
	v1 =	vld [tilespmem:s21+$0x50];
	v3 =	vadd.f32 v5, v3  }
0x90: {  	v5 =	vld [tilespmem:s21+$0xFFFFFF50]  }
0x91: {  	[tilespmem:s23+$0xD0] =	vst v3;
	v3 =	vld [tilespmem:s23+$0xE0]  }
0x92: {  	v2 =	vadd.f32 v4, v2;
	v4 =	vld [tilespmem:s21+$0xE0]  }
0x93: {  	v6 =	vld [tilespmem:s23+$0xFFFFFF60]  }
0x94: {  	[tilespmem:s23+$0xFFFFFFD0] =	vst v2;
	v2 =	vld [tilespmem:s23+$0xFFFFFFE0];
	v0 =	vadd.f32 v1, v0  }
0x95: {  	v1 =	vadd.f32 v5, v7;
	v5 =	vld [tilespmem:s21+$0xFFFFFFE0]  }
0x96: {  	[tilespmem:s23+$0x50] =	vst v0;
	v7 =	vld [tilespmem:s23+$0x60]  }
0x97: {  	[tilespmem:s23+$0xFFFFFF50] =	vst v1;
	v8 =	vld [tilespmem:s21+$0x60];
	v0 =	vadd.f32 v4, v3  }
0x98: {  	v3 =	vld [tilespmem:s21+$0xFFFFFF60]  }
0x99: {  	[tilespmem:s23+$0xE0] =	vst v0;
	v9 =	vld [tilespmem:s23+$0xF0]  }
0x9a: {  	v1 =	vadd.f32 v5, v2;
	v5 =	vld [tilespmem:s21+$0xF0]  }
0x9b: {  	v0 =	vld [tilespmem:s23+$0xFFFFFF70]  }
.Ltmp0:
0x9c: {  	[tilespmem:s23+$0xFFFFFFE0] =	vst v1;
	v1 =	vld [tilespmem:s23+$0xFFFFFFF0];
	v2 =	vadd.f32 v8, v7;
	(pc) =	sbr.rel @p0 .LBB2_3-.Ltmp0, $4  }
0x9d: {  	v4 =	vadd.f32 v3, v6;
	v3 =	vld [tilespmem:s21+$0xFFFFFFF0]  }
0x9e: {  	[tilespmem:s23+$0x60] =	vst v2;
	v2 =	vld [tilespmem:s23+$0x70]  }
0x9f: {  	[tilespmem:s23+$0xFFFFFF60] =	vst v4;
	v4 =	vld [tilespmem:s21+$0x70];
	v6 =	vadd.f32 v5, v9  }
0xa0: {  	s23 =	sadd.s32 $0x200, s23;
	v5 =	vld [tilespmem:s21+$0xFFFFFF70]  }
0xa1: {  	_ =	sdelay $0x1  }
0xa2: {  	v1 =	vadd.f32 v3, v1  }
0xa3: {  	[tilespmem:s20+$0xF0] =	vst v6;
	v2 =	vadd.f32 v4, v2  }
0xa4: {  	s18 =	sadd.s32 $0x1, s18;
	[tilespmem:s20+$0xFFFFFFF0] =	vst v1;
	v0 =	vadd.f32 v5, v0  }
0xa5: {  	s19 =	sshll.u32 s19, $0x4;
	p0 =	sne.s32 s18, $0x1E;
	[tilespmem:s20+$0x70] =	vst v2  }
.Ltmp1:
0xa6: {  	s19 =	sadd.s32 s7, s19;
	[tilespmem:s20+$0xFFFFFF70] =	vst v0;
	(pc) =	sbr.rel @p0 .LBB2_2-.Ltmp1, $4  }
0xa7: {  	[hbm4b:s19+s1] =	stream.linear.scatter [tilespmem:s13], [sflag:$0x3], $0x6400, $0x38;
	[tilespmem:$0xCA00] =	vst v63  }
0xa8: {  	_ =	swait.ge [sflag:s10], $0x6400  }
0xa9: {  	[sflag:s10] =	ssyncset.done $0x0  }
0xaa: {  	[sflag:s10] =	ssyncadd.s32 $0xFFFF9C00  }
0xab: {  	s17 =	sadd.s32 $0x1, s17  }
0xac: {  	p0 =	sne.s32 s17, s9  }
.Ltmp2:
0xad: {  	_ = 	snop;
	(pc) =	sbr.rel @p0 .LBB2_1-.Ltmp2, $1  }
0xae: {  	_ =	sdelay $0x3  }
0xaf: {  	_ =	sfence.sel $0x180000  }
0xb0: {  	[bflag:$0x0] =	sbarrier.arrive $0xFFFF  }
0xb1: {  	p0 =	sne.s32 s2, $0x0;
	_ =	strace $0x9000004D  }
0xb2: {  	s0 =	sadd.s32 @!p0 $0x100000, s0;
	[bflag:$0x2] =	sbarrier.arrive $0xFFFF  }
0xb3: {  	[sflag:s0] =	ssyncadd.tile.s32 @!p0 $0x1;
	_ =	shalt  }
.Lfunc_end2:
_tile_overlayer_lowered:
.L_overlay_start_2:
0xb4: {  	(tag) =	ssettag $0x2  }
0xb5: {  	s0 =	rddreg [dreg:$0x0];
	s2 =	stileid.u32  }
0xb6: {  	s1 =	rddreg [dreg:$0x1];
	p0 =	sne.s32 s2, $0x0  }
0xb7: {  	s3 =	rddreg [dreg:$0x2];
	[bflag:$0x3] =	sbarrier.arrive $0xFFFF;
	s2 =	simm.s32 @!p0 $0x1C03  }
0xb8: {  	[timem:s3], [sflag:s2] =	dma.local @!p0 [hbm:s0], s1  }
0xb9: {  	s0 =	simm.s32 @!p0 $0x3  }
0xba: {  	_ =	swait.ge @!p0 [sflag:s0], s1  }
0xbb: {  	s1 =	ssub.s32 @!p0 $0x0, s1;
	[sflag:s0] =	ssyncset.done @!p0 $0x0  }
0xbc: {  	[sflag:s0] =	ssyncadd.s32 @!p0 s1  }
0xbd: {  	[bflag:$0x3] =	sbarrier.arrive $0xFFFF  }
0xbe: {  	_ =	shalt  }

// kernel: kernel.22.cloned.1.call-start
scs
__scs_entry_jumppad:
0x0: {  	(pc) =	sbr.rel $0x88, $3  }
0x1: {  	(tag) =	ssettag $0x0;
	lr =	simm.s32 $0x1  }
0x2: {  	[smem:$0x3F89] =	sst lr;
	_ =	strace $0xD0000000  }
0x3: {  	_ = 	snop  }
0x4: {  	_ = 	snop  }
0x5: {  	_ = 	snop  }
0x6: {  	_ = 	snop  }
0x7: {  	_ = 	snop  }
__scs_overlays_trampoline_lowered:
0x8: {  	[smem:$0x3F98] =	sst s0  }
0x9: {  	[smem:$0x3F99] =	sst s1  }
0xa: {  	[smem:$0x3F9A] =	sst s2  }
0xb: {  	[smem:$0x3F9B] =	sst s3  }
0xc: {  	[smem:$0x3F9C] =	sst s4  }
0xd: {  	[smem:$0x3F9D] =	sst s5  }
0xe: {  	[smem:$0x3F9E] =	sst s6  }
0xf: {  	[smem:$0x3F9F] =	sst s7  }
0x10: {  	[smem:$0x3FA0] =	sst s8  }
0x11: {  	[smem:$0x3FA1] =	sst s9;
	s0 =	simm.s32 @!p0 $0x0  }
0x12: {  	s1 =	sld [smem:$0x3F87];
	s0 =	simm.s32 @p0 $0x1  }
0x13: {  	[smem:$0x3FA2] =	sst s0;
	s0 =	simm.s32 @!p1 $0x0  }
0x14: {  	s2 =	sld [smem:$0x3F86];
	s0 =	simm.s32 @p1 $0x1  }
0x15: {  	[smem:$0x3FA3] =	sst s0;
	s0 =	simm.s32 @!p2 $0x0  }
0x16: {  	s3 =	sld [smem:$0x3FDB];
	s0 =	simm.s32 @p2 $0x1  }
0x17: {  	s4 =	simm.s32 $0x1BF5;
	[smem:$0x3FA5] =	sst s0  }
0x18: {  	s0 =	sld [smem:$0x3F88];
	_ =	swait.ge [sflag:s4], $0x0  }
0x19: {  	s7 =	sld [smem:$0x3F89]  }
0x1a: {  	s8 =	sadd.s32 $0xFFFFE003, lr  }
0x1b: {  	s9 =	sadd.s32 $0xFFFFFEF7, lr;
	s5 =	simm.s32 $0xFFFFFFFF;
	p2 =	slt.u32 s8, $0xFFFFF086  }
0x1c: {  	p1 =	slt.u32 s9, $0xF7A;
	s5 =	simm.s32 @!p2 $0x0  }
0x1d: {  	s5 =	simm.s32 @p1 $0x1;
	p0 =	seq.s32 s7, s2  }
0x1e: {  	s7 =	smul.u32 @!p0 $0xF7A, s2;
	p2 =	seq.s32 @!p0 s5, $0x0  }
0x1f: {  	s9 =	smul.u32 $0xF7A, s1;
	s8 =	simm.s32 @!p0 $0x1BF5;
	p2 =	por !p2, p0  }
0x20: {  	[sflag:s8] =	ssyncset.s32 @!p0 $0xFFFFF086;
	s6 =	sadd.s32 @!p0 s3, s7;
	s7 =	simm.s32 @!p0 $0x108  }
0x21: {  	s3 =	sadd.s32 s3, s9;
	s6 =	sadd.s32 @!p0 $0x88, s6;
	s7 =	simm.s32 @p2 $0x1082  }
0x22: {  	[simem:s7], [sflag:s8] =	dma.local @!p0 [hbm:s6], $0xF7A  }
0x23: {  	s9 =	sor.u32 $0xD0000000, s2;
	s6 =	simm.s32 $0x108;
	_ =	swait.ge @!p0 [sflag:s8], $0x0  }
0x24: {  	s3 =	sadd.s32 $0x88, s3;
	s6 =	simm.s32 @!p1 $0x1082;
	[sflag:s4] =	ssyncset.s32 $0xFFFFF086  }
0x25: {  	[simem:s6], [sflag:s4] =	dma.local [hbm:s3], $0xF7A  }
0x26: {  	[smem:$0x3F89] =	sst s1;
	(tag) =	ssettag s2;
	_ =	strace s9  }
0x27: {  	s1 =	sld [smem:$0x3F99]  }
0x28: {  	s2 =	sld [smem:$0x3F9A]  }
0x29: {  	s4 =	sld [smem:$0x3F9C]  }
0x2a: {  	p0 =	seq.s32 s5, $0x0;
	s5 =	sld [smem:$0x3F9D]  }
0x2b: {  	s6 =	sld [smem:$0x3F9E]  }
0x2c: {  	s7 =	sld [smem:$0x3F9F]  }
0x2d: {  	s3 =	simm.s32 $0x108;
	s8 =	sld [smem:$0x3FA0]  }
0x2e: {  	s3 =	simm.s32 @!p0 $0x1082;
	s9 =	sld [smem:$0x3FA1]  }
0x2f: {  	lr =	sadd.s32 s0, s3;
	s0 =	sld [smem:$0x3F98]  }
0x30: {  	s3 =	sld [smem:$0x3F9B]  }
0x31: {  	[smem:$0x3FA4] =	sst s10  }
0x32: {  	s10 =	sld [smem:$0x3FA2];
	_ =	sdelay $0x3  }
0x33: {  	p0 =	seq.s32 s10, $0x1;
	s10 =	sld [smem:$0x3FA4];
	_ =	sdelay $0x3  }
0x34: {  	[smem:$0x3FA4] =	sst s10  }
0x35: {  	s10 =	sld [smem:$0x3FA3];
	_ =	sdelay $0x3  }
0x36: {  	p1 =	seq.s32 s10, $0x1;
	s10 =	sld [smem:$0x3FA4];
	_ =	sdelay $0x3  }
0x37: {  	[smem:$0x3FA4] =	sst s10  }
0x38: {  	s10 =	sld [smem:$0x3FA5]  }
0x39: {  	_ = 	snop;
	(pc) =	sbr.ind lr, $3  }
0x3a: {  	_ = 	snop  }
0x3b: {  	_ = 	snop  }
0x3c: {  	p2 =	seq.s32 s10, $0x1;
	s10 =	sld [smem:$0x3FA4]  }
0x3d: {  	_ =	shalt  }
0x3e: {  	_ =	shalt  }
0x3f: {  	_ =	shalt  }
0x40: {  	_ =	shalt  }
0x41: {  	_ =	shalt  }
0x42: {  	_ =	shalt  }
0x43: {  	_ =	shalt  }
0x44: {  	_ =	shalt  }
0x45: {  	_ =	shalt  }
0x46: {  	_ =	shalt  }
0x47: {  	_ =	shalt  }
0x48: {  	_ =	shalt  }
0x49: {  	_ =	shalt  }
0x4a: {  	_ =	shalt  }
0x4b: {  	_ =	shalt  }
0x4c: {  	_ =	shalt  }
0x4d: {  	_ =	shalt  }
0x4e: {  	_ =	shalt  }
0x4f: {  	_ =	shalt  }
0x50: {  	_ =	shalt  }
0x51: {  	_ =	shalt  }
0x52: {  	_ =	shalt  }
0x53: {  	_ =	shalt  }
0x54: {  	_ =	shalt  }
0x55: {  	_ =	shalt  }
0x56: {  	_ =	shalt  }
0x57: {  	_ =	shalt  }
0x58: {  	_ =	shalt  }
0x59: {  	_ =	shalt  }
0x5a: {  	_ =	shalt  }
0x5b: {  	_ =	shalt  }
0x5c: {  	_ =	shalt  }
0x5d: {  	_ =	shalt  }
0x5e: {  	_ =	shalt  }
0x5f: {  	_ =	shalt  }
0x60: {  	_ =	shalt  }
0x61: {  	_ =	shalt  }
0x62: {  	_ =	shalt  }
0x63: {  	_ =	shalt  }
0x64: {  	_ =	shalt  }
0x65: {  	_ =	shalt  }
0x66: {  	_ =	shalt  }
0x67: {  	_ =	shalt  }
0x68: {  	_ =	shalt  }
0x69: {  	_ =	shalt  }
0x6a: {  	_ =	shalt  }
0x6b: {  	_ =	shalt  }
0x6c: {  	_ =	shalt  }
0x6d: {  	_ =	shalt  }
0x6e: {  	_ =	shalt  }
0x6f: {  	_ =	shalt  }
0x70: {  	_ =	shalt  }
0x71: {  	_ =	shalt  }
0x72: {  	_ =	shalt  }
0x73: {  	_ =	shalt  }
0x74: {  	_ =	shalt  }
0x75: {  	_ =	shalt  }
0x76: {  	_ =	shalt  }
0x77: {  	_ =	shalt  }
0x78: {  	_ =	shalt  }
0x79: {  	_ =	shalt  }
0x7a: {  	_ =	shalt  }
0x7b: {  	_ =	shalt  }
0x7c: {  	_ =	shalt  }
0x7d: {  	_ =	shalt  }
0x7e: {  	_ =	shalt  }
0x7f: {  	_ =	shalt  }
0x80: {  	_ =	shalt  }
0x81: {  	_ =	shalt  }
0x82: {  	_ =	shalt  }
0x83: {  	_ =	shalt  }
0x84: {  	_ =	shalt  }
0x85: {  	_ =	shalt  }
0x86: {  	_ =	shalt  }
0x87: {  	_ =	shalt  }
.Lfunc_end0:
.L_simem_size_0:
called_computation.3_lowered:
.L_overlay_start_0:
0x88: {  	s2 =	sld [smem:$0x3FD9]  }
0x89: {  	s3 =	sld [smem:$0x3FFE];
	_ =	sdelay $0x1  }
0x8a: {  	s1 =	srdreg.scid  }
0x8b: {  	s0 =	sand.u32 $0x1, s1  }
0x8c: {  	s17 =	sshll.u32 s0, $0xA;
	s2 =	sadd.s32 s3, s2  }
0x8d: {  	s2 =	sadd.s32 s2, s17  }
0x8e: {  	[smem:$0x3FB0] =	sst s2  }
0x8f: {  	_ = 	snop  }
0x90: {  	(tm) =	ssettm $0x1  }
0x91: {  	s18 =	sld [smem:$0x3FFB];
	_ =	sdelay $0x3  }
0x92: {  	_ =	strace s18  }
0x93: {  	s2 =	sld [smem:$0x3FFC];
	_ =	sdelay $0x3  }
0x94: {  	_ =	strace s2  }
0x95: {  	s2 =	sld [smem:$0x3FFD];
	_ =	sdelay $0x3  }
0x96: {  	_ =	strace s2  }
0x97: {  	_ =	strace $0x8FFFFFFF  }
0x98: {  	s19 =	sld [smem:$0x3FDB];
	_ =	sdelay $0x1  }
0x99: {  	s20 =	simm.s32 $_scs_section_size  }
0x9a: {  	s4 =	simm.s32 $_size__tile_overlayer_lowered;
	s5 =	simm.s32 $_tile_overlayer_lowered  }
0x9b: {  	s6 =	simm.s32 $0x1BFF;
	s21 =	sshll.u32 s5, $0x1;
	s3 =	sadd.s32 s20, s19  }
0x9c: {  	s22 =	simm.s32 $0x0;
	s4 =	sshll.u32 s4, $0x1;
	s5 =	sadd.s32 s21, s3  }
0x9d: {  	[timem:s22], [sflag:s6] =	dma.local [hbm:s5], s4  }
0x9e: {  	_ =	swait.ge [sflag:s6], s4  }
0x9f: {  	s4 =	ssub.s32 $0x0, s4;
	[sflag:s6] =	ssyncset.done $0x0  }
0xa0: {  	[sflag:s6] =	ssyncadd.s32 s4;
	_ =	sdelay $0x1  }
0xa1: {  	s23 =	simm.s32 $0x1B8B  }
0xa2: {  	_ =	swait.ge [sflag:s23], $0x1  }
0xa3: {  	[sflag:s23] =	ssyncset.done $0x0  }
0xa4: {  	[sflag:s23] =	ssyncadd.s32 $0xFFFFFFFF  }
0xa5: {  	s4 =	sld [smem:$0x0]  }
0xa6: {  	s5 =	sand.u32 $0xFFFFFFFE, s1  }
0xa7: {  	p0 =	sne.s32 s1, s5  }
0xa8: {  	s5 =	sshll.u32 @p0 s5, $0xE  }
0xa9: {  	s5 =	sadd.s32 @p0 $0x11B8D, s5;
	s6 =	sshll.u32 @p0 s4, $0x11  }
0xaa: {  	s5 =	sor.u32 @p0 s6, s5  }
0xab: {  	[sflag:s5] =	ssyncadd.remote.s32 @p0 $0x1;
	_ =	sdelay $0x1  }
0xac: {  	s5 =	simm.s32 @p0 $0x1B8D  }
0xad: {  	_ =	swait.eq @p0 [sflag:s5], $0x1  }
0xae: {  	[sflag:s5] =	ssyncadd.s32 @p0 $0xFFFFFFFF  }
0xaf: {  	s6 =	sshll.u32 @!p0 s1, $0xE  }
0xb0: {  	s6 =	sor.u32 @!p0 $0x4000, s6;
	s5 =	simm.s32 @!p0 $0x1B8D  }
0xb1: {  	s4 =	sshll.u32 @!p0 s4, $0x11;
	s6 =	sadd.s32 @!p0 $0x11B8D, s6;
	_ =	swait.eq @!p0 [sflag:s5], $0x1  }
0xb2: {  	s4 =	sor.u32 @!p0 s4, s6;
	[sflag:s5] =	ssyncadd.s32 @!p0 $0xFFFFFFFF  }
0xb3: {  	s25 =	simm.s32 $0x1B8E;
	s24 =	sld [smem:$0x3FFE];
	[sflag:s4] =	ssyncadd.remote.s32 @!p0 $0x1  }
0xb4: {  	s26 =	simm.s32 $execute0_lowered;
	[smem:$0x3FD2] =	sst s25  }
0xb5: {  	s5 =	sshll.u32 s26, $0x1;
	_ =	strace $0x8000004F;
	[dreg:$0x1] =	wrdreg $0xFFFFFFFF  }
0xb6: {  	s28 =	simm.s32 $_size_execute0_lowered;
	s3 =	sadd.s32 s3, s5;
	[dreg:$0x0] =	wrdreg $0x0  }
0xb7: {  	s5 =	sshll.u32 s28, $0x1;
	[dreg:$0x2] =	wrdreg s3  }
0xb8: {  	[dreg:$0x3] =	wrdreg s5  }
0xb9: {  	[dreg:$0x4] =	wrdreg $0xC0  }
0xba: {  	_ =	task [dreg:s22], $0x5FFFF  }
0xbb: {  	[dreg:$0x1] =	wrdreg $0xFFFFFFFF  }
0xbc: {  	[dreg:$0x0] =	wrdreg $0x60  }
0xbd: {  	[dreg:$0x2] =	wrdreg s24  }
0xbe: {  	[dreg:$0x3] =	wrdreg $0xA  }
0xbf: {  	_ =	task.clear_ibuf [dreg:s22], $0x4FFFF;
	_ =	strace $0x9000004F  }
0xc0: {  	s29 =	simm.s32 $0xA;
	_ =	strace $0x80000051  }
0xc1: {  	_ =	swait.ge [sflag:s29], $0x1  }
0xc2: {  	[sflag:s29] =	ssyncadd.s32 $0xFFFFFFFF  }
0xc3: {  	_ =	strace $0x90000051  }
0xc4: {  	_ =	sfence  }
0xc5: {  	s30 =	sld [smem:$0x0];
	_ =	sdelay $0x2  }
0xc6: {  	s31 =	sshll.u32 s1, $0xD;
	s1 =	sshrl.u32 s1, $0x2  }
0xc7: {  	s4 =	sand.u32 $0x4000, s31;
	s1 =	sadd.s32 s1, s30  }
0xc8: {  	s0 =	sor.u32 s4, s0;
	s1 =	sshll.u32 s1, $0x11  }
0xc9: {  	s0 =	sor.u32 s1, s0  }
0xca: {  	s0 =	sadd.s32 $0x8F2B, s0  }
0xcb: {  	[sflag:s0] =	ssyncadd.remote.s32 $0x1  }
0xcc: {  	_ =	sfence.sel $0xFFFF  }
0xcd: {  	[dreg:$0x0] =	wrdreg $0xFFFFFFFF;
	(pc) =	sbr.abs _section_cstart, $3  }
0xce: {  	[dreg:$0x1] =	wrdreg $0xFFFFFFFF  }
0xcf: {  	_ =	task.clear_ibuf [dreg:s22], $0x2FFFF;
	_ =	strace $0x9FFFFFFF  }
0xd0: {  	(tm) =	ssettm $0x7FFFFFFF  }
0xd1: {  	_ =	shalt  }
tec
execute0_lowered:
.L_overlay_start_1:
0x0: {  	(tag) =	ssettag $0x1  }
0x1: {  	s8 =	rddreg [dreg:$0x0]  }
0x2: {  	s0 =	rddreg [dreg:$0x1]  }
0x3: {  	s2 =	simm.s32 $0x0;
	s3 =	srdreg.scid;
	s1 =	stileid.u32  }
0x4: {  	s11 =	simm.s32 $0x3;
	s12 =	simm.s32 $0x100;
	s13 =	simm.s32 $0xC8  }
0x5: {  	s14 =	simm.s32 $0x200;
	s15 =	simm.s32 $0x6600;
	s16 =	simm.s32 $0x1  }
0x6: {  	s17 =	simm.s32 $0x2;
	s18 =	simm.s32 $0x0;
	[smem:$0x7FF] =	sst s2  }
0x7: {  	s5 =	sand.u32 $0x1, s3;
	s4 =	sshll.u32 s1, $0x1;
	s3 =	sadd.s32 $0x69B400, s8  }
0x8: {  	s7 =	sadd.s32 $0x7000, s8;
	s6 =	sor.u32 s5, s4;
	s9 =	ssub.s32 $0x2, s5  }
0x9: {  	_ =	strace $0x80000050;
	s5 =	smul.u32 $0xFA0, s6;
	s10 =	sshrl.u32 s9, $0x1  }
0xa: {  	s4 =	sadd.s32 $0x6C2600, s8;
	s6 =	sadd.s32 $0x10E00, s8;
	s10 =	ssub.s32 s9, s10  }
0xb: {  	s8 =	sadd.s32 $0x6E9C00, s8;
	s9 =	sadd.s32 $0x2EE00, s5;
	s10 =	smax.u32 s10, $0x1  }
.LBB2_1:
0xc: {  	s19 =	simm.s32 $0x0  }
.LBB2_2:
0xd: {  	s22 =	smul.u32 $0xC8, s19;
	_ =	sdelay $0x1  }
0xe: {  	s20 =	sadd.s32 s9, s22  }
0xf: {  	s20 =	sshrl.u32 s20, $0x3  }
0x10: {  	s21 =	sadd.s32 s6, s20  }
0x11: {  	[tilespmem:s2], [sflag:$0x3] =	stream.linear.gather [hbm4b:s21+s2], $0xC8, $0x38;
	[tilespmem:$0xCA00] =	vst v63  }
0x12: {  	_ =	swait.ge [sflag:s11], $0xC8  }
0x13: {  	[sflag:s11] =	ssyncset.done $0x0  }
0x14: {  	s20 =	sadd.s32 s7, s20;
	[sflag:s11] =	ssyncadd.s32 $0xFFFFFF38  }
0x15: {  	[tilespmem:s12], [sflag:$0x3] =	stream.linear.gather [hbm4b:s20+s2], $0xC8, $0x38;
	[tilespmem:$0xCA00] =	vst v63  }
0x16: {  	_ =	swait.ge [sflag:s11], $0xC8  }
0x17: {  	[sflag:s11] =	ssyncset.done $0x0  }
0x18: {  	[sflag:s11] =	ssyncadd.s32 $0xFFFFFF38  }
0x19: {  	[tilespmem:s14], [sflag:$0x1] =	stream.indirect.gather [hbm4b:s3+s13], $0x80, s2, s13, $0xb8;
	[tilespmem:$0xCA00] =	vst v63  }
0x1a: {  	_ = 	snop  }
0x1b: {  	[tilespmem:s15], [sflag:$0x2] =	stream.indirect.gather [hbm4b:s4+s13], $0x80, s12, s13, $0xb8;
	[tilespmem:$0xCA00] =	vst v63  }
0x1c: {  	_ =	swait.ge [sflag:s16], $0x6400  }
0x1d: {  	[sflag:s16] =	ssyncset.done $0x0  }
0x1e: {  	[sflag:s16] =	ssyncadd.s32 $0xFFFF9C00  }
0x1f: {  	_ =	swait.ge [sflag:s17], $0x6400  }
0x20: {  	[sflag:s17] =	ssyncset.done $0x0  }
0x21: {  	s20 =	simm.s32 $0x300;
	[sflag:s17] =	ssyncadd.s32 $0xFFFF9C00  }
0x22: {  	s21 =	simm.s32 $0x6700;
	v0 =	vld [tilespmem:s20+$0x80]  }
0x23: {  	v1 =	vld [tilespmem:s21+$0x80]  }
0x24: {  	v2 =	vld [tilespmem:s20+$0xFFFFFF80]  }
0x25: {  	v3 =	vld [tilespmem:s21+$0xFFFFFF80]  }
0x26: {  	v4 =	vld [tilespmem:s20+$0x0]  }
0x27: {  	v5 =	vld [tilespmem:s21+$0x0]  }
0x28: {  	v6 =	vld [tilespmem:s20+$0xFFFFFF00];
	v0 =	vadd.f32 v1, v0  }
0x29: {  	v1 =	vld [tilespmem:s21+$0xFFFFFF00]  }
0x2a: {  	[tilespmem:s20+$0x80] =	vst v0;
	v0 =	vld [tilespmem:s20+$0x90]  }
0x2b: {  	v2 =	vadd.f32 v3, v2;
	v3 =	vld [tilespmem:s21+$0x90]  }
0x2c: {  	v7 =	vld [tilespmem:s20+$0xFFFFFF10]  }
0x2d: {  	[tilespmem:s20+$0xFFFFFF80] =	vst v2;
	v2 =	vadd.f32 v5, v4;
	v4 =	vld [tilespmem:s20+$0xFFFFFF90]  }
0x2e: {  	v5 =	vld [tilespmem:s21+$0xFFFFFF90];
	v1 =	vadd.f32 v1, v6  }
0x2f: {  	[tilespmem:s20+$0x0] =	vst v2;
	v2 =	vld [tilespmem:s20+$0x10]  }
0x30: {  	v6 =	vld [tilespmem:s21+$0x10];
	[tilespmem:s20+$0xFFFFFF00] =	vst v1;
	v0 =	vadd.f32 v3, v0  }
0x31: {  	v1 =	vld [tilespmem:s21+$0xFFFFFF10]  }
0x32: {  	[tilespmem:s20+$0x90] =	vst v0;
	v0 =	vld [tilespmem:s20+$0xA0]  }
0x33: {  	v3 =	vadd.f32 v5, v4;
	v4 =	vld [tilespmem:s21+$0xA0]  }
0x34: {  	v5 =	vld [tilespmem:s20+$0xFFFFFF20]  }
0x35: {  	[tilespmem:s20+$0xFFFFFF90] =	vst v3;
	v2 =	vadd.f32 v6, v2;
	v3 =	vld [tilespmem:s20+$0xFFFFFFA0]  }
0x36: {  	v6 =	vld [tilespmem:s21+$0xFFFFFFA0];
	v1 =	vadd.f32 v1, v7  }
0x37: {  	[tilespmem:s20+$0x10] =	vst v2;
	v2 =	vld [tilespmem:s20+$0x20]  }
0x38: {  	v7 =	vld [tilespmem:s21+$0x20];
	[tilespmem:s20+$0xFFFFFF10] =	vst v1;
	v0 =	vadd.f32 v4, v0  }
0x39: {  	v1 =	vld [tilespmem:s21+$0xFFFFFF20]  }
0x3a: {  	[tilespmem:s20+$0xA0] =	vst v0;
	v0 =	vld [tilespmem:s20+$0xB0]  }
0x3b: {  	v3 =	vadd.f32 v6, v3;
	v4 =	vld [tilespmem:s21+$0xB0]  }
0x3c: {  	v6 =	vld [tilespmem:s20+$0xFFFFFF30]  }
0x3d: {  	[tilespmem:s20+$0xFFFFFFA0] =	vst v3;
	v2 =	vadd.f32 v7, v2;
	v3 =	vld [tilespmem:s20+$0xFFFFFFB0]  }
0x3e: {  	v7 =	vld [tilespmem:s21+$0xFFFFFFB0];
	v1 =	vadd.f32 v1, v5  }
0x3f: {  	[tilespmem:s20+$0x20] =	vst v2;
	v2 =	vld [tilespmem:s20+$0x30]  }
0x40: {  	v5 =	vld [tilespmem:s21+$0x30];
	[tilespmem:s20+$0xFFFFFF20] =	vst v1;
	v0 =	vadd.f32 v4, v0  }
0x41: {  	v1 =	vld [tilespmem:s21+$0xFFFFFF30]  }
0x42: {  	[tilespmem:s20+$0xB0] =	vst v0;
	v0 =	vld [tilespmem:s20+$0xC0]  }
0x43: {  	v3 =	vadd.f32 v7, v3;
	v4 =	vld [tilespmem:s21+$0xC0]  }
0x44: {  	v7 =	vld [tilespmem:s20+$0xFFFFFF40]  }
0x45: {  	[tilespmem:s20+$0xFFFFFFB0] =	vst v3;
	v2 =	vadd.f32 v5, v2;
	v3 =	vld [tilespmem:s20+$0xFFFFFFC0]  }
0x46: {  	v5 =	vld [tilespmem:s21+$0xFFFFFFC0];
	v1 =	vadd.f32 v1, v6  }
0x47: {  	[tilespmem:s20+$0x30] =	vst v2;
	v2 =	vld [tilespmem:s20+$0x40]  }
0x48: {  	v6 =	vld [tilespmem:s21+$0x40];
	[tilespmem:s20+$0xFFFFFF30] =	vst v1;
	v0 =	vadd.f32 v4, v0  }
0x49: {  	v1 =	vld [tilespmem:s21+$0xFFFFFF40]  }
0x4a: {  	[tilespmem:s20+$0xC0] =	vst v0;
	v0 =	vld [tilespmem:s20+$0xD0]  }
0x4b: {  	v3 =	vadd.f32 v5, v3;
	v4 =	vld [tilespmem:s21+$0xD0]  }
0x4c: {  	v5 =	vld [tilespmem:s20+$0xFFFFFF50]  }
0x4d: {  	[tilespmem:s20+$0xFFFFFFC0] =	vst v3;
	v2 =	vadd.f32 v6, v2;
	v3 =	vld [tilespmem:s20+$0xFFFFFFD0]  }
0x4e: {  	v6 =	vld [tilespmem:s21+$0xFFFFFFD0];
	v1 =	vadd.f32 v1, v7  }
0x4f: {  	[tilespmem:s20+$0x40] =	vst v2;
	v2 =	vld [tilespmem:s20+$0x50]  }
0x50: {  	v7 =	vld [tilespmem:s21+$0x50];
	[tilespmem:s20+$0xFFFFFF40] =	vst v1;
	v0 =	vadd.f32 v4, v0  }
0x51: {  	v1 =	vld [tilespmem:s21+$0xFFFFFF50]  }
0x52: {  	[tilespmem:s20+$0xD0] =	vst v0;
	v0 =	vld [tilespmem:s20+$0xE0]  }
0x53: {  	v3 =	vadd.f32 v6, v3;
	v4 =	vld [tilespmem:s21+$0xE0]  }
0x54: {  	v6 =	vld [tilespmem:s20+$0xFFFFFF60]  }
0x55: {  	[tilespmem:s20+$0xFFFFFFD0] =	vst v3;
	v2 =	vadd.f32 v7, v2;
	v3 =	vld [tilespmem:s20+$0xFFFFFFE0]  }
0x56: {  	v7 =	vld [tilespmem:s21+$0xFFFFFFE0];
	v1 =	vadd.f32 v1, v5  }
0x57: {  	[tilespmem:s20+$0x50] =	vst v2;
	v2 =	vld [tilespmem:s20+$0x60]  }
0x58: {  	v5 =	vld [tilespmem:s21+$0x60];
	[tilespmem:s20+$0xFFFFFF50] =	vst v1;
	v0 =	vadd.f32 v4, v0  }
0x59: {  	v4 =	vld [tilespmem:s21+$0xFFFFFF60]  }
0x5a: {  	v8 =	vld [tilespmem:s20+$0xF0];
	[tilespmem:s20+$0xE0] =	vst v0  }
0x5b: {  	v1 =	vadd.f32 v7, v3;
	v7 =	vld [tilespmem:s21+$0xF0]  }
0x5c: {  	v0 =	vld [tilespmem:s20+$0xFFFFFF70]  }
0x5d: {  	[tilespmem:s20+$0xFFFFFFE0] =	vst v1;
	v2 =	vadd.f32 v5, v2;
	v1 =	vld [tilespmem:s20+$0xFFFFFFF0]  }
0x5e: {  	v3 =	vld [tilespmem:s21+$0xFFFFFFF0];
	v4 =	vadd.f32 v4, v6  }
0x5f: {  	[tilespmem:s20+$0x60] =	vst v2;
	v2 =	vld [tilespmem:s20+$0x70]  }
0x60: {  	[tilespmem:s20+$0xFFFFFF60] =	vst v4;
	v4 =	vld [tilespmem:s21+$0x70];
	v6 =	vadd.f32 v7, v8  }
0x61: {  	s23 =	simm.s32 $0x0;
	s24 =	simm.s32 $0x500;
	s22 =	sadd.s32 s5, s22;
	v5 =	vld [tilespmem:s21+$0xFFFFFF70]  }
.LBB2_3:
0x62: {  	v7 =	vld [tilespmem:s24+$0x80];
	[tilespmem:s20+$0xF0] =	vst v6;
	s21 =	sadd.s32 $0x200, s21  }
0x63: {  	s23 =	sadd.s32 $0x4, s23;
	v6 =	vld [tilespmem:s21+$0x80];
	v1 =	vadd.f32 v3, v1  }
0x64: {  	p0 =	slt.u32 s23, $0xC4;
	v3 =	vld [tilespmem:s21+$0xFFFFFF00]  }
0x65: {  	v8 =	vld [tilespmem:s24+$0xFFFFFF80];
	[tilespmem:s20+$0xFFFFFFF0] =	vst v1;
	v1 =	vadd.f32 v4, v2  }
0x66: {  	v2 =	vld [tilespmem:s21+$0xFFFFFF80];
	v0 =	vadd.f32 v5, v0  }
0x67: {  	v4 =	vld [tilespmem:s24+$0x0];
	[tilespmem:s20+$0x70] =	vst v1  }
0x68: {  	v1 =	vld [tilespmem:s21+$0x0];
	v5 =	vadd.f32 v6, v7;
	[tilespmem:s20+$0xFFFFFF70] =	vst v0;
	s20 =	smov.u32 s24  }
0x69: {  	v0 =	vld [tilespmem:s24+$0xFFFFFF00]  }
0x6a: {  	[tilespmem:s24+$0x80] =	vst v5;
	v5 =	vld [tilespmem:s24+$0x90]  }
0x6b: {  	v2 =	vadd.f32 v2, v8;
	v6 =	vld [tilespmem:s21+$0x90]  }
0x6c: {  	v7 =	vld [tilespmem:s24+$0xFFFFFF10]  }
0x6d: {  	[tilespmem:s24+$0xFFFFFF80] =	vst v2;
	v2 =	vld [tilespmem:s24+$0xFFFFFF90];
	v1 =	vadd.f32 v1, v4  }
0x6e: {  	v0 =	vadd.f32 v3, v0;
	v3 =	vld [tilespmem:s21+$0xFFFFFF90]  }
0x6f: {  	[tilespmem:s24+$0x0] =	vst v1;
	v1 =	vld [tilespmem:s24+$0x10]  }
0x70: {  	[tilespmem:s24+$0xFFFFFF00] =	vst v0;
	v0 =	vld [tilespmem:s21+$0x10];
	v4 =	vadd.f32 v6, v5  }
0x71: {  	v5 =	vld [tilespmem:s21+$0xFFFFFF10]  }
0x72: {  	[tilespmem:s24+$0x90] =	vst v4;
	v4 =	vld [tilespmem:s24+$0xA0]  }
0x73: {  	v2 =	vadd.f32 v3, v2;
	v3 =	vld [tilespmem:s21+$0xA0]  }
0x74: {  	v6 =	vld [tilespmem:s24+$0xFFFFFF20]  }
0x75: {  	[tilespmem:s24+$0xFFFFFF90] =	vst v2;
	v2 =	vld [tilespmem:s24+$0xFFFFFFA0];
	v0 =	vadd.f32 v0, v1  }
0x76: {  	v1 =	vadd.f32 v5, v7;
	v5 =	vld [tilespmem:s21+$0xFFFFFFA0]  }
0x77: {  	[tilespmem:s24+$0x10] =	vst v0;
	v0 =	vld [tilespmem:s24+$0x20]  }
0x78: {  	[tilespmem:s24+$0xFFFFFF10] =	vst v1;
	v1 =	vld [tilespmem:s21+$0x20];
	v3 =	vadd.f32 v3, v4  }
0x79: {  	v4 =	vld [tilespmem:s21+$0xFFFFFF20]  }
0x7a: {  	[tilespmem:s24+$0xA0] =	vst v3;
	v3 =	vld [tilespmem:s24+$0xB0]  }
0x7b: {  	v2 =	vadd.f32 v5, v2;
	v5 =	vld [tilespmem:s21+$0xB0]  }
0x7c: {  	v7 =	vld [tilespmem:s24+$0xFFFFFF30]  }
0x7d: {  	[tilespmem:s24+$0xFFFFFFA0] =	vst v2;
	v2 =	vld [tilespmem:s24+$0xFFFFFFB0];
	v0 =	vadd.f32 v1, v0  }
0x7e: {  	v1 =	vadd.f32 v4, v6;
	v4 =	vld [tilespmem:s21+$0xFFFFFFB0]  }
0x7f: {  	[tilespmem:s24+$0x20] =	vst v0;
	v0 =	vld [tilespmem:s24+$0x30]  }
0x80: {  	[tilespmem:s24+$0xFFFFFF20] =	vst v1;
	v1 =	vld [tilespmem:s21+$0x30];
	v3 =	vadd.f32 v5, v3  }
0x81: {  	v5 =	vld [tilespmem:s21+$0xFFFFFF30]  }
0x82: {  	[tilespmem:s24+$0xB0] =	vst v3;
	v3 =	vld [tilespmem:s24+$0xC0]  }
0x83: {  	v2 =	vadd.f32 v4, v2;
	v4 =	vld [tilespmem:s21+$0xC0]  }
0x84: {  	v6 =	vld [tilespmem:s24+$0xFFFFFF40]  }
0x85: {  	[tilespmem:s24+$0xFFFFFFB0] =	vst v2;
	v2 =	vld [tilespmem:s24+$0xFFFFFFC0];
	v0 =	vadd.f32 v1, v0  }
0x86: {  	v1 =	vadd.f32 v5, v7;
	v5 =	vld [tilespmem:s21+$0xFFFFFFC0]  }
0x87: {  	[tilespmem:s24+$0x30] =	vst v0;
	v0 =	vld [tilespmem:s24+$0x40]  }
0x88: {  	[tilespmem:s24+$0xFFFFFF30] =	vst v1;
	v1 =	vld [tilespmem:s21+$0x40];
	v3 =	vadd.f32 v4, v3  }
0x89: {  	v4 =	vld [tilespmem:s21+$0xFFFFFF40]  }
0x8a: {  	[tilespmem:s24+$0xC0] =	vst v3;
	v3 =	vld [tilespmem:s24+$0xD0]  }
0x8b: {  	v2 =	vadd.f32 v5, v2;
	v5 =	vld [tilespmem:s21+$0xD0]  }
0x8c: {  	v7 =	vld [tilespmem:s24+$0xFFFFFF50]  }
0x8d: {  	[tilespmem:s24+$0xFFFFFFC0] =	vst v2;
	v2 =	vld [tilespmem:s24+$0xFFFFFFD0];
	v0 =	vadd.f32 v1, v0  }
0x8e: {  	v1 =	vadd.f32 v4, v6;
	v4 =	vld [tilespmem:s21+$0xFFFFFFD0]  }
0x8f: {  	[tilespmem:s24+$0x40] =	vst v0;
	v0 =	vld [tilespmem:s24+$0x50]  }
0x90: {  	[tilespmem:s24+$0xFFFFFF40] =	vst v1;
	v1 =	vld [tilespmem:s21+$0x50];
	v3 =	vadd.f32 v5, v3  }
0x91: {  	v5 =	vld [tilespmem:s21+$0xFFFFFF50]  }
0x92: {  	[tilespmem:s24+$0xD0] =	vst v3;
	v3 =	vld [tilespmem:s24+$0xE0]  }
0x93: {  	v2 =	vadd.f32 v4, v2;
	v4 =	vld [tilespmem:s21+$0xE0]  }
0x94: {  	v6 =	vld [tilespmem:s24+$0xFFFFFF60]  }
0x95: {  	[tilespmem:s24+$0xFFFFFFD0] =	vst v2;
	v2 =	vld [tilespmem:s24+$0xFFFFFFE0];
	v0 =	vadd.f32 v1, v0  }
0x96: {  	v1 =	vadd.f32 v5, v7;
	v5 =	vld [tilespmem:s21+$0xFFFFFFE0]  }
0x97: {  	[tilespmem:s24+$0x50] =	vst v0;
	v7 =	vld [tilespmem:s24+$0x60]  }
0x98: {  	[tilespmem:s24+$0xFFFFFF50] =	vst v1;
	v8 =	vld [tilespmem:s21+$0x60];
	v0 =	vadd.f32 v4, v3  }
0x99: {  	v3 =	vld [tilespmem:s21+$0xFFFFFF60]  }
0x9a: {  	[tilespmem:s24+$0xE0] =	vst v0;
	v9 =	vld [tilespmem:s24+$0xF0]  }
0x9b: {  	v1 =	vadd.f32 v5, v2;
	v5 =	vld [tilespmem:s21+$0xF0]  }
0x9c: {  	v0 =	vld [tilespmem:s24+$0xFFFFFF70]  }
.Ltmp0:
0x9d: {  	[tilespmem:s24+$0xFFFFFFE0] =	vst v1;
	v1 =	vld [tilespmem:s24+$0xFFFFFFF0];
	v2 =	vadd.f32 v8, v7;
	(pc) =	sbr.rel @p0 .LBB2_3-.Ltmp0, $4  }
0x9e: {  	v4 =	vadd.f32 v3, v6;
	v3 =	vld [tilespmem:s21+$0xFFFFFFF0]  }
0x9f: {  	[tilespmem:s24+$0x60] =	vst v2;
	v2 =	vld [tilespmem:s24+$0x70]  }
0xa0: {  	[tilespmem:s24+$0xFFFFFF60] =	vst v4;
	v4 =	vld [tilespmem:s21+$0x70];
	v6 =	vadd.f32 v5, v9  }
0xa1: {  	s24 =	sadd.s32 $0x200, s24;
	v5 =	vld [tilespmem:s21+$0xFFFFFF70]  }
0xa2: {  	_ =	sdelay $0x1  }
0xa3: {  	v1 =	vadd.f32 v3, v1  }
0xa4: {  	[tilespmem:s20+$0xF0] =	vst v6;
	v2 =	vadd.f32 v4, v2  }
0xa5: {  	s19 =	sadd.s32 $0x1, s19;
	[tilespmem:s20+$0xFFFFFFF0] =	vst v1;
	v0 =	vadd.f32 v5, v0  }
0xa6: {  	s21 =	sshll.u32 s22, $0x4;
	p0 =	sne.s32 s19, $0x14;
	[tilespmem:s20+$0x70] =	vst v2  }
.Ltmp1:
0xa7: {  	s31 =	sadd.s32 s8, s21;
	[tilespmem:s20+$0xFFFFFF70] =	vst v0;
	(pc) =	sbr.rel @p0 .LBB2_2-.Ltmp1, $4  }
0xa8: {  	[hbm4b:s31+s2] =	stream.linear.scatter [tilespmem:s14], [sflag:$0x3], $0x6400, $0x38;
	[tilespmem:$0xCA00] =	vst v63  }
0xa9: {  	_ =	swait.ge [sflag:s11], $0x6400  }
0xaa: {  	[sflag:s11] =	ssyncset.done $0x0  }
0xab: {  	[sflag:s11] =	ssyncadd.s32 $0xFFFF9C00  }
0xac: {  	s18 =	sadd.s32 $0x1, s18  }
0xad: {  	p0 =	sne.s32 s18, s10  }
.Ltmp2:
0xae: {  	_ = 	snop;
	(pc) =	sbr.rel @p0 .LBB2_1-.Ltmp2, $1  }
0xaf: {  	_ =	sdelay $0x3  }
0xb0: {  	_ =	sfence.sel $0x180000  }
0xb1: {  	[bflag:$0x0] =	sbarrier.arrive $0xFFFF  }
0xb2: {  	p0 =	sne.s32 s1, $0x0;
	_ =	strace $0x90000050  }
0xb3: {  	s0 =	sadd.s32 @!p0 $0x100000, s0;
	[bflag:$0x2] =	sbarrier.arrive $0xFFFF  }
0xb4: {  	[sflag:s0] =	ssyncadd.tile.s32 @!p0 $0x1;
	_ =	shalt  }
.Lfunc_end2:
_tile_overlayer_lowered:
.L_overlay_start_2:
0xb5: {  	(tag) =	ssettag $0x2  }
0xb6: {  	s0 =	rddreg [dreg:$0x0];
	s2 =	stileid.u32  }
0xb7: {  	s1 =	rddreg [dreg:$0x1];
	p0 =	sne.s32 s2, $0x0  }
0xb8: {  	s3 =	rddreg [dreg:$0x2];
	[bflag:$0x3] =	sbarrier.arrive $0xFFFF;
	s2 =	simm.s32 @!p0 $0x1C03  }
0xb9: {  	[timem:s3], [sflag:s2] =	dma.local @!p0 [hbm:s0], s1  }
0xba: {  	s0 =	simm.s32 @!p0 $0x3  }
0xbb: {  	_ =	swait.ge @!p0 [sflag:s0], s1  }
0xbc: {  	s1 =	ssub.s32 @!p0 $0x0, s1;
	[sflag:s0] =	ssyncset.done @!p0 $0x0  }
0xbd: {  	[sflag:s0] =	ssyncadd.s32 @!p0 s1  }
0xbe: {  	[bflag:$0x3] =	sbarrier.arrive $0xFFFF  }
0xbf: {  	_ =	shalt  }

</sc_bundles>
